<compile_context>
chip_gen: v7x
topology: tpu7x:2x2x1
jax: 0.10.2.dev20260603
libtpu: 0.0.44.dev20260713+nightly
codegen_flags: <defaults>
</compile_context>

<pallas_src>
import functools

import jax
import jax.numpy as jnp
from jax import lax
from jax.experimental import pallas as pl
from jax.experimental.pallas import tpu as pltpu
from jax.experimental.pallas import tpu_sc as plsc

N = 10000
E = 320000
HID = 128
LAYERS = 3

NCORES = 2
NSUB = 16
NWORK = NCORES * NSUB
CHUNK = 64
NCHUNK = 160
NBUF = 4
NSTG = 4
STG = NCHUNK // NSTG
EPW = NCHUNK * CHUNK
EPAD = NWORK * EPW
ACC_ROWS = 10240
PAD_ROWS = ACC_ROWS - N
SLAB = ACC_ROWS // NSUB

ROW_BLK = 400
NBLK = N // ROW_BLK


def _agg_body(h_hbm, src_hbm, dst_hbm, zero_hbm, out_hbm,
              srcv, dstv, rows, acc, gsem, ssem):
    cid = lax.axis_index("c")
    sid = lax.axis_index("s")
    wid = sid * NCORES + cid

    pltpu.sync_copy(zero_hbm, acc.at[pl.ds(sid * SLAB, SLAB)])

    for st in range(NSTG):
        pltpu.sync_copy(src_hbm.at[wid, pl.ds(st * STG, STG)], srcv)
        pltpu.sync_copy(dst_hbm.at[wid, pl.ds(st * STG, STG)], dstv)
        if st == 0:
            plsc.subcore_barrier()
        for p in range(NBUF - 1):
            pltpu.async_copy(h_hbm.at[srcv.at[p]], rows.at[p], gsem.at[p])

        def step(j, _):
            b = lax.rem(j, NBUF)
            pltpu.make_async_copy(h_hbm.at[srcv.at[j]], rows.at[b],
                                  gsem.at[b]).wait()
            pltpu.async_copy(rows.at[b], acc.at[dstv.at[j]],
                             ssem.at[b], add=True)

            @pl.when(j + NBUF - 1 < STG)
            def _():
                nb = lax.rem(j + NBUF - 1, NBUF)

                @pl.when(j >= 1)
                def _():
                    pltpu.make_async_copy(rows.at[nb],
                                          acc.at[dstv.at[j - 1]],
                                          ssem.at[nb]).wait()
                pltpu.async_copy(h_hbm.at[srcv.at[j + NBUF - 1]],
                                 rows.at[nb], gsem.at[nb])

            return 0

        lax.fori_loop(0, STG, step, 0)
        for p in range(NBUF):
            pltpu.make_async_copy(rows.at[p], acc.at[dstv.at[0]],
                                  ssem.at[p]).wait()

    plsc.subcore_barrier()
    pltpu.sync_copy(acc.at[pl.ds(sid * SLAB, SLAB)],
                    out_hbm.at[cid, pl.ds(sid * SLAB, SLAB)])


_agg = functools.partial(
    pl.kernel,
    out_type=jax.ShapeDtypeStruct((NCORES, ACC_ROWS, HID), jnp.float32),
    mesh=plsc.VectorSubcoreMesh(core_axis_name="c", subcore_axis_name="s",
                                num_cores=NCORES, num_subcores=NSUB),
    scratch_types=[
        pltpu.VMEM((STG, CHUNK), jnp.int32),
        pltpu.VMEM((STG, CHUNK), jnp.int32),
        pltpu.VMEM((NBUF, CHUNK, HID), jnp.float32),
        pltpu.VMEM_SHARED((ACC_ROWS, HID), jnp.float32),
        pltpu.SemaphoreType.DMA((NBUF,)),
        pltpu.SemaphoreType.DMA((NBUF,)),
    ],
)(_agg_body)


def _mlp_body(h_ref, p0_ref, p1_ref, w1_ref, b1_ref, w2_ref, b2_ref,
              wo_ref, oin_ref, h_out, o_out):
    m = h_ref[...] + p0_ref[0] + p1_ref[0]
    t = jnp.maximum(jnp.dot(m, w1_ref[...],
                            preferred_element_type=jnp.float32) + b1_ref[...], 0.0)
    hn = jnp.maximum(jnp.dot(t, w2_ref[...],
                             preferred_element_type=jnp.float32) + b2_ref[...], 0.0)
    h_out[...] = hn
    o_out[...] = oin_ref[...] + jnp.dot(hn, wo_ref[...],
                                        preferred_element_type=jnp.float32)


def _mlp1_body(x_ref, p0_ref, p1_ref, w1_ref, b1_ref, w2_ref, b2_ref,
               wo0_ref, wo1_ref, ob_ref, h_out, o_out):
    m = x_ref[...] + p0_ref[0] + p1_ref[0]
    t = jnp.maximum(jnp.dot(m, w1_ref[...],
                            preferred_element_type=jnp.float32) + b1_ref[...], 0.0)
    hn = jnp.maximum(jnp.dot(t, w2_ref[...],
                             preferred_element_type=jnp.float32) + b2_ref[...], 0.0)
    h_out[...] = hn
    o_out[...] = (jnp.dot(x_ref[...], wo0_ref[...],
                          preferred_element_type=jnp.float32) + ob_ref[...]
                  + jnp.dot(hn, wo1_ref[...],
                            preferred_element_type=jnp.float32))


_row_spec = pl.BlockSpec((ROW_BLK, HID), lambda i: (i, 0))
_part_spec0 = pl.BlockSpec((1, ROW_BLK, HID), lambda i: (0, i, 0))
_part_spec1 = pl.BlockSpec((1, ROW_BLK, HID), lambda i: (1, i, 0))
_w_spec = pl.BlockSpec((HID, HID), lambda i: (0, 0))
_b_spec = pl.BlockSpec((1, HID), lambda i: (0, 0))
_out2 = [jax.ShapeDtypeStruct((N, HID), jnp.float32),
         jax.ShapeDtypeStruct((N, HID), jnp.float32)]

_mlp = pl.pallas_call(
    _mlp_body,
    grid=(NBLK,),
    in_specs=[_row_spec, _part_spec0, _part_spec1, _w_spec, _b_spec,
              _w_spec, _b_spec, _w_spec, _row_spec],
    out_specs=[_row_spec, _row_spec],
    out_shape=_out2,
)

_mlp1 = pl.pallas_call(
    _mlp1_body,
    grid=(NBLK,),
    in_specs=[_row_spec, _part_spec0, _part_spec1, _w_spec, _b_spec,
              _w_spec, _b_spec, _w_spec, _w_spec, _b_spec],
    out_specs=[_row_spec, _row_spec],
    out_shape=_out2,
)


def kernel(x, edge_index, gin_w1, gin_b1, gin_w2, gin_b2, out_w, out_b):
    src = edge_index[0].astype(jnp.int32)
    dst = edge_index[1].astype(jnp.int32)
    npad = EPAD - E
    pad_src = jnp.arange(npad, dtype=jnp.int32) % N
    pad_dst = N + jnp.arange(npad, dtype=jnp.int32) % PAD_ROWS
    src_r = jnp.concatenate([src, pad_src]).reshape(NWORK, NCHUNK, CHUNK)
    dst_r = jnp.concatenate([dst, pad_dst]).reshape(NWORK, NCHUNK, CHUNK)
    zeros = jnp.zeros((SLAB, HID), jnp.float32)

    b1 = gin_b1.reshape(LAYERS, 1, HID)
    b2 = gin_b2.reshape(LAYERS, 1, HID)
    ob = out_b.reshape(1, HID)
    wo = out_w.reshape(LAYERS + 1, HID, HID)

    h = x
    outp = None
    for l in range(LAYERS):
        parts = _agg(h, src_r, dst_r, zeros)
        if l == 0:
            h, outp = _mlp1(x, parts, parts, gin_w1[0], b1[0], gin_w2[0],
                            b2[0], wo[0], wo[1], ob)
        else:
            h, outp = _mlp(h, parts, parts, gin_w1[l], b1[l], gin_w2[l],
                           b2[l], wo[l + 1], outp)
    return outp

# --- scband reference (transcript-rebuilt; emitter-appended) ---
"""Pipeline reference for scband-structure-extractor-7438883357611 (READ-ONLY COPY).

The authoritative reference and input builder live on the scoring server;
editing this copy changes nothing except your own understanding.
"""

import jax, jax.numpy as jnp
import numpy as np

N_NODES = 10000
N_EDGES = 320000
HID = 128
NUM_LAYERS = 3

def setup_inputs(seed: int = 0) -> dict:
    key = jax.random.key(seed)
    ks = jax.random.split(key, 8)
    x = jax.random.normal(ks[0], (N_NODES, HID), dtype=jnp.float32)
    edge_index = jax.random.randint(ks[1], (2, N_EDGES), 0, N_NODES, dtype=jnp.int64)
    s1 = 1.0 / np.sqrt(HID)
    gin_w1 = jax.random.uniform(ks[2], (NUM_LAYERS, HID, HID), dtype=jnp.float32, minval=-s1, maxval=s1)
    gin_b1 = jax.random.uniform(ks[3], (NUM_LAYERS, HID), dtype=jnp.float32, minval=-s1, maxval=s1)
    gin_w2 = jax.random.uniform(ks[4], (NUM_LAYERS, HID, HID), dtype=jnp.float32, minval=-s1, maxval=s1)
    gin_b2 = jax.random.uniform(ks[5], (NUM_LAYERS, HID), dtype=jnp.float32, minval=-s1, maxval=s1)
    inner = (NUM_LAYERS + 1) * HID
    s2 = 1.0 / np.sqrt(inner)
    out_w = jax.random.uniform(ks[6], (inner, HID), dtype=jnp.float32, minval=-s2, maxval=s2)
    out_b = jax.random.uniform(ks[7], (HID,), dtype=jnp.float32, minval=-s2, maxval=s2)
    return {"x": x, "edge_index": edge_index, "gin_w1": gin_w1, "gin_b1": gin_b1,
            "gin_w2": gin_w2, "gin_b2": gin_b2, "out_w": out_w, "out_b": out_b}

def reference(x, edge_index, gin_w1, gin_b1, gin_w2, gin_b2, out_w, out_b):
    # StructureExtractor forward (eval mode: dropout = identity, batch_norm off,
    # khopgnn=False, concat=True). GIN returns the per-layer outputs.
    src = edge_index[0]
    dst = edge_index[1]
    h = x
    x_cat = [x]
    for l in range(NUM_LAYERS):
        # GIN aggregation: sum of neighbor features (scatter-add), eps=0
        agg = jnp.zeros_like(h).at[dst].add(h[src])
        m = agg + h
        # GIN MLP: Linear -> ReLU -> Linear, then ReLU between layers
        h = jax.nn.relu(m @ gin_w1[l] + gin_b1[l])
        h = h @ gin_w2[l] + gin_b2[l]
        h = jax.nn.relu(h)
        x_cat.append(h)
    xc = jnp.concatenate(x_cat, axis=-1)  # [N, (num_layers+1)*hid]
    out = xc @ out_w + out_b
    return out

if __name__ == "__main__":
    import jax
    _d = setup_inputs()
    print(jax.jit(kernel)(*tuple(_d.values())))

</pallas_src>

<mosaic_0001>
#map = affine_map<(d0, d1) -> (0, 0)>
#map1 = affine_map<(d0, d1) -> (0, 0, 0)>
module attributes {stable_mosaic.version = 14 : i64} {
  func.func @_agg_body(%arg0: i32, %arg1: i32, %arg2: memref<10000x128xf32, #tpu.memory_space<hbm>>, %arg3: memref<32x160x64xi32, #tpu.memory_space<hbm>>, %arg4: memref<32x160x64xi32, #tpu.memory_space<hbm>>, %arg5: memref<640x128xf32, #tpu.memory_space<hbm>>, %arg6: memref<2x10240x128xf32, #tpu.memory_space<hbm>>, %arg7: memref<40x64xi32, #tpu.memory_space<vmem>>, %arg8: memref<40x64xi32, #tpu.memory_space<vmem>>, %arg9: memref<4x64x128xf32, #tpu.memory_space<vmem>>, %arg10: memref<10240x128xf32, #tpu.memory_space<vmem_shared>>, %arg11: memref<4x!tpu.dma_semaphore, #tpu.memory_space<semaphore_mem>>, %arg12: memref<4x!tpu.dma_semaphore, #tpu.memory_space<semaphore_mem>>) attributes {dimension_semantics = [#tpu.dimension_semantics<core_parallel>, #tpu.dimension_semantics<subcore_parallel>], iteration_bounds = array<i64: 2, 16>, scalar_prefetch = 0 : i64, scratch_operands = 6 : i64, tpu.core_type = #tpu.core_type<sc_vector_subcore>, window_params = [{transform_indices = #map}, {transform_indices = #map1}, {transform_indices = #map1}, {transform_indices = #map}, {transform_indices = #map1}]} {
    %mul3A = arith.constant 2 : i32
    %mul3A_0 = arith.muli %arg1, %mul3A : i32
    %add3A = arith.addi %mul3A_0, %arg0 : i32
    %mul3A_1 = arith.constant 640 : i32
    %mul3A_2 = arith.muli %arg1, %mul3A_1 : i32
    "tpu.region"() ({
      %run_scoped3A = tpu.sem_alloc : memref<!tpu.dma_semaphore, #tpu.memory_space<semaphore_mem>>
      %dma_start3A_453 = arith.constant 0 : i32
      %dma_start3A_454 = tpu.memref_slice %arg10[%mul3A_2, %dma_start3A_453] : memref<10240x128xf32, #tpu.memory_space<vmem_shared>> -> memref<640x128xf32, #tpu.memory_space<vmem_shared>>
      tpu.enqueue_dma source(%arg5 : memref<640x128xf32, #tpu.memory_space<hbm>>) target(%dma_start3A_454 : memref<640x128xf32, #tpu.memory_space<vmem_shared>>) target_semaphore(%run_scoped3A : memref<!tpu.dma_semaphore, #tpu.memory_space<semaphore_mem>>)
      %dma_wait3A_455 = arith.constant 0 : i32
      %dma_wait3A_456 = tpu.memref_slice %arg10[%mul3A_2, %dma_wait3A_455] : memref<10240x128xf32, #tpu.memory_space<vmem_shared>> -> memref<640x128xf32, #tpu.memory_space<vmem_shared>>
      tpu.wait_dma2 semaphore(%run_scoped3A : memref<!tpu.dma_semaphore, #tpu.memory_space<semaphore_mem>>) src(%arg5 : memref<640x128xf32, #tpu.memory_space<hbm>>) dst(%dma_wait3A_456 : memref<640x128xf32, #tpu.memory_space<vmem_shared>>)
      tpu.yield
    }) : () -> ()
    "tpu.region"() ({
      %run_scoped3A = tpu.sem_alloc : memref<!tpu.dma_semaphore, #tpu.memory_space<semaphore_mem>>
      %dma_start3A_453 = arith.constant 0 : i32
      %dma_start3A_454 = arith.constant 0 : i32
      %dma_start3A_455 = tpu.memref_slice %arg3[%add3A, %dma_start3A_453, %dma_start3A_454] : memref<32x160x64xi32, #tpu.memory_space<hbm>> -> memref<1x40x64xi32, #tpu.memory_space<hbm>>
      %dma_start3A_456 = tpu.memref_squeeze %dma_start3A_455 : memref<1x40x64xi32, #tpu.memory_space<hbm>> -> memref<40x64xi32, #tpu.memory_space<hbm>>
      %dma_start3A_457 = arith.constant 0 : i32
      %dma_start3A_458 = arith.constant 0 : i32
      %dma_start3A_459 = tpu.memref_slice %arg3[%add3A, %dma_start3A_457, %dma_start3A_458] : memref<32x160x64xi32, #tpu.memory_space<hbm>> -> memref<1x40x64xi32, #tpu.memory_space<hbm>>
      %dma_start3A_460 = tpu.memref_squeeze %dma_start3A_459 : memref<1x40x64xi32, #tpu.memory_space<hbm>> -> memref<40x64xi32, #tpu.memory_space<hbm>>
      tpu.enqueue_dma source(%dma_start3A_460 : memref<40x64xi32, #tpu.memory_space<hbm>>) target(%arg7 : memref<40x64xi32, #tpu.memory_space<vmem>>) target_semaphore(%run_scoped3A : memref<!tpu.dma_semaphore, #tpu.memory_space<semaphore_mem>>)
      %dma_wait3A_461 = arith.constant 0 : i32
      %dma_wait3A_462 = arith.constant 0 : i32
      %dma_wait3A_463 = tpu.memref_slice %arg3[%add3A, %dma_wait3A_461, %dma_wait3A_462] : memref<32x160x64xi32, #tpu.memory_space<hbm>> -> memref<1x40x64xi32, #tpu.memory_space<hbm>>
      %dma_wait3A_464 = tpu.memref_squeeze %dma_wait3A_463 : memref<1x40x64xi32, #tpu.memory_space<hbm>> -> memref<40x64xi32, #tpu.memory_space<hbm>>
      %dma_wait3A_465 = arith.constant 0 : i32
      %dma_wait3A_466 = arith.constant 0 : i32
      %dma_wait3A_467 = tpu.memref_slice %arg3[%add3A, %dma_wait3A_465, %dma_wait3A_466] : memref<32x160x64xi32, #tpu.memory_space<hbm>> -> memref<1x40x64xi32, #tpu.memory_space<hbm>>
      %dma_wait3A_468 = tpu.memref_squeeze %dma_wait3A_467 : memref<1x40x64xi32, #tpu.memory_space<hbm>> -> memref<40x64xi32, #tpu.memory_space<hbm>>
      tpu.wait_dma2 semaphore(%run_scoped3A : memref<!tpu.dma_semaphore, #tpu.memory_space<semaphore_mem>>) src(%dma_wait3A_468 : memref<40x64xi32, #tpu.memory_space<hbm>>) dst(%arg7 : memref<40x64xi32, #tpu.memory_space<vmem>>)
      tpu.yield
    }) : () -> ()
    "tpu.region"() ({
      %run_scoped3A = tpu.sem_alloc : memref<!tpu.dma_semaphore, #tpu.memory_space<semaphore_mem>>
      %dma_start3A_453 = arith.constant 0 : i32
      %dma_start3A_454 = arith.constant 0 : i32
      %dma_start3A_455 = tpu.memref_slice %arg4[%add3A, %dma_start3A_453, %dma_start3A_454] : memref<32x160x64xi32, #tpu.memory_space<hbm>> -> memref<1x40x64xi32, #tpu.memory_space<hbm>>
      %dma_start3A_456 = tpu.memref_squeeze %dma_start3A_455 : memref<1x40x64xi32, #tpu.memory_space<hbm>> -> memref<40x64xi32, #tpu.memory_space<hbm>>
      %dma_start3A_457 = arith.constant 0 : i32
      %dma_start3A_458 = arith.constant 0 : i32
      %dma_start3A_459 = tpu.memref_slice %arg4[%add3A, %dma_start3A_457, %dma_start3A_458] : memref<32x160x64xi32, #tpu.memory_space<hbm>> -> memref<1x40x64xi32, #tpu.memory_space<hbm>>
      %dma_start3A_460 = tpu.memref_squeeze %dma_start3A_459 : memref<1x40x64xi32, #tpu.memory_space<hbm>> -> memref<40x64xi32, #tpu.memory_space<hbm>>
      tpu.enqueue_dma source(%dma_start3A_460 : memref<40x64xi32, #tpu.memory_space<hbm>>) target(%arg8 : memref<40x64xi32, #tpu.memory_space<vmem>>) target_semaphore(%run_scoped3A : memref<!tpu.dma_semaphore, #tpu.memory_space<semaphore_mem>>)
      %dma_wait3A_461 = arith.constant 0 : i32
      %dma_wait3A_462 = arith.constant 0 : i32
      %dma_wait3A_463 = tpu.memref_slice %arg4[%add3A, %dma_wait3A_461, %dma_wait3A_462] : memref<32x160x64xi32, #tpu.memory_space<hbm>> -> memref<1x40x64xi32, #tpu.memory_space<hbm>>
      %dma_wait3A_464 = tpu.memref_squeeze %dma_wait3A_463 : memref<1x40x64xi32, #tpu.memory_space<hbm>> -> memref<40x64xi32, #tpu.memory_space<hbm>>
      %dma_wait3A_465 = arith.constant 0 : i32
      %dma_wait3A_466 = arith.constant 0 : i32
      %dma_wait3A_467 = tpu.memref_slice %arg4[%add3A, %dma_wait3A_465, %dma_wait3A_466] : memref<32x160x64xi32, #tpu.memory_space<hbm>> -> memref<1x40x64xi32, #tpu.memory_space<hbm>>
      %dma_wait3A_468 = tpu.memref_squeeze %dma_wait3A_467 : memref<1x40x64xi32, #tpu.memory_space<hbm>> -> memref<40x64xi32, #tpu.memory_space<hbm>>
      tpu.wait_dma2 semaphore(%run_scoped3A : memref<!tpu.dma_semaphore, #tpu.memory_space<semaphore_mem>>) src(%dma_wait3A_468 : memref<40x64xi32, #tpu.memory_space<hbm>>) dst(%arg8 : memref<40x64xi32, #tpu.memory_space<vmem>>)
      tpu.yield
    }) : () -> ()
    %barrier3A = arith.constant 0 : index
    tpu.barrier barrier_id(%barrier3A)
    %dma_start3A = arith.constant 0 : i32
    %dma_start3A_3 = arith.constant 0 : i32
    %dma_start3A_4 = arith.constant 0 : i32
    %dma_start3A_5 = arith.constant 0 : i32
    %dma_start3A_6 = arith.constant 0 : i32
    %dma_start3A_7 = tpu.memref_slice %arg9[%dma_start3A_3, %dma_start3A_5, %dma_start3A_6] : memref<4x64x128xf32, #tpu.memory_space<vmem>> -> memref<1x64x128xf32, #tpu.memory_space<vmem>>
    %dma_start3A_8 = tpu.memref_squeeze %dma_start3A_7 : memref<1x64x128xf32, #tpu.memory_space<vmem>> -> memref<64x128xf32, #tpu.memory_space<vmem>>
    %dma_start3A_9 = arith.constant 0 : i32
    %dma_start3A_10 = tpu.memref_slice %arg7[%dma_start3A, %dma_start3A_9] : memref<40x64xi32, #tpu.memory_space<vmem>> -> memref<1x64xi32, #tpu.memory_space<vmem>>
    %dma_start3A_11 = tpu.memref_squeeze %dma_start3A_10 : memref<1x64xi32, #tpu.memory_space<vmem>> -> memref<64xi32, #tpu.memory_space<vmem>>
    %dma_start3A_12 = arith.constant 0 : i32
    %dma_start3A_13 = arith.constant 0 : i32
    %dma_start3A_14 = tpu.memref_slice %arg2[%dma_start3A_12, %dma_start3A_13] : memref<10000x128xf32, #tpu.memory_space<hbm>> -> memref<10000x128xf32, #tpu.memory_space<hbm>>
    %dma_start3A_15 = tpu.memref_slice %arg11[%dma_start3A_4] : memref<4x!tpu.dma_semaphore, #tpu.memory_space<semaphore_mem>> -> memref<1x!tpu.dma_semaphore, #tpu.memory_space<semaphore_mem>>
    %dma_start3A_16 = tpu.memref_squeeze %dma_start3A_15 : memref<1x!tpu.dma_semaphore, #tpu.memory_space<semaphore_mem>> -> memref<!tpu.dma_semaphore, #tpu.memory_space<semaphore_mem>>
    tpu.enqueue_indirect_dma source(%dma_start3A_14 : memref<10000x128xf32, #tpu.memory_space<hbm>>) target(%dma_start3A_8 : memref<64x128xf32, #tpu.memory_space<vmem>>) offsets(%dma_start3A_11 : memref<64xi32, #tpu.memory_space<vmem>>) semaphore(%dma_start3A_16 : memref<!tpu.dma_semaphore, #tpu.memory_space<semaphore_mem>>)
    %dma_start3A_17 = arith.constant 1 : i32
    %dma_start3A_18 = arith.constant 1 : i32
    %dma_start3A_19 = arith.constant 1 : i32
    %dma_start3A_20 = arith.constant 0 : i32
    %dma_start3A_21 = arith.constant 0 : i32
    %dma_start3A_22 = tpu.memref_slice %arg9[%dma_start3A_18, %dma_start3A_20, %dma_start3A_21] : memref<4x64x128xf32, #tpu.memory_space<vmem>> -> memref<1x64x128xf32, #tpu.memory_space<vmem>>
    %dma_start3A_23 = tpu.memref_squeeze %dma_start3A_22 : memref<1x64x128xf32, #tpu.memory_space<vmem>> -> memref<64x128xf32, #tpu.memory_space<vmem>>
    %dma_start3A_24 = arith.constant 0 : i32
    %dma_start3A_25 = tpu.memref_slice %arg7[%dma_start3A_17, %dma_start3A_24] : memref<40x64xi32, #tpu.memory_space<vmem>> -> memref<1x64xi32, #tpu.memory_space<vmem>>
    %dma_start3A_26 = tpu.memref_squeeze %dma_start3A_25 : memref<1x64xi32, #tpu.memory_space<vmem>> -> memref<64xi32, #tpu.memory_space<vmem>>
    %dma_start3A_27 = arith.constant 0 : i32
    %dma_start3A_28 = arith.constant 0 : i32
    %dma_start3A_29 = tpu.memref_slice %arg2[%dma_start3A_27, %dma_start3A_28] : memref<10000x128xf32, #tpu.memory_space<hbm>> -> memref<10000x128xf32, #tpu.memory_space<hbm>>
    %dma_start3A_30 = tpu.memref_slice %arg11[%dma_start3A_19] : memref<4x!tpu.dma_semaphore, #tpu.memory_space<semaphore_mem>> -> memref<1x!tpu.dma_semaphore, #tpu.memory_space<semaphore_mem>>
    %dma_start3A_31 = tpu.memref_squeeze %dma_start3A_30 : memref<1x!tpu.dma_semaphore, #tpu.memory_space<semaphore_mem>> -> memref<!tpu.dma_semaphore, #tpu.memory_space<semaphore_mem>>
    tpu.enqueue_indirect_dma source(%dma_start3A_29 : memref<10000x128xf32, #tpu.memory_space<hbm>>) target(%dma_start3A_23 : memref<64x128xf32, #tpu.memory_space<vmem>>) offsets(%dma_start3A_26 : memref<64xi32, #tpu.memory_space<vmem>>) semaphore(%dma_start3A_31 : memref<!tpu.dma_semaphore, #tpu.memory_space<semaphore_mem>>)
    %dma_start3A_32 = arith.constant 2 : i32
    %dma_start3A_33 = arith.constant 2 : i32
    %dma_start3A_34 = arith.constant 2 : i32
    %dma_start3A_35 = arith.constant 0 : i32
    %dma_start3A_36 = arith.constant 0 : i32
    %dma_start3A_37 = tpu.memref_slice %arg9[%dma_start3A_33, %dma_start3A_35, %dma_start3A_36] : memref<4x64x128xf32, #tpu.memory_space<vmem>> -> memref<1x64x128xf32, #tpu.memory_space<vmem>>
    %dma_start3A_38 = tpu.memref_squeeze %dma_start3A_37 : memref<1x64x128xf32, #tpu.memory_space<vmem>> -> memref<64x128xf32, #tpu.memory_space<vmem>>
    %dma_start3A_39 = arith.constant 0 : i32
    %dma_start3A_40 = tpu.memref_slice %arg7[%dma_start3A_32, %dma_start3A_39] : memref<40x64xi32, #tpu.memory_space<vmem>> -> memref<1x64xi32, #tpu.memory_space<vmem>>
    %dma_start3A_41 = tpu.memref_squeeze %dma_start3A_40 : memref<1x64xi32, #tpu.memory_space<vmem>> -> memref<64xi32, #tpu.memory_space<vmem>>
    %dma_start3A_42 = arith.constant 0 : i32
    %dma_start3A_43 = arith.constant 0 : i32
    %dma_start3A_44 = tpu.memref_slice %arg2[%dma_start3A_42, %dma_start3A_43] : memref<10000x128xf32, #tpu.memory_space<hbm>> -> memref<10000x128xf32, #tpu.memory_space<hbm>>
    %dma_start3A_45 = tpu.memref_slice %arg11[%dma_start3A_34] : memref<4x!tpu.dma_semaphore, #tpu.memory_space<semaphore_mem>> -> memref<1x!tpu.dma_semaphore, #tpu.memory_space<semaphore_mem>>
    %dma_start3A_46 = tpu.memref_squeeze %dma_start3A_45 : memref<1x!tpu.dma_semaphore, #tpu.memory_space<semaphore_mem>> -> memref<!tpu.dma_semaphore, #tpu.memory_space<semaphore_mem>>
    tpu.enqueue_indirect_dma source(%dma_start3A_44 : memref<10000x128xf32, #tpu.memory_space<hbm>>) target(%dma_start3A_38 : memref<64x128xf32, #tpu.memory_space<vmem>>) offsets(%dma_start3A_41 : memref<64xi32, #tpu.memory_space<vmem>>) semaphore(%dma_start3A_46 : memref<!tpu.dma_semaphore, #tpu.memory_space<semaphore_mem>>)
    %scan3A = arith.constant 0 : i32
    %scan3A_47 = arith.constant 0 : i32
    %scan3A_48 = arith.constant 40 : i32
    %scan3A_49 = arith.addi %scan3A_47, %scan3A_48 : i32
    %scan3A_50 = arith.constant 1 : i32
    %scan3A_51 = scf.for %scan3A_453 = %scan3A_47 to %scan3A_49 step %scan3A_50 iter_args(%scan3A_454 = %scan3A) -> (i32)  : i32 {
      %rem3A = arith.constant 4 : i32
      %rem3A_455 = arith.remsi %scan3A_453, %rem3A : i32
      %dma_wait3A_456 = arith.constant 0 : i32
      %dma_wait3A_457 = arith.constant 0 : i32
      %dma_wait3A_458 = tpu.memref_slice %arg9[%rem3A_455, %dma_wait3A_456, %dma_wait3A_457] : memref<4x64x128xf32, #tpu.memory_space<vmem>> -> memref<1x64x128xf32, #tpu.memory_space<vmem>>
      %dma_wait3A_459 = tpu.memref_squeeze %dma_wait3A_458 : memref<1x64x128xf32, #tpu.memory_space<vmem>> -> memref<64x128xf32, #tpu.memory_space<vmem>>
      %dma_wait3A_460 = arith.constant 0 : i32
      %dma_wait3A_461 = tpu.memref_slice %arg7[%scan3A_453, %dma_wait3A_460] : memref<40x64xi32, #tpu.memory_space<vmem>> -> memref<1x64xi32, #tpu.memory_space<vmem>>
      %dma_wait3A_462 = tpu.memref_squeeze %dma_wait3A_461 : memref<1x64xi32, #tpu.memory_space<vmem>> -> memref<64xi32, #tpu.memory_space<vmem>>
      %dma_wait3A_463 = arith.constant 0 : i32
      %dma_wait3A_464 = arith.constant 0 : i32
      %dma_wait3A_465 = tpu.memref_slice %arg2[%dma_wait3A_463, %dma_wait3A_464] : memref<10000x128xf32, #tpu.memory_space<hbm>> -> memref<10000x128xf32, #tpu.memory_space<hbm>>
      %dma_wait3A_466 = tpu.memref_slice %arg11[%rem3A_455] : memref<4x!tpu.dma_semaphore, #tpu.memory_space<semaphore_mem>> -> memref<1x!tpu.dma_semaphore, #tpu.memory_space<semaphore_mem>>
      %dma_wait3A_467 = tpu.memref_squeeze %dma_wait3A_466 : memref<1x!tpu.dma_semaphore, #tpu.memory_space<semaphore_mem>> -> memref<!tpu.dma_semaphore, #tpu.memory_space<semaphore_mem>>
      tpu.wait_indirect_dma semaphore(%dma_wait3A_467 : memref<!tpu.dma_semaphore, #tpu.memory_space<semaphore_mem>>) src(%dma_wait3A_465 : memref<10000x128xf32, #tpu.memory_space<hbm>>) dst(%dma_wait3A_459 : memref<64x128xf32, #tpu.memory_space<vmem>>)
      %dma_start3A_468 = arith.constant 0 : i32
      %dma_start3A_469 = arith.constant 0 : i32
      %dma_start3A_470 = tpu.memref_slice %arg9[%rem3A_455, %dma_start3A_468, %dma_start3A_469] : memref<4x64x128xf32, #tpu.memory_space<vmem>> -> memref<1x64x128xf32, #tpu.memory_space<vmem>>
      %dma_start3A_471 = tpu.memref_squeeze %dma_start3A_470 : memref<1x64x128xf32, #tpu.memory_space<vmem>> -> memref<64x128xf32, #tpu.memory_space<vmem>>
      %dma_start3A_472 = arith.constant 0 : i32
      %dma_start3A_473 = tpu.memref_slice %arg8[%scan3A_453, %dma_start3A_472] : memref<40x64xi32, #tpu.memory_space<vmem>> -> memref<1x64xi32, #tpu.memory_space<vmem>>
      %dma_start3A_474 = tpu.memref_squeeze %dma_start3A_473 : memref<1x64xi32, #tpu.memory_space<vmem>> -> memref<64xi32, #tpu.memory_space<vmem>>
      %dma_start3A_475 = arith.constant 0 : i32
      %dma_start3A_476 = arith.constant 0 : i32
      %dma_start3A_477 = tpu.memref_slice %arg10[%dma_start3A_475, %dma_start3A_476] : memref<10240x128xf32, #tpu.memory_space<vmem_shared>> -> memref<10240x128xf32, #tpu.memory_space<vmem_shared>>
      %dma_start3A_478 = tpu.memref_slice %arg12[%rem3A_455] : memref<4x!tpu.dma_semaphore, #tpu.memory_space<semaphore_mem>> -> memref<1x!tpu.dma_semaphore, #tpu.memory_space<semaphore_mem>>
      %dma_start3A_479 = tpu.memref_squeeze %dma_start3A_478 : memref<1x!tpu.dma_semaphore, #tpu.memory_space<semaphore_mem>> -> memref<!tpu.dma_semaphore, #tpu.memory_space<semaphore_mem>>
      tpu.enqueue_indirect_dma source(%dma_start3A_471 : memref<64x128xf32, #tpu.memory_space<vmem>>) target(%dma_start3A_477 : memref<10240x128xf32, #tpu.memory_space<vmem_shared>>) offsets(%dma_start3A_474 : memref<64xi32, #tpu.memory_space<vmem>>) semaphore(%dma_start3A_479 : memref<!tpu.dma_semaphore, #tpu.memory_space<semaphore_mem>>) {add = true}
      %add3A_480 = arith.constant 4 : i32
      %add3A_481 = arith.addi %scan3A_453, %add3A_480 : i32
      %sub3A = arith.constant 1 : i32
      %sub3A_482 = arith.subi %add3A_481, %sub3A : i32
      %lt3A = arith.constant 40 : i32
      %lt3A_483 = arith.cmpi slt, %sub3A_482, %lt3A : i32
      %convert_element_type3A = arith.extui %lt3A_483 : i1 to i32
      %cond3A = arith.constant 0 : i32
      %cond3A_484 = arith.cmpi ne, %convert_element_type3A, %cond3A : i32
      scf.if %cond3A_484 {
        %add3A_486 = arith.constant 4 : i32
        %add3A_487 = arith.addi %scan3A_453, %add3A_486 : i32
        %sub3A_488 = arith.constant 1 : i32
        %sub3A_489 = arith.subi %add3A_487, %sub3A_488 : i32
        %rem3A_490 = arith.constant 4 : i32
        %rem3A_491 = arith.remsi %sub3A_489, %rem3A_490 : i32
        %ge3A = arith.constant 1 : i32
        %ge3A_492 = arith.cmpi sge, %scan3A_453, %ge3A : i32
        %convert_element_type3A_493 = arith.extui %ge3A_492 : i1 to i32
        %cond3A_494 = arith.constant 0 : i32
        %cond3A_495 = arith.cmpi ne, %convert_element_type3A_493, %cond3A_494 : i32
        scf.if %cond3A_495 {
          %sub3A_512 = arith.constant 1 : i32
          %sub3A_513 = arith.subi %scan3A_453, %sub3A_512 : i32
          %dma_wait3A_514 = arith.constant 0 : i32
          %dma_wait3A_515 = arith.constant 0 : i32
          %dma_wait3A_516 = tpu.memref_slice %arg9[%rem3A_491, %dma_wait3A_514, %dma_wait3A_515] : memref<4x64x128xf32, #tpu.memory_space<vmem>> -> memref<1x64x128xf32, #tpu.memory_space<vmem>>
          %dma_wait3A_517 = tpu.memref_squeeze %dma_wait3A_516 : memref<1x64x128xf32, #tpu.memory_space<vmem>> -> memref<64x128xf32, #tpu.memory_space<vmem>>
          %dma_wait3A_518 = arith.constant 0 : i32
          %dma_wait3A_519 = tpu.memref_slice %arg8[%sub3A_513, %dma_wait3A_518] : memref<40x64xi32, #tpu.memory_space<vmem>> -> memref<1x64xi32, #tpu.memory_space<vmem>>
          %dma_wait3A_520 = tpu.memref_squeeze %dma_wait3A_519 : memref<1x64xi32, #tpu.memory_space<vmem>> -> memref<64xi32, #tpu.memory_space<vmem>>
          %dma_wait3A_521 = arith.constant 0 : i32
          %dma_wait3A_522 = arith.constant 0 : i32
          %dma_wait3A_523 = tpu.memref_slice %arg10[%dma_wait3A_521, %dma_wait3A_522] : memref<10240x128xf32, #tpu.memory_space<vmem_shared>> -> memref<10240x128xf32, #tpu.memory_space<vmem_shared>>
          %dma_wait3A_524 = tpu.memref_slice %arg12[%rem3A_491] : memref<4x!tpu.dma_semaphore, #tpu.memory_space<semaphore_mem>> -> memref<1x!tpu.dma_semaphore, #tpu.memory_space<semaphore_mem>>
          %dma_wait3A_525 = tpu.memref_squeeze %dma_wait3A_524 : memref<1x!tpu.dma_semaphore, #tpu.memory_space<semaphore_mem>> -> memref<!tpu.dma_semaphore, #tpu.memory_space<semaphore_mem>>
          tpu.wait_indirect_dma semaphore(%dma_wait3A_525 : memref<!tpu.dma_semaphore, #tpu.memory_space<semaphore_mem>>) src(%dma_wait3A_517 : memref<64x128xf32, #tpu.memory_space<vmem>>) dst(%dma_wait3A_523 : memref<10240x128xf32, #tpu.memory_space<vmem_shared>>)
        } else {
        }
        %add3A_496 = arith.constant 4 : i32
        %add3A_497 = arith.addi %scan3A_453, %add3A_496 : i32
        %sub3A_498 = arith.constant 1 : i32
        %sub3A_499 = arith.subi %add3A_497, %sub3A_498 : i32
        %dma_start3A_500 = arith.constant 0 : i32
        %dma_start3A_501 = arith.constant 0 : i32
        %dma_start3A_502 = tpu.memref_slice %arg9[%rem3A_491, %dma_start3A_500, %dma_start3A_501] : memref<4x64x128xf32, #tpu.memory_space<vmem>> -> memref<1x64x128xf32, #tpu.memory_space<vmem>>
        %dma_start3A_503 = tpu.memref_squeeze %dma_start3A_502 : memref<1x64x128xf32, #tpu.memory_space<vmem>> -> memref<64x128xf32, #tpu.memory_space<vmem>>
        %dma_start3A_504 = arith.constant 0 : i32
        %dma_start3A_505 = tpu.memref_slice %arg7[%sub3A_499, %dma_start3A_504] : memref<40x64xi32, #tpu.memory_space<vmem>> -> memref<1x64xi32, #tpu.memory_space<vmem>>
        %dma_start3A_506 = tpu.memref_squeeze %dma_start3A_505 : memref<1x64xi32, #tpu.memory_space<vmem>> -> memref<64xi32, #tpu.memory_space<vmem>>
        %dma_start3A_507 = arith.constant 0 : i32
        %dma_start3A_508 = arith.constant 0 : i32
        %dma_start3A_509 = tpu.memref_slice %arg2[%dma_start3A_507, %dma_start3A_508] : memref<10000x128xf32, #tpu.memory_space<hbm>> -> memref<10000x128xf32, #tpu.memory_space<hbm>>
        %dma_start3A_510 = tpu.memref_slice %arg11[%rem3A_491] : memref<4x!tpu.dma_semaphore, #tpu.memory_space<semaphore_mem>> -> memref<1x!tpu.dma_semaphore, #tpu.memory_space<semaphore_mem>>
        %dma_start3A_511 = tpu.memref_squeeze %dma_start3A_510 : memref<1x!tpu.dma_semaphore, #tpu.memory_space<semaphore_mem>> -> memref<!tpu.dma_semaphore, #tpu.memory_space<semaphore_mem>>
        tpu.enqueue_indirect_dma source(%dma_start3A_509 : memref<10000x128xf32, #tpu.memory_space<hbm>>) target(%dma_start3A_503 : memref<64x128xf32, #tpu.memory_space<vmem>>) offsets(%dma_start3A_506 : memref<64xi32, #tpu.memory_space<vmem>>) semaphore(%dma_start3A_511 : memref<!tpu.dma_semaphore, #tpu.memory_space<semaphore_mem>>)
      } else {
      }
      %scan3A_485 = arith.constant 0 : i32
      scf.yield %scan3A_485 : i32
    }
    %scan3A_52 = arith.constant 40 : i32
    %dma_wait3A = arith.constant 0 : i32
    %dma_wait3A_53 = arith.constant 0 : i32
    %dma_wait3A_54 = arith.constant 0 : i32
    %dma_wait3A_55 = arith.constant 0 : i32
    %dma_wait3A_56 = arith.constant 0 : i32
    %dma_wait3A_57 = tpu.memref_slice %arg9[%dma_wait3A, %dma_wait3A_55, %dma_wait3A_56] : memref<4x64x128xf32, #tpu.memory_space<vmem>> -> memref<1x64x128xf32, #tpu.memory_space<vmem>>
    %dma_wait3A_58 = tpu.memref_squeeze %dma_wait3A_57 : memref<1x64x128xf32, #tpu.memory_space<vmem>> -> memref<64x128xf32, #tpu.memory_space<vmem>>
    %dma_wait3A_59 = arith.constant 0 : i32
    %dma_wait3A_60 = tpu.memref_slice %arg8[%dma_wait3A_53, %dma_wait3A_59] : memref<40x64xi32, #tpu.memory_space<vmem>> -> memref<1x64xi32, #tpu.memory_space<vmem>>
    %dma_wait3A_61 = tpu.memref_squeeze %dma_wait3A_60 : memref<1x64xi32, #tpu.memory_space<vmem>> -> memref<64xi32, #tpu.memory_space<vmem>>
    %dma_wait3A_62 = arith.constant 0 : i32
    %dma_wait3A_63 = arith.constant 0 : i32
    %dma_wait3A_64 = tpu.memref_slice %arg10[%dma_wait3A_62, %dma_wait3A_63] : memref<10240x128xf32, #tpu.memory_space<vmem_shared>> -> memref<10240x128xf32, #tpu.memory_space<vmem_shared>>
    %dma_wait3A_65 = tpu.memref_slice %arg12[%dma_wait3A_54] : memref<4x!tpu.dma_semaphore, #tpu.memory_space<semaphore_mem>> -> memref<1x!tpu.dma_semaphore, #tpu.memory_space<semaphore_mem>>
    %dma_wait3A_66 = tpu.memref_squeeze %dma_wait3A_65 : memref<1x!tpu.dma_semaphore, #tpu.memory_space<semaphore_mem>> -> memref<!tpu.dma_semaphore, #tpu.memory_space<semaphore_mem>>
    tpu.wait_indirect_dma semaphore(%dma_wait3A_66 : memref<!tpu.dma_semaphore, #tpu.memory_space<semaphore_mem>>) src(%dma_wait3A_58 : memref<64x128xf32, #tpu.memory_space<vmem>>) dst(%dma_wait3A_64 : memref<10240x128xf32, #tpu.memory_space<vmem_shared>>)
    %dma_wait3A_67 = arith.constant 1 : i32
    %dma_wait3A_68 = arith.constant 0 : i32
    %dma_wait3A_69 = arith.constant 1 : i32
    %dma_wait3A_70 = arith.constant 0 : i32
    %dma_wait3A_71 = arith.constant 0 : i32
    %dma_wait3A_72 = tpu.memref_slice %arg9[%dma_wait3A_67, %dma_wait3A_70, %dma_wait3A_71] : memref<4x64x128xf32, #tpu.memory_space<vmem>> -> memref<1x64x128xf32, #tpu.memory_space<vmem>>
    %dma_wait3A_73 = tpu.memref_squeeze %dma_wait3A_72 : memref<1x64x128xf32, #tpu.memory_space<vmem>> -> memref<64x128xf32, #tpu.memory_space<vmem>>
    %dma_wait3A_74 = arith.constant 0 : i32
    %dma_wait3A_75 = tpu.memref_slice %arg8[%dma_wait3A_68, %dma_wait3A_74] : memref<40x64xi32, #tpu.memory_space<vmem>> -> memref<1x64xi32, #tpu.memory_space<vmem>>
    %dma_wait3A_76 = tpu.memref_squeeze %dma_wait3A_75 : memref<1x64xi32, #tpu.memory_space<vmem>> -> memref<64xi32, #tpu.memory_space<vmem>>
    %dma_wait3A_77 = arith.constant 0 : i32
    %dma_wait3A_78 = arith.constant 0 : i32
    %dma_wait3A_79 = tpu.memref_slice %arg10[%dma_wait3A_77, %dma_wait3A_78] : memref<10240x128xf32, #tpu.memory_space<vmem_shared>> -> memref<10240x128xf32, #tpu.memory_space<vmem_shared>>
    %dma_wait3A_80 = tpu.memref_slice %arg12[%dma_wait3A_69] : memref<4x!tpu.dma_semaphore, #tpu.memory_space<semaphore_mem>> -> memref<1x!tpu.dma_semaphore, #tpu.memory_space<semaphore_mem>>
    %dma_wait3A_81 = tpu.memref_squeeze %dma_wait3A_80 : memref<1x!tpu.dma_semaphore, #tpu.memory_space<semaphore_mem>> -> memref<!tpu.dma_semaphore, #tpu.memory_space<semaphore_mem>>
    tpu.wait_indirect_dma semaphore(%dma_wait3A_81 : memref<!tpu.dma_semaphore, #tpu.memory_space<semaphore_mem>>) src(%dma_wait3A_73 : memref<64x128xf32, #tpu.memory_space<vmem>>) dst(%dma_wait3A_79 : memref<10240x128xf32, #tpu.memory_space<vmem_shared>>)
    %dma_wait3A_82 = arith.constant 2 : i32
    %dma_wait3A_83 = arith.constant 0 : i32
    %dma_wait3A_84 = arith.constant 2 : i32
    %dma_wait3A_85 = arith.constant 0 : i32
    %dma_wait3A_86 = arith.constant 0 : i32
    %dma_wait3A_87 = tpu.memref_slice %arg9[%dma_wait3A_82, %dma_wait3A_85, %dma_wait3A_86] : memref<4x64x128xf32, #tpu.memory_space<vmem>> -> memref<1x64x128xf32, #tpu.memory_space<vmem>>
    %dma_wait3A_88 = tpu.memref_squeeze %dma_wait3A_87 : memref<1x64x128xf32, #tpu.memory_space<vmem>> -> memref<64x128xf32, #tpu.memory_space<vmem>>
    %dma_wait3A_89 = arith.constant 0 : i32
    %dma_wait3A_90 = tpu.memref_slice %arg8[%dma_wait3A_83, %dma_wait3A_89] : memref<40x64xi32, #tpu.memory_space<vmem>> -> memref<1x64xi32, #tpu.memory_space<vmem>>
    %dma_wait3A_91 = tpu.memref_squeeze %dma_wait3A_90 : memref<1x64xi32, #tpu.memory_space<vmem>> -> memref<64xi32, #tpu.memory_space<vmem>>
    %dma_wait3A_92 = arith.constant 0 : i32
    %dma_wait3A_93 = arith.constant 0 : i32
    %dma_wait3A_94 = tpu.memref_slice %arg10[%dma_wait3A_92, %dma_wait3A_93] : memref<10240x128xf32, #tpu.memory_space<vmem_shared>> -> memref<10240x128xf32, #tpu.memory_space<vmem_shared>>
    %dma_wait3A_95 = tpu.memref_slice %arg12[%dma_wait3A_84] : memref<4x!tpu.dma_semaphore, #tpu.memory_space<semaphore_mem>> -> memref<1x!tpu.dma_semaphore, #tpu.memory_space<semaphore_mem>>
    %dma_wait3A_96 = tpu.memref_squeeze %dma_wait3A_95 : memref<1x!tpu.dma_semaphore, #tpu.memory_space<semaphore_mem>> -> memref<!tpu.dma_semaphore, #tpu.memory_space<semaphore_mem>>
    tpu.wait_indirect_dma semaphore(%dma_wait3A_96 : memref<!tpu.dma_semaphore, #tpu.memory_space<semaphore_mem>>) src(%dma_wait3A_88 : memref<64x128xf32, #tpu.memory_space<vmem>>) dst(%dma_wait3A_94 : memref<10240x128xf32, #tpu.memory_space<vmem_shared>>)
    %dma_wait3A_97 = arith.constant 3 : i32
    %dma_wait3A_98 = arith.constant 0 : i32
    %dma_wait3A_99 = arith.constant 3 : i32
    %dma_wait3A_100 = arith.constant 0 : i32
    %dma_wait3A_101 = arith.constant 0 : i32
    %dma_wait3A_102 = tpu.memref_slice %arg9[%dma_wait3A_97, %dma_wait3A_100, %dma_wait3A_101] : memref<4x64x128xf32, #tpu.memory_space<vmem>> -> memref<1x64x128xf32, #tpu.memory_space<vmem>>
    %dma_wait3A_103 = tpu.memref_squeeze %dma_wait3A_102 : memref<1x64x128xf32, #tpu.memory_space<vmem>> -> memref<64x128xf32, #tpu.memory_space<vmem>>
    %dma_wait3A_104 = arith.constant 0 : i32
    %dma_wait3A_105 = tpu.memref_slice %arg8[%dma_wait3A_98, %dma_wait3A_104] : memref<40x64xi32, #tpu.memory_space<vmem>> -> memref<1x64xi32, #tpu.memory_space<vmem>>
    %dma_wait3A_106 = tpu.memref_squeeze %dma_wait3A_105 : memref<1x64xi32, #tpu.memory_space<vmem>> -> memref<64xi32, #tpu.memory_space<vmem>>
    %dma_wait3A_107 = arith.constant 0 : i32
    %dma_wait3A_108 = arith.constant 0 : i32
    %dma_wait3A_109 = tpu.memref_slice %arg10[%dma_wait3A_107, %dma_wait3A_108] : memref<10240x128xf32, #tpu.memory_space<vmem_shared>> -> memref<10240x128xf32, #tpu.memory_space<vmem_shared>>
    %dma_wait3A_110 = tpu.memref_slice %arg12[%dma_wait3A_99] : memref<4x!tpu.dma_semaphore, #tpu.memory_space<semaphore_mem>> -> memref<1x!tpu.dma_semaphore, #tpu.memory_space<semaphore_mem>>
    %dma_wait3A_111 = tpu.memref_squeeze %dma_wait3A_110 : memref<1x!tpu.dma_semaphore, #tpu.memory_space<semaphore_mem>> -> memref<!tpu.dma_semaphore, #tpu.memory_space<semaphore_mem>>
    tpu.wait_indirect_dma semaphore(%dma_wait3A_111 : memref<!tpu.dma_semaphore, #tpu.memory_space<semaphore_mem>>) src(%dma_wait3A_103 : memref<64x128xf32, #tpu.memory_space<vmem>>) dst(%dma_wait3A_109 : memref<10240x128xf32, #tpu.memory_space<vmem_shared>>)
    "tpu.region"() ({
      %run_scoped3A = tpu.sem_alloc : memref<!tpu.dma_semaphore, #tpu.memory_space<semaphore_mem>>
      %dma_start3A_453 = arith.constant 40 : i32
      %dma_start3A_454 = arith.constant 0 : i32
      %dma_start3A_455 = tpu.memref_slice %arg3[%add3A, %dma_start3A_453, %dma_start3A_454] : memref<32x160x64xi32, #tpu.memory_space<hbm>> -> memref<1x40x64xi32, #tpu.memory_space<hbm>>
      %dma_start3A_456 = tpu.memref_squeeze %dma_start3A_455 : memref<1x40x64xi32, #tpu.memory_space<hbm>> -> memref<40x64xi32, #tpu.memory_space<hbm>>
      %dma_start3A_457 = arith.constant 40 : i32
      %dma_start3A_458 = arith.constant 0 : i32
      %dma_start3A_459 = tpu.memref_slice %arg3[%add3A, %dma_start3A_457, %dma_start3A_458] : memref<32x160x64xi32, #tpu.memory_space<hbm>> -> memref<1x40x64xi32, #tpu.memory_space<hbm>>
      %dma_start3A_460 = tpu.memref_squeeze %dma_start3A_459 : memref<1x40x64xi32, #tpu.memory_space<hbm>> -> memref<40x64xi32, #tpu.memory_space<hbm>>
      tpu.enqueue_dma source(%dma_start3A_460 : memref<40x64xi32, #tpu.memory_space<hbm>>) target(%arg7 : memref<40x64xi32, #tpu.memory_space<vmem>>) target_semaphore(%run_scoped3A : memref<!tpu.dma_semaphore, #tpu.memory_space<semaphore_mem>>)
      %dma_wait3A_461 = arith.constant 40 : i32
      %dma_wait3A_462 = arith.constant 0 : i32
      %dma_wait3A_463 = tpu.memref_slice %arg3[%add3A, %dma_wait3A_461, %dma_wait3A_462] : memref<32x160x64xi32, #tpu.memory_space<hbm>> -> memref<1x40x64xi32, #tpu.memory_space<hbm>>
      %dma_wait3A_464 = tpu.memref_squeeze %dma_wait3A_463 : memref<1x40x64xi32, #tpu.memory_space<hbm>> -> memref<40x64xi32, #tpu.memory_space<hbm>>
      %dma_wait3A_465 = arith.constant 40 : i32
      %dma_wait3A_466 = arith.constant 0 : i32
      %dma_wait3A_467 = tpu.memref_slice %arg3[%add3A, %dma_wait3A_465, %dma_wait3A_466] : memref<32x160x64xi32, #tpu.memory_space<hbm>> -> memref<1x40x64xi32, #tpu.memory_space<hbm>>
      %dma_wait3A_468 = tpu.memref_squeeze %dma_wait3A_467 : memref<1x40x64xi32, #tpu.memory_space<hbm>> -> memref<40x64xi32, #tpu.memory_space<hbm>>
      tpu.wait_dma2 semaphore(%run_scoped3A : memref<!tpu.dma_semaphore, #tpu.memory_space<semaphore_mem>>) src(%dma_wait3A_468 : memref<40x64xi32, #tpu.memory_space<hbm>>) dst(%arg7 : memref<40x64xi32, #tpu.memory_space<vmem>>)
      tpu.yield
    }) : () -> ()
    "tpu.region"() ({
      %run_scoped3A = tpu.sem_alloc : memref<!tpu.dma_semaphore, #tpu.memory_space<semaphore_mem>>
      %dma_start3A_453 = arith.constant 40 : i32
      %dma_start3A_454 = arith.constant 0 : i32
      %dma_start3A_455 = tpu.memref_slice %arg4[%add3A, %dma_start3A_453, %dma_start3A_454] : memref<32x160x64xi32, #tpu.memory_space<hbm>> -> memref<1x40x64xi32, #tpu.memory_space<hbm>>
      %dma_start3A_456 = tpu.memref_squeeze %dma_start3A_455 : memref<1x40x64xi32, #tpu.memory_space<hbm>> -> memref<40x64xi32, #tpu.memory_space<hbm>>
      %dma_start3A_457 = arith.constant 40 : i32
      %dma_start3A_458 = arith.constant 0 : i32
      %dma_start3A_459 = tpu.memref_slice %arg4[%add3A, %dma_start3A_457, %dma_start3A_458] : memref<32x160x64xi32, #tpu.memory_space<hbm>> -> memref<1x40x64xi32, #tpu.memory_space<hbm>>
      %dma_start3A_460 = tpu.memref_squeeze %dma_start3A_459 : memref<1x40x64xi32, #tpu.memory_space<hbm>> -> memref<40x64xi32, #tpu.memory_space<hbm>>
      tpu.enqueue_dma source(%dma_start3A_460 : memref<40x64xi32, #tpu.memory_space<hbm>>) target(%arg8 : memref<40x64xi32, #tpu.memory_space<vmem>>) target_semaphore(%run_scoped3A : memref<!tpu.dma_semaphore, #tpu.memory_space<semaphore_mem>>)
      %dma_wait3A_461 = arith.constant 40 : i32
      %dma_wait3A_462 = arith.constant 0 : i32
      %dma_wait3A_463 = tpu.memref_slice %arg4[%add3A, %dma_wait3A_461, %dma_wait3A_462] : memref<32x160x64xi32, #tpu.memory_space<hbm>> -> memref<1x40x64xi32, #tpu.memory_space<hbm>>
      %dma_wait3A_464 = tpu.memref_squeeze %dma_wait3A_463 : memref<1x40x64xi32, #tpu.memory_space<hbm>> -> memref<40x64xi32, #tpu.memory_space<hbm>>
      %dma_wait3A_465 = arith.constant 40 : i32
      %dma_wait3A_466 = arith.constant 0 : i32
      %dma_wait3A_467 = tpu.memref_slice %arg4[%add3A, %dma_wait3A_465, %dma_wait3A_466] : memref<32x160x64xi32, #tpu.memory_space<hbm>> -> memref<1x40x64xi32, #tpu.memory_space<hbm>>
      %dma_wait3A_468 = tpu.memref_squeeze %dma_wait3A_467 : memref<1x40x64xi32, #tpu.memory_space<hbm>> -> memref<40x64xi32, #tpu.memory_space<hbm>>
      tpu.wait_dma2 semaphore(%run_scoped3A : memref<!tpu.dma_semaphore, #tpu.memory_space<semaphore_mem>>) src(%dma_wait3A_468 : memref<40x64xi32, #tpu.memory_space<hbm>>) dst(%arg8 : memref<40x64xi32, #tpu.memory_space<vmem>>)
      tpu.yield
    }) : () -> ()
    %dma_start3A_112 = arith.constant 0 : i32
    %dma_start3A_113 = arith.constant 0 : i32
    %dma_start3A_114 = arith.constant 0 : i32
    %dma_start3A_115 = arith.constant 0 : i32
    %dma_start3A_116 = arith.constant 0 : i32
    %dma_start3A_117 = tpu.memref_slice %arg9[%dma_start3A_113, %dma_start3A_115, %dma_start3A_116] : memref<4x64x128xf32, #tpu.memory_space<vmem>> -> memref<1x64x128xf32, #tpu.memory_space<vmem>>
    %dma_start3A_118 = tpu.memref_squeeze %dma_start3A_117 : memref<1x64x128xf32, #tpu.memory_space<vmem>> -> memref<64x128xf32, #tpu.memory_space<vmem>>
    %dma_start3A_119 = arith.constant 0 : i32
    %dma_start3A_120 = tpu.memref_slice %arg7[%dma_start3A_112, %dma_start3A_119] : memref<40x64xi32, #tpu.memory_space<vmem>> -> memref<1x64xi32, #tpu.memory_space<vmem>>
    %dma_start3A_121 = tpu.memref_squeeze %dma_start3A_120 : memref<1x64xi32, #tpu.memory_space<vmem>> -> memref<64xi32, #tpu.memory_space<vmem>>
    %dma_start3A_122 = arith.constant 0 : i32
    %dma_start3A_123 = arith.constant 0 : i32
    %dma_start3A_124 = tpu.memref_slice %arg2[%dma_start3A_122, %dma_start3A_123] : memref<10000x128xf32, #tpu.memory_space<hbm>> -> memref<10000x128xf32, #tpu.memory_space<hbm>>
    %dma_start3A_125 = tpu.memref_slice %arg11[%dma_start3A_114] : memref<4x!tpu.dma_semaphore, #tpu.memory_space<semaphore_mem>> -> memref<1x!tpu.dma_semaphore, #tpu.memory_space<semaphore_mem>>
    %dma_start3A_126 = tpu.memref_squeeze %dma_start3A_125 : memref<1x!tpu.dma_semaphore, #tpu.memory_space<semaphore_mem>> -> memref<!tpu.dma_semaphore, #tpu.memory_space<semaphore_mem>>
    tpu.enqueue_indirect_dma source(%dma_start3A_124 : memref<10000x128xf32, #tpu.memory_space<hbm>>) target(%dma_start3A_118 : memref<64x128xf32, #tpu.memory_space<vmem>>) offsets(%dma_start3A_121 : memref<64xi32, #tpu.memory_space<vmem>>) semaphore(%dma_start3A_126 : memref<!tpu.dma_semaphore, #tpu.memory_space<semaphore_mem>>)
    %dma_start3A_127 = arith.constant 1 : i32
    %dma_start3A_128 = arith.constant 1 : i32
    %dma_start3A_129 = arith.constant 1 : i32
    %dma_start3A_130 = arith.constant 0 : i32
    %dma_start3A_131 = arith.constant 0 : i32
    %dma_start3A_132 = tpu.memref_slice %arg9[%dma_start3A_128, %dma_start3A_130, %dma_start3A_131] : memref<4x64x128xf32, #tpu.memory_space<vmem>> -> memref<1x64x128xf32, #tpu.memory_space<vmem>>
    %dma_start3A_133 = tpu.memref_squeeze %dma_start3A_132 : memref<1x64x128xf32, #tpu.memory_space<vmem>> -> memref<64x128xf32, #tpu.memory_space<vmem>>
    %dma_start3A_134 = arith.constant 0 : i32
    %dma_start3A_135 = tpu.memref_slice %arg7[%dma_start3A_127, %dma_start3A_134] : memref<40x64xi32, #tpu.memory_space<vmem>> -> memref<1x64xi32, #tpu.memory_space<vmem>>
    %dma_start3A_136 = tpu.memref_squeeze %dma_start3A_135 : memref<1x64xi32, #tpu.memory_space<vmem>> -> memref<64xi32, #tpu.memory_space<vmem>>
    %dma_start3A_137 = arith.constant 0 : i32
    %dma_start3A_138 = arith.constant 0 : i32
    %dma_start3A_139 = tpu.memref_slice %arg2[%dma_start3A_137, %dma_start3A_138] : memref<10000x128xf32, #tpu.memory_space<hbm>> -> memref<10000x128xf32, #tpu.memory_space<hbm>>
    %dma_start3A_140 = tpu.memref_slice %arg11[%dma_start3A_129] : memref<4x!tpu.dma_semaphore, #tpu.memory_space<semaphore_mem>> -> memref<1x!tpu.dma_semaphore, #tpu.memory_space<semaphore_mem>>
    %dma_start3A_141 = tpu.memref_squeeze %dma_start3A_140 : memref<1x!tpu.dma_semaphore, #tpu.memory_space<semaphore_mem>> -> memref<!tpu.dma_semaphore, #tpu.memory_space<semaphore_mem>>
    tpu.enqueue_indirect_dma source(%dma_start3A_139 : memref<10000x128xf32, #tpu.memory_space<hbm>>) target(%dma_start3A_133 : memref<64x128xf32, #tpu.memory_space<vmem>>) offsets(%dma_start3A_136 : memref<64xi32, #tpu.memory_space<vmem>>) semaphore(%dma_start3A_141 : memref<!tpu.dma_semaphore, #tpu.memory_space<semaphore_mem>>)
    %dma_start3A_142 = arith.constant 2 : i32
    %dma_start3A_143 = arith.constant 2 : i32
    %dma_start3A_144 = arith.constant 2 : i32
    %dma_start3A_145 = arith.constant 0 : i32
    %dma_start3A_146 = arith.constant 0 : i32
    %dma_start3A_147 = tpu.memref_slice %arg9[%dma_start3A_143, %dma_start3A_145, %dma_start3A_146] : memref<4x64x128xf32, #tpu.memory_space<vmem>> -> memref<1x64x128xf32, #tpu.memory_space<vmem>>
    %dma_start3A_148 = tpu.memref_squeeze %dma_start3A_147 : memref<1x64x128xf32, #tpu.memory_space<vmem>> -> memref<64x128xf32, #tpu.memory_space<vmem>>
    %dma_start3A_149 = arith.constant 0 : i32
    %dma_start3A_150 = tpu.memref_slice %arg7[%dma_start3A_142, %dma_start3A_149] : memref<40x64xi32, #tpu.memory_space<vmem>> -> memref<1x64xi32, #tpu.memory_space<vmem>>
    %dma_start3A_151 = tpu.memref_squeeze %dma_start3A_150 : memref<1x64xi32, #tpu.memory_space<vmem>> -> memref<64xi32, #tpu.memory_space<vmem>>
    %dma_start3A_152 = arith.constant 0 : i32
    %dma_start3A_153 = arith.constant 0 : i32
    %dma_start3A_154 = tpu.memref_slice %arg2[%dma_start3A_152, %dma_start3A_153] : memref<10000x128xf32, #tpu.memory_space<hbm>> -> memref<10000x128xf32, #tpu.memory_space<hbm>>
    %dma_start3A_155 = tpu.memref_slice %arg11[%dma_start3A_144] : memref<4x!tpu.dma_semaphore, #tpu.memory_space<semaphore_mem>> -> memref<1x!tpu.dma_semaphore, #tpu.memory_space<semaphore_mem>>
    %dma_start3A_156 = tpu.memref_squeeze %dma_start3A_155 : memref<1x!tpu.dma_semaphore, #tpu.memory_space<semaphore_mem>> -> memref<!tpu.dma_semaphore, #tpu.memory_space<semaphore_mem>>
    tpu.enqueue_indirect_dma source(%dma_start3A_154 : memref<10000x128xf32, #tpu.memory_space<hbm>>) target(%dma_start3A_148 : memref<64x128xf32, #tpu.memory_space<vmem>>) offsets(%dma_start3A_151 : memref<64xi32, #tpu.memory_space<vmem>>) semaphore(%dma_start3A_156 : memref<!tpu.dma_semaphore, #tpu.memory_space<semaphore_mem>>)
    %scan3A_157 = arith.constant 0 : i32
    %scan3A_158 = arith.constant 0 : i32
    %scan3A_159 = arith.constant 40 : i32
    %scan3A_160 = arith.addi %scan3A_158, %scan3A_159 : i32
    %scan3A_161 = arith.constant 1 : i32
    %scan3A_162 = scf.for %scan3A_453 = %scan3A_158 to %scan3A_160 step %scan3A_161 iter_args(%scan3A_454 = %scan3A_157) -> (i32)  : i32 {
      %rem3A = arith.constant 4 : i32
      %rem3A_455 = arith.remsi %scan3A_453, %rem3A : i32
      %dma_wait3A_456 = arith.constant 0 : i32
      %dma_wait3A_457 = arith.constant 0 : i32
      %dma_wait3A_458 = tpu.memref_slice %arg9[%rem3A_455, %dma_wait3A_456, %dma_wait3A_457] : memref<4x64x128xf32, #tpu.memory_space<vmem>> -> memref<1x64x128xf32, #tpu.memory_space<vmem>>
      %dma_wait3A_459 = tpu.memref_squeeze %dma_wait3A_458 : memref<1x64x128xf32, #tpu.memory_space<vmem>> -> memref<64x128xf32, #tpu.memory_space<vmem>>
      %dma_wait3A_460 = arith.constant 0 : i32
      %dma_wait3A_461 = tpu.memref_slice %arg7[%scan3A_453, %dma_wait3A_460] : memref<40x64xi32, #tpu.memory_space<vmem>> -> memref<1x64xi32, #tpu.memory_space<vmem>>
      %dma_wait3A_462 = tpu.memref_squeeze %dma_wait3A_461 : memref<1x64xi32, #tpu.memory_space<vmem>> -> memref<64xi32, #tpu.memory_space<vmem>>
      %dma_wait3A_463 = arith.constant 0 : i32
      %dma_wait3A_464 = arith.constant 0 : i32
      %dma_wait3A_465 = tpu.memref_slice %arg2[%dma_wait3A_463, %dma_wait3A_464] : memref<10000x128xf32, #tpu.memory_space<hbm>> -> memref<10000x128xf32, #tpu.memory_space<hbm>>
      %dma_wait3A_466 = tpu.memref_slice %arg11[%rem3A_455] : memref<4x!tpu.dma_semaphore, #tpu.memory_space<semaphore_mem>> -> memref<1x!tpu.dma_semaphore, #tpu.memory_space<semaphore_mem>>
      %dma_wait3A_467 = tpu.memref_squeeze %dma_wait3A_466 : memref<1x!tpu.dma_semaphore, #tpu.memory_space<semaphore_mem>> -> memref<!tpu.dma_semaphore, #tpu.memory_space<semaphore_mem>>
      tpu.wait_indirect_dma semaphore(%dma_wait3A_467 : memref<!tpu.dma_semaphore, #tpu.memory_space<semaphore_mem>>) src(%dma_wait3A_465 : memref<10000x128xf32, #tpu.memory_space<hbm>>) dst(%dma_wait3A_459 : memref<64x128xf32, #tpu.memory_space<vmem>>)
      %dma_start3A_468 = arith.constant 0 : i32
      %dma_start3A_469 = arith.constant 0 : i32
      %dma_start3A_470 = tpu.memref_slice %arg9[%rem3A_455, %dma_start3A_468, %dma_start3A_469] : memref<4x64x128xf32, #tpu.memory_space<vmem>> -> memref<1x64x128xf32, #tpu.memory_space<vmem>>
      %dma_start3A_471 = tpu.memref_squeeze %dma_start3A_470 : memref<1x64x128xf32, #tpu.memory_space<vmem>> -> memref<64x128xf32, #tpu.memory_space<vmem>>
      %dma_start3A_472 = arith.constant 0 : i32
      %dma_start3A_473 = tpu.memref_slice %arg8[%scan3A_453, %dma_start3A_472] : memref<40x64xi32, #tpu.memory_space<vmem>> -> memref<1x64xi32, #tpu.memory_space<vmem>>
      %dma_start3A_474 = tpu.memref_squeeze %dma_start3A_473 : memref<1x64xi32, #tpu.memory_space<vmem>> -> memref<64xi32, #tpu.memory_space<vmem>>
      %dma_start3A_475 = arith.constant 0 : i32
      %dma_start3A_476 = arith.constant 0 : i32
      %dma_start3A_477 = tpu.memref_slice %arg10[%dma_start3A_475, %dma_start3A_476] : memref<10240x128xf32, #tpu.memory_space<vmem_shared>> -> memref<10240x128xf32, #tpu.memory_space<vmem_shared>>
      %dma_start3A_478 = tpu.memref_slice %arg12[%rem3A_455] : memref<4x!tpu.dma_semaphore, #tpu.memory_space<semaphore_mem>> -> memref<1x!tpu.dma_semaphore, #tpu.memory_space<semaphore_mem>>
      %dma_start3A_479 = tpu.memref_squeeze %dma_start3A_478 : memref<1x!tpu.dma_semaphore, #tpu.memory_space<semaphore_mem>> -> memref<!tpu.dma_semaphore, #tpu.memory_space<semaphore_mem>>
      tpu.enqueue_indirect_dma source(%dma_start3A_471 : memref<64x128xf32, #tpu.memory_space<vmem>>) target(%dma_start3A_477 : memref<10240x128xf32, #tpu.memory_space<vmem_shared>>) offsets(%dma_start3A_474 : memref<64xi32, #tpu.memory_space<vmem>>) semaphore(%dma_start3A_479 : memref<!tpu.dma_semaphore, #tpu.memory_space<semaphore_mem>>) {add = true}
      %add3A_480 = arith.constant 4 : i32
      %add3A_481 = arith.addi %scan3A_453, %add3A_480 : i32
      %sub3A = arith.constant 1 : i32
      %sub3A_482 = arith.subi %add3A_481, %sub3A : i32
      %lt3A = arith.constant 40 : i32
      %lt3A_483 = arith.cmpi slt, %sub3A_482, %lt3A : i32
      %convert_element_type3A = arith.extui %lt3A_483 : i1 to i32
      %cond3A = arith.constant 0 : i32
      %cond3A_484 = arith.cmpi ne, %convert_element_type3A, %cond3A : i32
      scf.if %cond3A_484 {
        %add3A_486 = arith.constant 4 : i32
        %add3A_487 = arith.addi %scan3A_453, %add3A_486 : i32
        %sub3A_488 = arith.constant 1 : i32
        %sub3A_489 = arith.subi %add3A_487, %sub3A_488 : i32
        %rem3A_490 = arith.constant 4 : i32
        %rem3A_491 = arith.remsi %sub3A_489, %rem3A_490 : i32
        %ge3A = arith.constant 1 : i32
        %ge3A_492 = arith.cmpi sge, %scan3A_453, %ge3A : i32
        %convert_element_type3A_493 = arith.extui %ge3A_492 : i1 to i32
        %cond3A_494 = arith.constant 0 : i32
        %cond3A_495 = arith.cmpi ne, %convert_element_type3A_493, %cond3A_494 : i32
        scf.if %cond3A_495 {
          %sub3A_512 = arith.constant 1 : i32
          %sub3A_513 = arith.subi %scan3A_453, %sub3A_512 : i32
          %dma_wait3A_514 = arith.constant 0 : i32
          %dma_wait3A_515 = arith.constant 0 : i32
          %dma_wait3A_516 = tpu.memref_slice %arg9[%rem3A_491, %dma_wait3A_514, %dma_wait3A_515] : memref<4x64x128xf32, #tpu.memory_space<vmem>> -> memref<1x64x128xf32, #tpu.memory_space<vmem>>
          %dma_wait3A_517 = tpu.memref_squeeze %dma_wait3A_516 : memref<1x64x128xf32, #tpu.memory_space<vmem>> -> memref<64x128xf32, #tpu.memory_space<vmem>>
          %dma_wait3A_518 = arith.constant 0 : i32
          %dma_wait3A_519 = tpu.memref_slice %arg8[%sub3A_513, %dma_wait3A_518] : memref<40x64xi32, #tpu.memory_space<vmem>> -> memref<1x64xi32, #tpu.memory_space<vmem>>
          %dma_wait3A_520 = tpu.memref_squeeze %dma_wait3A_519 : memref<1x64xi32, #tpu.memory_space<vmem>> -> memref<64xi32, #tpu.memory_space<vmem>>
          %dma_wait3A_521 = arith.constant 0 : i32
          %dma_wait3A_522 = arith.constant 0 : i32
          %dma_wait3A_523 = tpu.memref_slice %arg10[%dma_wait3A_521, %dma_wait3A_522] : memref<10240x128xf32, #tpu.memory_space<vmem_shared>> -> memref<10240x128xf32, #tpu.memory_space<vmem_shared>>
          %dma_wait3A_524 = tpu.memref_slice %arg12[%rem3A_491] : memref<4x!tpu.dma_semaphore, #tpu.memory_space<semaphore_mem>> -> memref<1x!tpu.dma_semaphore, #tpu.memory_space<semaphore_mem>>
          %dma_wait3A_525 = tpu.memref_squeeze %dma_wait3A_524 : memref<1x!tpu.dma_semaphore, #tpu.memory_space<semaphore_mem>> -> memref<!tpu.dma_semaphore, #tpu.memory_space<semaphore_mem>>
          tpu.wait_indirect_dma semaphore(%dma_wait3A_525 : memref<!tpu.dma_semaphore, #tpu.memory_space<semaphore_mem>>) src(%dma_wait3A_517 : memref<64x128xf32, #tpu.memory_space<vmem>>) dst(%dma_wait3A_523 : memref<10240x128xf32, #tpu.memory_space<vmem_shared>>)
        } else {
        }
        %add3A_496 = arith.constant 4 : i32
        %add3A_497 = arith.addi %scan3A_453, %add3A_496 : i32
        %sub3A_498 = arith.constant 1 : i32
        %sub3A_499 = arith.subi %add3A_497, %sub3A_498 : i32
        %dma_start3A_500 = arith.constant 0 : i32
        %dma_start3A_501 = arith.constant 0 : i32
        %dma_start3A_502 = tpu.memref_slice %arg9[%rem3A_491, %dma_start3A_500, %dma_start3A_501] : memref<4x64x128xf32, #tpu.memory_space<vmem>> -> memref<1x64x128xf32, #tpu.memory_space<vmem>>
        %dma_start3A_503 = tpu.memref_squeeze %dma_start3A_502 : memref<1x64x128xf32, #tpu.memory_space<vmem>> -> memref<64x128xf32, #tpu.memory_space<vmem>>
        %dma_start3A_504 = arith.constant 0 : i32
        %dma_start3A_505 = tpu.memref_slice %arg7[%sub3A_499, %dma_start3A_504] : memref<40x64xi32, #tpu.memory_space<vmem>> -> memref<1x64xi32, #tpu.memory_space<vmem>>
        %dma_start3A_506 = tpu.memref_squeeze %dma_start3A_505 : memref<1x64xi32, #tpu.memory_space<vmem>> -> memref<64xi32, #tpu.memory_space<vmem>>
        %dma_start3A_507 = arith.constant 0 : i32
        %dma_start3A_508 = arith.constant 0 : i32
        %dma_start3A_509 = tpu.memref_slice %arg2[%dma_start3A_507, %dma_start3A_508] : memref<10000x128xf32, #tpu.memory_space<hbm>> -> memref<10000x128xf32, #tpu.memory_space<hbm>>
        %dma_start3A_510 = tpu.memref_slice %arg11[%rem3A_491] : memref<4x!tpu.dma_semaphore, #tpu.memory_space<semaphore_mem>> -> memref<1x!tpu.dma_semaphore, #tpu.memory_space<semaphore_mem>>
        %dma_start3A_511 = tpu.memref_squeeze %dma_start3A_510 : memref<1x!tpu.dma_semaphore, #tpu.memory_space<semaphore_mem>> -> memref<!tpu.dma_semaphore, #tpu.memory_space<semaphore_mem>>
        tpu.enqueue_indirect_dma source(%dma_start3A_509 : memref<10000x128xf32, #tpu.memory_space<hbm>>) target(%dma_start3A_503 : memref<64x128xf32, #tpu.memory_space<vmem>>) offsets(%dma_start3A_506 : memref<64xi32, #tpu.memory_space<vmem>>) semaphore(%dma_start3A_511 : memref<!tpu.dma_semaphore, #tpu.memory_space<semaphore_mem>>)
      } else {
      }
      %scan3A_485 = arith.constant 0 : i32
      scf.yield %scan3A_485 : i32
    }
    %scan3A_163 = arith.constant 40 : i32
    %dma_wait3A_164 = arith.constant 0 : i32
    %dma_wait3A_165 = arith.constant 0 : i32
    %dma_wait3A_166 = arith.constant 0 : i32
    %dma_wait3A_167 = arith.constant 0 : i32
    %dma_wait3A_168 = arith.constant 0 : i32
    %dma_wait3A_169 = tpu.memref_slice %arg9[%dma_wait3A_164, %dma_wait3A_167, %dma_wait3A_168] : memref<4x64x128xf32, #tpu.memory_space<vmem>> -> memref<1x64x128xf32, #tpu.memory_space<vmem>>
    %dma_wait3A_170 = tpu.memref_squeeze %dma_wait3A_169 : memref<1x64x128xf32, #tpu.memory_space<vmem>> -> memref<64x128xf32, #tpu.memory_space<vmem>>
    %dma_wait3A_171 = arith.constant 0 : i32
    %dma_wait3A_172 = tpu.memref_slice %arg8[%dma_wait3A_165, %dma_wait3A_171] : memref<40x64xi32, #tpu.memory_space<vmem>> -> memref<1x64xi32, #tpu.memory_space<vmem>>
    %dma_wait3A_173 = tpu.memref_squeeze %dma_wait3A_172 : memref<1x64xi32, #tpu.memory_space<vmem>> -> memref<64xi32, #tpu.memory_space<vmem>>
    %dma_wait3A_174 = arith.constant 0 : i32
    %dma_wait3A_175 = arith.constant 0 : i32
    %dma_wait3A_176 = tpu.memref_slice %arg10[%dma_wait3A_174, %dma_wait3A_175] : memref<10240x128xf32, #tpu.memory_space<vmem_shared>> -> memref<10240x128xf32, #tpu.memory_space<vmem_shared>>
    %dma_wait3A_177 = tpu.memref_slice %arg12[%dma_wait3A_166] : memref<4x!tpu.dma_semaphore, #tpu.memory_space<semaphore_mem>> -> memref<1x!tpu.dma_semaphore, #tpu.memory_space<semaphore_mem>>
    %dma_wait3A_178 = tpu.memref_squeeze %dma_wait3A_177 : memref<1x!tpu.dma_semaphore, #tpu.memory_space<semaphore_mem>> -> memref<!tpu.dma_semaphore, #tpu.memory_space<semaphore_mem>>
    tpu.wait_indirect_dma semaphore(%dma_wait3A_178 : memref<!tpu.dma_semaphore, #tpu.memory_space<semaphore_mem>>) src(%dma_wait3A_170 : memref<64x128xf32, #tpu.memory_space<vmem>>) dst(%dma_wait3A_176 : memref<10240x128xf32, #tpu.memory_space<vmem_shared>>)
    %dma_wait3A_179 = arith.constant 1 : i32
    %dma_wait3A_180 = arith.constant 0 : i32
    %dma_wait3A_181 = arith.constant 1 : i32
    %dma_wait3A_182 = arith.constant 0 : i32
    %dma_wait3A_183 = arith.constant 0 : i32
    %dma_wait3A_184 = tpu.memref_slice %arg9[%dma_wait3A_179, %dma_wait3A_182, %dma_wait3A_183] : memref<4x64x128xf32, #tpu.memory_space<vmem>> -> memref<1x64x128xf32, #tpu.memory_space<vmem>>
    %dma_wait3A_185 = tpu.memref_squeeze %dma_wait3A_184 : memref<1x64x128xf32, #tpu.memory_space<vmem>> -> memref<64x128xf32, #tpu.memory_space<vmem>>
    %dma_wait3A_186 = arith.constant 0 : i32
    %dma_wait3A_187 = tpu.memref_slice %arg8[%dma_wait3A_180, %dma_wait3A_186] : memref<40x64xi32, #tpu.memory_space<vmem>> -> memref<1x64xi32, #tpu.memory_space<vmem>>
    %dma_wait3A_188 = tpu.memref_squeeze %dma_wait3A_187 : memref<1x64xi32, #tpu.memory_space<vmem>> -> memref<64xi32, #tpu.memory_space<vmem>>
    %dma_wait3A_189 = arith.constant 0 : i32
    %dma_wait3A_190 = arith.constant 0 : i32
    %dma_wait3A_191 = tpu.memref_slice %arg10[%dma_wait3A_189, %dma_wait3A_190] : memref<10240x128xf32, #tpu.memory_space<vmem_shared>> -> memref<10240x128xf32, #tpu.memory_space<vmem_shared>>
    %dma_wait3A_192 = tpu.memref_slice %arg12[%dma_wait3A_181] : memref<4x!tpu.dma_semaphore, #tpu.memory_space<semaphore_mem>> -> memref<1x!tpu.dma_semaphore, #tpu.memory_space<semaphore_mem>>
    %dma_wait3A_193 = tpu.memref_squeeze %dma_wait3A_192 : memref<1x!tpu.dma_semaphore, #tpu.memory_space<semaphore_mem>> -> memref<!tpu.dma_semaphore, #tpu.memory_space<semaphore_mem>>
    tpu.wait_indirect_dma semaphore(%dma_wait3A_193 : memref<!tpu.dma_semaphore, #tpu.memory_space<semaphore_mem>>) src(%dma_wait3A_185 : memref<64x128xf32, #tpu.memory_space<vmem>>) dst(%dma_wait3A_191 : memref<10240x128xf32, #tpu.memory_space<vmem_shared>>)
    %dma_wait3A_194 = arith.constant 2 : i32
    %dma_wait3A_195 = arith.constant 0 : i32
    %dma_wait3A_196 = arith.constant 2 : i32
    %dma_wait3A_197 = arith.constant 0 : i32
    %dma_wait3A_198 = arith.constant 0 : i32
    %dma_wait3A_199 = tpu.memref_slice %arg9[%dma_wait3A_194, %dma_wait3A_197, %dma_wait3A_198] : memref<4x64x128xf32, #tpu.memory_space<vmem>> -> memref<1x64x128xf32, #tpu.memory_space<vmem>>
    %dma_wait3A_200 = tpu.memref_squeeze %dma_wait3A_199 : memref<1x64x128xf32, #tpu.memory_space<vmem>> -> memref<64x128xf32, #tpu.memory_space<vmem>>
    %dma_wait3A_201 = arith.constant 0 : i32
    %dma_wait3A_202 = tpu.memref_slice %arg8[%dma_wait3A_195, %dma_wait3A_201] : memref<40x64xi32, #tpu.memory_space<vmem>> -> memref<1x64xi32, #tpu.memory_space<vmem>>
    %dma_wait3A_203 = tpu.memref_squeeze %dma_wait3A_202 : memref<1x64xi32, #tpu.memory_space<vmem>> -> memref<64xi32, #tpu.memory_space<vmem>>
    %dma_wait3A_204 = arith.constant 0 : i32
    %dma_wait3A_205 = arith.constant 0 : i32
    %dma_wait3A_206 = tpu.memref_slice %arg10[%dma_wait3A_204, %dma_wait3A_205] : memref<10240x128xf32, #tpu.memory_space<vmem_shared>> -> memref<10240x128xf32, #tpu.memory_space<vmem_shared>>
    %dma_wait3A_207 = tpu.memref_slice %arg12[%dma_wait3A_196] : memref<4x!tpu.dma_semaphore, #tpu.memory_space<semaphore_mem>> -> memref<1x!tpu.dma_semaphore, #tpu.memory_space<semaphore_mem>>
    %dma_wait3A_208 = tpu.memref_squeeze %dma_wait3A_207 : memref<1x!tpu.dma_semaphore, #tpu.memory_space<semaphore_mem>> -> memref<!tpu.dma_semaphore, #tpu.memory_space<semaphore_mem>>
    tpu.wait_indirect_dma semaphore(%dma_wait3A_208 : memref<!tpu.dma_semaphore, #tpu.memory_space<semaphore_mem>>) src(%dma_wait3A_200 : memref<64x128xf32, #tpu.memory_space<vmem>>) dst(%dma_wait3A_206 : memref<10240x128xf32, #tpu.memory_space<vmem_shared>>)
    %dma_wait3A_209 = arith.constant 3 : i32
    %dma_wait3A_210 = arith.constant 0 : i32
    %dma_wait3A_211 = arith.constant 3 : i32
    %dma_wait3A_212 = arith.constant 0 : i32
    %dma_wait3A_213 = arith.constant 0 : i32
    %dma_wait3A_214 = tpu.memref_slice %arg9[%dma_wait3A_209, %dma_wait3A_212, %dma_wait3A_213] : memref<4x64x128xf32, #tpu.memory_space<vmem>> -> memref<1x64x128xf32, #tpu.memory_space<vmem>>
    %dma_wait3A_215 = tpu.memref_squeeze %dma_wait3A_214 : memref<1x64x128xf32, #tpu.memory_space<vmem>> -> memref<64x128xf32, #tpu.memory_space<vmem>>
    %dma_wait3A_216 = arith.constant 0 : i32
    %dma_wait3A_217 = tpu.memref_slice %arg8[%dma_wait3A_210, %dma_wait3A_216] : memref<40x64xi32, #tpu.memory_space<vmem>> -> memref<1x64xi32, #tpu.memory_space<vmem>>
    %dma_wait3A_218 = tpu.memref_squeeze %dma_wait3A_217 : memref<1x64xi32, #tpu.memory_space<vmem>> -> memref<64xi32, #tpu.memory_space<vmem>>
    %dma_wait3A_219 = arith.constant 0 : i32
    %dma_wait3A_220 = arith.constant 0 : i32
    %dma_wait3A_221 = tpu.memref_slice %arg10[%dma_wait3A_219, %dma_wait3A_220] : memref<10240x128xf32, #tpu.memory_space<vmem_shared>> -> memref<10240x128xf32, #tpu.memory_space<vmem_shared>>
    %dma_wait3A_222 = tpu.memref_slice %arg12[%dma_wait3A_211] : memref<4x!tpu.dma_semaphore, #tpu.memory_space<semaphore_mem>> -> memref<1x!tpu.dma_semaphore, #tpu.memory_space<semaphore_mem>>
    %dma_wait3A_223 = tpu.memref_squeeze %dma_wait3A_222 : memref<1x!tpu.dma_semaphore, #tpu.memory_space<semaphore_mem>> -> memref<!tpu.dma_semaphore, #tpu.memory_space<semaphore_mem>>
    tpu.wait_indirect_dma semaphore(%dma_wait3A_223 : memref<!tpu.dma_semaphore, #tpu.memory_space<semaphore_mem>>) src(%dma_wait3A_215 : memref<64x128xf32, #tpu.memory_space<vmem>>) dst(%dma_wait3A_221 : memref<10240x128xf32, #tpu.memory_space<vmem_shared>>)
    "tpu.region"() ({
      %run_scoped3A = tpu.sem_alloc : memref<!tpu.dma_semaphore, #tpu.memory_space<semaphore_mem>>
      %dma_start3A_453 = arith.constant 80 : i32
      %dma_start3A_454 = arith.constant 0 : i32
      %dma_start3A_455 = tpu.memref_slice %arg3[%add3A, %dma_start3A_453, %dma_start3A_454] : memref<32x160x64xi32, #tpu.memory_space<hbm>> -> memref<1x40x64xi32, #tpu.memory_space<hbm>>
      %dma_start3A_456 = tpu.memref_squeeze %dma_start3A_455 : memref<1x40x64xi32, #tpu.memory_space<hbm>> -> memref<40x64xi32, #tpu.memory_space<hbm>>
      %dma_start3A_457 = arith.constant 80 : i32
      %dma_start3A_458 = arith.constant 0 : i32
      %dma_start3A_459 = tpu.memref_slice %arg3[%add3A, %dma_start3A_457, %dma_start3A_458] : memref<32x160x64xi32, #tpu.memory_space<hbm>> -> memref<1x40x64xi32, #tpu.memory_space<hbm>>
      %dma_start3A_460 = tpu.memref_squeeze %dma_start3A_459 : memref<1x40x64xi32, #tpu.memory_space<hbm>> -> memref<40x64xi32, #tpu.memory_space<hbm>>
      tpu.enqueue_dma source(%dma_start3A_460 : memref<40x64xi32, #tpu.memory_space<hbm>>) target(%arg7 : memref<40x64xi32, #tpu.memory_space<vmem>>) target_semaphore(%run_scoped3A : memref<!tpu.dma_semaphore, #tpu.memory_space<semaphore_mem>>)
      %dma_wait3A_461 = arith.constant 80 : i32
      %dma_wait3A_462 = arith.constant 0 : i32
      %dma_wait3A_463 = tpu.memref_slice %arg3[%add3A, %dma_wait3A_461, %dma_wait3A_462] : memref<32x160x64xi32, #tpu.memory_space<hbm>> -> memref<1x40x64xi32, #tpu.memory_space<hbm>>
      %dma_wait3A_464 = tpu.memref_squeeze %dma_wait3A_463 : memref<1x40x64xi32, #tpu.memory_space<hbm>> -> memref<40x64xi32, #tpu.memory_space<hbm>>
      %dma_wait3A_465 = arith.constant 80 : i32
      %dma_wait3A_466 = arith.constant 0 : i32
      %dma_wait3A_467 = tpu.memref_slice %arg3[%add3A, %dma_wait3A_465, %dma_wait3A_466] : memref<32x160x64xi32, #tpu.memory_space<hbm>> -> memref<1x40x64xi32, #tpu.memory_space<hbm>>
      %dma_wait3A_468 = tpu.memref_squeeze %dma_wait3A_467 : memref<1x40x64xi32, #tpu.memory_space<hbm>> -> memref<40x64xi32, #tpu.memory_space<hbm>>
      tpu.wait_dma2 semaphore(%run_scoped3A : memref<!tpu.dma_semaphore, #tpu.memory_space<semaphore_mem>>) src(%dma_wait3A_468 : memref<40x64xi32, #tpu.memory_space<hbm>>) dst(%arg7 : memref<40x64xi32, #tpu.memory_space<vmem>>)
      tpu.yield
    }) : () -> ()
    "tpu.region"() ({
      %run_scoped3A = tpu.sem_alloc : memref<!tpu.dma_semaphore, #tpu.memory_space<semaphore_mem>>
      %dma_start3A_453 = arith.constant 80 : i32
      %dma_start3A_454 = arith.constant 0 : i32
      %dma_start3A_455 = tpu.memref_slice %arg4[%add3A, %dma_start3A_453, %dma_start3A_454] : memref<32x160x64xi32, #tpu.memory_space<hbm>> -> memref<1x40x64xi32, #tpu.memory_space<hbm>>
      %dma_start3A_456 = tpu.memref_squeeze %dma_start3A_455 : memref<1x40x64xi32, #tpu.memory_space<hbm>> -> memref<40x64xi32, #tpu.memory_space<hbm>>
      %dma_start3A_457 = arith.constant 80 : i32
      %dma_start3A_458 = arith.constant 0 : i32
      %dma_start3A_459 = tpu.memref_slice %arg4[%add3A, %dma_start3A_457, %dma_start3A_458] : memref<32x160x64xi32, #tpu.memory_space<hbm>> -> memref<1x40x64xi32, #tpu.memory_space<hbm>>
      %dma_start3A_460 = tpu.memref_squeeze %dma_start3A_459 : memref<1x40x64xi32, #tpu.memory_space<hbm>> -> memref<40x64xi32, #tpu.memory_space<hbm>>
      tpu.enqueue_dma source(%dma_start3A_460 : memref<40x64xi32, #tpu.memory_space<hbm>>) target(%arg8 : memref<40x64xi32, #tpu.memory_space<vmem>>) target_semaphore(%run_scoped3A : memref<!tpu.dma_semaphore, #tpu.memory_space<semaphore_mem>>)
      %dma_wait3A_461 = arith.constant 80 : i32
      %dma_wait3A_462 = arith.constant 0 : i32
      %dma_wait3A_463 = tpu.memref_slice %arg4[%add3A, %dma_wait3A_461, %dma_wait3A_462] : memref<32x160x64xi32, #tpu.memory_space<hbm>> -> memref<1x40x64xi32, #tpu.memory_space<hbm>>
      %dma_wait3A_464 = tpu.memref_squeeze %dma_wait3A_463 : memref<1x40x64xi32, #tpu.memory_space<hbm>> -> memref<40x64xi32, #tpu.memory_space<hbm>>
      %dma_wait3A_465 = arith.constant 80 : i32
      %dma_wait3A_466 = arith.constant 0 : i32
      %dma_wait3A_467 = tpu.memref_slice %arg4[%add3A, %dma_wait3A_465, %dma_wait3A_466] : memref<32x160x64xi32, #tpu.memory_space<hbm>> -> memref<1x40x64xi32, #tpu.memory_space<hbm>>
      %dma_wait3A_468 = tpu.memref_squeeze %dma_wait3A_467 : memref<1x40x64xi32, #tpu.memory_space<hbm>> -> memref<40x64xi32, #tpu.memory_space<hbm>>
      tpu.wait_dma2 semaphore(%run_scoped3A : memref<!tpu.dma_semaphore, #tpu.memory_space<semaphore_mem>>) src(%dma_wait3A_468 : memref<40x64xi32, #tpu.memory_space<hbm>>) dst(%arg8 : memref<40x64xi32, #tpu.memory_space<vmem>>)
      tpu.yield
    }) : () -> ()
    %dma_start3A_224 = arith.constant 0 : i32
    %dma_start3A_225 = arith.constant 0 : i32
    %dma_start3A_226 = arith.constant 0 : i32
    %dma_start3A_227 = arith.constant 0 : i32
    %dma_start3A_228 = arith.constant 0 : i32
    %dma_start3A_229 = tpu.memref_slice %arg9[%dma_start3A_225, %dma_start3A_227, %dma_start3A_228] : memref<4x64x128xf32, #tpu.memory_space<vmem>> -> memref<1x64x128xf32, #tpu.memory_space<vmem>>
    %dma_start3A_230 = tpu.memref_squeeze %dma_start3A_229 : memref<1x64x128xf32, #tpu.memory_space<vmem>> -> memref<64x128xf32, #tpu.memory_space<vmem>>
    %dma_start3A_231 = arith.constant 0 : i32
    %dma_start3A_232 = tpu.memref_slice %arg7[%dma_start3A_224, %dma_start3A_231] : memref<40x64xi32, #tpu.memory_space<vmem>> -> memref<1x64xi32, #tpu.memory_space<vmem>>
    %dma_start3A_233 = tpu.memref_squeeze %dma_start3A_232 : memref<1x64xi32, #tpu.memory_space<vmem>> -> memref<64xi32, #tpu.memory_space<vmem>>
    %dma_start3A_234 = arith.constant 0 : i32
    %dma_start3A_235 = arith.constant 0 : i32
    %dma_start3A_236 = tpu.memref_slice %arg2[%dma_start3A_234, %dma_start3A_235] : memref<10000x128xf32, #tpu.memory_space<hbm>> -> memref<10000x128xf32, #tpu.memory_space<hbm>>
    %dma_start3A_237 = tpu.memref_slice %arg11[%dma_start3A_226] : memref<4x!tpu.dma_semaphore, #tpu.memory_space<semaphore_mem>> -> memref<1x!tpu.dma_semaphore, #tpu.memory_space<semaphore_mem>>
    %dma_start3A_238 = tpu.memref_squeeze %dma_start3A_237 : memref<1x!tpu.dma_semaphore, #tpu.memory_space<semaphore_mem>> -> memref<!tpu.dma_semaphore, #tpu.memory_space<semaphore_mem>>
    tpu.enqueue_indirect_dma source(%dma_start3A_236 : memref<10000x128xf32, #tpu.memory_space<hbm>>) target(%dma_start3A_230 : memref<64x128xf32, #tpu.memory_space<vmem>>) offsets(%dma_start3A_233 : memref<64xi32, #tpu.memory_space<vmem>>) semaphore(%dma_start3A_238 : memref<!tpu.dma_semaphore, #tpu.memory_space<semaphore_mem>>)
    %dma_start3A_239 = arith.constant 1 : i32
    %dma_start3A_240 = arith.constant 1 : i32
    %dma_start3A_241 = arith.constant 1 : i32
    %dma_start3A_242 = arith.constant 0 : i32
    %dma_start3A_243 = arith.constant 0 : i32
    %dma_start3A_244 = tpu.memref_slice %arg9[%dma_start3A_240, %dma_start3A_242, %dma_start3A_243] : memref<4x64x128xf32, #tpu.memory_space<vmem>> -> memref<1x64x128xf32, #tpu.memory_space<vmem>>
    %dma_start3A_245 = tpu.memref_squeeze %dma_start3A_244 : memref<1x64x128xf32, #tpu.memory_space<vmem>> -> memref<64x128xf32, #tpu.memory_space<vmem>>
    %dma_start3A_246 = arith.constant 0 : i32
    %dma_start3A_247 = tpu.memref_slice %arg7[%dma_start3A_239, %dma_start3A_246] : memref<40x64xi32, #tpu.memory_space<vmem>> -> memref<1x64xi32, #tpu.memory_space<vmem>>
    %dma_start3A_248 = tpu.memref_squeeze %dma_start3A_247 : memref<1x64xi32, #tpu.memory_space<vmem>> -> memref<64xi32, #tpu.memory_space<vmem>>
    %dma_start3A_249 = arith.constant 0 : i32
    %dma_start3A_250 = arith.constant 0 : i32
    %dma_start3A_251 = tpu.memref_slice %arg2[%dma_start3A_249, %dma_start3A_250] : memref<10000x128xf32, #tpu.memory_space<hbm>> -> memref<10000x128xf32, #tpu.memory_space<hbm>>
    %dma_start3A_252 = tpu.memref_slice %arg11[%dma_start3A_241] : memref<4x!tpu.dma_semaphore, #tpu.memory_space<semaphore_mem>> -> memref<1x!tpu.dma_semaphore, #tpu.memory_space<semaphore_mem>>
    %dma_start3A_253 = tpu.memref_squeeze %dma_start3A_252 : memref<1x!tpu.dma_semaphore, #tpu.memory_space<semaphore_mem>> -> memref<!tpu.dma_semaphore, #tpu.memory_space<semaphore_mem>>
    tpu.enqueue_indirect_dma source(%dma_start3A_251 : memref<10000x128xf32, #tpu.memory_space<hbm>>) target(%dma_start3A_245 : memref<64x128xf32, #tpu.memory_space<vmem>>) offsets(%dma_start3A_248 : memref<64xi32, #tpu.memory_space<vmem>>) semaphore(%dma_start3A_253 : memref<!tpu.dma_semaphore, #tpu.memory_space<semaphore_mem>>)
    %dma_start3A_254 = arith.constant 2 : i32
    %dma_start3A_255 = arith.constant 2 : i32
    %dma_start3A_256 = arith.constant 2 : i32
    %dma_start3A_257 = arith.constant 0 : i32
    %dma_start3A_258 = arith.constant 0 : i32
    %dma_start3A_259 = tpu.memref_slice %arg9[%dma_start3A_255, %dma_start3A_257, %dma_start3A_258] : memref<4x64x128xf32, #tpu.memory_space<vmem>> -> memref<1x64x128xf32, #tpu.memory_space<vmem>>
    %dma_start3A_260 = tpu.memref_squeeze %dma_start3A_259 : memref<1x64x128xf32, #tpu.memory_space<vmem>> -> memref<64x128xf32, #tpu.memory_space<vmem>>
    %dma_start3A_261 = arith.constant 0 : i32
    %dma_start3A_262 = tpu.memref_slice %arg7[%dma_start3A_254, %dma_start3A_261] : memref<40x64xi32, #tpu.memory_space<vmem>> -> memref<1x64xi32, #tpu.memory_space<vmem>>
    %dma_start3A_263 = tpu.memref_squeeze %dma_start3A_262 : memref<1x64xi32, #tpu.memory_space<vmem>> -> memref<64xi32, #tpu.memory_space<vmem>>
    %dma_start3A_264 = arith.constant 0 : i32
    %dma_start3A_265 = arith.constant 0 : i32
    %dma_start3A_266 = tpu.memref_slice %arg2[%dma_start3A_264, %dma_start3A_265] : memref<10000x128xf32, #tpu.memory_space<hbm>> -> memref<10000x128xf32, #tpu.memory_space<hbm>>
    %dma_start3A_267 = tpu.memref_slice %arg11[%dma_start3A_256] : memref<4x!tpu.dma_semaphore, #tpu.memory_space<semaphore_mem>> -> memref<1x!tpu.dma_semaphore, #tpu.memory_space<semaphore_mem>>
    %dma_start3A_268 = tpu.memref_squeeze %dma_start3A_267 : memref<1x!tpu.dma_semaphore, #tpu.memory_space<semaphore_mem>> -> memref<!tpu.dma_semaphore, #tpu.memory_space<semaphore_mem>>
    tpu.enqueue_indirect_dma source(%dma_start3A_266 : memref<10000x128xf32, #tpu.memory_space<hbm>>) target(%dma_start3A_260 : memref<64x128xf32, #tpu.memory_space<vmem>>) offsets(%dma_start3A_263 : memref<64xi32, #tpu.memory_space<vmem>>) semaphore(%dma_start3A_268 : memref<!tpu.dma_semaphore, #tpu.memory_space<semaphore_mem>>)
    %scan3A_269 = arith.constant 0 : i32
    %scan3A_270 = arith.constant 0 : i32
    %scan3A_271 = arith.constant 40 : i32
    %scan3A_272 = arith.addi %scan3A_270, %scan3A_271 : i32
    %scan3A_273 = arith.constant 1 : i32
    %scan3A_274 = scf.for %scan3A_453 = %scan3A_270 to %scan3A_272 step %scan3A_273 iter_args(%scan3A_454 = %scan3A_269) -> (i32)  : i32 {
      %rem3A = arith.constant 4 : i32
      %rem3A_455 = arith.remsi %scan3A_453, %rem3A : i32
      %dma_wait3A_456 = arith.constant 0 : i32
      %dma_wait3A_457 = arith.constant 0 : i32
      %dma_wait3A_458 = tpu.memref_slice %arg9[%rem3A_455, %dma_wait3A_456, %dma_wait3A_457] : memref<4x64x128xf32, #tpu.memory_space<vmem>> -> memref<1x64x128xf32, #tpu.memory_space<vmem>>
      %dma_wait3A_459 = tpu.memref_squeeze %dma_wait3A_458 : memref<1x64x128xf32, #tpu.memory_space<vmem>> -> memref<64x128xf32, #tpu.memory_space<vmem>>
      %dma_wait3A_460 = arith.constant 0 : i32
      %dma_wait3A_461 = tpu.memref_slice %arg7[%scan3A_453, %dma_wait3A_460] : memref<40x64xi32, #tpu.memory_space<vmem>> -> memref<1x64xi32, #tpu.memory_space<vmem>>
      %dma_wait3A_462 = tpu.memref_squeeze %dma_wait3A_461 : memref<1x64xi32, #tpu.memory_space<vmem>> -> memref<64xi32, #tpu.memory_space<vmem>>
      %dma_wait3A_463 = arith.constant 0 : i32
      %dma_wait3A_464 = arith.constant 0 : i32
      %dma_wait3A_465 = tpu.memref_slice %arg2[%dma_wait3A_463, %dma_wait3A_464] : memref<10000x128xf32, #tpu.memory_space<hbm>> -> memref<10000x128xf32, #tpu.memory_space<hbm>>
      %dma_wait3A_466 = tpu.memref_slice %arg11[%rem3A_455] : memref<4x!tpu.dma_semaphore, #tpu.memory_space<semaphore_mem>> -> memref<1x!tpu.dma_semaphore, #tpu.memory_space<semaphore_mem>>
      %dma_wait3A_467 = tpu.memref_squeeze %dma_wait3A_466 : memref<1x!tpu.dma_semaphore, #tpu.memory_space<semaphore_mem>> -> memref<!tpu.dma_semaphore, #tpu.memory_space<semaphore_mem>>
      tpu.wait_indirect_dma semaphore(%dma_wait3A_467 : memref<!tpu.dma_semaphore, #tpu.memory_space<semaphore_mem>>) src(%dma_wait3A_465 : memref<10000x128xf32, #tpu.memory_space<hbm>>) dst(%dma_wait3A_459 : memref<64x128xf32, #tpu.memory_space<vmem>>)
      %dma_start3A_468 = arith.constant 0 : i32
      %dma_start3A_469 = arith.constant 0 : i32
      %dma_start3A_470 = tpu.memref_slice %arg9[%rem3A_455, %dma_start3A_468, %dma_start3A_469] : memref<4x64x128xf32, #tpu.memory_space<vmem>> -> memref<1x64x128xf32, #tpu.memory_space<vmem>>
      %dma_start3A_471 = tpu.memref_squeeze %dma_start3A_470 : memref<1x64x128xf32, #tpu.memory_space<vmem>> -> memref<64x128xf32, #tpu.memory_space<vmem>>
      %dma_start3A_472 = arith.constant 0 : i32
      %dma_start3A_473 = tpu.memref_slice %arg8[%scan3A_453, %dma_start3A_472] : memref<40x64xi32, #tpu.memory_space<vmem>> -> memref<1x64xi32, #tpu.memory_space<vmem>>
      %dma_start3A_474 = tpu.memref_squeeze %dma_start3A_473 : memref<1x64xi32, #tpu.memory_space<vmem>> -> memref<64xi32, #tpu.memory_space<vmem>>
      %dma_start3A_475 = arith.constant 0 : i32
      %dma_start3A_476 = arith.constant 0 : i32
      %dma_start3A_477 = tpu.memref_slice %arg10[%dma_start3A_475, %dma_start3A_476] : memref<10240x128xf32, #tpu.memory_space<vmem_shared>> -> memref<10240x128xf32, #tpu.memory_space<vmem_shared>>
      %dma_start3A_478 = tpu.memref_slice %arg12[%rem3A_455] : memref<4x!tpu.dma_semaphore, #tpu.memory_space<semaphore_mem>> -> memref<1x!tpu.dma_semaphore, #tpu.memory_space<semaphore_mem>>
      %dma_start3A_479 = tpu.memref_squeeze %dma_start3A_478 : memref<1x!tpu.dma_semaphore, #tpu.memory_space<semaphore_mem>> -> memref<!tpu.dma_semaphore, #tpu.memory_space<semaphore_mem>>
      tpu.enqueue_indirect_dma source(%dma_start3A_471 : memref<64x128xf32, #tpu.memory_space<vmem>>) target(%dma_start3A_477 : memref<10240x128xf32, #tpu.memory_space<vmem_shared>>) offsets(%dma_start3A_474 : memref<64xi32, #tpu.memory_space<vmem>>) semaphore(%dma_start3A_479 : memref<!tpu.dma_semaphore, #tpu.memory_space<semaphore_mem>>) {add = true}
      %add3A_480 = arith.constant 4 : i32
      %add3A_481 = arith.addi %scan3A_453, %add3A_480 : i32
      %sub3A = arith.constant 1 : i32
      %sub3A_482 = arith.subi %add3A_481, %sub3A : i32
      %lt3A = arith.constant 40 : i32
      %lt3A_483 = arith.cmpi slt, %sub3A_482, %lt3A : i32
      %convert_element_type3A = arith.extui %lt3A_483 : i1 to i32
      %cond3A = arith.constant 0 : i32
      %cond3A_484 = arith.cmpi ne, %convert_element_type3A, %cond3A : i32
      scf.if %cond3A_484 {
        %add3A_486 = arith.constant 4 : i32
        %add3A_487 = arith.addi %scan3A_453, %add3A_486 : i32
        %sub3A_488 = arith.constant 1 : i32
        %sub3A_489 = arith.subi %add3A_487, %sub3A_488 : i32
        %rem3A_490 = arith.constant 4 : i32
        %rem3A_491 = arith.remsi %sub3A_489, %rem3A_490 : i32
        %ge3A = arith.constant 1 : i32
        %ge3A_492 = arith.cmpi sge, %scan3A_453, %ge3A : i32
        %convert_element_type3A_493 = arith.extui %ge3A_492 : i1 to i32
        %cond3A_494 = arith.constant 0 : i32
        %cond3A_495 = arith.cmpi ne, %convert_element_type3A_493, %cond3A_494 : i32
        scf.if %cond3A_495 {
          %sub3A_512 = arith.constant 1 : i32
          %sub3A_513 = arith.subi %scan3A_453, %sub3A_512 : i32
          %dma_wait3A_514 = arith.constant 0 : i32
          %dma_wait3A_515 = arith.constant 0 : i32
          %dma_wait3A_516 = tpu.memref_slice %arg9[%rem3A_491, %dma_wait3A_514, %dma_wait3A_515] : memref<4x64x128xf32, #tpu.memory_space<vmem>> -> memref<1x64x128xf32, #tpu.memory_space<vmem>>
          %dma_wait3A_517 = tpu.memref_squeeze %dma_wait3A_516 : memref<1x64x128xf32, #tpu.memory_space<vmem>> -> memref<64x128xf32, #tpu.memory_space<vmem>>
          %dma_wait3A_518 = arith.constant 0 : i32
          %dma_wait3A_519 = tpu.memref_slice %arg8[%sub3A_513, %dma_wait3A_518] : memref<40x64xi32, #tpu.memory_space<vmem>> -> memref<1x64xi32, #tpu.memory_space<vmem>>
          %dma_wait3A_520 = tpu.memref_squeeze %dma_wait3A_519 : memref<1x64xi32, #tpu.memory_space<vmem>> -> memref<64xi32, #tpu.memory_space<vmem>>
          %dma_wait3A_521 = arith.constant 0 : i32
          %dma_wait3A_522 = arith.constant 0 : i32
          %dma_wait3A_523 = tpu.memref_slice %arg10[%dma_wait3A_521, %dma_wait3A_522] : memref<10240x128xf32, #tpu.memory_space<vmem_shared>> -> memref<10240x128xf32, #tpu.memory_space<vmem_shared>>
          %dma_wait3A_524 = tpu.memref_slice %arg12[%rem3A_491] : memref<4x!tpu.dma_semaphore, #tpu.memory_space<semaphore_mem>> -> memref<1x!tpu.dma_semaphore, #tpu.memory_space<semaphore_mem>>
          %dma_wait3A_525 = tpu.memref_squeeze %dma_wait3A_524 : memref<1x!tpu.dma_semaphore, #tpu.memory_space<semaphore_mem>> -> memref<!tpu.dma_semaphore, #tpu.memory_space<semaphore_mem>>
          tpu.wait_indirect_dma semaphore(%dma_wait3A_525 : memref<!tpu.dma_semaphore, #tpu.memory_space<semaphore_mem>>) src(%dma_wait3A_517 : memref<64x128xf32, #tpu.memory_space<vmem>>) dst(%dma_wait3A_523 : memref<10240x128xf32, #tpu.memory_space<vmem_shared>>)
        } else {
        }
        %add3A_496 = arith.constant 4 : i32
        %add3A_497 = arith.addi %scan3A_453, %add3A_496 : i32
        %sub3A_498 = arith.constant 1 : i32
        %sub3A_499 = arith.subi %add3A_497, %sub3A_498 : i32
        %dma_start3A_500 = arith.constant 0 : i32
        %dma_start3A_501 = arith.constant 0 : i32
        %dma_start3A_502 = tpu.memref_slice %arg9[%rem3A_491, %dma_start3A_500, %dma_start3A_501] : memref<4x64x128xf32, #tpu.memory_space<vmem>> -> memref<1x64x128xf32, #tpu.memory_space<vmem>>
        %dma_start3A_503 = tpu.memref_squeeze %dma_start3A_502 : memref<1x64x128xf32, #tpu.memory_space<vmem>> -> memref<64x128xf32, #tpu.memory_space<vmem>>
        %dma_start3A_504 = arith.constant 0 : i32
        %dma_start3A_505 = tpu.memref_slice %arg7[%sub3A_499, %dma_start3A_504] : memref<40x64xi32, #tpu.memory_space<vmem>> -> memref<1x64xi32, #tpu.memory_space<vmem>>
        %dma_start3A_506 = tpu.memref_squeeze %dma_start3A_505 : memref<1x64xi32, #tpu.memory_space<vmem>> -> memref<64xi32, #tpu.memory_space<vmem>>
        %dma_start3A_507 = arith.constant 0 : i32
        %dma_start3A_508 = arith.constant 0 : i32
        %dma_start3A_509 = tpu.memref_slice %arg2[%dma_start3A_507, %dma_start3A_508] : memref<10000x128xf32, #tpu.memory_space<hbm>> -> memref<10000x128xf32, #tpu.memory_space<hbm>>
        %dma_start3A_510 = tpu.memref_slice %arg11[%rem3A_491] : memref<4x!tpu.dma_semaphore, #tpu.memory_space<semaphore_mem>> -> memref<1x!tpu.dma_semaphore, #tpu.memory_space<semaphore_mem>>
        %dma_start3A_511 = tpu.memref_squeeze %dma_start3A_510 : memref<1x!tpu.dma_semaphore, #tpu.memory_space<semaphore_mem>> -> memref<!tpu.dma_semaphore, #tpu.memory_space<semaphore_mem>>
        tpu.enqueue_indirect_dma source(%dma_start3A_509 : memref<10000x128xf32, #tpu.memory_space<hbm>>) target(%dma_start3A_503 : memref<64x128xf32, #tpu.memory_space<vmem>>) offsets(%dma_start3A_506 : memref<64xi32, #tpu.memory_space<vmem>>) semaphore(%dma_start3A_511 : memref<!tpu.dma_semaphore, #tpu.memory_space<semaphore_mem>>)
      } else {
      }
      %scan3A_485 = arith.constant 0 : i32
      scf.yield %scan3A_485 : i32
    }
    %scan3A_275 = arith.constant 40 : i32
    %dma_wait3A_276 = arith.constant 0 : i32
    %dma_wait3A_277 = arith.constant 0 : i32
    %dma_wait3A_278 = arith.constant 0 : i32
    %dma_wait3A_279 = arith.constant 0 : i32
    %dma_wait3A_280 = arith.constant 0 : i32
    %dma_wait3A_281 = tpu.memref_slice %arg9[%dma_wait3A_276, %dma_wait3A_279, %dma_wait3A_280] : memref<4x64x128xf32, #tpu.memory_space<vmem>> -> memref<1x64x128xf32, #tpu.memory_space<vmem>>
    %dma_wait3A_282 = tpu.memref_squeeze %dma_wait3A_281 : memref<1x64x128xf32, #tpu.memory_space<vmem>> -> memref<64x128xf32, #tpu.memory_space<vmem>>
    %dma_wait3A_283 = arith.constant 0 : i32
    %dma_wait3A_284 = tpu.memref_slice %arg8[%dma_wait3A_277, %dma_wait3A_283] : memref<40x64xi32, #tpu.memory_space<vmem>> -> memref<1x64xi32, #tpu.memory_space<vmem>>
    %dma_wait3A_285 = tpu.memref_squeeze %dma_wait3A_284 : memref<1x64xi32, #tpu.memory_space<vmem>> -> memref<64xi32, #tpu.memory_space<vmem>>
    %dma_wait3A_286 = arith.constant 0 : i32
    %dma_wait3A_287 = arith.constant 0 : i32
    %dma_wait3A_288 = tpu.memref_slice %arg10[%dma_wait3A_286, %dma_wait3A_287] : memref<10240x128xf32, #tpu.memory_space<vmem_shared>> -> memref<10240x128xf32, #tpu.memory_space<vmem_shared>>
    %dma_wait3A_289 = tpu.memref_slice %arg12[%dma_wait3A_278] : memref<4x!tpu.dma_semaphore, #tpu.memory_space<semaphore_mem>> -> memref<1x!tpu.dma_semaphore, #tpu.memory_space<semaphore_mem>>
    %dma_wait3A_290 = tpu.memref_squeeze %dma_wait3A_289 : memref<1x!tpu.dma_semaphore, #tpu.memory_space<semaphore_mem>> -> memref<!tpu.dma_semaphore, #tpu.memory_space<semaphore_mem>>
    tpu.wait_indirect_dma semaphore(%dma_wait3A_290 : memref<!tpu.dma_semaphore, #tpu.memory_space<semaphore_mem>>) src(%dma_wait3A_282 : memref<64x128xf32, #tpu.memory_space<vmem>>) dst(%dma_wait3A_288 : memref<10240x128xf32, #tpu.memory_space<vmem_shared>>)
    %dma_wait3A_291 = arith.constant 1 : i32
    %dma_wait3A_292 = arith.constant 0 : i32
    %dma_wait3A_293 = arith.constant 1 : i32
    %dma_wait3A_294 = arith.constant 0 : i32
    %dma_wait3A_295 = arith.constant 0 : i32
    %dma_wait3A_296 = tpu.memref_slice %arg9[%dma_wait3A_291, %dma_wait3A_294, %dma_wait3A_295] : memref<4x64x128xf32, #tpu.memory_space<vmem>> -> memref<1x64x128xf32, #tpu.memory_space<vmem>>
    %dma_wait3A_297 = tpu.memref_squeeze %dma_wait3A_296 : memref<1x64x128xf32, #tpu.memory_space<vmem>> -> memref<64x128xf32, #tpu.memory_space<vmem>>
    %dma_wait3A_298 = arith.constant 0 : i32
    %dma_wait3A_299 = tpu.memref_slice %arg8[%dma_wait3A_292, %dma_wait3A_298] : memref<40x64xi32, #tpu.memory_space<vmem>> -> memref<1x64xi32, #tpu.memory_space<vmem>>
    %dma_wait3A_300 = tpu.memref_squeeze %dma_wait3A_299 : memref<1x64xi32, #tpu.memory_space<vmem>> -> memref<64xi32, #tpu.memory_space<vmem>>
    %dma_wait3A_301 = arith.constant 0 : i32
    %dma_wait3A_302 = arith.constant 0 : i32
    %dma_wait3A_303 = tpu.memref_slice %arg10[%dma_wait3A_301, %dma_wait3A_302] : memref<10240x128xf32, #tpu.memory_space<vmem_shared>> -> memref<10240x128xf32, #tpu.memory_space<vmem_shared>>
    %dma_wait3A_304 = tpu.memref_slice %arg12[%dma_wait3A_293] : memref<4x!tpu.dma_semaphore, #tpu.memory_space<semaphore_mem>> -> memref<1x!tpu.dma_semaphore, #tpu.memory_space<semaphore_mem>>
    %dma_wait3A_305 = tpu.memref_squeeze %dma_wait3A_304 : memref<1x!tpu.dma_semaphore, #tpu.memory_space<semaphore_mem>> -> memref<!tpu.dma_semaphore, #tpu.memory_space<semaphore_mem>>
    tpu.wait_indirect_dma semaphore(%dma_wait3A_305 : memref<!tpu.dma_semaphore, #tpu.memory_space<semaphore_mem>>) src(%dma_wait3A_297 : memref<64x128xf32, #tpu.memory_space<vmem>>) dst(%dma_wait3A_303 : memref<10240x128xf32, #tpu.memory_space<vmem_shared>>)
    %dma_wait3A_306 = arith.constant 2 : i32
    %dma_wait3A_307 = arith.constant 0 : i32
    %dma_wait3A_308 = arith.constant 2 : i32
    %dma_wait3A_309 = arith.constant 0 : i32
    %dma_wait3A_310 = arith.constant 0 : i32
    %dma_wait3A_311 = tpu.memref_slice %arg9[%dma_wait3A_306, %dma_wait3A_309, %dma_wait3A_310] : memref<4x64x128xf32, #tpu.memory_space<vmem>> -> memref<1x64x128xf32, #tpu.memory_space<vmem>>
    %dma_wait3A_312 = tpu.memref_squeeze %dma_wait3A_311 : memref<1x64x128xf32, #tpu.memory_space<vmem>> -> memref<64x128xf32, #tpu.memory_space<vmem>>
    %dma_wait3A_313 = arith.constant 0 : i32
    %dma_wait3A_314 = tpu.memref_slice %arg8[%dma_wait3A_307, %dma_wait3A_313] : memref<40x64xi32, #tpu.memory_space<vmem>> -> memref<1x64xi32, #tpu.memory_space<vmem>>
    %dma_wait3A_315 = tpu.memref_squeeze %dma_wait3A_314 : memref<1x64xi32, #tpu.memory_space<vmem>> -> memref<64xi32, #tpu.memory_space<vmem>>
    %dma_wait3A_316 = arith.constant 0 : i32
    %dma_wait3A_317 = arith.constant 0 : i32
    %dma_wait3A_318 = tpu.memref_slice %arg10[%dma_wait3A_316, %dma_wait3A_317] : memref<10240x128xf32, #tpu.memory_space<vmem_shared>> -> memref<10240x128xf32, #tpu.memory_space<vmem_shared>>
    %dma_wait3A_319 = tpu.memref_slice %arg12[%dma_wait3A_308] : memref<4x!tpu.dma_semaphore, #tpu.memory_space<semaphore_mem>> -> memref<1x!tpu.dma_semaphore, #tpu.memory_space<semaphore_mem>>
    %dma_wait3A_320 = tpu.memref_squeeze %dma_wait3A_319 : memref<1x!tpu.dma_semaphore, #tpu.memory_space<semaphore_mem>> -> memref<!tpu.dma_semaphore, #tpu.memory_space<semaphore_mem>>
    tpu.wait_indirect_dma semaphore(%dma_wait3A_320 : memref<!tpu.dma_semaphore, #tpu.memory_space<semaphore_mem>>) src(%dma_wait3A_312 : memref<64x128xf32, #tpu.memory_space<vmem>>) dst(%dma_wait3A_318 : memref<10240x128xf32, #tpu.memory_space<vmem_shared>>)
    %dma_wait3A_321 = arith.constant 3 : i32
    %dma_wait3A_322 = arith.constant 0 : i32
    %dma_wait3A_323 = arith.constant 3 : i32
    %dma_wait3A_324 = arith.constant 0 : i32
    %dma_wait3A_325 = arith.constant 0 : i32
    %dma_wait3A_326 = tpu.memref_slice %arg9[%dma_wait3A_321, %dma_wait3A_324, %dma_wait3A_325] : memref<4x64x128xf32, #tpu.memory_space<vmem>> -> memref<1x64x128xf32, #tpu.memory_space<vmem>>
    %dma_wait3A_327 = tpu.memref_squeeze %dma_wait3A_326 : memref<1x64x128xf32, #tpu.memory_space<vmem>> -> memref<64x128xf32, #tpu.memory_space<vmem>>
    %dma_wait3A_328 = arith.constant 0 : i32
    %dma_wait3A_329 = tpu.memref_slice %arg8[%dma_wait3A_322, %dma_wait3A_328] : memref<40x64xi32, #tpu.memory_space<vmem>> -> memref<1x64xi32, #tpu.memory_space<vmem>>
    %dma_wait3A_330 = tpu.memref_squeeze %dma_wait3A_329 : memref<1x64xi32, #tpu.memory_space<vmem>> -> memref<64xi32, #tpu.memory_space<vmem>>
    %dma_wait3A_331 = arith.constant 0 : i32
    %dma_wait3A_332 = arith.constant 0 : i32
    %dma_wait3A_333 = tpu.memref_slice %arg10[%dma_wait3A_331, %dma_wait3A_332] : memref<10240x128xf32, #tpu.memory_space<vmem_shared>> -> memref<10240x128xf32, #tpu.memory_space<vmem_shared>>
    %dma_wait3A_334 = tpu.memref_slice %arg12[%dma_wait3A_323] : memref<4x!tpu.dma_semaphore, #tpu.memory_space<semaphore_mem>> -> memref<1x!tpu.dma_semaphore, #tpu.memory_space<semaphore_mem>>
    %dma_wait3A_335 = tpu.memref_squeeze %dma_wait3A_334 : memref<1x!tpu.dma_semaphore, #tpu.memory_space<semaphore_mem>> -> memref<!tpu.dma_semaphore, #tpu.memory_space<semaphore_mem>>
    tpu.wait_indirect_dma semaphore(%dma_wait3A_335 : memref<!tpu.dma_semaphore, #tpu.memory_space<semaphore_mem>>) src(%dma_wait3A_327 : memref<64x128xf32, #tpu.memory_space<vmem>>) dst(%dma_wait3A_333 : memref<10240x128xf32, #tpu.memory_space<vmem_shared>>)
    "tpu.region"() ({
      %run_scoped3A = tpu.sem_alloc : memref<!tpu.dma_semaphore, #tpu.memory_space<semaphore_mem>>
      %dma_start3A_453 = arith.constant 120 : i32
      %dma_start3A_454 = arith.constant 0 : i32
      %dma_start3A_455 = tpu.memref_slice %arg3[%add3A, %dma_start3A_453, %dma_start3A_454] : memref<32x160x64xi32, #tpu.memory_space<hbm>> -> memref<1x40x64xi32, #tpu.memory_space<hbm>>
      %dma_start3A_456 = tpu.memref_squeeze %dma_start3A_455 : memref<1x40x64xi32, #tpu.memory_space<hbm>> -> memref<40x64xi32, #tpu.memory_space<hbm>>
      %dma_start3A_457 = arith.constant 120 : i32
      %dma_start3A_458 = arith.constant 0 : i32
      %dma_start3A_459 = tpu.memref_slice %arg3[%add3A, %dma_start3A_457, %dma_start3A_458] : memref<32x160x64xi32, #tpu.memory_space<hbm>> -> memref<1x40x64xi32, #tpu.memory_space<hbm>>
      %dma_start3A_460 = tpu.memref_squeeze %dma_start3A_459 : memref<1x40x64xi32, #tpu.memory_space<hbm>> -> memref<40x64xi32, #tpu.memory_space<hbm>>
      tpu.enqueue_dma source(%dma_start3A_460 : memref<40x64xi32, #tpu.memory_space<hbm>>) target(%arg7 : memref<40x64xi32, #tpu.memory_space<vmem>>) target_semaphore(%run_scoped3A : memref<!tpu.dma_semaphore, #tpu.memory_space<semaphore_mem>>)
      %dma_wait3A_461 = arith.constant 120 : i32
      %dma_wait3A_462 = arith.constant 0 : i32
      %dma_wait3A_463 = tpu.memref_slice %arg3[%add3A, %dma_wait3A_461, %dma_wait3A_462] : memref<32x160x64xi32, #tpu.memory_space<hbm>> -> memref<1x40x64xi32, #tpu.memory_space<hbm>>
      %dma_wait3A_464 = tpu.memref_squeeze %dma_wait3A_463 : memref<1x40x64xi32, #tpu.memory_space<hbm>> -> memref<40x64xi32, #tpu.memory_space<hbm>>
      %dma_wait3A_465 = arith.constant 120 : i32
      %dma_wait3A_466 = arith.constant 0 : i32
      %dma_wait3A_467 = tpu.memref_slice %arg3[%add3A, %dma_wait3A_465, %dma_wait3A_466] : memref<32x160x64xi32, #tpu.memory_space<hbm>> -> memref<1x40x64xi32, #tpu.memory_space<hbm>>
      %dma_wait3A_468 = tpu.memref_squeeze %dma_wait3A_467 : memref<1x40x64xi32, #tpu.memory_space<hbm>> -> memref<40x64xi32, #tpu.memory_space<hbm>>
      tpu.wait_dma2 semaphore(%run_scoped3A : memref<!tpu.dma_semaphore, #tpu.memory_space<semaphore_mem>>) src(%dma_wait3A_468 : memref<40x64xi32, #tpu.memory_space<hbm>>) dst(%arg7 : memref<40x64xi32, #tpu.memory_space<vmem>>)
      tpu.yield
    }) : () -> ()
    "tpu.region"() ({
      %run_scoped3A = tpu.sem_alloc : memref<!tpu.dma_semaphore, #tpu.memory_space<semaphore_mem>>
      %dma_start3A_453 = arith.constant 120 : i32
      %dma_start3A_454 = arith.constant 0 : i32
      %dma_start3A_455 = tpu.memref_slice %arg4[%add3A, %dma_start3A_453, %dma_start3A_454] : memref<32x160x64xi32, #tpu.memory_space<hbm>> -> memref<1x40x64xi32, #tpu.memory_space<hbm>>
      %dma_start3A_456 = tpu.memref_squeeze %dma_start3A_455 : memref<1x40x64xi32, #tpu.memory_space<hbm>> -> memref<40x64xi32, #tpu.memory_space<hbm>>
      %dma_start3A_457 = arith.constant 120 : i32
      %dma_start3A_458 = arith.constant 0 : i32
      %dma_start3A_459 = tpu.memref_slice %arg4[%add3A, %dma_start3A_457, %dma_start3A_458] : memref<32x160x64xi32, #tpu.memory_space<hbm>> -> memref<1x40x64xi32, #tpu.memory_space<hbm>>
      %dma_start3A_460 = tpu.memref_squeeze %dma_start3A_459 : memref<1x40x64xi32, #tpu.memory_space<hbm>> -> memref<40x64xi32, #tpu.memory_space<hbm>>
      tpu.enqueue_dma source(%dma_start3A_460 : memref<40x64xi32, #tpu.memory_space<hbm>>) target(%arg8 : memref<40x64xi32, #tpu.memory_space<vmem>>) target_semaphore(%run_scoped3A : memref<!tpu.dma_semaphore, #tpu.memory_space<semaphore_mem>>)
      %dma_wait3A_461 = arith.constant 120 : i32
      %dma_wait3A_462 = arith.constant 0 : i32
      %dma_wait3A_463 = tpu.memref_slice %arg4[%add3A, %dma_wait3A_461, %dma_wait3A_462] : memref<32x160x64xi32, #tpu.memory_space<hbm>> -> memref<1x40x64xi32, #tpu.memory_space<hbm>>
      %dma_wait3A_464 = tpu.memref_squeeze %dma_wait3A_463 : memref<1x40x64xi32, #tpu.memory_space<hbm>> -> memref<40x64xi32, #tpu.memory_space<hbm>>
      %dma_wait3A_465 = arith.constant 120 : i32
      %dma_wait3A_466 = arith.constant 0 : i32
      %dma_wait3A_467 = tpu.memref_slice %arg4[%add3A, %dma_wait3A_465, %dma_wait3A_466] : memref<32x160x64xi32, #tpu.memory_space<hbm>> -> memref<1x40x64xi32, #tpu.memory_space<hbm>>
      %dma_wait3A_468 = tpu.memref_squeeze %dma_wait3A_467 : memref<1x40x64xi32, #tpu.memory_space<hbm>> -> memref<40x64xi32, #tpu.memory_space<hbm>>
      tpu.wait_dma2 semaphore(%run_scoped3A : memref<!tpu.dma_semaphore, #tpu.memory_space<semaphore_mem>>) src(%dma_wait3A_468 : memref<40x64xi32, #tpu.memory_space<hbm>>) dst(%arg8 : memref<40x64xi32, #tpu.memory_space<vmem>>)
      tpu.yield
    }) : () -> ()
    %dma_start3A_336 = arith.constant 0 : i32
    %dma_start3A_337 = arith.constant 0 : i32
    %dma_start3A_338 = arith.constant 0 : i32
    %dma_start3A_339 = arith.constant 0 : i32
    %dma_start3A_340 = arith.constant 0 : i32
    %dma_start3A_341 = tpu.memref_slice %arg9[%dma_start3A_337, %dma_start3A_339, %dma_start3A_340] : memref<4x64x128xf32, #tpu.memory_space<vmem>> -> memref<1x64x128xf32, #tpu.memory_space<vmem>>
    %dma_start3A_342 = tpu.memref_squeeze %dma_start3A_341 : memref<1x64x128xf32, #tpu.memory_space<vmem>> -> memref<64x128xf32, #tpu.memory_space<vmem>>
    %dma_start3A_343 = arith.constant 0 : i32
    %dma_start3A_344 = tpu.memref_slice %arg7[%dma_start3A_336, %dma_start3A_343] : memref<40x64xi32, #tpu.memory_space<vmem>> -> memref<1x64xi32, #tpu.memory_space<vmem>>
    %dma_start3A_345 = tpu.memref_squeeze %dma_start3A_344 : memref<1x64xi32, #tpu.memory_space<vmem>> -> memref<64xi32, #tpu.memory_space<vmem>>
    %dma_start3A_346 = arith.constant 0 : i32
    %dma_start3A_347 = arith.constant 0 : i32
    %dma_start3A_348 = tpu.memref_slice %arg2[%dma_start3A_346, %dma_start3A_347] : memref<10000x128xf32, #tpu.memory_space<hbm>> -> memref<10000x128xf32, #tpu.memory_space<hbm>>
    %dma_start3A_349 = tpu.memref_slice %arg11[%dma_start3A_338] : memref<4x!tpu.dma_semaphore, #tpu.memory_space<semaphore_mem>> -> memref<1x!tpu.dma_semaphore, #tpu.memory_space<semaphore_mem>>
    %dma_start3A_350 = tpu.memref_squeeze %dma_start3A_349 : memref<1x!tpu.dma_semaphore, #tpu.memory_space<semaphore_mem>> -> memref<!tpu.dma_semaphore, #tpu.memory_space<semaphore_mem>>
    tpu.enqueue_indirect_dma source(%dma_start3A_348 : memref<10000x128xf32, #tpu.memory_space<hbm>>) target(%dma_start3A_342 : memref<64x128xf32, #tpu.memory_space<vmem>>) offsets(%dma_start3A_345 : memref<64xi32, #tpu.memory_space<vmem>>) semaphore(%dma_start3A_350 : memref<!tpu.dma_semaphore, #tpu.memory_space<semaphore_mem>>)
    %dma_start3A_351 = arith.constant 1 : i32
    %dma_start3A_352 = arith.constant 1 : i32
    %dma_start3A_353 = arith.constant 1 : i32
    %dma_start3A_354 = arith.constant 0 : i32
    %dma_start3A_355 = arith.constant 0 : i32
    %dma_start3A_356 = tpu.memref_slice %arg9[%dma_start3A_352, %dma_start3A_354, %dma_start3A_355] : memref<4x64x128xf32, #tpu.memory_space<vmem>> -> memref<1x64x128xf32, #tpu.memory_space<vmem>>
    %dma_start3A_357 = tpu.memref_squeeze %dma_start3A_356 : memref<1x64x128xf32, #tpu.memory_space<vmem>> -> memref<64x128xf32, #tpu.memory_space<vmem>>
    %dma_start3A_358 = arith.constant 0 : i32
    %dma_start3A_359 = tpu.memref_slice %arg7[%dma_start3A_351, %dma_start3A_358] : memref<40x64xi32, #tpu.memory_space<vmem>> -> memref<1x64xi32, #tpu.memory_space<vmem>>
    %dma_start3A_360 = tpu.memref_squeeze %dma_start3A_359 : memref<1x64xi32, #tpu.memory_space<vmem>> -> memref<64xi32, #tpu.memory_space<vmem>>
    %dma_start3A_361 = arith.constant 0 : i32
    %dma_start3A_362 = arith.constant 0 : i32
    %dma_start3A_363 = tpu.memref_slice %arg2[%dma_start3A_361, %dma_start3A_362] : memref<10000x128xf32, #tpu.memory_space<hbm>> -> memref<10000x128xf32, #tpu.memory_space<hbm>>
    %dma_start3A_364 = tpu.memref_slice %arg11[%dma_start3A_353] : memref<4x!tpu.dma_semaphore, #tpu.memory_space<semaphore_mem>> -> memref<1x!tpu.dma_semaphore, #tpu.memory_space<semaphore_mem>>
    %dma_start3A_365 = tpu.memref_squeeze %dma_start3A_364 : memref<1x!tpu.dma_semaphore, #tpu.memory_space<semaphore_mem>> -> memref<!tpu.dma_semaphore, #tpu.memory_space<semaphore_mem>>
    tpu.enqueue_indirect_dma source(%dma_start3A_363 : memref<10000x128xf32, #tpu.memory_space<hbm>>) target(%dma_start3A_357 : memref<64x128xf32, #tpu.memory_space<vmem>>) offsets(%dma_start3A_360 : memref<64xi32, #tpu.memory_space<vmem>>) semaphore(%dma_start3A_365 : memref<!tpu.dma_semaphore, #tpu.memory_space<semaphore_mem>>)
    %dma_start3A_366 = arith.constant 2 : i32
    %dma_start3A_367 = arith.constant 2 : i32
    %dma_start3A_368 = arith.constant 2 : i32
    %dma_start3A_369 = arith.constant 0 : i32
    %dma_start3A_370 = arith.constant 0 : i32
    %dma_start3A_371 = tpu.memref_slice %arg9[%dma_start3A_367, %dma_start3A_369, %dma_start3A_370] : memref<4x64x128xf32, #tpu.memory_space<vmem>> -> memref<1x64x128xf32, #tpu.memory_space<vmem>>
    %dma_start3A_372 = tpu.memref_squeeze %dma_start3A_371 : memref<1x64x128xf32, #tpu.memory_space<vmem>> -> memref<64x128xf32, #tpu.memory_space<vmem>>
    %dma_start3A_373 = arith.constant 0 : i32
    %dma_start3A_374 = tpu.memref_slice %arg7[%dma_start3A_366, %dma_start3A_373] : memref<40x64xi32, #tpu.memory_space<vmem>> -> memref<1x64xi32, #tpu.memory_space<vmem>>
    %dma_start3A_375 = tpu.memref_squeeze %dma_start3A_374 : memref<1x64xi32, #tpu.memory_space<vmem>> -> memref<64xi32, #tpu.memory_space<vmem>>
    %dma_start3A_376 = arith.constant 0 : i32
    %dma_start3A_377 = arith.constant 0 : i32
    %dma_start3A_378 = tpu.memref_slice %arg2[%dma_start3A_376, %dma_start3A_377] : memref<10000x128xf32, #tpu.memory_space<hbm>> -> memref<10000x128xf32, #tpu.memory_space<hbm>>
    %dma_start3A_379 = tpu.memref_slice %arg11[%dma_start3A_368] : memref<4x!tpu.dma_semaphore, #tpu.memory_space<semaphore_mem>> -> memref<1x!tpu.dma_semaphore, #tpu.memory_space<semaphore_mem>>
    %dma_start3A_380 = tpu.memref_squeeze %dma_start3A_379 : memref<1x!tpu.dma_semaphore, #tpu.memory_space<semaphore_mem>> -> memref<!tpu.dma_semaphore, #tpu.memory_space<semaphore_mem>>
    tpu.enqueue_indirect_dma source(%dma_start3A_378 : memref<10000x128xf32, #tpu.memory_space<hbm>>) target(%dma_start3A_372 : memref<64x128xf32, #tpu.memory_space<vmem>>) offsets(%dma_start3A_375 : memref<64xi32, #tpu.memory_space<vmem>>) semaphore(%dma_start3A_380 : memref<!tpu.dma_semaphore, #tpu.memory_space<semaphore_mem>>)
    %scan3A_381 = arith.constant 0 : i32
    %scan3A_382 = arith.constant 0 : i32
    %scan3A_383 = arith.constant 40 : i32
    %scan3A_384 = arith.addi %scan3A_382, %scan3A_383 : i32
    %scan3A_385 = arith.constant 1 : i32
    %scan3A_386 = scf.for %scan3A_453 = %scan3A_382 to %scan3A_384 step %scan3A_385 iter_args(%scan3A_454 = %scan3A_381) -> (i32)  : i32 {
      %rem3A = arith.constant 4 : i32
      %rem3A_455 = arith.remsi %scan3A_453, %rem3A : i32
      %dma_wait3A_456 = arith.constant 0 : i32
      %dma_wait3A_457 = arith.constant 0 : i32
      %dma_wait3A_458 = tpu.memref_slice %arg9[%rem3A_455, %dma_wait3A_456, %dma_wait3A_457] : memref<4x64x128xf32, #tpu.memory_space<vmem>> -> memref<1x64x128xf32, #tpu.memory_space<vmem>>
      %dma_wait3A_459 = tpu.memref_squeeze %dma_wait3A_458 : memref<1x64x128xf32, #tpu.memory_space<vmem>> -> memref<64x128xf32, #tpu.memory_space<vmem>>
      %dma_wait3A_460 = arith.constant 0 : i32
      %dma_wait3A_461 = tpu.memref_slice %arg7[%scan3A_453, %dma_wait3A_460] : memref<40x64xi32, #tpu.memory_space<vmem>> -> memref<1x64xi32, #tpu.memory_space<vmem>>
      %dma_wait3A_462 = tpu.memref_squeeze %dma_wait3A_461 : memref<1x64xi32, #tpu.memory_space<vmem>> -> memref<64xi32, #tpu.memory_space<vmem>>
      %dma_wait3A_463 = arith.constant 0 : i32
      %dma_wait3A_464 = arith.constant 0 : i32
      %dma_wait3A_465 = tpu.memref_slice %arg2[%dma_wait3A_463, %dma_wait3A_464] : memref<10000x128xf32, #tpu.memory_space<hbm>> -> memref<10000x128xf32, #tpu.memory_space<hbm>>
      %dma_wait3A_466 = tpu.memref_slice %arg11[%rem3A_455] : memref<4x!tpu.dma_semaphore, #tpu.memory_space<semaphore_mem>> -> memref<1x!tpu.dma_semaphore, #tpu.memory_space<semaphore_mem>>
      %dma_wait3A_467 = tpu.memref_squeeze %dma_wait3A_466 : memref<1x!tpu.dma_semaphore, #tpu.memory_space<semaphore_mem>> -> memref<!tpu.dma_semaphore, #tpu.memory_space<semaphore_mem>>
      tpu.wait_indirect_dma semaphore(%dma_wait3A_467 : memref<!tpu.dma_semaphore, #tpu.memory_space<semaphore_mem>>) src(%dma_wait3A_465 : memref<10000x128xf32, #tpu.memory_space<hbm>>) dst(%dma_wait3A_459 : memref<64x128xf32, #tpu.memory_space<vmem>>)
      %dma_start3A_468 = arith.constant 0 : i32
      %dma_start3A_469 = arith.constant 0 : i32
      %dma_start3A_470 = tpu.memref_slice %arg9[%rem3A_455, %dma_start3A_468, %dma_start3A_469] : memref<4x64x128xf32, #tpu.memory_space<vmem>> -> memref<1x64x128xf32, #tpu.memory_space<vmem>>
      %dma_start3A_471 = tpu.memref_squeeze %dma_start3A_470 : memref<1x64x128xf32, #tpu.memory_space<vmem>> -> memref<64x128xf32, #tpu.memory_space<vmem>>
      %dma_start3A_472 = arith.constant 0 : i32
      %dma_start3A_473 = tpu.memref_slice %arg8[%scan3A_453, %dma_start3A_472] : memref<40x64xi32, #tpu.memory_space<vmem>> -> memref<1x64xi32, #tpu.memory_space<vmem>>
      %dma_start3A_474 = tpu.memref_squeeze %dma_start3A_473 : memref<1x64xi32, #tpu.memory_space<vmem>> -> memref<64xi32, #tpu.memory_space<vmem>>
      %dma_start3A_475 = arith.constant 0 : i32
      %dma_start3A_476 = arith.constant 0 : i32
      %dma_start3A_477 = tpu.memref_slice %arg10[%dma_start3A_475, %dma_start3A_476] : memref<10240x128xf32, #tpu.memory_space<vmem_shared>> -> memref<10240x128xf32, #tpu.memory_space<vmem_shared>>
      %dma_start3A_478 = tpu.memref_slice %arg12[%rem3A_455] : memref<4x!tpu.dma_semaphore, #tpu.memory_space<semaphore_mem>> -> memref<1x!tpu.dma_semaphore, #tpu.memory_space<semaphore_mem>>
      %dma_start3A_479 = tpu.memref_squeeze %dma_start3A_478 : memref<1x!tpu.dma_semaphore, #tpu.memory_space<semaphore_mem>> -> memref<!tpu.dma_semaphore, #tpu.memory_space<semaphore_mem>>
      tpu.enqueue_indirect_dma source(%dma_start3A_471 : memref<64x128xf32, #tpu.memory_space<vmem>>) target(%dma_start3A_477 : memref<10240x128xf32, #tpu.memory_space<vmem_shared>>) offsets(%dma_start3A_474 : memref<64xi32, #tpu.memory_space<vmem>>) semaphore(%dma_start3A_479 : memref<!tpu.dma_semaphore, #tpu.memory_space<semaphore_mem>>) {add = true}
      %add3A_480 = arith.constant 4 : i32
      %add3A_481 = arith.addi %scan3A_453, %add3A_480 : i32
      %sub3A = arith.constant 1 : i32
      %sub3A_482 = arith.subi %add3A_481, %sub3A : i32
      %lt3A = arith.constant 40 : i32
      %lt3A_483 = arith.cmpi slt, %sub3A_482, %lt3A : i32
      %convert_element_type3A = arith.extui %lt3A_483 : i1 to i32
      %cond3A = arith.constant 0 : i32
      %cond3A_484 = arith.cmpi ne, %convert_element_type3A, %cond3A : i32
      scf.if %cond3A_484 {
        %add3A_486 = arith.constant 4 : i32
        %add3A_487 = arith.addi %scan3A_453, %add3A_486 : i32
        %sub3A_488 = arith.constant 1 : i32
        %sub3A_489 = arith.subi %add3A_487, %sub3A_488 : i32
        %rem3A_490 = arith.constant 4 : i32
        %rem3A_491 = arith.remsi %sub3A_489, %rem3A_490 : i32
        %ge3A = arith.constant 1 : i32
        %ge3A_492 = arith.cmpi sge, %scan3A_453, %ge3A : i32
        %convert_element_type3A_493 = arith.extui %ge3A_492 : i1 to i32
        %cond3A_494 = arith.constant 0 : i32
        %cond3A_495 = arith.cmpi ne, %convert_element_type3A_493, %cond3A_494 : i32
        scf.if %cond3A_495 {
          %sub3A_512 = arith.constant 1 : i32
          %sub3A_513 = arith.subi %scan3A_453, %sub3A_512 : i32
          %dma_wait3A_514 = arith.constant 0 : i32
          %dma_wait3A_515 = arith.constant 0 : i32
          %dma_wait3A_516 = tpu.memref_slice %arg9[%rem3A_491, %dma_wait3A_514, %dma_wait3A_515] : memref<4x64x128xf32, #tpu.memory_space<vmem>> -> memref<1x64x128xf32, #tpu.memory_space<vmem>>
          %dma_wait3A_517 = tpu.memref_squeeze %dma_wait3A_516 : memref<1x64x128xf32, #tpu.memory_space<vmem>> -> memref<64x128xf32, #tpu.memory_space<vmem>>
          %dma_wait3A_518 = arith.constant 0 : i32
          %dma_wait3A_519 = tpu.memref_slice %arg8[%sub3A_513, %dma_wait3A_518] : memref<40x64xi32, #tpu.memory_space<vmem>> -> memref<1x64xi32, #tpu.memory_space<vmem>>
          %dma_wait3A_520 = tpu.memref_squeeze %dma_wait3A_519 : memref<1x64xi32, #tpu.memory_space<vmem>> -> memref<64xi32, #tpu.memory_space<vmem>>
          %dma_wait3A_521 = arith.constant 0 : i32
          %dma_wait3A_522 = arith.constant 0 : i32
          %dma_wait3A_523 = tpu.memref_slice %arg10[%dma_wait3A_521, %dma_wait3A_522] : memref<10240x128xf32, #tpu.memory_space<vmem_shared>> -> memref<10240x128xf32, #tpu.memory_space<vmem_shared>>
          %dma_wait3A_524 = tpu.memref_slice %arg12[%rem3A_491] : memref<4x!tpu.dma_semaphore, #tpu.memory_space<semaphore_mem>> -> memref<1x!tpu.dma_semaphore, #tpu.memory_space<semaphore_mem>>
          %dma_wait3A_525 = tpu.memref_squeeze %dma_wait3A_524 : memref<1x!tpu.dma_semaphore, #tpu.memory_space<semaphore_mem>> -> memref<!tpu.dma_semaphore, #tpu.memory_space<semaphore_mem>>
          tpu.wait_indirect_dma semaphore(%dma_wait3A_525 : memref<!tpu.dma_semaphore, #tpu.memory_space<semaphore_mem>>) src(%dma_wait3A_517 : memref<64x128xf32, #tpu.memory_space<vmem>>) dst(%dma_wait3A_523 : memref<10240x128xf32, #tpu.memory_space<vmem_shared>>)
        } else {
        }
        %add3A_496 = arith.constant 4 : i32
        %add3A_497 = arith.addi %scan3A_453, %add3A_496 : i32
        %sub3A_498 = arith.constant 1 : i32
        %sub3A_499 = arith.subi %add3A_497, %sub3A_498 : i32
        %dma_start3A_500 = arith.constant 0 : i32
        %dma_start3A_501 = arith.constant 0 : i32
        %dma_start3A_502 = tpu.memref_slice %arg9[%rem3A_491, %dma_start3A_500, %dma_start3A_501] : memref<4x64x128xf32, #tpu.memory_space<vmem>> -> memref<1x64x128xf32, #tpu.memory_space<vmem>>
        %dma_start3A_503 = tpu.memref_squeeze %dma_start3A_502 : memref<1x64x128xf32, #tpu.memory_space<vmem>> -> memref<64x128xf32, #tpu.memory_space<vmem>>
        %dma_start3A_504 = arith.constant 0 : i32
        %dma_start3A_505 = tpu.memref_slice %arg7[%sub3A_499, %dma_start3A_504] : memref<40x64xi32, #tpu.memory_space<vmem>> -> memref<1x64xi32, #tpu.memory_space<vmem>>
        %dma_start3A_506 = tpu.memref_squeeze %dma_start3A_505 : memref<1x64xi32, #tpu.memory_space<vmem>> -> memref<64xi32, #tpu.memory_space<vmem>>
        %dma_start3A_507 = arith.constant 0 : i32
        %dma_start3A_508 = arith.constant 0 : i32
        %dma_start3A_509 = tpu.memref_slice %arg2[%dma_start3A_507, %dma_start3A_508] : memref<10000x128xf32, #tpu.memory_space<hbm>> -> memref<10000x128xf32, #tpu.memory_space<hbm>>
        %dma_start3A_510 = tpu.memref_slice %arg11[%rem3A_491] : memref<4x!tpu.dma_semaphore, #tpu.memory_space<semaphore_mem>> -> memref<1x!tpu.dma_semaphore, #tpu.memory_space<semaphore_mem>>
        %dma_start3A_511 = tpu.memref_squeeze %dma_start3A_510 : memref<1x!tpu.dma_semaphore, #tpu.memory_space<semaphore_mem>> -> memref<!tpu.dma_semaphore, #tpu.memory_space<semaphore_mem>>
        tpu.enqueue_indirect_dma source(%dma_start3A_509 : memref<10000x128xf32, #tpu.memory_space<hbm>>) target(%dma_start3A_503 : memref<64x128xf32, #tpu.memory_space<vmem>>) offsets(%dma_start3A_506 : memref<64xi32, #tpu.memory_space<vmem>>) semaphore(%dma_start3A_511 : memref<!tpu.dma_semaphore, #tpu.memory_space<semaphore_mem>>)
      } else {
      }
      %scan3A_485 = arith.constant 0 : i32
      scf.yield %scan3A_485 : i32
    }
    %scan3A_387 = arith.constant 40 : i32
    %dma_wait3A_388 = arith.constant 0 : i32
    %dma_wait3A_389 = arith.constant 0 : i32
    %dma_wait3A_390 = arith.constant 0 : i32
    %dma_wait3A_391 = arith.constant 0 : i32
    %dma_wait3A_392 = arith.constant 0 : i32
    %dma_wait3A_393 = tpu.memref_slice %arg9[%dma_wait3A_388, %dma_wait3A_391, %dma_wait3A_392] : memref<4x64x128xf32, #tpu.memory_space<vmem>> -> memref<1x64x128xf32, #tpu.memory_space<vmem>>
    %dma_wait3A_394 = tpu.memref_squeeze %dma_wait3A_393 : memref<1x64x128xf32, #tpu.memory_space<vmem>> -> memref<64x128xf32, #tpu.memory_space<vmem>>
    %dma_wait3A_395 = arith.constant 0 : i32
    %dma_wait3A_396 = tpu.memref_slice %arg8[%dma_wait3A_389, %dma_wait3A_395] : memref<40x64xi32, #tpu.memory_space<vmem>> -> memref<1x64xi32, #tpu.memory_space<vmem>>
    %dma_wait3A_397 = tpu.memref_squeeze %dma_wait3A_396 : memref<1x64xi32, #tpu.memory_space<vmem>> -> memref<64xi32, #tpu.memory_space<vmem>>
    %dma_wait3A_398 = arith.constant 0 : i32
    %dma_wait3A_399 = arith.constant 0 : i32
    %dma_wait3A_400 = tpu.memref_slice %arg10[%dma_wait3A_398, %dma_wait3A_399] : memref<10240x128xf32, #tpu.memory_space<vmem_shared>> -> memref<10240x128xf32, #tpu.memory_space<vmem_shared>>
    %dma_wait3A_401 = tpu.memref_slice %arg12[%dma_wait3A_390] : memref<4x!tpu.dma_semaphore, #tpu.memory_space<semaphore_mem>> -> memref<1x!tpu.dma_semaphore, #tpu.memory_space<semaphore_mem>>
    %dma_wait3A_402 = tpu.memref_squeeze %dma_wait3A_401 : memref<1x!tpu.dma_semaphore, #tpu.memory_space<semaphore_mem>> -> memref<!tpu.dma_semaphore, #tpu.memory_space<semaphore_mem>>
    tpu.wait_indirect_dma semaphore(%dma_wait3A_402 : memref<!tpu.dma_semaphore, #tpu.memory_space<semaphore_mem>>) src(%dma_wait3A_394 : memref<64x128xf32, #tpu.memory_space<vmem>>) dst(%dma_wait3A_400 : memref<10240x128xf32, #tpu.memory_space<vmem_shared>>)
    %dma_wait3A_403 = arith.constant 1 : i32
    %dma_wait3A_404 = arith.constant 0 : i32
    %dma_wait3A_405 = arith.constant 1 : i32
    %dma_wait3A_406 = arith.constant 0 : i32
    %dma_wait3A_407 = arith.constant 0 : i32
    %dma_wait3A_408 = tpu.memref_slice %arg9[%dma_wait3A_403, %dma_wait3A_406, %dma_wait3A_407] : memref<4x64x128xf32, #tpu.memory_space<vmem>> -> memref<1x64x128xf32, #tpu.memory_space<vmem>>
    %dma_wait3A_409 = tpu.memref_squeeze %dma_wait3A_408 : memref<1x64x128xf32, #tpu.memory_space<vmem>> -> memref<64x128xf32, #tpu.memory_space<vmem>>
    %dma_wait3A_410 = arith.constant 0 : i32
    %dma_wait3A_411 = tpu.memref_slice %arg8[%dma_wait3A_404, %dma_wait3A_410] : memref<40x64xi32, #tpu.memory_space<vmem>> -> memref<1x64xi32, #tpu.memory_space<vmem>>
    %dma_wait3A_412 = tpu.memref_squeeze %dma_wait3A_411 : memref<1x64xi32, #tpu.memory_space<vmem>> -> memref<64xi32, #tpu.memory_space<vmem>>
    %dma_wait3A_413 = arith.constant 0 : i32
    %dma_wait3A_414 = arith.constant 0 : i32
    %dma_wait3A_415 = tpu.memref_slice %arg10[%dma_wait3A_413, %dma_wait3A_414] : memref<10240x128xf32, #tpu.memory_space<vmem_shared>> -> memref<10240x128xf32, #tpu.memory_space<vmem_shared>>
    %dma_wait3A_416 = tpu.memref_slice %arg12[%dma_wait3A_405] : memref<4x!tpu.dma_semaphore, #tpu.memory_space<semaphore_mem>> -> memref<1x!tpu.dma_semaphore, #tpu.memory_space<semaphore_mem>>
    %dma_wait3A_417 = tpu.memref_squeeze %dma_wait3A_416 : memref<1x!tpu.dma_semaphore, #tpu.memory_space<semaphore_mem>> -> memref<!tpu.dma_semaphore, #tpu.memory_space<semaphore_mem>>
    tpu.wait_indirect_dma semaphore(%dma_wait3A_417 : memref<!tpu.dma_semaphore, #tpu.memory_space<semaphore_mem>>) src(%dma_wait3A_409 : memref<64x128xf32, #tpu.memory_space<vmem>>) dst(%dma_wait3A_415 : memref<10240x128xf32, #tpu.memory_space<vmem_shared>>)
    %dma_wait3A_418 = arith.constant 2 : i32
    %dma_wait3A_419 = arith.constant 0 : i32
    %dma_wait3A_420 = arith.constant 2 : i32
    %dma_wait3A_421 = arith.constant 0 : i32
    %dma_wait3A_422 = arith.constant 0 : i32
    %dma_wait3A_423 = tpu.memref_slice %arg9[%dma_wait3A_418, %dma_wait3A_421, %dma_wait3A_422] : memref<4x64x128xf32, #tpu.memory_space<vmem>> -> memref<1x64x128xf32, #tpu.memory_space<vmem>>
    %dma_wait3A_424 = tpu.memref_squeeze %dma_wait3A_423 : memref<1x64x128xf32, #tpu.memory_space<vmem>> -> memref<64x128xf32, #tpu.memory_space<vmem>>
    %dma_wait3A_425 = arith.constant 0 : i32
    %dma_wait3A_426 = tpu.memref_slice %arg8[%dma_wait3A_419, %dma_wait3A_425] : memref<40x64xi32, #tpu.memory_space<vmem>> -> memref<1x64xi32, #tpu.memory_space<vmem>>
    %dma_wait3A_427 = tpu.memref_squeeze %dma_wait3A_426 : memref<1x64xi32, #tpu.memory_space<vmem>> -> memref<64xi32, #tpu.memory_space<vmem>>
    %dma_wait3A_428 = arith.constant 0 : i32
    %dma_wait3A_429 = arith.constant 0 : i32
    %dma_wait3A_430 = tpu.memref_slice %arg10[%dma_wait3A_428, %dma_wait3A_429] : memref<10240x128xf32, #tpu.memory_space<vmem_shared>> -> memref<10240x128xf32, #tpu.memory_space<vmem_shared>>
    %dma_wait3A_431 = tpu.memref_slice %arg12[%dma_wait3A_420] : memref<4x!tpu.dma_semaphore, #tpu.memory_space<semaphore_mem>> -> memref<1x!tpu.dma_semaphore, #tpu.memory_space<semaphore_mem>>
    %dma_wait3A_432 = tpu.memref_squeeze %dma_wait3A_431 : memref<1x!tpu.dma_semaphore, #tpu.memory_space<semaphore_mem>> -> memref<!tpu.dma_semaphore, #tpu.memory_space<semaphore_mem>>
    tpu.wait_indirect_dma semaphore(%dma_wait3A_432 : memref<!tpu.dma_semaphore, #tpu.memory_space<semaphore_mem>>) src(%dma_wait3A_424 : memref<64x128xf32, #tpu.memory_space<vmem>>) dst(%dma_wait3A_430 : memref<10240x128xf32, #tpu.memory_space<vmem_shared>>)
    %dma_wait3A_433 = arith.constant 3 : i32
    %dma_wait3A_434 = arith.constant 0 : i32
    %dma_wait3A_435 = arith.constant 3 : i32
    %dma_wait3A_436 = arith.constant 0 : i32
    %dma_wait3A_437 = arith.constant 0 : i32
    %dma_wait3A_438 = tpu.memref_slice %arg9[%dma_wait3A_433, %dma_wait3A_436, %dma_wait3A_437] : memref<4x64x128xf32, #tpu.memory_space<vmem>> -> memref<1x64x128xf32, #tpu.memory_space<vmem>>
    %dma_wait3A_439 = tpu.memref_squeeze %dma_wait3A_438 : memref<1x64x128xf32, #tpu.memory_space<vmem>> -> memref<64x128xf32, #tpu.memory_space<vmem>>
    %dma_wait3A_440 = arith.constant 0 : i32
    %dma_wait3A_441 = tpu.memref_slice %arg8[%dma_wait3A_434, %dma_wait3A_440] : memref<40x64xi32, #tpu.memory_space<vmem>> -> memref<1x64xi32, #tpu.memory_space<vmem>>
    %dma_wait3A_442 = tpu.memref_squeeze %dma_wait3A_441 : memref<1x64xi32, #tpu.memory_space<vmem>> -> memref<64xi32, #tpu.memory_space<vmem>>
    %dma_wait3A_443 = arith.constant 0 : i32
    %dma_wait3A_444 = arith.constant 0 : i32
    %dma_wait3A_445 = tpu.memref_slice %arg10[%dma_wait3A_443, %dma_wait3A_444] : memref<10240x128xf32, #tpu.memory_space<vmem_shared>> -> memref<10240x128xf32, #tpu.memory_space<vmem_shared>>
    %dma_wait3A_446 = tpu.memref_slice %arg12[%dma_wait3A_435] : memref<4x!tpu.dma_semaphore, #tpu.memory_space<semaphore_mem>> -> memref<1x!tpu.dma_semaphore, #tpu.memory_space<semaphore_mem>>
    %dma_wait3A_447 = tpu.memref_squeeze %dma_wait3A_446 : memref<1x!tpu.dma_semaphore, #tpu.memory_space<semaphore_mem>> -> memref<!tpu.dma_semaphore, #tpu.memory_space<semaphore_mem>>
    tpu.wait_indirect_dma semaphore(%dma_wait3A_447 : memref<!tpu.dma_semaphore, #tpu.memory_space<semaphore_mem>>) src(%dma_wait3A_439 : memref<64x128xf32, #tpu.memory_space<vmem>>) dst(%dma_wait3A_445 : memref<10240x128xf32, #tpu.memory_space<vmem_shared>>)
    %barrier3A_448 = arith.constant 0 : index
    tpu.barrier barrier_id(%barrier3A_448)
    %mul3A_449 = arith.constant 640 : i32
    %mul3A_450 = arith.muli %arg1, %mul3A_449 : i32
    %mul3A_451 = arith.constant 640 : i32
    %mul3A_452 = arith.muli %arg1, %mul3A_451 : i32
    "tpu.region"() ({
      %run_scoped3A = tpu.sem_alloc : memref<!tpu.dma_semaphore, #tpu.memory_space<semaphore_mem>>
      %dma_start3A_453 = arith.constant 0 : i32
      %dma_start3A_454 = tpu.memref_slice %arg6[%arg0, %mul3A_452, %dma_start3A_453] : memref<2x10240x128xf32, #tpu.memory_space<hbm>> -> memref<1x640x128xf32, #tpu.memory_space<hbm>>
      %dma_start3A_455 = tpu.memref_squeeze %dma_start3A_454 : memref<1x640x128xf32, #tpu.memory_space<hbm>> -> memref<640x128xf32, #tpu.memory_space<hbm>>
      %dma_start3A_456 = arith.constant 0 : i32
      %dma_start3A_457 = tpu.memref_slice %arg10[%mul3A_450, %dma_start3A_456] : memref<10240x128xf32, #tpu.memory_space<vmem_shared>> -> memref<640x128xf32, #tpu.memory_space<vmem_shared>>
      tpu.enqueue_dma source(%dma_start3A_457 : memref<640x128xf32, #tpu.memory_space<vmem_shared>>) target(%dma_start3A_455 : memref<640x128xf32, #tpu.memory_space<hbm>>) target_semaphore(%run_scoped3A : memref<!tpu.dma_semaphore, #tpu.memory_space<semaphore_mem>>)
      %dma_wait3A_458 = arith.constant 0 : i32
      %dma_wait3A_459 = tpu.memref_slice %arg6[%arg0, %mul3A_452, %dma_wait3A_458] : memref<2x10240x128xf32, #tpu.memory_space<hbm>> -> memref<1x640x128xf32, #tpu.memory_space<hbm>>
      %dma_wait3A_460 = tpu.memref_squeeze %dma_wait3A_459 : memref<1x640x128xf32, #tpu.memory_space<hbm>> -> memref<640x128xf32, #tpu.memory_space<hbm>>
      %dma_wait3A_461 = arith.constant 0 : i32
      %dma_wait3A_462 = tpu.memref_slice %arg10[%mul3A_450, %dma_wait3A_461] : memref<10240x128xf32, #tpu.memory_space<vmem_shared>> -> memref<640x128xf32, #tpu.memory_space<vmem_shared>>
      tpu.wait_dma2 semaphore(%run_scoped3A : memref<!tpu.dma_semaphore, #tpu.memory_space<semaphore_mem>>) src(%dma_wait3A_462 : memref<640x128xf32, #tpu.memory_space<vmem_shared>>) dst(%dma_wait3A_460 : memref<640x128xf32, #tpu.memory_space<hbm>>)
      tpu.yield
    }) : () -> ()
    return
  }
}

#map = affine_map<(d0, d1) -> (0, 0)>
#map1 = affine_map<(d0, d1) -> (0, 0, 0)>
module attributes {stable_mosaic.version = 14 : i64} {
  func.func @_agg_body(%arg0: i32, %arg1: i32, %arg2: memref<10000x128xf32, #tpu.memory_space<hbm>>, %arg3: memref<32x160x64xi32, #tpu.memory_space<hbm>>, %arg4: memref<32x160x64xi32, #tpu.memory_space<hbm>>, %arg5: memref<640x128xf32, #tpu.memory_space<hbm>>, %arg6: memref<2x10240x128xf32, #tpu.memory_space<hbm>>, %arg7: memref<40x64xi32, #tpu.memory_space<vmem>>, %arg8: memref<40x64xi32, #tpu.memory_space<vmem>>, %arg9: memref<4x64x128xf32, #tpu.memory_space<vmem>>, %arg10: memref<10240x128xf32, #tpu.memory_space<vmem_shared>>, %arg11: memref<4x!tpu.dma_semaphore, #tpu.memory_space<semaphore_mem>>, %arg12: memref<4x!tpu.dma_semaphore, #tpu.memory_space<semaphore_mem>>) attributes {dimension_semantics = [#tpu.dimension_semantics<core_parallel>, #tpu.dimension_semantics<subcore_parallel>], iteration_bounds = array<i64: 2, 16>, scalar_prefetch = 0 : i64, scratch_operands = 6 : i64, tpu.core_type = #tpu.core_type<sc_vector_subcore>, window_params = [{transform_indices = #map}, {transform_indices = #map1}, {transform_indices = #map1}, {transform_indices = #map}, {transform_indices = #map1}]} {
    %mul3A = arith.constant 2 : i32
    %mul3A_0 = arith.muli %arg1, %mul3A : i32
    %add3A = arith.addi %mul3A_0, %arg0 : i32
    %mul3A_1 = arith.constant 640 : i32
    %mul3A_2 = arith.muli %arg1, %mul3A_1 : i32
    "tpu.region"() ({
      %run_scoped3A = tpu.sem_alloc : memref<!tpu.dma_semaphore, #tpu.memory_space<semaphore_mem>>
      %dma_start3A_453 = arith.constant 0 : i32
      %dma_start3A_454 = tpu.memref_slice %arg10[%mul3A_2, %dma_start3A_453] : memref<10240x128xf32, #tpu.memory_space<vmem_shared>> -> memref<640x128xf32, #tpu.memory_space<vmem_shared>>
      tpu.enqueue_dma source(%arg5 : memref<640x128xf32, #tpu.memory_space<hbm>>) target(%dma_start3A_454 : memref<640x128xf32, #tpu.memory_space<vmem_shared>>) target_semaphore(%run_scoped3A : memref<!tpu.dma_semaphore, #tpu.memory_space<semaphore_mem>>)
      %dma_wait3A_455 = arith.constant 0 : i32
      %dma_wait3A_456 = tpu.memref_slice %arg10[%mul3A_2, %dma_wait3A_455] : memref<10240x128xf32, #tpu.memory_space<vmem_shared>> -> memref<640x128xf32, #tpu.memory_space<vmem_shared>>
      tpu.wait_dma2 semaphore(%run_scoped3A : memref<!tpu.dma_semaphore, #tpu.memory_space<semaphore_mem>>) src(%arg5 : memref<640x128xf32, #tpu.memory_space<hbm>>) dst(%dma_wait3A_456 : memref<640x128xf32, #tpu.memory_space<vmem_shared>>)
      tpu.yield
    }) : () -> ()
    "tpu.region"() ({
      %run_scoped3A = tpu.sem_alloc : memref<!tpu.dma_semaphore, #tpu.memory_space<semaphore_mem>>
      %dma_start3A_453 = arith.constant 0 : i32
      %dma_start3A_454 = arith.constant 0 : i32
      %dma_start3A_455 = tpu.memref_slice %arg3[%add3A, %dma_start3A_453, %dma_start3A_454] : memref<32x160x64xi32, #tpu.memory_space<hbm>> -> memref<1x40x64xi32, #tpu.memory_space<hbm>>
      %dma_start3A_456 = tpu.memref_squeeze %dma_start3A_455 : memref<1x40x64xi32, #tpu.memory_space<hbm>> -> memref<40x64xi32, #tpu.memory_space<hbm>>
      %dma_start3A_457 = arith.constant 0 : i32
      %dma_start3A_458 = arith.constant 0 : i32
      %dma_start3A_459 = tpu.memref_slice %arg3[%add3A, %dma_start3A_457, %dma_start3A_458] : memref<32x160x64xi32, #tpu.memory_space<hbm>> -> memref<1x40x64xi32, #tpu.memory_space<hbm>>
      %dma_start3A_460 = tpu.memref_squeeze %dma_start3A_459 : memref<1x40x64xi32, #tpu.memory_space<hbm>> -> memref<40x64xi32, #tpu.memory_space<hbm>>
      tpu.enqueue_dma source(%dma_start3A_460 : memref<40x64xi32, #tpu.memory_space<hbm>>) target(%arg7 : memref<40x64xi32, #tpu.memory_space<vmem>>) target_semaphore(%run_scoped3A : memref<!tpu.dma_semaphore, #tpu.memory_space<semaphore_mem>>)
      %dma_wait3A_461 = arith.constant 0 : i32
      %dma_wait3A_462 = arith.constant 0 : i32
      %dma_wait3A_463 = tpu.memref_slice %arg3[%add3A, %dma_wait3A_461, %dma_wait3A_462] : memref<32x160x64xi32, #tpu.memory_space<hbm>> -> memref<1x40x64xi32, #tpu.memory_space<hbm>>
      %dma_wait3A_464 = tpu.memref_squeeze %dma_wait3A_463 : memref<1x40x64xi32, #tpu.memory_space<hbm>> -> memref<40x64xi32, #tpu.memory_space<hbm>>
      %dma_wait3A_465 = arith.constant 0 : i32
      %dma_wait3A_466 = arith.constant 0 : i32
      %dma_wait3A_467 = tpu.memref_slice %arg3[%add3A, %dma_wait3A_465, %dma_wait3A_466] : memref<32x160x64xi32, #tpu.memory_space<hbm>> -> memref<1x40x64xi32, #tpu.memory_space<hbm>>
      %dma_wait3A_468 = tpu.memref_squeeze %dma_wait3A_467 : memref<1x40x64xi32, #tpu.memory_space<hbm>> -> memref<40x64xi32, #tpu.memory_space<hbm>>
      tpu.wait_dma2 semaphore(%run_scoped3A : memref<!tpu.dma_semaphore, #tpu.memory_space<semaphore_mem>>) src(%dma_wait3A_468 : memref<40x64xi32, #tpu.memory_space<hbm>>) dst(%arg7 : memref<40x64xi32, #tpu.memory_space<vmem>>)
      tpu.yield
    }) : () -> ()
    "tpu.region"() ({
      %run_scoped3A = tpu.sem_alloc : memref<!tpu.dma_semaphore, #tpu.memory_space<semaphore_mem>>
      %dma_start3A_453 = arith.constant 0 : i32
      %dma_start3A_454 = arith.constant 0 : i32
      %dma_start3A_455 = tpu.memref_slice %arg4[%add3A, %dma_start3A_453, %dma_start3A_454] : memref<32x160x64xi32, #tpu.memory_space<hbm>> -> memref<1x40x64xi32, #tpu.memory_space<hbm>>
      %dma_start3A_456 = tpu.memref_squeeze %dma_start3A_455 : memref<1x40x64xi32, #tpu.memory_space<hbm>> -> memref<40x64xi32, #tpu.memory_space<hbm>>
      %dma_start3A_457 = arith.constant 0 : i32
      %dma_start3A_458 = arith.constant 0 : i32
      %dma_start3A_459 = tpu.memref_slice %arg4[%add3A, %dma_start3A_457, %dma_start3A_458] : memref<32x160x64xi32, #tpu.memory_space<hbm>> -> memref<1x40x64xi32, #tpu.memory_space<hbm>>
      %dma_start3A_460 = tpu.memref_squeeze %dma_start3A_459 : memref<1x40x64xi32, #tpu.memory_space<hbm>> -> memref<40x64xi32, #tpu.memory_space<hbm>>
      tpu.enqueue_dma source(%dma_start3A_460 : memref<40x64xi32, #tpu.memory_space<hbm>>) target(%arg8 : memref<40x64xi32, #tpu.memory_space<vmem>>) target_semaphore(%run_scoped3A : memref<!tpu.dma_semaphore, #tpu.memory_space<semaphore_mem>>)
      %dma_wait3A_461 = arith.constant 0 : i32
      %dma_wait3A_462 = arith.constant 0 : i32
      %dma_wait3A_463 = tpu.memref_slice %arg4[%add3A, %dma_wait3A_461, %dma_wait3A_462] : memref<32x160x64xi32, #tpu.memory_space<hbm>> -> memref<1x40x64xi32, #tpu.memory_space<hbm>>
      %dma_wait3A_464 = tpu.memref_squeeze %dma_wait3A_463 : memref<1x40x64xi32, #tpu.memory_space<hbm>> -> memref<40x64xi32, #tpu.memory_space<hbm>>
      %dma_wait3A_465 = arith.constant 0 : i32
      %dma_wait3A_466 = arith.constant 0 : i32
      %dma_wait3A_467 = tpu.memref_slice %arg4[%add3A, %dma_wait3A_465, %dma_wait3A_466] : memref<32x160x64xi32, #tpu.memory_space<hbm>> -> memref<1x40x64xi32, #tpu.memory_space<hbm>>
      %dma_wait3A_468 = tpu.memref_squeeze %dma_wait3A_467 : memref<1x40x64xi32, #tpu.memory_space<hbm>> -> memref<40x64xi32, #tpu.memory_space<hbm>>
      tpu.wait_dma2 semaphore(%run_scoped3A : memref<!tpu.dma_semaphore, #tpu.memory_space<semaphore_mem>>) src(%dma_wait3A_468 : memref<40x64xi32, #tpu.memory_space<hbm>>) dst(%arg8 : memref<40x64xi32, #tpu.memory_space<vmem>>)
      tpu.yield
    }) : () -> ()
    %barrier3A = arith.constant 0 : index
    tpu.barrier barrier_id(%barrier3A)
    %dma_start3A = arith.constant 0 : i32
    %dma_start3A_3 = arith.constant 0 : i32
    %dma_start3A_4 = arith.constant 0 : i32
    %dma_start3A_5 = arith.constant 0 : i32
    %dma_start3A_6 = arith.constant 0 : i32
    %dma_start3A_7 = tpu.memref_slice %arg9[%dma_start3A_3, %dma_start3A_5, %dma_start3A_6] : memref<4x64x128xf32, #tpu.memory_space<vmem>> -> memref<1x64x128xf32, #tpu.memory_space<vmem>>
    %dma_start3A_8 = tpu.memref_squeeze %dma_start3A_7 : memref<1x64x128xf32, #tpu.memory_space<vmem>> -> memref<64x128xf32, #tpu.memory_space<vmem>>
    %dma_start3A_9 = arith.constant 0 : i32
    %dma_start3A_10 = tpu.memref_slice %arg7[%dma_start3A, %dma_start3A_9] : memref<40x64xi32, #tpu.memory_space<vmem>> -> memref<1x64xi32, #tpu.memory_space<vmem>>
    %dma_start3A_11 = tpu.memref_squeeze %dma_start3A_10 : memref<1x64xi32, #tpu.memory_space<vmem>> -> memref<64xi32, #tpu.memory_space<vmem>>
    %dma_start3A_12 = arith.constant 0 : i32
    %dma_start3A_13 = arith.constant 0 : i32
    %dma_start3A_14 = tpu.memref_slice %arg2[%dma_start3A_12, %dma_start3A_13] : memref<10000x128xf32, #tpu.memory_space<hbm>> -> memref<10000x128xf32, #tpu.memory_space<hbm>>
    %dma_start3A_15 = tpu.memref_slice %arg11[%dma_start3A_4] : memref<4x!tpu.dma_semaphore, #tpu.memory_space<semaphore_mem>> -> memref<1x!tpu.dma_semaphore, #tpu.memory_space<semaphore_mem>>
    %dma_start3A_16 = tpu.memref_squeeze %dma_start3A_15 : memref<1x!tpu.dma_semaphore, #tpu.memory_space<semaphore_mem>> -> memref<!tpu.dma_semaphore, #tpu.memory_space<semaphore_mem>>
    tpu.enqueue_indirect_dma source(%dma_start3A_14 : memref<10000x128xf32, #tpu.memory_space<hbm>>) target(%dma_start3A_8 : memref<64x128xf32, #tpu.memory_space<vmem>>) offsets(%dma_start3A_11 : memref<64xi32, #tpu.memory_space<vmem>>) semaphore(%dma_start3A_16 : memref<!tpu.dma_semaphore, #tpu.memory_space<semaphore_mem>>)
    %dma_start3A_17 = arith.constant 1 : i32
    %dma_start3A_18 = arith.constant 1 : i32
    %dma_start3A_19 = arith.constant 1 : i32
    %dma_start3A_20 = arith.constant 0 : i32
    %dma_start3A_21 = arith.constant 0 : i32
    %dma_start3A_22 = tpu.memref_slice %arg9[%dma_start3A_18, %dma_start3A_20, %dma_start3A_21] : memref<4x64x128xf32, #tpu.memory_space<vmem>> -> memref<1x64x128xf32, #tpu.memory_space<vmem>>
    %dma_start3A_23 = tpu.memref_squeeze %dma_start3A_22 : memref<1x64x128xf32, #tpu.memory_space<vmem>> -> memref<64x128xf32, #tpu.memory_space<vmem>>
    %dma_start3A_24 = arith.constant 0 : i32
    %dma_start3A_25 = tpu.memref_slice %arg7[%dma_start3A_17, %dma_start3A_24] : memref<40x64xi32, #tpu.memory_space<vmem>> -> memref<1x64xi32, #tpu.memory_space<vmem>>
    %dma_start3A_26 = tpu.memref_squeeze %dma_start3A_25 : memref<1x64xi32, #tpu.memory_space<vmem>> -> memref<64xi32, #tpu.memory_space<vmem>>
    %dma_start3A_27 = arith.constant 0 : i32
    %dma_start3A_28 = arith.constant 0 : i32
    %dma_start3A_29 = tpu.memref_slice %arg2[%dma_start3A_27, %dma_start3A_28] : memref<10000x128xf32, #tpu.memory_space<hbm>> -> memref<10000x128xf32, #tpu.memory_space<hbm>>
    %dma_start3A_30 = tpu.memref_slice %arg11[%dma_start3A_19] : memref<4x!tpu.dma_semaphore, #tpu.memory_space<semaphore_mem>> -> memref<1x!tpu.dma_semaphore, #tpu.memory_space<semaphore_mem>>
    %dma_start3A_31 = tpu.memref_squeeze %dma_start3A_30 : memref<1x!tpu.dma_semaphore, #tpu.memory_space<semaphore_mem>> -> memref<!tpu.dma_semaphore, #tpu.memory_space<semaphore_mem>>
    tpu.enqueue_indirect_dma source(%dma_start3A_29 : memref<10000x128xf32, #tpu.memory_space<hbm>>) target(%dma_start3A_23 : memref<64x128xf32, #tpu.memory_space<vmem>>) offsets(%dma_start3A_26 : memref<64xi32, #tpu.memory_space<vmem>>) semaphore(%dma_start3A_31 : memref<!tpu.dma_semaphore, #tpu.memory_space<semaphore_mem>>)
    %dma_start3A_32 = arith.constant 2 : i32
    %dma_start3A_33 = arith.constant 2 : i32
    %dma_start3A_34 = arith.constant 2 : i32
    %dma_start3A_35 = arith.constant 0 : i32
    %dma_start3A_36 = arith.constant 0 : i32
    %dma_start3A_37 = tpu.memref_slice %arg9[%dma_start3A_33, %dma_start3A_35, %dma_start3A_36] : memref<4x64x128xf32, #tpu.memory_space<vmem>> -> memref<1x64x128xf32, #tpu.memory_space<vmem>>
    %dma_start3A_38 = tpu.memref_squeeze %dma_start3A_37 : memref<1x64x128xf32, #tpu.memory_space<vmem>> -> memref<64x128xf32, #tpu.memory_space<vmem>>
    %dma_start3A_39 = arith.constant 0 : i32
    %dma_start3A_40 = tpu.memref_slice %arg7[%dma_start3A_32, %dma_start3A_39] : memref<40x64xi32, #tpu.memory_space<vmem>> -> memref<1x64xi32, #tpu.memory_space<vmem>>
    %dma_start3A_41 = tpu.memref_squeeze %dma_start3A_40 : memref<1x64xi32, #tpu.memory_space<vmem>> -> memref<64xi32, #tpu.memory_space<vmem>>
    %dma_start3A_42 = arith.constant 0 : i32
    %dma_start3A_43 = arith.constant 0 : i32
    %dma_start3A_44 = tpu.memref_slice %arg2[%dma_start3A_42, %dma_start3A_43] : memref<10000x128xf32, #tpu.memory_space<hbm>> -> memref<10000x128xf32, #tpu.memory_space<hbm>>
    %dma_start3A_45 = tpu.memref_slice %arg11[%dma_start3A_34] : memref<4x!tpu.dma_semaphore, #tpu.memory_space<semaphore_mem>> -> memref<1x!tpu.dma_semaphore, #tpu.memory_space<semaphore_mem>>
    %dma_start3A_46 = tpu.memref_squeeze %dma_start3A_45 : memref<1x!tpu.dma_semaphore, #tpu.memory_space<semaphore_mem>> -> memref<!tpu.dma_semaphore, #tpu.memory_space<semaphore_mem>>
    tpu.enqueue_indirect_dma source(%dma_start3A_44 : memref<10000x128xf32, #tpu.memory_space<hbm>>) target(%dma_start3A_38 : memref<64x128xf32, #tpu.memory_space<vmem>>) offsets(%dma_start3A_41 : memref<64xi32, #tpu.memory_space<vmem>>) semaphore(%dma_start3A_46 : memref<!tpu.dma_semaphore, #tpu.memory_space<semaphore_mem>>)
    %scan3A = arith.constant 0 : i32
    %scan3A_47 = arith.constant 0 : i32
    %scan3A_48 = arith.constant 40 : i32
    %scan3A_49 = arith.addi %scan3A_47, %scan3A_48 : i32
    %scan3A_50 = arith.constant 1 : i32
    %scan3A_51 = scf.for %scan3A_453 = %scan3A_47 to %scan3A_49 step %scan3A_50 iter_args(%scan3A_454 = %scan3A) -> (i32)  : i32 {
      %rem3A = arith.constant 4 : i32
      %rem3A_455 = arith.remsi %scan3A_453, %rem3A : i32
      %dma_wait3A_456 = arith.constant 0 : i32
      %dma_wait3A_457 = arith.constant 0 : i32
      %dma_wait3A_458 = tpu.memref_slice %arg9[%rem3A_455, %dma_wait3A_456, %dma_wait3A_457] : memref<4x64x128xf32, #tpu.memory_space<vmem>> -> memref<1x64x128xf32, #tpu.memory_space<vmem>>
      %dma_wait3A_459 = tpu.memref_squeeze %dma_wait3A_458 : memref<1x64x128xf32, #tpu.memory_space<vmem>> -> memref<64x128xf32, #tpu.memory_space<vmem>>
      %dma_wait3A_460 = arith.constant 0 : i32
      %dma_wait3A_461 = tpu.memref_slice %arg7[%scan3A_453, %dma_wait3A_460] : memref<40x64xi32, #tpu.memory_space<vmem>> -> memref<1x64xi32, #tpu.memory_space<vmem>>
      %dma_wait3A_462 = tpu.memref_squeeze %dma_wait3A_461 : memref<1x64xi32, #tpu.memory_space<vmem>> -> memref<64xi32, #tpu.memory_space<vmem>>
      %dma_wait3A_463 = arith.constant 0 : i32
      %dma_wait3A_464 = arith.constant 0 : i32
      %dma_wait3A_465 = tpu.memref_slice %arg2[%dma_wait3A_463, %dma_wait3A_464] : memref<10000x128xf32, #tpu.memory_space<hbm>> -> memref<10000x128xf32, #tpu.memory_space<hbm>>
      %dma_wait3A_466 = tpu.memref_slice %arg11[%rem3A_455] : memref<4x!tpu.dma_semaphore, #tpu.memory_space<semaphore_mem>> -> memref<1x!tpu.dma_semaphore, #tpu.memory_space<semaphore_mem>>
      %dma_wait3A_467 = tpu.memref_squeeze %dma_wait3A_466 : memref<1x!tpu.dma_semaphore, #tpu.memory_space<semaphore_mem>> -> memref<!tpu.dma_semaphore, #tpu.memory_space<semaphore_mem>>
      tpu.wait_indirect_dma semaphore(%dma_wait3A_467 : memref<!tpu.dma_semaphore, #tpu.memory_space<semaphore_mem>>) src(%dma_wait3A_465 : memref<10000x128xf32, #tpu.memory_space<hbm>>) dst(%dma_wait3A_459 : memref<64x128xf32, #tpu.memory_space<vmem>>)
      %dma_start3A_468 = arith.constant 0 : i32
      %dma_start3A_469 = arith.constant 0 : i32
      %dma_start3A_470 = tpu.memref_slice %arg9[%rem3A_455, %dma_start3A_468, %dma_start3A_469] : memref<4x64x128xf32, #tpu.memory_space<vmem>> -> memref<1x64x128xf32, #tpu.memory_space<vmem>>
      %dma_start3A_471 = tpu.memref_squeeze %dma_start3A_470 : memref<1x64x128xf32, #tpu.memory_space<vmem>> -> memref<64x128xf32, #tpu.memory_space<vmem>>
      %dma_start3A_472 = arith.constant 0 : i32
      %dma_start3A_473 = tpu.memref_slice %arg8[%scan3A_453, %dma_start3A_472] : memref<40x64xi32, #tpu.memory_space<vmem>> -> memref<1x64xi32, #tpu.memory_space<vmem>>
      %dma_start3A_474 = tpu.memref_squeeze %dma_start3A_473 : memref<1x64xi32, #tpu.memory_space<vmem>> -> memref<64xi32, #tpu.memory_space<vmem>>
      %dma_start3A_475 = arith.constant 0 : i32
      %dma_start3A_476 = arith.constant 0 : i32
      %dma_start3A_477 = tpu.memref_slice %arg10[%dma_start3A_475, %dma_start3A_476] : memref<10240x128xf32, #tpu.memory_space<vmem_shared>> -> memref<10240x128xf32, #tpu.memory_space<vmem_shared>>
      %dma_start3A_478 = tpu.memref_slice %arg12[%rem3A_455] : memref<4x!tpu.dma_semaphore, #tpu.memory_space<semaphore_mem>> -> memref<1x!tpu.dma_semaphore, #tpu.memory_space<semaphore_mem>>
      %dma_start3A_479 = tpu.memref_squeeze %dma_start3A_478 : memref<1x!tpu.dma_semaphore, #tpu.memory_space<semaphore_mem>> -> memref<!tpu.dma_semaphore, #tpu.memory_space<semaphore_mem>>
      tpu.enqueue_indirect_dma source(%dma_start3A_471 : memref<64x128xf32, #tpu.memory_space<vmem>>) target(%dma_start3A_477 : memref<10240x128xf32, #tpu.memory_space<vmem_shared>>) offsets(%dma_start3A_474 : memref<64xi32, #tpu.memory_space<vmem>>) semaphore(%dma_start3A_479 : memref<!tpu.dma_semaphore, #tpu.memory_space<semaphore_mem>>) {add = true}
      %add3A_480 = arith.constant 4 : i32
      %add3A_481 = arith.addi %scan3A_453, %add3A_480 : i32
      %sub3A = arith.constant 1 : i32
      %sub3A_482 = arith.subi %add3A_481, %sub3A : i32
      %lt3A = arith.constant 40 : i32
      %lt3A_483 = arith.cmpi slt, %sub3A_482, %lt3A : i32
      %convert_element_type3A = arith.extui %lt3A_483 : i1 to i32
      %cond3A = arith.constant 0 : i32
      %cond3A_484 = arith.cmpi ne, %convert_element_type3A, %cond3A : i32
      scf.if %cond3A_484 {
        %add3A_486 = arith.constant 4 : i32
        %add3A_487 = arith.addi %scan3A_453, %add3A_486 : i32
        %sub3A_488 = arith.constant 1 : i32
        %sub3A_489 = arith.subi %add3A_487, %sub3A_488 : i32
        %rem3A_490 = arith.constant 4 : i32
        %rem3A_491 = arith.remsi %sub3A_489, %rem3A_490 : i32
        %ge3A = arith.constant 1 : i32
        %ge3A_492 = arith.cmpi sge, %scan3A_453, %ge3A : i32
        %convert_element_type3A_493 = arith.extui %ge3A_492 : i1 to i32
        %cond3A_494 = arith.constant 0 : i32
        %cond3A_495 = arith.cmpi ne, %convert_element_type3A_493, %cond3A_494 : i32
        scf.if %cond3A_495 {
          %sub3A_512 = arith.constant 1 : i32
          %sub3A_513 = arith.subi %scan3A_453, %sub3A_512 : i32
          %dma_wait3A_514 = arith.constant 0 : i32
          %dma_wait3A_515 = arith.constant 0 : i32
          %dma_wait3A_516 = tpu.memref_slice %arg9[%rem3A_491, %dma_wait3A_514, %dma_wait3A_515] : memref<4x64x128xf32, #tpu.memory_space<vmem>> -> memref<1x64x128xf32, #tpu.memory_space<vmem>>
          %dma_wait3A_517 = tpu.memref_squeeze %dma_wait3A_516 : memref<1x64x128xf32, #tpu.memory_space<vmem>> -> memref<64x128xf32, #tpu.memory_space<vmem>>
          %dma_wait3A_518 = arith.constant 0 : i32
          %dma_wait3A_519 = tpu.memref_slice %arg8[%sub3A_513, %dma_wait3A_518] : memref<40x64xi32, #tpu.memory_space<vmem>> -> memref<1x64xi32, #tpu.memory_space<vmem>>
          %dma_wait3A_520 = tpu.memref_squeeze %dma_wait3A_519 : memref<1x64xi32, #tpu.memory_space<vmem>> -> memref<64xi32, #tpu.memory_space<vmem>>
          %dma_wait3A_521 = arith.constant 0 : i32
          %dma_wait3A_522 = arith.constant 0 : i32
          %dma_wait3A_523 = tpu.memref_slice %arg10[%dma_wait3A_521, %dma_wait3A_522] : memref<10240x128xf32, #tpu.memory_space<vmem_shared>> -> memref<10240x128xf32, #tpu.memory_space<vmem_shared>>
          %dma_wait3A_524 = tpu.memref_slice %arg12[%rem3A_491] : memref<4x!tpu.dma_semaphore, #tpu.memory_space<semaphore_mem>> -> memref<1x!tpu.dma_semaphore, #tpu.memory_space<semaphore_mem>>
          %dma_wait3A_525 = tpu.memref_squeeze %dma_wait3A_524 : memref<1x!tpu.dma_semaphore, #tpu.memory_space<semaphore_mem>> -> memref<!tpu.dma_semaphore, #tpu.memory_space<semaphore_mem>>
          tpu.wait_indirect_dma semaphore(%dma_wait3A_525 : memref<!tpu.dma_semaphore, #tpu.memory_space<semaphore_mem>>) src(%dma_wait3A_517 : memref<64x128xf32, #tpu.memory_space<vmem>>) dst(%dma_wait3A_523 : memref<10240x128xf32, #tpu.memory_space<vmem_shared>>)
        } else {
        }
        %add3A_496 = arith.constant 4 : i32
        %add3A_497 = arith.addi %scan3A_453, %add3A_496 : i32
        %sub3A_498 = arith.constant 1 : i32
        %sub3A_499 = arith.subi %add3A_497, %sub3A_498 : i32
        %dma_start3A_500 = arith.constant 0 : i32
        %dma_start3A_501 = arith.constant 0 : i32
        %dma_start3A_502 = tpu.memref_slice %arg9[%rem3A_491, %dma_start3A_500, %dma_start3A_501] : memref<4x64x128xf32, #tpu.memory_space<vmem>> -> memref<1x64x128xf32, #tpu.memory_space<vmem>>
        %dma_start3A_503 = tpu.memref_squeeze %dma_start3A_502 : memref<1x64x128xf32, #tpu.memory_space<vmem>> -> memref<64x128xf32, #tpu.memory_space<vmem>>
        %dma_start3A_504 = arith.constant 0 : i32
        %dma_start3A_505 = tpu.memref_slice %arg7[%sub3A_499, %dma_start3A_504] : memref<40x64xi32, #tpu.memory_space<vmem>> -> memref<1x64xi32, #tpu.memory_space<vmem>>
        %dma_start3A_506 = tpu.memref_squeeze %dma_start3A_505 : memref<1x64xi32, #tpu.memory_space<vmem>> -> memref<64xi32, #tpu.memory_space<vmem>>
        %dma_start3A_507 = arith.constant 0 : i32
        %dma_start3A_508 = arith.constant 0 : i32
        %dma_start3A_509 = tpu.memref_slice %arg2[%dma_start3A_507, %dma_start3A_508] : memref<10000x128xf32, #tpu.memory_space<hbm>> -> memref<10000x128xf32, #tpu.memory_space<hbm>>
        %dma_start3A_510 = tpu.memref_slice %arg11[%rem3A_491] : memref<4x!tpu.dma_semaphore, #tpu.memory_space<semaphore_mem>> -> memref<1x!tpu.dma_semaphore, #tpu.memory_space<semaphore_mem>>
        %dma_start3A_511 = tpu.memref_squeeze %dma_start3A_510 : memref<1x!tpu.dma_semaphore, #tpu.memory_space<semaphore_mem>> -> memref<!tpu.dma_semaphore, #tpu.memory_space<semaphore_mem>>
        tpu.enqueue_indirect_dma source(%dma_start3A_509 : memref<10000x128xf32, #tpu.memory_space<hbm>>) target(%dma_start3A_503 : memref<64x128xf32, #tpu.memory_space<vmem>>) offsets(%dma_start3A_506 : memref<64xi32, #tpu.memory_space<vmem>>) semaphore(%dma_start3A_511 : memref<!tpu.dma_semaphore, #tpu.memory_space<semaphore_mem>>)
      } else {
      }
      %scan3A_485 = arith.constant 0 : i32
      scf.yield %scan3A_485 : i32
    }
    %scan3A_52 = arith.constant 40 : i32
    %dma_wait3A = arith.constant 0 : i32
    %dma_wait3A_53 = arith.constant 0 : i32
    %dma_wait3A_54 = arith.constant 0 : i32
    %dma_wait3A_55 = arith.constant 0 : i32
    %dma_wait3A_56 = arith.constant 0 : i32
    %dma_wait3A_57 = tpu.memref_slice %arg9[%dma_wait3A, %dma_wait3A_55, %dma_wait3A_56] : memref<4x64x128xf32, #tpu.memory_space<vmem>> -> memref<1x64x128xf32, #tpu.memory_space<vmem>>
    %dma_wait3A_58 = tpu.memref_squeeze %dma_wait3A_57 : memref<1x64x128xf32, #tpu.memory_space<vmem>> -> memref<64x128xf32, #tpu.memory_space<vmem>>
    %dma_wait3A_59 = arith.constant 0 : i32
    %dma_wait3A_60 = tpu.memref_slice %arg8[%dma_wait3A_53, %dma_wait3A_59] : memref<40x64xi32, #tpu.memory_space<vmem>> -> memref<1x64xi32, #tpu.memory_space<vmem>>
    %dma_wait3A_61 = tpu.memref_squeeze %dma_wait3A_60 : memref<1x64xi32, #tpu.memory_space<vmem>> -> memref<64xi32, #tpu.memory_space<vmem>>
    %dma_wait3A_62 = arith.constant 0 : i32
    %dma_wait3A_63 = arith.constant 0 : i32
    %dma_wait3A_64 = tpu.memref_slice %arg10[%dma_wait3A_62, %dma_wait3A_63] : memref<10240x128xf32, #tpu.memory_space<vmem_shared>> -> memref<10240x128xf32, #tpu.memory_space<vmem_shared>>
    %dma_wait3A_65 = tpu.memref_slice %arg12[%dma_wait3A_54] : memref<4x!tpu.dma_semaphore, #tpu.memory_space<semaphore_mem>> -> memref<1x!tpu.dma_semaphore, #tpu.memory_space<semaphore_mem>>
    %dma_wait3A_66 = tpu.memref_squeeze %dma_wait3A_65 : memref<1x!tpu.dma_semaphore, #tpu.memory_space<semaphore_mem>> -> memref<!tpu.dma_semaphore, #tpu.memory_space<semaphore_mem>>
    tpu.wait_indirect_dma semaphore(%dma_wait3A_66 : memref<!tpu.dma_semaphore, #tpu.memory_space<semaphore_mem>>) src(%dma_wait3A_58 : memref<64x128xf32, #tpu.memory_space<vmem>>) dst(%dma_wait3A_64 : memref<10240x128xf32, #tpu.memory_space<vmem_shared>>)
    %dma_wait3A_67 = arith.constant 1 : i32
    %dma_wait3A_68 = arith.constant 0 : i32
    %dma_wait3A_69 = arith.constant 1 : i32
    %dma_wait3A_70 = arith.constant 0 : i32
    %dma_wait3A_71 = arith.constant 0 : i32
    %dma_wait3A_72 = tpu.memref_slice %arg9[%dma_wait3A_67, %dma_wait3A_70, %dma_wait3A_71] : memref<4x64x128xf32, #tpu.memory_space<vmem>> -> memref<1x64x128xf32, #tpu.memory_space<vmem>>
    %dma_wait3A_73 = tpu.memref_squeeze %dma_wait3A_72 : memref<1x64x128xf32, #tpu.memory_space<vmem>> -> memref<64x128xf32, #tpu.memory_space<vmem>>
    %dma_wait3A_74 = arith.constant 0 : i32
    %dma_wait3A_75 = tpu.memref_slice %arg8[%dma_wait3A_68, %dma_wait3A_74] : memref<40x64xi32, #tpu.memory_space<vmem>> -> memref<1x64xi32, #tpu.memory_space<vmem>>
    %dma_wait3A_76 = tpu.memref_squeeze %dma_wait3A_75 : memref<1x64xi32, #tpu.memory_space<vmem>> -> memref<64xi32, #tpu.memory_space<vmem>>
    %dma_wait3A_77 = arith.constant 0 : i32
    %dma_wait3A_78 = arith.constant 0 : i32
    %dma_wait3A_79 = tpu.memref_slice %arg10[%dma_wait3A_77, %dma_wait3A_78] : memref<10240x128xf32, #tpu.memory_space<vmem_shared>> -> memref<10240x128xf32, #tpu.memory_space<vmem_shared>>
    %dma_wait3A_80 = tpu.memref_slice %arg12[%dma_wait3A_69] : memref<4x!tpu.dma_semaphore, #tpu.memory_space<semaphore_mem>> -> memref<1x!tpu.dma_semaphore, #tpu.memory_space<semaphore_mem>>
    %dma_wait3A_81 = tpu.memref_squeeze %dma_wait3A_80 : memref<1x!tpu.dma_semaphore, #tpu.memory_space<semaphore_mem>> -> memref<!tpu.dma_semaphore, #tpu.memory_space<semaphore_mem>>
    tpu.wait_indirect_dma semaphore(%dma_wait3A_81 : memref<!tpu.dma_semaphore, #tpu.memory_space<semaphore_mem>>) src(%dma_wait3A_73 : memref<64x128xf32, #tpu.memory_space<vmem>>) dst(%dma_wait3A_79 : memref<10240x128xf32, #tpu.memory_space<vmem_shared>>)
    %dma_wait3A_82 = arith.constant 2 : i32
    %dma_wait3A_83 = arith.constant 0 : i32
    %dma_wait3A_84 = arith.constant 2 : i32
    %dma_wait3A_85 = arith.constant 0 : i32
    %dma_wait3A_86 = arith.constant 0 : i32
    %dma_wait3A_87 = tpu.memref_slice %arg9[%dma_wait3A_82, %dma_wait3A_85, %dma_wait3A_86] : memref<4x64x128xf32, #tpu.memory_space<vmem>> -> memref<1x64x128xf32, #tpu.memory_space<vmem>>
    %dma_wait3A_88 = tpu.memref_squeeze %dma_wait3A_87 : memref<1x64x128xf32, #tpu.memory_space<vmem>> -> memref<64x128xf32, #tpu.memory_space<vmem>>
    %dma_wait3A_89 = arith.constant 0 : i32
    %dma_wait3A_90 = tpu.memref_slice %arg8[%dma_wait3A_83, %dma_wait3A_89] : memref<40x64xi32, #tpu.memory_space<vmem>> -> memref<1x64xi32, #tpu.memory_space<vmem>>
    %dma_wait3A_91 = tpu.memref_squeeze %dma_wait3A_90 : memref<1x64xi32, #tpu.memory_space<vmem>> -> memref<64xi32, #tpu.memory_space<vmem>>
    %dma_wait3A_92 = arith.constant 0 : i32
    %dma_wait3A_93 = arith.constant 0 : i32
    %dma_wait3A_94 = tpu.memref_slice %arg10[%dma_wait3A_92, %dma_wait3A_93] : memref<10240x128xf32, #tpu.memory_space<vmem_shared>> -> memref<10240x128xf32, #tpu.memory_space<vmem_shared>>
    %dma_wait3A_95 = tpu.memref_slice %arg12[%dma_wait3A_84] : memref<4x!tpu.dma_semaphore, #tpu.memory_space<semaphore_mem>> -> memref<1x!tpu.dma_semaphore, #tpu.memory_space<semaphore_mem>>
    %dma_wait3A_96 = tpu.memref_squeeze %dma_wait3A_95 : memref<1x!tpu.dma_semaphore, #tpu.memory_space<semaphore_mem>> -> memref<!tpu.dma_semaphore, #tpu.memory_space<semaphore_mem>>
    tpu.wait_indirect_dma semaphore(%dma_wait3A_96 : memref<!tpu.dma_semaphore, #tpu.memory_space<semaphore_mem>>) src(%dma_wait3A_88 : memref<64x128xf32, #tpu.memory_space<vmem>>) dst(%dma_wait3A_94 : memref<10240x128xf32, #tpu.memory_space<vmem_shared>>)
    %dma_wait3A_97 = arith.constant 3 : i32
    %dma_wait3A_98 = arith.constant 0 : i32
    %dma_wait3A_99 = arith.constant 3 : i32
    %dma_wait3A_100 = arith.constant 0 : i32
    %dma_wait3A_101 = arith.constant 0 : i32
    %dma_wait3A_102 = tpu.memref_slice %arg9[%dma_wait3A_97, %dma_wait3A_100, %dma_wait3A_101] : memref<4x64x128xf32, #tpu.memory_space<vmem>> -> memref<1x64x128xf32, #tpu.memory_space<vmem>>
    %dma_wait3A_103 = tpu.memref_squeeze %dma_wait3A_102 : memref<1x64x128xf32, #tpu.memory_space<vmem>> -> memref<64x128xf32, #tpu.memory_space<vmem>>
    %dma_wait3A_104 = arith.constant 0 : i32
    %dma_wait3A_105 = tpu.memref_slice %arg8[%dma_wait3A_98, %dma_wait3A_104] : memref<40x64xi32, #tpu.memory_space<vmem>> -> memref<1x64xi32, #tpu.memory_space<vmem>>
    %dma_wait3A_106 = tpu.memref_squeeze %dma_wait3A_105 : memref<1x64xi32, #tpu.memory_space<vmem>> -> memref<64xi32, #tpu.memory_space<vmem>>
    %dma_wait3A_107 = arith.constant 0 : i32
    %dma_wait3A_108 = arith.constant 0 : i32
    %dma_wait3A_109 = tpu.memref_slice %arg10[%dma_wait3A_107, %dma_wait3A_108] : memref<10240x128xf32, #tpu.memory_space<vmem_shared>> -> memref<10240x128xf32, #tpu.memory_space<vmem_shared>>
    %dma_wait3A_110 = tpu.memref_slice %arg12[%dma_wait3A_99] : memref<4x!tpu.dma_semaphore, #tpu.memory_space<semaphore_mem>> -> memref<1x!tpu.dma_semaphore, #tpu.memory_space<semaphore_mem>>
    %dma_wait3A_111 = tpu.memref_squeeze %dma_wait3A_110 : memref<1x!tpu.dma_semaphore, #tpu.memory_space<semaphore_mem>> -> memref<!tpu.dma_semaphore, #tpu.memory_space<semaphore_mem>>
    tpu.wait_indirect_dma semaphore(%dma_wait3A_111 : memref<!tpu.dma_semaphore, #tpu.memory_space<semaphore_mem>>) src(%dma_wait3A_103 : memref<64x128xf32, #tpu.memory_space<vmem>>) dst(%dma_wait3A_109 : memref<10240x128xf32, #tpu.memory_space<vmem_shared>>)
    "tpu.region"() ({
      %run_scoped3A = tpu.sem_alloc : memref<!tpu.dma_semaphore, #tpu.memory_space<semaphore_mem>>
      %dma_start3A_453 = arith.constant 40 : i32
      %dma_start3A_454 = arith.constant 0 : i32
      %dma_start3A_455 = tpu.memref_slice %arg3[%add3A, %dma_start3A_453, %dma_start3A_454] : memref<32x160x64xi32, #tpu.memory_space<hbm>> -> memref<1x40x64xi32, #tpu.memory_space<hbm>>
      %dma_start3A_456 = tpu.memref_squeeze %dma_start3A_455 : memref<1x40x64xi32, #tpu.memory_space<hbm>> -> memref<40x64xi32, #tpu.memory_space<hbm>>
      %dma_start3A_457 = arith.constant 40 : i32
      %dma_start3A_458 = arith.constant 0 : i32
      %dma_start3A_459 = tpu.memref_slice %arg3[%add3A, %dma_start3A_457, %dma_start3A_458] : memref<32x160x64xi32, #tpu.memory_space<hbm>> -> memref<1x40x64xi32, #tpu.memory_space<hbm>>
      %dma_start3A_460 = tpu.memref_squeeze %dma_start3A_459 : memref<1x40x64xi32, #tpu.memory_space<hbm>> -> memref<40x64xi32, #tpu.memory_space<hbm>>
      tpu.enqueue_dma source(%dma_start3A_460 : memref<40x64xi32, #tpu.memory_space<hbm>>) target(%arg7 : memref<40x64xi32, #tpu.memory_space<vmem>>) target_semaphore(%run_scoped3A : memref<!tpu.dma_semaphore, #tpu.memory_space<semaphore_mem>>)
      %dma_wait3A_461 = arith.constant 40 : i32
      %dma_wait3A_462 = arith.constant 0 : i32
      %dma_wait3A_463 = tpu.memref_slice %arg3[%add3A, %dma_wait3A_461, %dma_wait3A_462] : memref<32x160x64xi32, #tpu.memory_space<hbm>> -> memref<1x40x64xi32, #tpu.memory_space<hbm>>
      %dma_wait3A_464 = tpu.memref_squeeze %dma_wait3A_463 : memref<1x40x64xi32, #tpu.memory_space<hbm>> -> memref<40x64xi32, #tpu.memory_space<hbm>>
      %dma_wait3A_465 = arith.constant 40 : i32
      %dma_wait3A_466 = arith.constant 0 : i32
      %dma_wait3A_467 = tpu.memref_slice %arg3[%add3A, %dma_wait3A_465, %dma_wait3A_466] : memref<32x160x64xi32, #tpu.memory_space<hbm>> -> memref<1x40x64xi32, #tpu.memory_space<hbm>>
      %dma_wait3A_468 = tpu.memref_squeeze %dma_wait3A_467 : memref<1x40x64xi32, #tpu.memory_space<hbm>> -> memref<40x64xi32, #tpu.memory_space<hbm>>
      tpu.wait_dma2 semaphore(%run_scoped3A : memref<!tpu.dma_semaphore, #tpu.memory_space<semaphore_mem>>) src(%dma_wait3A_468 : memref<40x64xi32, #tpu.memory_space<hbm>>) dst(%arg7 : memref<40x64xi32, #tpu.memory_space<vmem>>)
      tpu.yield
    }) : () -> ()
    "tpu.region"() ({
      %run_scoped3A = tpu.sem_alloc : memref<!tpu.dma_semaphore, #tpu.memory_space<semaphore_mem>>
      %dma_start3A_453 = arith.constant 40 : i32
      %dma_start3A_454 = arith.constant 0 : i32
      %dma_start3A_455 = tpu.memref_slice %arg4[%add3A, %dma_start3A_453, %dma_start3A_454] : memref<32x160x64xi32, #tpu.memory_space<hbm>> -> memref<1x40x64xi32, #tpu.memory_space<hbm>>
      %dma_start3A_456 = tpu.memref_squeeze %dma_start3A_455 : memref<1x40x64xi32, #tpu.memory_space<hbm>> -> memref<40x64xi32, #tpu.memory_space<hbm>>
      %dma_start3A_457 = arith.constant 40 : i32
      %dma_start3A_458 = arith.constant 0 : i32
      %dma_start3A_459 = tpu.memref_slice %arg4[%add3A, %dma_start3A_457, %dma_start3A_458] : memref<32x160x64xi32, #tpu.memory_space<hbm>> -> memref<1x40x64xi32, #tpu.memory_space<hbm>>
      %dma_start3A_460 = tpu.memref_squeeze %dma_start3A_459 : memref<1x40x64xi32, #tpu.memory_space<hbm>> -> memref<40x64xi32, #tpu.memory_space<hbm>>
      tpu.enqueue_dma source(%dma_start3A_460 : memref<40x64xi32, #tpu.memory_space<hbm>>) target(%arg8 : memref<40x64xi32, #tpu.memory_space<vmem>>) target_semaphore(%run_scoped3A : memref<!tpu.dma_semaphore, #tpu.memory_space<semaphore_mem>>)
      %dma_wait3A_461 = arith.constant 40 : i32
      %dma_wait3A_462 = arith.constant 0 : i32
      %dma_wait3A_463 = tpu.memref_slice %arg4[%add3A, %dma_wait3A_461, %dma_wait3A_462] : memref<32x160x64xi32, #tpu.memory_space<hbm>> -> memref<1x40x64xi32, #tpu.memory_space<hbm>>
      %dma_wait3A_464 = tpu.memref_squeeze %dma_wait3A_463 : memref<1x40x64xi32, #tpu.memory_space<hbm>> -> memref<40x64xi32, #tpu.memory_space<hbm>>
      %dma_wait3A_465 = arith.constant 40 : i32
      %dma_wait3A_466 = arith.constant 0 : i32
      %dma_wait3A_467 = tpu.memref_slice %arg4[%add3A, %dma_wait3A_465, %dma_wait3A_466] : memref<32x160x64xi32, #tpu.memory_space<hbm>> -> memref<1x40x64xi32, #tpu.memory_space<hbm>>
      %dma_wait3A_468 = tpu.memref_squeeze %dma_wait3A_467 : memref<1x40x64xi32, #tpu.memory_space<hbm>> -> memref<40x64xi32, #tpu.memory_space<hbm>>
      tpu.wait_dma2 semaphore(%run_scoped3A : memref<!tpu.dma_semaphore, #tpu.memory_space<semaphore_mem>>) src(%dma_wait3A_468 : memref<40x64xi32, #tpu.memory_space<hbm>>) dst(%arg8 : memref<40x64xi32, #tpu.memory_space<vmem>>)
      tpu.yield
    }) : () -> ()
    %dma_start3A_112 = arith.constant 0 : i32
    %dma_start3A_113 = arith.constant 0 : i32
    %dma_start3A_114 = arith.constant 0 : i32
    %dma_start3A_115 = arith.constant 0 : i32
    %dma_start3A_116 = arith.constant 0 : i32
    %dma_start3A_117 = tpu.memref_slice %arg9[%dma_start3A_113, %dma_start3A_115, %dma_start3A_116] : memref<4x64x128xf32, #tpu.memory_space<vmem>> -> memref<1x64x128xf32, #tpu.memory_space<vmem>>
    %dma_start3A_118 = tpu.memref_squeeze %dma_start3A_117 : memref<1x64x128xf32, #tpu.memory_space<vmem>> -> memref<64x128xf32, #tpu.memory_space<vmem>>
    %dma_start3A_119 = arith.constant 0 : i32
    %dma_start3A_120 = tpu.memref_slice %arg7[%dma_start3A_112, %dma_start3A_119] : memref<40x64xi32, #tpu.memory_space<vmem>> -> memref<1x64xi32, #tpu.memory_space<vmem>>
    %dma_start3A_121 = tpu.memref_squeeze %dma_start3A_120 : memref<1x64xi32, #tpu.memory_space<vmem>> -> memref<64xi32, #tpu.memory_space<vmem>>
    %dma_start3A_122 = arith.constant 0 : i32
    %dma_start3A_123 = arith.constant 0 : i32
    %dma_start3A_124 = tpu.memref_slice %arg2[%dma_start3A_122, %dma_start3A_123] : memref<10000x128xf32, #tpu.memory_space<hbm>> -> memref<10000x128xf32, #tpu.memory_space<hbm>>
    %dma_start3A_125 = tpu.memref_slice %arg11[%dma_start3A_114] : memref<4x!tpu.dma_semaphore, #tpu.memory_space<semaphore_mem>> -> memref<1x!tpu.dma_semaphore, #tpu.memory_space<semaphore_mem>>
    %dma_start3A_126 = tpu.memref_squeeze %dma_start3A_125 : memref<1x!tpu.dma_semaphore, #tpu.memory_space<semaphore_mem>> -> memref<!tpu.dma_semaphore, #tpu.memory_space<semaphore_mem>>
    tpu.enqueue_indirect_dma source(%dma_start3A_124 : memref<10000x128xf32, #tpu.memory_space<hbm>>) target(%dma_start3A_118 : memref<64x128xf32, #tpu.memory_space<vmem>>) offsets(%dma_start3A_121 : memref<64xi32, #tpu.memory_space<vmem>>) semaphore(%dma_start3A_126 : memref<!tpu.dma_semaphore, #tpu.memory_space<semaphore_mem>>)
    %dma_start3A_127 = arith.constant 1 : i32
    %dma_start3A_128 = arith.constant 1 : i32
    %dma_start3A_129 = arith.constant 1 : i32
    %dma_start3A_130 = arith.constant 0 : i32
    %dma_start3A_131 = arith.constant 0 : i32
    %dma_start3A_132 = tpu.memref_slice %arg9[%dma_start3A_128, %dma_start3A_130, %dma_start3A_131] : memref<4x64x128xf32, #tpu.memory_space<vmem>> -> memref<1x64x128xf32, #tpu.memory_space<vmem>>
    %dma_start3A_133 = tpu.memref_squeeze %dma_start3A_132 : memref<1x64x128xf32, #tpu.memory_space<vmem>> -> memref<64x128xf32, #tpu.memory_space<vmem>>
    %dma_start3A_134 = arith.constant 0 : i32
    %dma_start3A_135 = tpu.memref_slice %arg7[%dma_start3A_127, %dma_start3A_134] : memref<40x64xi32, #tpu.memory_space<vmem>> -> memref<1x64xi32, #tpu.memory_space<vmem>>
    %dma_start3A_136 = tpu.memref_squeeze %dma_start3A_135 : memref<1x64xi32, #tpu.memory_space<vmem>> -> memref<64xi32, #tpu.memory_space<vmem>>
    %dma_start3A_137 = arith.constant 0 : i32
    %dma_start3A_138 = arith.constant 0 : i32
    %dma_start3A_139 = tpu.memref_slice %arg2[%dma_start3A_137, %dma_start3A_138] : memref<10000x128xf32, #tpu.memory_space<hbm>> -> memref<10000x128xf32, #tpu.memory_space<hbm>>
    %dma_start3A_140 = tpu.memref_slice %arg11[%dma_start3A_129] : memref<4x!tpu.dma_semaphore, #tpu.memory_space<semaphore_mem>> -> memref<1x!tpu.dma_semaphore, #tpu.memory_space<semaphore_mem>>
    %dma_start3A_141 = tpu.memref_squeeze %dma_start3A_140 : memref<1x!tpu.dma_semaphore, #tpu.memory_space<semaphore_mem>> -> memref<!tpu.dma_semaphore, #tpu.memory_space<semaphore_mem>>
    tpu.enqueue_indirect_dma source(%dma_start3A_139 : memref<10000x128xf32, #tpu.memory_space<hbm>>) target(%dma_start3A_133 : memref<64x128xf32, #tpu.memory_space<vmem>>) offsets(%dma_start3A_136 : memref<64xi32, #tpu.memory_space<vmem>>) semaphore(%dma_start3A_141 : memref<!tpu.dma_semaphore, #tpu.memory_space<semaphore_mem>>)
    %dma_start3A_142 = arith.constant 2 : i32
    %dma_start3A_143 = arith.constant 2 : i32
    %dma_start3A_144 = arith.constant 2 : i32
    %dma_start3A_145 = arith.constant 0 : i32
    %dma_start3A_146 = arith.constant 0 : i32
    %dma_start3A_147 = tpu.memref_slice %arg9[%dma_start3A_143, %dma_start3A_145, %dma_start3A_146] : memref<4x64x128xf32, #tpu.memory_space<vmem>> -> memref<1x64x128xf32, #tpu.memory_space<vmem>>
    %dma_start3A_148 = tpu.memref_squeeze %dma_start3A_147 : memref<1x64x128xf32, #tpu.memory_space<vmem>> -> memref<64x128xf32, #tpu.memory_space<vmem>>
    %dma_start3A_149 = arith.constant 0 : i32
    %dma_start3A_150 = tpu.memref_slice %arg7[%dma_start3A_142, %dma_start3A_149] : memref<40x64xi32, #tpu.memory_space<vmem>> -> memref<1x64xi32, #tpu.memory_space<vmem>>
    %dma_start3A_151 = tpu.memref_squeeze %dma_start3A_150 : memref<1x64xi32, #tpu.memory_space<vmem>> -> memref<64xi32, #tpu.memory_space<vmem>>
    %dma_start3A_152 = arith.constant 0 : i32
    %dma_start3A_153 = arith.constant 0 : i32
    %dma_start3A_154 = tpu.memref_slice %arg2[%dma_start3A_152, %dma_start3A_153] : memref<10000x128xf32, #tpu.memory_space<hbm>> -> memref<10000x128xf32, #tpu.memory_space<hbm>>
    %dma_start3A_155 = tpu.memref_slice %arg11[%dma_start3A_144] : memref<4x!tpu.dma_semaphore, #tpu.memory_space<semaphore_mem>> -> memref<1x!tpu.dma_semaphore, #tpu.memory_space<semaphore_mem>>
    %dma_start3A_156 = tpu.memref_squeeze %dma_start3A_155 : memref<1x!tpu.dma_semaphore, #tpu.memory_space<semaphore_mem>> -> memref<!tpu.dma_semaphore, #tpu.memory_space<semaphore_mem>>
    tpu.enqueue_indirect_dma source(%dma_start3A_154 : memref<10000x128xf32, #tpu.memory_space<hbm>>) target(%dma_start3A_148 : memref<64x128xf32, #tpu.memory_space<vmem>>) offsets(%dma_start3A_151 : memref<64xi32, #tpu.memory_space<vmem>>) semaphore(%dma_start3A_156 : memref<!tpu.dma_semaphore, #tpu.memory_space<semaphore_mem>>)
    %scan3A_157 = arith.constant 0 : i32
    %scan3A_158 = arith.constant 0 : i32
    %scan3A_159 = arith.constant 40 : i32
    %scan3A_160 = arith.addi %scan3A_158, %scan3A_159 : i32
    %scan3A_161 = arith.constant 1 : i32
    %scan3A_162 = scf.for %scan3A_453 = %scan3A_158 to %scan3A_160 step %scan3A_161 iter_args(%scan3A_454 = %scan3A_157) -> (i32)  : i32 {
      %rem3A = arith.constant 4 : i32
      %rem3A_455 = arith.remsi %scan3A_453, %rem3A : i32
      %dma_wait3A_456 = arith.constant 0 : i32
      %dma_wait3A_457 = arith.constant 0 : i32
      %dma_wait3A_458 = tpu.memref_slice %arg9[%rem3A_455, %dma_wait3A_456, %dma_wait3A_457] : memref<4x64x128xf32, #tpu.memory_space<vmem>> -> memref<1x64x128xf32, #tpu.memory_space<vmem>>
      %dma_wait3A_459 = tpu.memref_squeeze %dma_wait3A_458 : memref<1x64x128xf32, #tpu.memory_space<vmem>> -> memref<64x128xf32, #tpu.memory_space<vmem>>
      %dma_wait3A_460 = arith.constant 0 : i32
      %dma_wait3A_461 = tpu.memref_slice %arg7[%scan3A_453, %dma_wait3A_460] : memref<40x64xi32, #tpu.memory_space<vmem>> -> memref<1x64xi32, #tpu.memory_space<vmem>>
      %dma_wait3A_462 = tpu.memref_squeeze %dma_wait3A_461 : memref<1x64xi32, #tpu.memory_space<vmem>> -> memref<64xi32, #tpu.memory_space<vmem>>
      %dma_wait3A_463 = arith.constant 0 : i32
      %dma_wait3A_464 = arith.constant 0 : i32
      %dma_wait3A_465 = tpu.memref_slice %arg2[%dma_wait3A_463, %dma_wait3A_464] : memref<10000x128xf32, #tpu.memory_space<hbm>> -> memref<10000x128xf32, #tpu.memory_space<hbm>>
      %dma_wait3A_466 = tpu.memref_slice %arg11[%rem3A_455] : memref<4x!tpu.dma_semaphore, #tpu.memory_space<semaphore_mem>> -> memref<1x!tpu.dma_semaphore, #tpu.memory_space<semaphore_mem>>
      %dma_wait3A_467 = tpu.memref_squeeze %dma_wait3A_466 : memref<1x!tpu.dma_semaphore, #tpu.memory_space<semaphore_mem>> -> memref<!tpu.dma_semaphore, #tpu.memory_space<semaphore_mem>>
      tpu.wait_indirect_dma semaphore(%dma_wait3A_467 : memref<!tpu.dma_semaphore, #tpu.memory_space<semaphore_mem>>) src(%dma_wait3A_465 : memref<10000x128xf32, #tpu.memory_space<hbm>>) dst(%dma_wait3A_459 : memref<64x128xf32, #tpu.memory_space<vmem>>)
      %dma_start3A_468 = arith.constant 0 : i32
      %dma_start3A_469 = arith.constant 0 : i32
      %dma_start3A_470 = tpu.memref_slice %arg9[%rem3A_455, %dma_start3A_468, %dma_start3A_469] : memref<4x64x128xf32, #tpu.memory_space<vmem>> -> memref<1x64x128xf32, #tpu.memory_space<vmem>>
      %dma_start3A_471 = tpu.memref_squeeze %dma_start3A_470 : memref<1x64x128xf32, #tpu.memory_space<vmem>> -> memref<64x128xf32, #tpu.memory_space<vmem>>
      %dma_start3A_472 = arith.constant 0 : i32
      %dma_start3A_473 = tpu.memref_slice %arg8[%scan3A_453, %dma_start3A_472] : memref<40x64xi32, #tpu.memory_space<vmem>> -> memref<1x64xi32, #tpu.memory_space<vmem>>
      %dma_start3A_474 = tpu.memref_squeeze %dma_start3A_473 : memref<1x64xi32, #tpu.memory_space<vmem>> -> memref<64xi32, #tpu.memory_space<vmem>>
      %dma_start3A_475 = arith.constant 0 : i32
      %dma_start3A_476 = arith.constant 0 : i32
      %dma_start3A_477 = tpu.memref_slice %arg10[%dma_start3A_475, %dma_start3A_476] : memref<10240x128xf32, #tpu.memory_space<vmem_shared>> -> memref<10240x128xf32, #tpu.memory_space<vmem_shared>>
      %dma_start3A_478 = tpu.memref_slice %arg12[%rem3A_455] : memref<4x!tpu.dma_semaphore, #tpu.memory_space<semaphore_mem>> -> memref<1x!tpu.dma_semaphore, #tpu.memory_space<semaphore_mem>>
      %dma_start3A_479 = tpu.memref_squeeze %dma_start3A_478 : memref<1x!tpu.dma_semaphore, #tpu.memory_space<semaphore_mem>> -> memref<!tpu.dma_semaphore, #tpu.memory_space<semaphore_mem>>
      tpu.enqueue_indirect_dma source(%dma_start3A_471 : memref<64x128xf32, #tpu.memory_space<vmem>>) target(%dma_start3A_477 : memref<10240x128xf32, #tpu.memory_space<vmem_shared>>) offsets(%dma_start3A_474 : memref<64xi32, #tpu.memory_space<vmem>>) semaphore(%dma_start3A_479 : memref<!tpu.dma_semaphore, #tpu.memory_space<semaphore_mem>>) {add = true}
      %add3A_480 = arith.constant 4 : i32
      %add3A_481 = arith.addi %scan3A_453, %add3A_480 : i32
      %sub3A = arith.constant 1 : i32
      %sub3A_482 = arith.subi %add3A_481, %sub3A : i32
      %lt3A = arith.constant 40 : i32
      %lt3A_483 = arith.cmpi slt, %sub3A_482, %lt3A : i32
      %convert_element_type3A = arith.extui %lt3A_483 : i1 to i32
      %cond3A = arith.constant 0 : i32
      %cond3A_484 = arith.cmpi ne, %convert_element_type3A, %cond3A : i32
      scf.if %cond3A_484 {
        %add3A_486 = arith.constant 4 : i32
        %add3A_487 = arith.addi %scan3A_453, %add3A_486 : i32
        %sub3A_488 = arith.constant 1 : i32
        %sub3A_489 = arith.subi %add3A_487, %sub3A_488 : i32
        %rem3A_490 = arith.constant 4 : i32
        %rem3A_491 = arith.remsi %sub3A_489, %rem3A_490 : i32
        %ge3A = arith.constant 1 : i32
        %ge3A_492 = arith.cmpi sge, %scan3A_453, %ge3A : i32
        %convert_element_type3A_493 = arith.extui %ge3A_492 : i1 to i32
        %cond3A_494 = arith.constant 0 : i32
        %cond3A_495 = arith.cmpi ne, %convert_element_type3A_493, %cond3A_494 : i32
        scf.if %cond3A_495 {
          %sub3A_512 = arith.constant 1 : i32
          %sub3A_513 = arith.subi %scan3A_453, %sub3A_512 : i32
          %dma_wait3A_514 = arith.constant 0 : i32
          %dma_wait3A_515 = arith.constant 0 : i32
          %dma_wait3A_516 = tpu.memref_slice %arg9[%rem3A_491, %dma_wait3A_514, %dma_wait3A_515] : memref<4x64x128xf32, #tpu.memory_space<vmem>> -> memref<1x64x128xf32, #tpu.memory_space<vmem>>
          %dma_wait3A_517 = tpu.memref_squeeze %dma_wait3A_516 : memref<1x64x128xf32, #tpu.memory_space<vmem>> -> memref<64x128xf32, #tpu.memory_space<vmem>>
          %dma_wait3A_518 = arith.constant 0 : i32
          %dma_wait3A_519 = tpu.memref_slice %arg8[%sub3A_513, %dma_wait3A_518] : memref<40x64xi32, #tpu.memory_space<vmem>> -> memref<1x64xi32, #tpu.memory_space<vmem>>
          %dma_wait3A_520 = tpu.memref_squeeze %dma_wait3A_519 : memref<1x64xi32, #tpu.memory_space<vmem>> -> memref<64xi32, #tpu.memory_space<vmem>>
          %dma_wait3A_521 = arith.constant 0 : i32
          %dma_wait3A_522 = arith.constant 0 : i32
          %dma_wait3A_523 = tpu.memref_slice %arg10[%dma_wait3A_521, %dma_wait3A_522] : memref<10240x128xf32, #tpu.memory_space<vmem_shared>> -> memref<10240x128xf32, #tpu.memory_space<vmem_shared>>
          %dma_wait3A_524 = tpu.memref_slice %arg12[%rem3A_491] : memref<4x!tpu.dma_semaphore, #tpu.memory_space<semaphore_mem>> -> memref<1x!tpu.dma_semaphore, #tpu.memory_space<semaphore_mem>>
          %dma_wait3A_525 = tpu.memref_squeeze %dma_wait3A_524 : memref<1x!tpu.dma_semaphore, #tpu.memory_space<semaphore_mem>> -> memref<!tpu.dma_semaphore, #tpu.memory_space<semaphore_mem>>
          tpu.wait_indirect_dma semaphore(%dma_wait3A_525 : memref<!tpu.dma_semaphore, #tpu.memory_space<semaphore_mem>>) src(%dma_wait3A_517 : memref<64x128xf32, #tpu.memory_space<vmem>>) dst(%dma_wait3A_523 : memref<10240x128xf32, #tpu.memory_space<vmem_shared>>)
        } else {
        }
        %add3A_496 = arith.constant 4 : i32
        %add3A_497 = arith.addi %scan3A_453, %add3A_496 : i32
        %sub3A_498 = arith.constant 1 : i32
        %sub3A_499 = arith.subi %add3A_497, %sub3A_498 : i32
        %dma_start3A_500 = arith.constant 0 : i32
        %dma_start3A_501 = arith.constant 0 : i32
        %dma_start3A_502 = tpu.memref_slice %arg9[%rem3A_491, %dma_start3A_500, %dma_start3A_501] : memref<4x64x128xf32, #tpu.memory_space<vmem>> -> memref<1x64x128xf32, #tpu.memory_space<vmem>>
        %dma_start3A_503 = tpu.memref_squeeze %dma_start3A_502 : memref<1x64x128xf32, #tpu.memory_space<vmem>> -> memref<64x128xf32, #tpu.memory_space<vmem>>
        %dma_start3A_504 = arith.constant 0 : i32
        %dma_start3A_505 = tpu.memref_slice %arg7[%sub3A_499, %dma_start3A_504] : memref<40x64xi32, #tpu.memory_space<vmem>> -> memref<1x64xi32, #tpu.memory_space<vmem>>
        %dma_start3A_506 = tpu.memref_squeeze %dma_start3A_505 : memref<1x64xi32, #tpu.memory_space<vmem>> -> memref<64xi32, #tpu.memory_space<vmem>>
        %dma_start3A_507 = arith.constant 0 : i32
        %dma_start3A_508 = arith.constant 0 : i32
        %dma_start3A_509 = tpu.memref_slice %arg2[%dma_start3A_507, %dma_start3A_508] : memref<10000x128xf32, #tpu.memory_space<hbm>> -> memref<10000x128xf32, #tpu.memory_space<hbm>>
        %dma_start3A_510 = tpu.memref_slice %arg11[%rem3A_491] : memref<4x!tpu.dma_semaphore, #tpu.memory_space<semaphore_mem>> -> memref<1x!tpu.dma_semaphore, #tpu.memory_space<semaphore_mem>>
        %dma_start3A_511 = tpu.memref_squeeze %dma_start3A_510 : memref<1x!tpu.dma_semaphore, #tpu.memory_space<semaphore_mem>> -> memref<!tpu.dma_semaphore, #tpu.memory_space<semaphore_mem>>
        tpu.enqueue_indirect_dma source(%dma_start3A_509 : memref<10000x128xf32, #tpu.memory_space<hbm>>) target(%dma_start3A_503 : memref<64x128xf32, #tpu.memory_space<vmem>>) offsets(%dma_start3A_506 : memref<64xi32, #tpu.memory_space<vmem>>) semaphore(%dma_start3A_511 : memref<!tpu.dma_semaphore, #tpu.memory_space<semaphore_mem>>)
      } else {
      }
      %scan3A_485 = arith.constant 0 : i32
      scf.yield %scan3A_485 : i32
    }
    %scan3A_163 = arith.constant 40 : i32
    %dma_wait3A_164 = arith.constant 0 : i32
    %dma_wait3A_165 = arith.constant 0 : i32
    %dma_wait3A_166 = arith.constant 0 : i32
    %dma_wait3A_167 = arith.constant 0 : i32
    %dma_wait3A_168 = arith.constant 0 : i32
    %dma_wait3A_169 = tpu.memref_slice %arg9[%dma_wait3A_164, %dma_wait3A_167, %dma_wait3A_168] : memref<4x64x128xf32, #tpu.memory_space<vmem>> -> memref<1x64x128xf32, #tpu.memory_space<vmem>>
    %dma_wait3A_170 = tpu.memref_squeeze %dma_wait3A_169 : memref<1x64x128xf32, #tpu.memory_space<vmem>> -> memref<64x128xf32, #tpu.memory_space<vmem>>
    %dma_wait3A_171 = arith.constant 0 : i32
    %dma_wait3A_172 = tpu.memref_slice %arg8[%dma_wait3A_165, %dma_wait3A_171] : memref<40x64xi32, #tpu.memory_space<vmem>> -> memref<1x64xi32, #tpu.memory_space<vmem>>
    %dma_wait3A_173 = tpu.memref_squeeze %dma_wait3A_172 : memref<1x64xi32, #tpu.memory_space<vmem>> -> memref<64xi32, #tpu.memory_space<vmem>>
    %dma_wait3A_174 = arith.constant 0 : i32
    %dma_wait3A_175 = arith.constant 0 : i32
    %dma_wait3A_176 = tpu.memref_slice %arg10[%dma_wait3A_174, %dma_wait3A_175] : memref<10240x128xf32, #tpu.memory_space<vmem_shared>> -> memref<10240x128xf32, #tpu.memory_space<vmem_shared>>
    %dma_wait3A_177 = tpu.memref_slice %arg12[%dma_wait3A_166] : memref<4x!tpu.dma_semaphore, #tpu.memory_space<semaphore_mem>> -> memref<1x!tpu.dma_semaphore, #tpu.memory_space<semaphore_mem>>
    %dma_wait3A_178 = tpu.memref_squeeze %dma_wait3A_177 : memref<1x!tpu.dma_semaphore, #tpu.memory_space<semaphore_mem>> -> memref<!tpu.dma_semaphore, #tpu.memory_space<semaphore_mem>>
    tpu.wait_indirect_dma semaphore(%dma_wait3A_178 : memref<!tpu.dma_semaphore, #tpu.memory_space<semaphore_mem>>) src(%dma_wait3A_170 : memref<64x128xf32, #tpu.memory_space<vmem>>) dst(%dma_wait3A_176 : memref<10240x128xf32, #tpu.memory_space<vmem_shared>>)
    %dma_wait3A_179 = arith.constant 1 : i32
    %dma_wait3A_180 = arith.constant 0 : i32
    %dma_wait3A_181 = arith.constant 1 : i32
    %dma_wait3A_182 = arith.constant 0 : i32
    %dma_wait3A_183 = arith.constant 0 : i32
    %dma_wait3A_184 = tpu.memref_slice %arg9[%dma_wait3A_179, %dma_wait3A_182, %dma_wait3A_183] : memref<4x64x128xf32, #tpu.memory_space<vmem>> -> memref<1x64x128xf32, #tpu.memory_space<vmem>>
    %dma_wait3A_185 = tpu.memref_squeeze %dma_wait3A_184 : memref<1x64x128xf32, #tpu.memory_space<vmem>> -> memref<64x128xf32, #tpu.memory_space<vmem>>
    %dma_wait3A_186 = arith.constant 0 : i32
    %dma_wait3A_187 = tpu.memref_slice %arg8[%dma_wait3A_180, %dma_wait3A_186] : memref<40x64xi32, #tpu.memory_space<vmem>> -> memref<1x64xi32, #tpu.memory_space<vmem>>
    %dma_wait3A_188 = tpu.memref_squeeze %dma_wait3A_187 : memref<1x64xi32, #tpu.memory_space<vmem>> -> memref<64xi32, #tpu.memory_space<vmem>>
    %dma_wait3A_189 = arith.constant 0 : i32
    %dma_wait3A_190 = arith.constant 0 : i32
    %dma_wait3A_191 = tpu.memref_slice %arg10[%dma_wait3A_189, %dma_wait3A_190] : memref<10240x128xf32, #tpu.memory_space<vmem_shared>> -> memref<10240x128xf32, #tpu.memory_space<vmem_shared>>
    %dma_wait3A_192 = tpu.memref_slice %arg12[%dma_wait3A_181] : memref<4x!tpu.dma_semaphore, #tpu.memory_space<semaphore_mem>> -> memref<1x!tpu.dma_semaphore, #tpu.memory_space<semaphore_mem>>
    %dma_wait3A_193 = tpu.memref_squeeze %dma_wait3A_192 : memref<1x!tpu.dma_semaphore, #tpu.memory_space<semaphore_mem>> -> memref<!tpu.dma_semaphore, #tpu.memory_space<semaphore_mem>>
    tpu.wait_indirect_dma semaphore(%dma_wait3A_193 : memref<!tpu.dma_semaphore, #tpu.memory_space<semaphore_mem>>) src(%dma_wait3A_185 : memref<64x128xf32, #tpu.memory_space<vmem>>) dst(%dma_wait3A_191 : memref<10240x128xf32, #tpu.memory_space<vmem_shared>>)
    %dma_wait3A_194 = arith.constant 2 : i32
    %dma_wait3A_195 = arith.constant 0 : i32
    %dma_wait3A_196 = arith.constant 2 : i32
    %dma_wait3A_197 = arith.constant 0 : i32
    %dma_wait3A_198 = arith.constant 0 : i32
    %dma_wait3A_199 = tpu.memref_slice %arg9[%dma_wait3A_194, %dma_wait3A_197, %dma_wait3A_198] : memref<4x64x128xf32, #tpu.memory_space<vmem>> -> memref<1x64x128xf32, #tpu.memory_space<vmem>>
    %dma_wait3A_200 = tpu.memref_squeeze %dma_wait3A_199 : memref<1x64x128xf32, #tpu.memory_space<vmem>> -> memref<64x128xf32, #tpu.memory_space<vmem>>
    %dma_wait3A_201 = arith.constant 0 : i32
    %dma_wait3A_202 = tpu.memref_slice %arg8[%dma_wait3A_195, %dma_wait3A_201] : memref<40x64xi32, #tpu.memory_space<vmem>> -> memref<1x64xi32, #tpu.memory_space<vmem>>
    %dma_wait3A_203 = tpu.memref_squeeze %dma_wait3A_202 : memref<1x64xi32, #tpu.memory_space<vmem>> -> memref<64xi32, #tpu.memory_space<vmem>>
    %dma_wait3A_204 = arith.constant 0 : i32
    %dma_wait3A_205 = arith.constant 0 : i32
    %dma_wait3A_206 = tpu.memref_slice %arg10[%dma_wait3A_204, %dma_wait3A_205] : memref<10240x128xf32, #tpu.memory_space<vmem_shared>> -> memref<10240x128xf32, #tpu.memory_space<vmem_shared>>
    %dma_wait3A_207 = tpu.memref_slice %arg12[%dma_wait3A_196] : memref<4x!tpu.dma_semaphore, #tpu.memory_space<semaphore_mem>> -> memref<1x!tpu.dma_semaphore, #tpu.memory_space<semaphore_mem>>
    %dma_wait3A_208 = tpu.memref_squeeze %dma_wait3A_207 : memref<1x!tpu.dma_semaphore, #tpu.memory_space<semaphore_mem>> -> memref<!tpu.dma_semaphore, #tpu.memory_space<semaphore_mem>>
    tpu.wait_indirect_dma semaphore(%dma_wait3A_208 : memref<!tpu.dma_semaphore, #tpu.memory_space<semaphore_mem>>) src(%dma_wait3A_200 : memref<64x128xf32, #tpu.memory_space<vmem>>) dst(%dma_wait3A_206 : memref<10240x128xf32, #tpu.memory_space<vmem_shared>>)
    %dma_wait3A_209 = arith.constant 3 : i32
    %dma_wait3A_210 = arith.constant 0 : i32
    %dma_wait3A_211 = arith.constant 3 : i32
    %dma_wait3A_212 = arith.constant 0 : i32
    %dma_wait3A_213 = arith.constant 0 : i32
    %dma_wait3A_214 = tpu.memref_slice %arg9[%dma_wait3A_209, %dma_wait3A_212, %dma_wait3A_213] : memref<4x64x128xf32, #tpu.memory_space<vmem>> -> memref<1x64x128xf32, #tpu.memory_space<vmem>>
    %dma_wait3A_215 = tpu.memref_squeeze %dma_wait3A_214 : memref<1x64x128xf32, #tpu.memory_space<vmem>> -> memref<64x128xf32, #tpu.memory_space<vmem>>
    %dma_wait3A_216 = arith.constant 0 : i32
    %dma_wait3A_217 = tpu.memref_slice %arg8[%dma_wait3A_210, %dma_wait3A_216] : memref<40x64xi32, #tpu.memory_space<vmem>> -> memref<1x64xi32, #tpu.memory_space<vmem>>
    %dma_wait3A_218 = tpu.memref_squeeze %dma_wait3A_217 : memref<1x64xi32, #tpu.memory_space<vmem>> -> memref<64xi32, #tpu.memory_space<vmem>>
    %dma_wait3A_219 = arith.constant 0 : i32
    %dma_wait3A_220 = arith.constant 0 : i32
    %dma_wait3A_221 = tpu.memref_slice %arg10[%dma_wait3A_219, %dma_wait3A_220] : memref<10240x128xf32, #tpu.memory_space<vmem_shared>> -> memref<10240x128xf32, #tpu.memory_space<vmem_shared>>
    %dma_wait3A_222 = tpu.memref_slice %arg12[%dma_wait3A_211] : memref<4x!tpu.dma_semaphore, #tpu.memory_space<semaphore_mem>> -> memref<1x!tpu.dma_semaphore, #tpu.memory_space<semaphore_mem>>
    %dma_wait3A_223 = tpu.memref_squeeze %dma_wait3A_222 : memref<1x!tpu.dma_semaphore, #tpu.memory_space<semaphore_mem>> -> memref<!tpu.dma_semaphore, #tpu.memory_space<semaphore_mem>>
    tpu.wait_indirect_dma semaphore(%dma_wait3A_223 : memref<!tpu.dma_semaphore, #tpu.memory_space<semaphore_mem>>) src(%dma_wait3A_215 : memref<64x128xf32, #tpu.memory_space<vmem>>) dst(%dma_wait3A_221 : memref<10240x128xf32, #tpu.memory_space<vmem_shared>>)
    "tpu.region"() ({
      %run_scoped3A = tpu.sem_alloc : memref<!tpu.dma_semaphore, #tpu.memory_space<semaphore_mem>>
      %dma_start3A_453 = arith.constant 80 : i32
      %dma_start3A_454 = arith.constant 0 : i32
      %dma_start3A_455 = tpu.memref_slice %arg3[%add3A, %dma_start3A_453, %dma_start3A_454] : memref<32x160x64xi32, #tpu.memory_space<hbm>> -> memref<1x40x64xi32, #tpu.memory_space<hbm>>
      %dma_start3A_456 = tpu.memref_squeeze %dma_start3A_455 : memref<1x40x64xi32, #tpu.memory_space<hbm>> -> memref<40x64xi32, #tpu.memory_space<hbm>>
      %dma_start3A_457 = arith.constant 80 : i32
      %dma_start3A_458 = arith.constant 0 : i32
      %dma_start3A_459 = tpu.memref_slice %arg3[%add3A, %dma_start3A_457, %dma_start3A_458] : memref<32x160x64xi32, #tpu.memory_space<hbm>> -> memref<1x40x64xi32, #tpu.memory_space<hbm>>
      %dma_start3A_460 = tpu.memref_squeeze %dma_start3A_459 : memref<1x40x64xi32, #tpu.memory_space<hbm>> -> memref<40x64xi32, #tpu.memory_space<hbm>>
      tpu.enqueue_dma source(%dma_start3A_460 : memref<40x64xi32, #tpu.memory_space<hbm>>) target(%arg7 : memref<40x64xi32, #tpu.memory_space<vmem>>) target_semaphore(%run_scoped3A : memref<!tpu.dma_semaphore, #tpu.memory_space<semaphore_mem>>)
      %dma_wait3A_461 = arith.constant 80 : i32
      %dma_wait3A_462 = arith.constant 0 : i32
      %dma_wait3A_463 = tpu.memref_slice %arg3[%add3A, %dma_wait3A_461, %dma_wait3A_462] : memref<32x160x64xi32, #tpu.memory_space<hbm>> -> memref<1x40x64xi32, #tpu.memory_space<hbm>>
      %dma_wait3A_464 = tpu.memref_squeeze %dma_wait3A_463 : memref<1x40x64xi32, #tpu.memory_space<hbm>> -> memref<40x64xi32, #tpu.memory_space<hbm>>
      %dma_wait3A_465 = arith.constant 80 : i32
      %dma_wait3A_466 = arith.constant 0 : i32
      %dma_wait3A_467 = tpu.memref_slice %arg3[%add3A, %dma_wait3A_465, %dma_wait3A_466] : memref<32x160x64xi32, #tpu.memory_space<hbm>> -> memref<1x40x64xi32, #tpu.memory_space<hbm>>
      %dma_wait3A_468 = tpu.memref_squeeze %dma_wait3A_467 : memref<1x40x64xi32, #tpu.memory_space<hbm>> -> memref<40x64xi32, #tpu.memory_space<hbm>>
      tpu.wait_dma2 semaphore(%run_scoped3A : memref<!tpu.dma_semaphore, #tpu.memory_space<semaphore_mem>>) src(%dma_wait3A_468 : memref<40x64xi32, #tpu.memory_space<hbm>>) dst(%arg7 : memref<40x64xi32, #tpu.memory_space<vmem>>)
      tpu.yield
    }) : () -> ()
    "tpu.region"() ({
      %run_scoped3A = tpu.sem_alloc : memref<!tpu.dma_semaphore, #tpu.memory_space<semaphore_mem>>
      %dma_start3A_453 = arith.constant 80 : i32
      %dma_start3A_454 = arith.constant 0 : i32
      %dma_start3A_455 = tpu.memref_slice %arg4[%add3A, %dma_start3A_453, %dma_start3A_454] : memref<32x160x64xi32, #tpu.memory_space<hbm>> -> memref<1x40x64xi32, #tpu.memory_space<hbm>>
      %dma_start3A_456 = tpu.memref_squeeze %dma_start3A_455 : memref<1x40x64xi32, #tpu.memory_space<hbm>> -> memref<40x64xi32, #tpu.memory_space<hbm>>
      %dma_start3A_457 = arith.constant 80 : i32
      %dma_start3A_458 = arith.constant 0 : i32
      %dma_start3A_459 = tpu.memref_slice %arg4[%add3A, %dma_start3A_457, %dma_start3A_458] : memref<32x160x64xi32, #tpu.memory_space<hbm>> -> memref<1x40x64xi32, #tpu.memory_space<hbm>>
      %dma_start3A_460 = tpu.memref_squeeze %dma_start3A_459 : memref<1x40x64xi32, #tpu.memory_space<hbm>> -> memref<40x64xi32, #tpu.memory_space<hbm>>
      tpu.enqueue_dma source(%dma_start3A_460 : memref<40x64xi32, #tpu.memory_space<hbm>>) target(%arg8 : memref<40x64xi32, #tpu.memory_space<vmem>>) target_semaphore(%run_scoped3A : memref<!tpu.dma_semaphore, #tpu.memory_space<semaphore_mem>>)
      %dma_wait3A_461 = arith.constant 80 : i32
      %dma_wait3A_462 = arith.constant 0 : i32
      %dma_wait3A_463 = tpu.memref_slice %arg4[%add3A, %dma_wait3A_461, %dma_wait3A_462] : memref<32x160x64xi32, #tpu.memory_space<hbm>> -> memref<1x40x64xi32, #tpu.memory_space<hbm>>
      %dma_wait3A_464 = tpu.memref_squeeze %dma_wait3A_463 : memref<1x40x64xi32, #tpu.memory_space<hbm>> -> memref<40x64xi32, #tpu.memory_space<hbm>>
      %dma_wait3A_465 = arith.constant 80 : i32
      %dma_wait3A_466 = arith.constant 0 : i32
      %dma_wait3A_467 = tpu.memref_slice %arg4[%add3A, %dma_wait3A_465, %dma_wait3A_466] : memref<32x160x64xi32, #tpu.memory_space<hbm>> -> memref<1x40x64xi32, #tpu.memory_space<hbm>>
      %dma_wait3A_468 = tpu.memref_squeeze %dma_wait3A_467 : memref<1x40x64xi32, #tpu.memory_space<hbm>> -> memref<40x64xi32, #tpu.memory_space<hbm>>
      tpu.wait_dma2 semaphore(%run_scoped3A : memref<!tpu.dma_semaphore, #tpu.memory_space<semaphore_mem>>) src(%dma_wait3A_468 : memref<40x64xi32, #tpu.memory_space<hbm>>) dst(%arg8 : memref<40x64xi32, #tpu.memory_space<vmem>>)
      tpu.yield
    }) : () -> ()
    %dma_start3A_224 = arith.constant 0 : i32
    %dma_start3A_225 = arith.constant 0 : i32
    %dma_start3A_226 = arith.constant 0 : i32
    %dma_start3A_227 = arith.constant 0 : i32
    %dma_start3A_228 = arith.constant 0 : i32
    %dma_start3A_229 = tpu.memref_slice %arg9[%dma_start3A_225, %dma_start3A_227, %dma_start3A_228] : memref<4x64x128xf32, #tpu.memory_space<vmem>> -> memref<1x64x128xf32, #tpu.memory_space<vmem>>
    %dma_start3A_230 = tpu.memref_squeeze %dma_start3A_229 : memref<1x64x128xf32, #tpu.memory_space<vmem>> -> memref<64x128xf32, #tpu.memory_space<vmem>>
    %dma_start3A_231 = arith.constant 0 : i32
    %dma_start3A_232 = tpu.memref_slice %arg7[%dma_start3A_224, %dma_start3A_231] : memref<40x64xi32, #tpu.memory_space<vmem>> -> memref<1x64xi32, #tpu.memory_space<vmem>>
    %dma_start3A_233 = tpu.memref_squeeze %dma_start3A_232 : memref<1x64xi32, #tpu.memory_space<vmem>> -> memref<64xi32, #tpu.memory_space<vmem>>
    %dma_start3A_234 = arith.constant 0 : i32
    %dma_start3A_235 = arith.constant 0 : i32
    %dma_start3A_236 = tpu.memref_slice %arg2[%dma_start3A_234, %dma_start3A_235] : memref<10000x128xf32, #tpu.memory_space<hbm>> -> memref<10000x128xf32, #tpu.memory_space<hbm>>
    %dma_start3A_237 = tpu.memref_slice %arg11[%dma_start3A_226] : memref<4x!tpu.dma_semaphore, #tpu.memory_space<semaphore_mem>> -> memref<1x!tpu.dma_semaphore, #tpu.memory_space<semaphore_mem>>
    %dma_start3A_238 = tpu.memref_squeeze %dma_start3A_237 : memref<1x!tpu.dma_semaphore, #tpu.memory_space<semaphore_mem>> -> memref<!tpu.dma_semaphore, #tpu.memory_space<semaphore_mem>>
    tpu.enqueue_indirect_dma source(%dma_start3A_236 : memref<10000x128xf32, #tpu.memory_space<hbm>>) target(%dma_start3A_230 : memref<64x128xf32, #tpu.memory_space<vmem>>) offsets(%dma_start3A_233 : memref<64xi32, #tpu.memory_space<vmem>>) semaphore(%dma_start3A_238 : memref<!tpu.dma_semaphore, #tpu.memory_space<semaphore_mem>>)
    %dma_start3A_239 = arith.constant 1 : i32
    %dma_start3A_240 = arith.constant 1 : i32
    %dma_start3A_241 = arith.constant 1 : i32
    %dma_start3A_242 = arith.constant 0 : i32
    %dma_start3A_243 = arith.constant 0 : i32
    %dma_start3A_244 = tpu.memref_slice %arg9[%dma_start3A_240, %dma_start3A_242, %dma_start3A_243] : memref<4x64x128xf32, #tpu.memory_space<vmem>> -> memref<1x64x128xf32, #tpu.memory_space<vmem>>
    %dma_start3A_245 = tpu.memref_squeeze %dma_start3A_244 : memref<1x64x128xf32, #tpu.memory_space<vmem>> -> memref<64x128xf32, #tpu.memory_space<vmem>>
    %dma_start3A_246 = arith.constant 0 : i32
    %dma_start3A_247 = tpu.memref_slice %arg7[%dma_start3A_239, %dma_start3A_246] : memref<40x64xi32, #tpu.memory_space<vmem>> -> memref<1x64xi32, #tpu.memory_space<vmem>>
    %dma_start3A_248 = tpu.memref_squeeze %dma_start3A_247 : memref<1x64xi32, #tpu.memory_space<vmem>> -> memref<64xi32, #tpu.memory_space<vmem>>
    %dma_start3A_249 = arith.constant 0 : i32
    %dma_start3A_250 = arith.constant 0 : i32
    %dma_start3A_251 = tpu.memref_slice %arg2[%dma_start3A_249, %dma_start3A_250] : memref<10000x128xf32, #tpu.memory_space<hbm>> -> memref<10000x128xf32, #tpu.memory_space<hbm>>
    %dma_start3A_252 = tpu.memref_slice %arg11[%dma_start3A_241] : memref<4x!tpu.dma_semaphore, #tpu.memory_space<semaphore_mem>> -> memref<1x!tpu.dma_semaphore, #tpu.memory_space<semaphore_mem>>
    %dma_start3A_253 = tpu.memref_squeeze %dma_start3A_252 : memref<1x!tpu.dma_semaphore, #tpu.memory_space<semaphore_mem>> -> memref<!tpu.dma_semaphore, #tpu.memory_space<semaphore_mem>>
    tpu.enqueue_indirect_dma source(%dma_start3A_251 : memref<10000x128xf32, #tpu.memory_space<hbm>>) target(%dma_start3A_245 : memref<64x128xf32, #tpu.memory_space<vmem>>) offsets(%dma_start3A_248 : memref<64xi32, #tpu.memory_space<vmem>>) semaphore(%dma_start3A_253 : memref<!tpu.dma_semaphore, #tpu.memory_space<semaphore_mem>>)
    %dma_start3A_254 = arith.constant 2 : i32
    %dma_start3A_255 = arith.constant 2 : i32
    %dma_start3A_256 = arith.constant 2 : i32
    %dma_start3A_257 = arith.constant 0 : i32
    %dma_start3A_258 = arith.constant 0 : i32
    %dma_start3A_259 = tpu.memref_slice %arg9[%dma_start3A_255, %dma_start3A_257, %dma_start3A_258] : memref<4x64x128xf32, #tpu.memory_space<vmem>> -> memref<1x64x128xf32, #tpu.memory_space<vmem>>
    %dma_start3A_260 = tpu.memref_squeeze %dma_start3A_259 : memref<1x64x128xf32, #tpu.memory_space<vmem>> -> memref<64x128xf32, #tpu.memory_space<vmem>>
    %dma_start3A_261 = arith.constant 0 : i32
    %dma_start3A_262 = tpu.memref_slice %arg7[%dma_start3A_254, %dma_start3A_261] : memref<40x64xi32, #tpu.memory_space<vmem>> -> memref<1x64xi32, #tpu.memory_space<vmem>>
    %dma_start3A_263 = tpu.memref_squeeze %dma_start3A_262 : memref<1x64xi32, #tpu.memory_space<vmem>> -> memref<64xi32, #tpu.memory_space<vmem>>
    %dma_start3A_264 = arith.constant 0 : i32
    %dma_start3A_265 = arith.constant 0 : i32
    %dma_start3A_266 = tpu.memref_slice %arg2[%dma_start3A_264, %dma_start3A_265] : memref<10000x128xf32, #tpu.memory_space<hbm>> -> memref<10000x128xf32, #tpu.memory_space<hbm>>
    %dma_start3A_267 = tpu.memref_slice %arg11[%dma_start3A_256] : memref<4x!tpu.dma_semaphore, #tpu.memory_space<semaphore_mem>> -> memref<1x!tpu.dma_semaphore, #tpu.memory_space<semaphore_mem>>
    %dma_start3A_268 = tpu.memref_squeeze %dma_start3A_267 : memref<1x!tpu.dma_semaphore, #tpu.memory_space<semaphore_mem>> -> memref<!tpu.dma_semaphore, #tpu.memory_space<semaphore_mem>>
    tpu.enqueue_indirect_dma source(%dma_start3A_266 : memref<10000x128xf32, #tpu.memory_space<hbm>>) target(%dma_start3A_260 : memref<64x128xf32, #tpu.memory_space<vmem>>) offsets(%dma_start3A_263 : memref<64xi32, #tpu.memory_space<vmem>>) semaphore(%dma_start3A_268 : memref<!tpu.dma_semaphore, #tpu.memory_space<semaphore_mem>>)
    %scan3A_269 = arith.constant 0 : i32
    %scan3A_270 = arith.constant 0 : i32
    %scan3A_271 = arith.constant 40 : i32
    %scan3A_272 = arith.addi %scan3A_270, %scan3A_271 : i32
    %scan3A_273 = arith.constant 1 : i32
    %scan3A_274 = scf.for %scan3A_453 = %scan3A_270 to %scan3A_272 step %scan3A_273 iter_args(%scan3A_454 = %scan3A_269) -> (i32)  : i32 {
      %rem3A = arith.constant 4 : i32
      %rem3A_455 = arith.remsi %scan3A_453, %rem3A : i32
      %dma_wait3A_456 = arith.constant 0 : i32
      %dma_wait3A_457 = arith.constant 0 : i32
      %dma_wait3A_458 = tpu.memref_slice %arg9[%rem3A_455, %dma_wait3A_456, %dma_wait3A_457] : memref<4x64x128xf32, #tpu.memory_space<vmem>> -> memref<1x64x128xf32, #tpu.memory_space<vmem>>
      %dma_wait3A_459 = tpu.memref_squeeze %dma_wait3A_458 : memref<1x64x128xf32, #tpu.memory_space<vmem>> -> memref<64x128xf32, #tpu.memory_space<vmem>>
      %dma_wait3A_460 = arith.constant 0 : i32
      %dma_wait3A_461 = tpu.memref_slice %arg7[%scan3A_453, %dma_wait3A_460] : memref<40x64xi32, #tpu.memory_space<vmem>> -> memref<1x64xi32, #tpu.memory_space<vmem>>
      %dma_wait3A_462 = tpu.memref_squeeze %dma_wait3A_461 : memref<1x64xi32, #tpu.memory_space<vmem>> -> memref<64xi32, #tpu.memory_space<vmem>>
      %dma_wait3A_463 = arith.constant 0 : i32
      %dma_wait3A_464 = arith.constant 0 : i32
      %dma_wait3A_465 = tpu.memref_slice %arg2[%dma_wait3A_463, %dma_wait3A_464] : memref<10000x128xf32, #tpu.memory_space<hbm>> -> memref<10000x128xf32, #tpu.memory_space<hbm>>
      %dma_wait3A_466 = tpu.memref_slice %arg11[%rem3A_455] : memref<4x!tpu.dma_semaphore, #tpu.memory_space<semaphore_mem>> -> memref<1x!tpu.dma_semaphore, #tpu.memory_space<semaphore_mem>>
      %dma_wait3A_467 = tpu.memref_squeeze %dma_wait3A_466 : memref<1x!tpu.dma_semaphore, #tpu.memory_space<semaphore_mem>> -> memref<!tpu.dma_semaphore, #tpu.memory_space<semaphore_mem>>
      tpu.wait_indirect_dma semaphore(%dma_wait3A_467 : memref<!tpu.dma_semaphore, #tpu.memory_space<semaphore_mem>>) src(%dma_wait3A_465 : memref<10000x128xf32, #tpu.memory_space<hbm>>) dst(%dma_wait3A_459 : memref<64x128xf32, #tpu.memory_space<vmem>>)
      %dma_start3A_468 = arith.constant 0 : i32
      %dma_start3A_469 = arith.constant 0 : i32
      %dma_start3A_470 = tpu.memref_slice %arg9[%rem3A_455, %dma_start3A_468, %dma_start3A_469] : memref<4x64x128xf32, #tpu.memory_space<vmem>> -> memref<1x64x128xf32, #tpu.memory_space<vmem>>
      %dma_start3A_471 = tpu.memref_squeeze %dma_start3A_470 : memref<1x64x128xf32, #tpu.memory_space<vmem>> -> memref<64x128xf32, #tpu.memory_space<vmem>>
      %dma_start3A_472 = arith.constant 0 : i32
      %dma_start3A_473 = tpu.memref_slice %arg8[%scan3A_453, %dma_start3A_472] : memref<40x64xi32, #tpu.memory_space<vmem>> -> memref<1x64xi32, #tpu.memory_space<vmem>>
      %dma_start3A_474 = tpu.memref_squeeze %dma_start3A_473 : memref<1x64xi32, #tpu.memory_space<vmem>> -> memref<64xi32, #tpu.memory_space<vmem>>
      %dma_start3A_475 = arith.constant 0 : i32
      %dma_start3A_476 = arith.constant 0 : i32
      %dma_start3A_477 = tpu.memref_slice %arg10[%dma_start3A_475, %dma_start3A_476] : memref<10240x128xf32, #tpu.memory_space<vmem_shared>> -> memref<10240x128xf32, #tpu.memory_space<vmem_shared>>
      %dma_start3A_478 = tpu.memref_slice %arg12[%rem3A_455] : memref<4x!tpu.dma_semaphore, #tpu.memory_space<semaphore_mem>> -> memref<1x!tpu.dma_semaphore, #tpu.memory_space<semaphore_mem>>
      %dma_start3A_479 = tpu.memref_squeeze %dma_start3A_478 : memref<1x!tpu.dma_semaphore, #tpu.memory_space<semaphore_mem>> -> memref<!tpu.dma_semaphore, #tpu.memory_space<semaphore_mem>>
      tpu.enqueue_indirect_dma source(%dma_start3A_471 : memref<64x128xf32, #tpu.memory_space<vmem>>) target(%dma_start3A_477 : memref<10240x128xf32, #tpu.memory_space<vmem_shared>>) offsets(%dma_start3A_474 : memref<64xi32, #tpu.memory_space<vmem>>) semaphore(%dma_start3A_479 : memref<!tpu.dma_semaphore, #tpu.memory_space<semaphore_mem>>) {add = true}
      %add3A_480 = arith.constant 4 : i32
      %add3A_481 = arith.addi %scan3A_453, %add3A_480 : i32
      %sub3A = arith.constant 1 : i32
      %sub3A_482 = arith.subi %add3A_481, %sub3A : i32
      %lt3A = arith.constant 40 : i32
      %lt3A_483 = arith.cmpi slt, %sub3A_482, %lt3A : i32
      %convert_element_type3A = arith.extui %lt3A_483 : i1 to i32
      %cond3A = arith.constant 0 : i32
      %cond3A_484 = arith.cmpi ne, %convert_element_type3A, %cond3A : i32
      scf.if %cond3A_484 {
        %add3A_486 = arith.constant 4 : i32
        %add3A_487 = arith.addi %scan3A_453, %add3A_486 : i32
        %sub3A_488 = arith.constant 1 : i32
        %sub3A_489 = arith.subi %add3A_487, %sub3A_488 : i32
        %rem3A_490 = arith.constant 4 : i32
        %rem3A_491 = arith.remsi %sub3A_489, %rem3A_490 : i32
        %ge3A = arith.constant 1 : i32
        %ge3A_492 = arith.cmpi sge, %scan3A_453, %ge3A : i32
        %convert_element_type3A_493 = arith.extui %ge3A_492 : i1 to i32
        %cond3A_494 = arith.constant 0 : i32
        %cond3A_495 = arith.cmpi ne, %convert_element_type3A_493, %cond3A_494 : i32
        scf.if %cond3A_495 {
          %sub3A_512 = arith.constant 1 : i32
          %sub3A_513 = arith.subi %scan3A_453, %sub3A_512 : i32
          %dma_wait3A_514 = arith.constant 0 : i32
          %dma_wait3A_515 = arith.constant 0 : i32
          %dma_wait3A_516 = tpu.memref_slice %arg9[%rem3A_491, %dma_wait3A_514, %dma_wait3A_515] : memref<4x64x128xf32, #tpu.memory_space<vmem>> -> memref<1x64x128xf32, #tpu.memory_space<vmem>>
          %dma_wait3A_517 = tpu.memref_squeeze %dma_wait3A_516 : memref<1x64x128xf32, #tpu.memory_space<vmem>> -> memref<64x128xf32, #tpu.memory_space<vmem>>
          %dma_wait3A_518 = arith.constant 0 : i32
          %dma_wait3A_519 = tpu.memref_slice %arg8[%sub3A_513, %dma_wait3A_518] : memref<40x64xi32, #tpu.memory_space<vmem>> -> memref<1x64xi32, #tpu.memory_space<vmem>>
          %dma_wait3A_520 = tpu.memref_squeeze %dma_wait3A_519 : memref<1x64xi32, #tpu.memory_space<vmem>> -> memref<64xi32, #tpu.memory_space<vmem>>
          %dma_wait3A_521 = arith.constant 0 : i32
          %dma_wait3A_522 = arith.constant 0 : i32
          %dma_wait3A_523 = tpu.memref_slice %arg10[%dma_wait3A_521, %dma_wait3A_522] : memref<10240x128xf32, #tpu.memory_space<vmem_shared>> -> memref<10240x128xf32, #tpu.memory_space<vmem_shared>>
          %dma_wait3A_524 = tpu.memref_slice %arg12[%rem3A_491] : memref<4x!tpu.dma_semaphore, #tpu.memory_space<semaphore_mem>> -> memref<1x!tpu.dma_semaphore, #tpu.memory_space<semaphore_mem>>
          %dma_wait3A_525 = tpu.memref_squeeze %dma_wait3A_524 : memref<1x!tpu.dma_semaphore, #tpu.memory_space<semaphore_mem>> -> memref<!tpu.dma_semaphore, #tpu.memory_space<semaphore_mem>>
          tpu.wait_indirect_dma semaphore(%dma_wait3A_525 : memref<!tpu.dma_semaphore, #tpu.memory_space<semaphore_mem>>) src(%dma_wait3A_517 : memref<64x128xf32, #tpu.memory_space<vmem>>) dst(%dma_wait3A_523 : memref<10240x128xf32, #tpu.memory_space<vmem_shared>>)
        } else {
        }
        %add3A_496 = arith.constant 4 : i32
        %add3A_497 = arith.addi %scan3A_453, %add3A_496 : i32
        %sub3A_498 = arith.constant 1 : i32
        %sub3A_499 = arith.subi %add3A_497, %sub3A_498 : i32
        %dma_start3A_500 = arith.constant 0 : i32
        %dma_start3A_501 = arith.constant 0 : i32
        %dma_start3A_502 = tpu.memref_slice %arg9[%rem3A_491, %dma_start3A_500, %dma_start3A_501] : memref<4x64x128xf32, #tpu.memory_space<vmem>> -> memref<1x64x128xf32, #tpu.memory_space<vmem>>
        %dma_start3A_503 = tpu.memref_squeeze %dma_start3A_502 : memref<1x64x128xf32, #tpu.memory_space<vmem>> -> memref<64x128xf32, #tpu.memory_space<vmem>>
        %dma_start3A_504 = arith.constant 0 : i32
        %dma_start3A_505 = tpu.memref_slice %arg7[%sub3A_499, %dma_start3A_504] : memref<40x64xi32, #tpu.memory_space<vmem>> -> memref<1x64xi32, #tpu.memory_space<vmem>>
        %dma_start3A_506 = tpu.memref_squeeze %dma_start3A_505 : memref<1x64xi32, #tpu.memory_space<vmem>> -> memref<64xi32, #tpu.memory_space<vmem>>
        %dma_start3A_507 = arith.constant 0 : i32
        %dma_start3A_508 = arith.constant 0 : i32
        %dma_start3A_509 = tpu.memref_slice %arg2[%dma_start3A_507, %dma_start3A_508] : memref<10000x128xf32, #tpu.memory_space<hbm>> -> memref<10000x128xf32, #tpu.memory_space<hbm>>
        %dma_start3A_510 = tpu.memref_slice %arg11[%rem3A_491] : memref<4x!tpu.dma_semaphore, #tpu.memory_space<semaphore_mem>> -> memref<1x!tpu.dma_semaphore, #tpu.memory_space<semaphore_mem>>
        %dma_start3A_511 = tpu.memref_squeeze %dma_start3A_510 : memref<1x!tpu.dma_semaphore, #tpu.memory_space<semaphore_mem>> -> memref<!tpu.dma_semaphore, #tpu.memory_space<semaphore_mem>>
        tpu.enqueue_indirect_dma source(%dma_start3A_509 : memref<10000x128xf32, #tpu.memory_space<hbm>>) target(%dma_start3A_503 : memref<64x128xf32, #tpu.memory_space<vmem>>) offsets(%dma_start3A_506 : memref<64xi32, #tpu.memory_space<vmem>>) semaphore(%dma_start3A_511 : memref<!tpu.dma_semaphore, #tpu.memory_space<semaphore_mem>>)
      } else {
      }
      %scan3A_485 = arith.constant 0 : i32
      scf.yield %scan3A_485 : i32
    }
    %scan3A_275 = arith.constant 40 : i32
    %dma_wait3A_276 = arith.constant 0 : i32
    %dma_wait3A_277 = arith.constant 0 : i32
    %dma_wait3A_278 = arith.constant 0 : i32
    %dma_wait3A_279 = arith.constant 0 : i32
    %dma_wait3A_280 = arith.constant 0 : i32
    %dma_wait3A_281 = tpu.memref_slice %arg9[%dma_wait3A_276, %dma_wait3A_279, %dma_wait3A_280] : memref<4x64x128xf32, #tpu.memory_space<vmem>> -> memref<1x64x128xf32, #tpu.memory_space<vmem>>
    %dma_wait3A_282 = tpu.memref_squeeze %dma_wait3A_281 : memref<1x64x128xf32, #tpu.memory_space<vmem>> -> memref<64x128xf32, #tpu.memory_space<vmem>>
    %dma_wait3A_283 = arith.constant 0 : i32
    %dma_wait3A_284 = tpu.memref_slice %arg8[%dma_wait3A_277, %dma_wait3A_283] : memref<40x64xi32, #tpu.memory_space<vmem>> -> memref<1x64xi32, #tpu.memory_space<vmem>>
    %dma_wait3A_285 = tpu.memref_squeeze %dma_wait3A_284 : memref<1x64xi32, #tpu.memory_space<vmem>> -> memref<64xi32, #tpu.memory_space<vmem>>
    %dma_wait3A_286 = arith.constant 0 : i32
    %dma_wait3A_287 = arith.constant 0 : i32
    %dma_wait3A_288 = tpu.memref_slice %arg10[%dma_wait3A_286, %dma_wait3A_287] : memref<10240x128xf32, #tpu.memory_space<vmem_shared>> -> memref<10240x128xf32, #tpu.memory_space<vmem_shared>>
    %dma_wait3A_289 = tpu.memref_slice %arg12[%dma_wait3A_278] : memref<4x!tpu.dma_semaphore, #tpu.memory_space<semaphore_mem>> -> memref<1x!tpu.dma_semaphore, #tpu.memory_space<semaphore_mem>>
    %dma_wait3A_290 = tpu.memref_squeeze %dma_wait3A_289 : memref<1x!tpu.dma_semaphore, #tpu.memory_space<semaphore_mem>> -> memref<!tpu.dma_semaphore, #tpu.memory_space<semaphore_mem>>
    tpu.wait_indirect_dma semaphore(%dma_wait3A_290 : memref<!tpu.dma_semaphore, #tpu.memory_space<semaphore_mem>>) src(%dma_wait3A_282 : memref<64x128xf32, #tpu.memory_space<vmem>>) dst(%dma_wait3A_288 : memref<10240x128xf32, #tpu.memory_space<vmem_shared>>)
    %dma_wait3A_291 = arith.constant 1 : i32
    %dma_wait3A_292 = arith.constant 0 : i32
    %dma_wait3A_293 = arith.constant 1 : i32
    %dma_wait3A_294 = arith.constant 0 : i32
    %dma_wait3A_295 = arith.constant 0 : i32
    %dma_wait3A_296 = tpu.memref_slice %arg9[%dma_wait3A_291, %dma_wait3A_294, %dma_wait3A_295] : memref<4x64x128xf32, #tpu.memory_space<vmem>> -> memref<1x64x128xf32, #tpu.memory_space<vmem>>
    %dma_wait3A_297 = tpu.memref_squeeze %dma_wait3A_296 : memref<1x64x128xf32, #tpu.memory_space<vmem>> -> memref<64x128xf32, #tpu.memory_space<vmem>>
    %dma_wait3A_298 = arith.constant 0 : i32
    %dma_wait3A_299 = tpu.memref_slice %arg8[%dma_wait3A_292, %dma_wait3A_298] : memref<40x64xi32, #tpu.memory_space<vmem>> -> memref<1x64xi32, #tpu.memory_space<vmem>>
    %dma_wait3A_300 = tpu.memref_squeeze %dma_wait3A_299 : memref<1x64xi32, #tpu.memory_space<vmem>> -> memref<64xi32, #tpu.memory_space<vmem>>
    %dma_wait3A_301 = arith.constant 0 : i32
    %dma_wait3A_302 = arith.constant 0 : i32
    %dma_wait3A_303 = tpu.memref_slice %arg10[%dma_wait3A_301, %dma_wait3A_302] : memref<10240x128xf32, #tpu.memory_space<vmem_shared>> -> memref<10240x128xf32, #tpu.memory_space<vmem_shared>>
    %dma_wait3A_304 = tpu.memref_slice %arg12[%dma_wait3A_293] : memref<4x!tpu.dma_semaphore, #tpu.memory_space<semaphore_mem>> -> memref<1x!tpu.dma_semaphore, #tpu.memory_space<semaphore_mem>>
    %dma_wait3A_305 = tpu.memref_squeeze %dma_wait3A_304 : memref<1x!tpu.dma_semaphore, #tpu.memory_space<semaphore_mem>> -> memref<!tpu.dma_semaphore, #tpu.memory_space<semaphore_mem>>
    tpu.wait_indirect_dma semaphore(%dma_wait3A_305 : memref<!tpu.dma_semaphore, #tpu.memory_space<semaphore_mem>>) src(%dma_wait3A_297 : memref<64x128xf32, #tpu.memory_space<vmem>>) dst(%dma_wait3A_303 : memref<10240x128xf32, #tpu.memory_space<vmem_shared>>)
    %dma_wait3A_306 = arith.constant 2 : i32
    %dma_wait3A_307 = arith.constant 0 : i32
    %dma_wait3A_308 = arith.constant 2 : i32
    %dma_wait3A_309 = arith.constant 0 : i32
    %dma_wait3A_310 = arith.constant 0 : i32
    %dma_wait3A_311 = tpu.memref_slice %arg9[%dma_wait3A_306, %dma_wait3A_309, %dma_wait3A_310] : memref<4x64x128xf32, #tpu.memory_space<vmem>> -> memref<1x64x128xf32, #tpu.memory_space<vmem>>
    %dma_wait3A_312 = tpu.memref_squeeze %dma_wait3A_311 : memref<1x64x128xf32, #tpu.memory_space<vmem>> -> memref<64x128xf32, #tpu.memory_space<vmem>>
    %dma_wait3A_313 = arith.constant 0 : i32
    %dma_wait3A_314 = tpu.memref_slice %arg8[%dma_wait3A_307, %dma_wait3A_313] : memref<40x64xi32, #tpu.memory_space<vmem>> -> memref<1x64xi32, #tpu.memory_space<vmem>>
    %dma_wait3A_315 = tpu.memref_squeeze %dma_wait3A_314 : memref<1x64xi32, #tpu.memory_space<vmem>> -> memref<64xi32, #tpu.memory_space<vmem>>
    %dma_wait3A_316 = arith.constant 0 : i32
    %dma_wait3A_317 = arith.constant 0 : i32
    %dma_wait3A_318 = tpu.memref_slice %arg10[%dma_wait3A_316, %dma_wait3A_317] : memref<10240x128xf32, #tpu.memory_space<vmem_shared>> -> memref<10240x128xf32, #tpu.memory_space<vmem_shared>>
    %dma_wait3A_319 = tpu.memref_slice %arg12[%dma_wait3A_308] : memref<4x!tpu.dma_semaphore, #tpu.memory_space<semaphore_mem>> -> memref<1x!tpu.dma_semaphore, #tpu.memory_space<semaphore_mem>>
    %dma_wait3A_320 = tpu.memref_squeeze %dma_wait3A_319 : memref<1x!tpu.dma_semaphore, #tpu.memory_space<semaphore_mem>> -> memref<!tpu.dma_semaphore, #tpu.memory_space<semaphore_mem>>
    tpu.wait_indirect_dma semaphore(%dma_wait3A_320 : memref<!tpu.dma_semaphore, #tpu.memory_space<semaphore_mem>>) src(%dma_wait3A_312 : memref<64x128xf32, #tpu.memory_space<vmem>>) dst(%dma_wait3A_318 : memref<10240x128xf32, #tpu.memory_space<vmem_shared>>)
    %dma_wait3A_321 = arith.constant 3 : i32
    %dma_wait3A_322 = arith.constant 0 : i32
    %dma_wait3A_323 = arith.constant 3 : i32
    %dma_wait3A_324 = arith.constant 0 : i32
    %dma_wait3A_325 = arith.constant 0 : i32
    %dma_wait3A_326 = tpu.memref_slice %arg9[%dma_wait3A_321, %dma_wait3A_324, %dma_wait3A_325] : memref<4x64x128xf32, #tpu.memory_space<vmem>> -> memref<1x64x128xf32, #tpu.memory_space<vmem>>
    %dma_wait3A_327 = tpu.memref_squeeze %dma_wait3A_326 : memref<1x64x128xf32, #tpu.memory_space<vmem>> -> memref<64x128xf32, #tpu.memory_space<vmem>>
    %dma_wait3A_328 = arith.constant 0 : i32
    %dma_wait3A_329 = tpu.memref_slice %arg8[%dma_wait3A_322, %dma_wait3A_328] : memref<40x64xi32, #tpu.memory_space<vmem>> -> memref<1x64xi32, #tpu.memory_space<vmem>>
    %dma_wait3A_330 = tpu.memref_squeeze %dma_wait3A_329 : memref<1x64xi32, #tpu.memory_space<vmem>> -> memref<64xi32, #tpu.memory_space<vmem>>
    %dma_wait3A_331 = arith.constant 0 : i32
    %dma_wait3A_332 = arith.constant 0 : i32
    %dma_wait3A_333 = tpu.memref_slice %arg10[%dma_wait3A_331, %dma_wait3A_332] : memref<10240x128xf32, #tpu.memory_space<vmem_shared>> -> memref<10240x128xf32, #tpu.memory_space<vmem_shared>>
    %dma_wait3A_334 = tpu.memref_slice %arg12[%dma_wait3A_323] : memref<4x!tpu.dma_semaphore, #tpu.memory_space<semaphore_mem>> -> memref<1x!tpu.dma_semaphore, #tpu.memory_space<semaphore_mem>>
    %dma_wait3A_335 = tpu.memref_squeeze %dma_wait3A_334 : memref<1x!tpu.dma_semaphore, #tpu.memory_space<semaphore_mem>> -> memref<!tpu.dma_semaphore, #tpu.memory_space<semaphore_mem>>
    tpu.wait_indirect_dma semaphore(%dma_wait3A_335 : memref<!tpu.dma_semaphore, #tpu.memory_space<semaphore_mem>>) src(%dma_wait3A_327 : memref<64x128xf32, #tpu.memory_space<vmem>>) dst(%dma_wait3A_333 : memref<10240x128xf32, #tpu.memory_space<vmem_shared>>)
    "tpu.region"() ({
      %run_scoped3A = tpu.sem_alloc : memref<!tpu.dma_semaphore, #tpu.memory_space<semaphore_mem>>
      %dma_start3A_453 = arith.constant 120 : i32
      %dma_start3A_454 = arith.constant 0 : i32
      %dma_start3A_455 = tpu.memref_slice %arg3[%add3A, %dma_start3A_453, %dma_start3A_454] : memref<32x160x64xi32, #tpu.memory_space<hbm>> -> memref<1x40x64xi32, #tpu.memory_space<hbm>>
      %dma_start3A_456 = tpu.memref_squeeze %dma_start3A_455 : memref<1x40x64xi32, #tpu.memory_space<hbm>> -> memref<40x64xi32, #tpu.memory_space<hbm>>
      %dma_start3A_457 = arith.constant 120 : i32
      %dma_start3A_458 = arith.constant 0 : i32
      %dma_start3A_459 = tpu.memref_slice %arg3[%add3A, %dma_start3A_457, %dma_start3A_458] : memref<32x160x64xi32, #tpu.memory_space<hbm>> -> memref<1x40x64xi32, #tpu.memory_space<hbm>>
      %dma_start3A_460 = tpu.memref_squeeze %dma_start3A_459 : memref<1x40x64xi32, #tpu.memory_space<hbm>> -> memref<40x64xi32, #tpu.memory_space<hbm>>
      tpu.enqueue_dma source(%dma_start3A_460 : memref<40x64xi32, #tpu.memory_space<hbm>>) target(%arg7 : memref<40x64xi32, #tpu.memory_space<vmem>>) target_semaphore(%run_scoped3A : memref<!tpu.dma_semaphore, #tpu.memory_space<semaphore_mem>>)
      %dma_wait3A_461 = arith.constant 120 : i32
      %dma_wait3A_462 = arith.constant 0 : i32
      %dma_wait3A_463 = tpu.memref_slice %arg3[%add3A, %dma_wait3A_461, %dma_wait3A_462] : memref<32x160x64xi32, #tpu.memory_space<hbm>> -> memref<1x40x64xi32, #tpu.memory_space<hbm>>
      %dma_wait3A_464 = tpu.memref_squeeze %dma_wait3A_463 : memref<1x40x64xi32, #tpu.memory_space<hbm>> -> memref<40x64xi32, #tpu.memory_space<hbm>>
      %dma_wait3A_465 = arith.constant 120 : i32
      %dma_wait3A_466 = arith.constant 0 : i32
      %dma_wait3A_467 = tpu.memref_slice %arg3[%add3A, %dma_wait3A_465, %dma_wait3A_466] : memref<32x160x64xi32, #tpu.memory_space<hbm>> -> memref<1x40x64xi32, #tpu.memory_space<hbm>>
      %dma_wait3A_468 = tpu.memref_squeeze %dma_wait3A_467 : memref<1x40x64xi32, #tpu.memory_space<hbm>> -> memref<40x64xi32, #tpu.memory_space<hbm>>
      tpu.wait_dma2 semaphore(%run_scoped3A : memref<!tpu.dma_semaphore, #tpu.memory_space<semaphore_mem>>) src(%dma_wait3A_468 : memref<40x64xi32, #tpu.memory_space<hbm>>) dst(%arg7 : memref<40x64xi32, #tpu.memory_space<vmem>>)
      tpu.yield
    }) : () -> ()
    "tpu.region"() ({
      %run_scoped3A = tpu.sem_alloc : memref<!tpu.dma_semaphore, #tpu.memory_space<semaphore_mem>>
      %dma_start3A_453 = arith.constant 120 : i32
      %dma_start3A_454 = arith.constant 0 : i32
      %dma_start3A_455 = tpu.memref_slice %arg4[%add3A, %dma_start3A_453, %dma_start3A_454] : memref<32x160x64xi32, #tpu.memory_space<hbm>> -> memref<1x40x64xi32, #tpu.memory_space<hbm>>
      %dma_start3A_456 = tpu.memref_squeeze %dma_start3A_455 : memref<1x40x64xi32, #tpu.memory_space<hbm>> -> memref<40x64xi32, #tpu.memory_space<hbm>>
      %dma_start3A_457 = arith.constant 120 : i32
      %dma_start3A_458 = arith.constant 0 : i32
      %dma_start3A_459 = tpu.memref_slice %arg4[%add3A, %dma_start3A_457, %dma_start3A_458] : memref<32x160x64xi32, #tpu.memory_space<hbm>> -> memref<1x40x64xi32, #tpu.memory_space<hbm>>
      %dma_start3A_460 = tpu.memref_squeeze %dma_start3A_459 : memref<1x40x64xi32, #tpu.memory_space<hbm>> -> memref<40x64xi32, #tpu.memory_space<hbm>>
      tpu.enqueue_dma source(%dma_start3A_460 : memref<40x64xi32, #tpu.memory_space<hbm>>) target(%arg8 : memref<40x64xi32, #tpu.memory_space<vmem>>) target_semaphore(%run_scoped3A : memref<!tpu.dma_semaphore, #tpu.memory_space<semaphore_mem>>)
      %dma_wait3A_461 = arith.constant 120 : i32
      %dma_wait3A_462 = arith.constant 0 : i32
      %dma_wait3A_463 = tpu.memref_slice %arg4[%add3A, %dma_wait3A_461, %dma_wait3A_462] : memref<32x160x64xi32, #tpu.memory_space<hbm>> -> memref<1x40x64xi32, #tpu.memory_space<hbm>>
      %dma_wait3A_464 = tpu.memref_squeeze %dma_wait3A_463 : memref<1x40x64xi32, #tpu.memory_space<hbm>> -> memref<40x64xi32, #tpu.memory_space<hbm>>
      %dma_wait3A_465 = arith.constant 120 : i32
      %dma_wait3A_466 = arith.constant 0 : i32
      %dma_wait3A_467 = tpu.memref_slice %arg4[%add3A, %dma_wait3A_465, %dma_wait3A_466] : memref<32x160x64xi32, #tpu.memory_space<hbm>> -> memref<1x40x64xi32, #tpu.memory_space<hbm>>
      %dma_wait3A_468 = tpu.memref_squeeze %dma_wait3A_467 : memref<1x40x64xi32, #tpu.memory_space<hbm>> -> memref<40x64xi32, #tpu.memory_space<hbm>>
      tpu.wait_dma2 semaphore(%run_scoped3A : memref<!tpu.dma_semaphore, #tpu.memory_space<semaphore_mem>>) src(%dma_wait3A_468 : memref<40x64xi32, #tpu.memory_space<hbm>>) dst(%arg8 : memref<40x64xi32, #tpu.memory_space<vmem>>)
      tpu.yield
    }) : () -> ()
    %dma_start3A_336 = arith.constant 0 : i32
    %dma_start3A_337 = arith.constant 0 : i32
    %dma_start3A_338 = arith.constant 0 : i32
    %dma_start3A_339 = arith.constant 0 : i32
    %dma_start3A_340 = arith.constant 0 : i32
    %dma_start3A_341 = tpu.memref_slice %arg9[%dma_start3A_337, %dma_start3A_339, %dma_start3A_340] : memref<4x64x128xf32, #tpu.memory_space<vmem>> -> memref<1x64x128xf32, #tpu.memory_space<vmem>>
    %dma_start3A_342 = tpu.memref_squeeze %dma_start3A_341 : memref<1x64x128xf32, #tpu.memory_space<vmem>> -> memref<64x128xf32, #tpu.memory_space<vmem>>
    %dma_start3A_343 = arith.constant 0 : i32
    %dma_start3A_344 = tpu.memref_slice %arg7[%dma_start3A_336, %dma_start3A_343] : memref<40x64xi32, #tpu.memory_space<vmem>> -> memref<1x64xi32, #tpu.memory_space<vmem>>
    %dma_start3A_345 = tpu.memref_squeeze %dma_start3A_344 : memref<1x64xi32, #tpu.memory_space<vmem>> -> memref<64xi32, #tpu.memory_space<vmem>>
    %dma_start3A_346 = arith.constant 0 : i32
    %dma_start3A_347 = arith.constant 0 : i32
    %dma_start3A_348 = tpu.memref_slice %arg2[%dma_start3A_346, %dma_start3A_347] : memref<10000x128xf32, #tpu.memory_space<hbm>> -> memref<10000x128xf32, #tpu.memory_space<hbm>>
    %dma_start3A_349 = tpu.memref_slice %arg11[%dma_start3A_338] : memref<4x!tpu.dma_semaphore, #tpu.memory_space<semaphore_mem>> -> memref<1x!tpu.dma_semaphore, #tpu.memory_space<semaphore_mem>>
    %dma_start3A_350 = tpu.memref_squeeze %dma_start3A_349 : memref<1x!tpu.dma_semaphore, #tpu.memory_space<semaphore_mem>> -> memref<!tpu.dma_semaphore, #tpu.memory_space<semaphore_mem>>
    tpu.enqueue_indirect_dma source(%dma_start3A_348 : memref<10000x128xf32, #tpu.memory_space<hbm>>) target(%dma_start3A_342 : memref<64x128xf32, #tpu.memory_space<vmem>>) offsets(%dma_start3A_345 : memref<64xi32, #tpu.memory_space<vmem>>) semaphore(%dma_start3A_350 : memref<!tpu.dma_semaphore, #tpu.memory_space<semaphore_mem>>)
    %dma_start3A_351 = arith.constant 1 : i32
    %dma_start3A_352 = arith.constant 1 : i32
    %dma_start3A_353 = arith.constant 1 : i32
    %dma_start3A_354 = arith.constant 0 : i32
    %dma_start3A_355 = arith.constant 0 : i32
    %dma_start3A_356 = tpu.memref_slice %arg9[%dma_start3A_352, %dma_start3A_354, %dma_start3A_355] : memref<4x64x128xf32, #tpu.memory_space<vmem>> -> memref<1x64x128xf32, #tpu.memory_space<vmem>>
    %dma_start3A_357 = tpu.memref_squeeze %dma_start3A_356 : memref<1x64x128xf32, #tpu.memory_space<vmem>> -> memref<64x128xf32, #tpu.memory_space<vmem>>
    %dma_start3A_358 = arith.constant 0 : i32
    %dma_start3A_359 = tpu.memref_slice %arg7[%dma_start3A_351, %dma_start3A_358] : memref<40x64xi32, #tpu.memory_space<vmem>> -> memref<1x64xi32, #tpu.memory_space<vmem>>
    %dma_start3A_360 = tpu.memref_squeeze %dma_start3A_359 : memref<1x64xi32, #tpu.memory_space<vmem>> -> memref<64xi32, #tpu.memory_space<vmem>>
    %dma_start3A_361 = arith.constant 0 : i32
    %dma_start3A_362 = arith.constant 0 : i32
    %dma_start3A_363 = tpu.memref_slice %arg2[%dma_start3A_361, %dma_start3A_362] : memref<10000x128xf32, #tpu.memory_space<hbm>> -> memref<10000x128xf32, #tpu.memory_space<hbm>>
    %dma_start3A_364 = tpu.memref_slice %arg11[%dma_start3A_353] : memref<4x!tpu.dma_semaphore, #tpu.memory_space<semaphore_mem>> -> memref<1x!tpu.dma_semaphore, #tpu.memory_space<semaphore_mem>>
    %dma_start3A_365 = tpu.memref_squeeze %dma_start3A_364 : memref<1x!tpu.dma_semaphore, #tpu.memory_space<semaphore_mem>> -> memref<!tpu.dma_semaphore, #tpu.memory_space<semaphore_mem>>
    tpu.enqueue_indirect_dma source(%dma_start3A_363 : memref<10000x128xf32, #tpu.memory_space<hbm>>) target(%dma_start3A_357 : memref<64x128xf32, #tpu.memory_space<vmem>>) offsets(%dma_start3A_360 : memref<64xi32, #tpu.memory_space<vmem>>) semaphore(%dma_start3A_365 : memref<!tpu.dma_semaphore, #tpu.memory_space<semaphore_mem>>)
    %dma_start3A_366 = arith.constant 2 : i32
    %dma_start3A_367 = arith.constant 2 : i32
    %dma_start3A_368 = arith.constant 2 : i32
    %dma_start3A_369 = arith.constant 0 : i32
    %dma_start3A_370 = arith.constant 0 : i32
    %dma_start3A_371 = tpu.memref_slice %arg9[%dma_start3A_367, %dma_start3A_369, %dma_start3A_370] : memref<4x64x128xf32, #tpu.memory_space<vmem>> -> memref<1x64x128xf32, #tpu.memory_space<vmem>>
    %dma_start3A_372 = tpu.memref_squeeze %dma_start3A_371 : memref<1x64x128xf32, #tpu.memory_space<vmem>> -> memref<64x128xf32, #tpu.memory_space<vmem>>
    %dma_start3A_373 = arith.constant 0 : i32
    %dma_start3A_374 = tpu.memref_slice %arg7[%dma_start3A_366, %dma_start3A_373] : memref<40x64xi32, #tpu.memory_space<vmem>> -> memref<1x64xi32, #tpu.memory_space<vmem>>
    %dma_start3A_375 = tpu.memref_squeeze %dma_start3A_374 : memref<1x64xi32, #tpu.memory_space<vmem>> -> memref<64xi32, #tpu.memory_space<vmem>>
    %dma_start3A_376 = arith.constant 0 : i32
    %dma_start3A_377 = arith.constant 0 : i32
    %dma_start3A_378 = tpu.memref_slice %arg2[%dma_start3A_376, %dma_start3A_377] : memref<10000x128xf32, #tpu.memory_space<hbm>> -> memref<10000x128xf32, #tpu.memory_space<hbm>>
    %dma_start3A_379 = tpu.memref_slice %arg11[%dma_start3A_368] : memref<4x!tpu.dma_semaphore, #tpu.memory_space<semaphore_mem>> -> memref<1x!tpu.dma_semaphore, #tpu.memory_space<semaphore_mem>>
    %dma_start3A_380 = tpu.memref_squeeze %dma_start3A_379 : memref<1x!tpu.dma_semaphore, #tpu.memory_space<semaphore_mem>> -> memref<!tpu.dma_semaphore, #tpu.memory_space<semaphore_mem>>
    tpu.enqueue_indirect_dma source(%dma_start3A_378 : memref<10000x128xf32, #tpu.memory_space<hbm>>) target(%dma_start3A_372 : memref<64x128xf32, #tpu.memory_space<vmem>>) offsets(%dma_start3A_375 : memref<64xi32, #tpu.memory_space<vmem>>) semaphore(%dma_start3A_380 : memref<!tpu.dma_semaphore, #tpu.memory_space<semaphore_mem>>)
    %scan3A_381 = arith.constant 0 : i32
    %scan3A_382 = arith.constant 0 : i32
    %scan3A_383 = arith.constant 40 : i32
    %scan3A_384 = arith.addi %scan3A_382, %scan3A_383 : i32
    %scan3A_385 = arith.constant 1 : i32
    %scan3A_386 = scf.for %scan3A_453 = %scan3A_382 to %scan3A_384 step %scan3A_385 iter_args(%scan3A_454 = %scan3A_381) -> (i32)  : i32 {
      %rem3A = arith.constant 4 : i32
      %rem3A_455 = arith.remsi %scan3A_453, %rem3A : i32
      %dma_wait3A_456 = arith.constant 0 : i32
      %dma_wait3A_457 = arith.constant 0 : i32
      %dma_wait3A_458 = tpu.memref_slice %arg9[%rem3A_455, %dma_wait3A_456, %dma_wait3A_457] : memref<4x64x128xf32, #tpu.memory_space<vmem>> -> memref<1x64x128xf32, #tpu.memory_space<vmem>>
      %dma_wait3A_459 = tpu.memref_squeeze %dma_wait3A_458 : memref<1x64x128xf32, #tpu.memory_space<vmem>> -> memref<64x128xf32, #tpu.memory_space<vmem>>
      %dma_wait3A_460 = arith.constant 0 : i32
      %dma_wait3A_461 = tpu.memref_slice %arg7[%scan3A_453, %dma_wait3A_460] : memref<40x64xi32, #tpu.memory_space<vmem>> -> memref<1x64xi32, #tpu.memory_space<vmem>>
      %dma_wait3A_462 = tpu.memref_squeeze %dma_wait3A_461 : memref<1x64xi32, #tpu.memory_space<vmem>> -> memref<64xi32, #tpu.memory_space<vmem>>
      %dma_wait3A_463 = arith.constant 0 : i32
      %dma_wait3A_464 = arith.constant 0 : i32
      %dma_wait3A_465 = tpu.memref_slice %arg2[%dma_wait3A_463, %dma_wait3A_464] : memref<10000x128xf32, #tpu.memory_space<hbm>> -> memref<10000x128xf32, #tpu.memory_space<hbm>>
      %dma_wait3A_466 = tpu.memref_slice %arg11[%rem3A_455] : memref<4x!tpu.dma_semaphore, #tpu.memory_space<semaphore_mem>> -> memref<1x!tpu.dma_semaphore, #tpu.memory_space<semaphore_mem>>
      %dma_wait3A_467 = tpu.memref_squeeze %dma_wait3A_466 : memref<1x!tpu.dma_semaphore, #tpu.memory_space<semaphore_mem>> -> memref<!tpu.dma_semaphore, #tpu.memory_space<semaphore_mem>>
      tpu.wait_indirect_dma semaphore(%dma_wait3A_467 : memref<!tpu.dma_semaphore, #tpu.memory_space<semaphore_mem>>) src(%dma_wait3A_465 : memref<10000x128xf32, #tpu.memory_space<hbm>>) dst(%dma_wait3A_459 : memref<64x128xf32, #tpu.memory_space<vmem>>)
      %dma_start3A_468 = arith.constant 0 : i32
      %dma_start3A_469 = arith.constant 0 : i32
      %dma_start3A_470 = tpu.memref_slice %arg9[%rem3A_455, %dma_start3A_468, %dma_start3A_469] : memref<4x64x128xf32, #tpu.memory_space<vmem>> -> memref<1x64x128xf32, #tpu.memory_space<vmem>>
      %dma_start3A_471 = tpu.memref_squeeze %dma_start3A_470 : memref<1x64x128xf32, #tpu.memory_space<vmem>> -> memref<64x128xf32, #tpu.memory_space<vmem>>
      %dma_start3A_472 = arith.constant 0 : i32
      %dma_start3A_473 = tpu.memref_slice %arg8[%scan3A_453, %dma_start3A_472] : memref<40x64xi32, #tpu.memory_space<vmem>> -> memref<1x64xi32, #tpu.memory_space<vmem>>
      %dma_start3A_474 = tpu.memref_squeeze %dma_start3A_473 : memref<1x64xi32, #tpu.memory_space<vmem>> -> memref<64xi32, #tpu.memory_space<vmem>>
      %dma_start3A_475 = arith.constant 0 : i32
      %dma_start3A_476 = arith.constant 0 : i32
      %dma_start3A_477 = tpu.memref_slice %arg10[%dma_start3A_475, %dma_start3A_476] : memref<10240x128xf32, #tpu.memory_space<vmem_shared>> -> memref<10240x128xf32, #tpu.memory_space<vmem_shared>>
      %dma_start3A_478 = tpu.memref_slice %arg12[%rem3A_455] : memref<4x!tpu.dma_semaphore, #tpu.memory_space<semaphore_mem>> -> memref<1x!tpu.dma_semaphore, #tpu.memory_space<semaphore_mem>>
      %dma_start3A_479 = tpu.memref_squeeze %dma_start3A_478 : memref<1x!tpu.dma_semaphore, #tpu.memory_space<semaphore_mem>> -> memref<!tpu.dma_semaphore, #tpu.memory_space<semaphore_mem>>
      tpu.enqueue_indirect_dma source(%dma_start3A_471 : memref<64x128xf32, #tpu.memory_space<vmem>>) target(%dma_start3A_477 : memref<10240x128xf32, #tpu.memory_space<vmem_shared>>) offsets(%dma_start3A_474 : memref<64xi32, #tpu.memory_space<vmem>>) semaphore(%dma_start3A_479 : memref<!tpu.dma_semaphore, #tpu.memory_space<semaphore_mem>>) {add = true}
      %add3A_480 = arith.constant 4 : i32
      %add3A_481 = arith.addi %scan3A_453, %add3A_480 : i32
      %sub3A = arith.constant 1 : i32
      %sub3A_482 = arith.subi %add3A_481, %sub3A : i32
      %lt3A = arith.constant 40 : i32
      %lt3A_483 = arith.cmpi slt, %sub3A_482, %lt3A : i32
      %convert_element_type3A = arith.extui %lt3A_483 : i1 to i32
      %cond3A = arith.constant 0 : i32
      %cond3A_484 = arith.cmpi ne, %convert_element_type3A, %cond3A : i32
      scf.if %cond3A_484 {
        %add3A_486 = arith.constant 4 : i32
        %add3A_487 = arith.addi %scan3A_453, %add3A_486 : i32
        %sub3A_488 = arith.constant 1 : i32
        %sub3A_489 = arith.subi %add3A_487, %sub3A_488 : i32
        %rem3A_490 = arith.constant 4 : i32
        %rem3A_491 = arith.remsi %sub3A_489, %rem3A_490 : i32
        %ge3A = arith.constant 1 : i32
        %ge3A_492 = arith.cmpi sge, %scan3A_453, %ge3A : i32
        %convert_element_type3A_493 = arith.extui %ge3A_492 : i1 to i32
        %cond3A_494 = arith.constant 0 : i32
        %cond3A_495 = arith.cmpi ne, %convert_element_type3A_493, %cond3A_494 : i32
        scf.if %cond3A_495 {
          %sub3A_512 = arith.constant 1 : i32
          %sub3A_513 = arith.subi %scan3A_453, %sub3A_512 : i32
          %dma_wait3A_514 = arith.constant 0 : i32
          %dma_wait3A_515 = arith.constant 0 : i32
          %dma_wait3A_516 = tpu.memref_slice %arg9[%rem3A_491, %dma_wait3A_514, %dma_wait3A_515] : memref<4x64x128xf32, #tpu.memory_space<vmem>> -> memref<1x64x128xf32, #tpu.memory_space<vmem>>
          %dma_wait3A_517 = tpu.memref_squeeze %dma_wait3A_516 : memref<1x64x128xf32, #tpu.memory_space<vmem>> -> memref<64x128xf32, #tpu.memory_space<vmem>>
          %dma_wait3A_518 = arith.constant 0 : i32
          %dma_wait3A_519 = tpu.memref_slice %arg8[%sub3A_513, %dma_wait3A_518] : memref<40x64xi32, #tpu.memory_space<vmem>> -> memref<1x64xi32, #tpu.memory_space<vmem>>
          %dma_wait3A_520 = tpu.memref_squeeze %dma_wait3A_519 : memref<1x64xi32, #tpu.memory_space<vmem>> -> memref<64xi32, #tpu.memory_space<vmem>>
          %dma_wait3A_521 = arith.constant 0 : i32
          %dma_wait3A_522 = arith.constant 0 : i32
          %dma_wait3A_523 = tpu.memref_slice %arg10[%dma_wait3A_521, %dma_wait3A_522] : memref<10240x128xf32, #tpu.memory_space<vmem_shared>> -> memref<10240x128xf32, #tpu.memory_space<vmem_shared>>
          %dma_wait3A_524 = tpu.memref_slice %arg12[%rem3A_491] : memref<4x!tpu.dma_semaphore, #tpu.memory_space<semaphore_mem>> -> memref<1x!tpu.dma_semaphore, #tpu.memory_space<semaphore_mem>>
          %dma_wait3A_525 = tpu.memref_squeeze %dma_wait3A_524 : memref<1x!tpu.dma_semaphore, #tpu.memory_space<semaphore_mem>> -> memref<!tpu.dma_semaphore, #tpu.memory_space<semaphore_mem>>
          tpu.wait_indirect_dma semaphore(%dma_wait3A_525 : memref<!tpu.dma_semaphore, #tpu.memory_space<semaphore_mem>>) src(%dma_wait3A_517 : memref<64x128xf32, #tpu.memory_space<vmem>>) dst(%dma_wait3A_523 : memref<10240x128xf32, #tpu.memory_space<vmem_shared>>)
        } else {
        }
        %add3A_496 = arith.constant 4 : i32
        %add3A_497 = arith.addi %scan3A_453, %add3A_496 : i32
        %sub3A_498 = arith.constant 1 : i32
        %sub3A_499 = arith.subi %add3A_497, %sub3A_498 : i32
        %dma_start3A_500 = arith.constant 0 : i32
        %dma_start3A_501 = arith.constant 0 : i32
        %dma_start3A_502 = tpu.memref_slice %arg9[%rem3A_491, %dma_start3A_500, %dma_start3A_501] : memref<4x64x128xf32, #tpu.memory_space<vmem>> -> memref<1x64x128xf32, #tpu.memory_space<vmem>>
        %dma_start3A_503 = tpu.memref_squeeze %dma_start3A_502 : memref<1x64x128xf32, #tpu.memory_space<vmem>> -> memref<64x128xf32, #tpu.memory_space<vmem>>
        %dma_start3A_504 = arith.constant 0 : i32
        %dma_start3A_505 = tpu.memref_slice %arg7[%sub3A_499, %dma_start3A_504] : memref<40x64xi32, #tpu.memory_space<vmem>> -> memref<1x64xi32, #tpu.memory_space<vmem>>
        %dma_start3A_506 = tpu.memref_squeeze %dma_start3A_505 : memref<1x64xi32, #tpu.memory_space<vmem>> -> memref<64xi32, #tpu.memory_space<vmem>>
        %dma_start3A_507 = arith.constant 0 : i32
        %dma_start3A_508 = arith.constant 0 : i32
        %dma_start3A_509 = tpu.memref_slice %arg2[%dma_start3A_507, %dma_start3A_508] : memref<10000x128xf32, #tpu.memory_space<hbm>> -> memref<10000x128xf32, #tpu.memory_space<hbm>>
        %dma_start3A_510 = tpu.memref_slice %arg11[%rem3A_491] : memref<4x!tpu.dma_semaphore, #tpu.memory_space<semaphore_mem>> -> memref<1x!tpu.dma_semaphore, #tpu.memory_space<semaphore_mem>>
        %dma_start3A_511 = tpu.memref_squeeze %dma_start3A_510 : memref<1x!tpu.dma_semaphore, #tpu.memory_space<semaphore_mem>> -> memref<!tpu.dma_semaphore, #tpu.memory_space<semaphore_mem>>
        tpu.enqueue_indirect_dma source(%dma_start3A_509 : memref<10000x128xf32, #tpu.memory_space<hbm>>) target(%dma_start3A_503 : memref<64x128xf32, #tpu.memory_space<vmem>>) offsets(%dma_start3A_506 : memref<64xi32, #tpu.memory_space<vmem>>) semaphore(%dma_start3A_511 : memref<!tpu.dma_semaphore, #tpu.memory_space<semaphore_mem>>)
      } else {
      }
      %scan3A_485 = arith.constant 0 : i32
      scf.yield %scan3A_485 : i32
    }
    %scan3A_387 = arith.constant 40 : i32
    %dma_wait3A_388 = arith.constant 0 : i32
    %dma_wait3A_389 = arith.constant 0 : i32
    %dma_wait3A_390 = arith.constant 0 : i32
    %dma_wait3A_391 = arith.constant 0 : i32
    %dma_wait3A_392 = arith.constant 0 : i32
    %dma_wait3A_393 = tpu.memref_slice %arg9[%dma_wait3A_388, %dma_wait3A_391, %dma_wait3A_392] : memref<4x64x128xf32, #tpu.memory_space<vmem>> -> memref<1x64x128xf32, #tpu.memory_space<vmem>>
    %dma_wait3A_394 = tpu.memref_squeeze %dma_wait3A_393 : memref<1x64x128xf32, #tpu.memory_space<vmem>> -> memref<64x128xf32, #tpu.memory_space<vmem>>
    %dma_wait3A_395 = arith.constant 0 : i32
    %dma_wait3A_396 = tpu.memref_slice %arg8[%dma_wait3A_389, %dma_wait3A_395] : memref<40x64xi32, #tpu.memory_space<vmem>> -> memref<1x64xi32, #tpu.memory_space<vmem>>
    %dma_wait3A_397 = tpu.memref_squeeze %dma_wait3A_396 : memref<1x64xi32, #tpu.memory_space<vmem>> -> memref<64xi32, #tpu.memory_space<vmem>>
    %dma_wait3A_398 = arith.constant 0 : i32
    %dma_wait3A_399 = arith.constant 0 : i32
    %dma_wait3A_400 = tpu.memref_slice %arg10[%dma_wait3A_398, %dma_wait3A_399] : memref<10240x128xf32, #tpu.memory_space<vmem_shared>> -> memref<10240x128xf32, #tpu.memory_space<vmem_shared>>
    %dma_wait3A_401 = tpu.memref_slice %arg12[%dma_wait3A_390] : memref<4x!tpu.dma_semaphore, #tpu.memory_space<semaphore_mem>> -> memref<1x!tpu.dma_semaphore, #tpu.memory_space<semaphore_mem>>
    %dma_wait3A_402 = tpu.memref_squeeze %dma_wait3A_401 : memref<1x!tpu.dma_semaphore, #tpu.memory_space<semaphore_mem>> -> memref<!tpu.dma_semaphore, #tpu.memory_space<semaphore_mem>>
    tpu.wait_indirect_dma semaphore(%dma_wait3A_402 : memref<!tpu.dma_semaphore, #tpu.memory_space<semaphore_mem>>) src(%dma_wait3A_394 : memref<64x128xf32, #tpu.memory_space<vmem>>) dst(%dma_wait3A_400 : memref<10240x128xf32, #tpu.memory_space<vmem_shared>>)
    %dma_wait3A_403 = arith.constant 1 : i32
    %dma_wait3A_404 = arith.constant 0 : i32
    %dma_wait3A_405 = arith.constant 1 : i32
    %dma_wait3A_406 = arith.constant 0 : i32
    %dma_wait3A_407 = arith.constant 0 : i32
    %dma_wait3A_408 = tpu.memref_slice %arg9[%dma_wait3A_403, %dma_wait3A_406, %dma_wait3A_407] : memref<4x64x128xf32, #tpu.memory_space<vmem>> -> memref<1x64x128xf32, #tpu.memory_space<vmem>>
    %dma_wait3A_409 = tpu.memref_squeeze %dma_wait3A_408 : memref<1x64x128xf32, #tpu.memory_space<vmem>> -> memref<64x128xf32, #tpu.memory_space<vmem>>
    %dma_wait3A_410 = arith.constant 0 : i32
    %dma_wait3A_411 = tpu.memref_slice %arg8[%dma_wait3A_404, %dma_wait3A_410] : memref<40x64xi32, #tpu.memory_space<vmem>> -> memref<1x64xi32, #tpu.memory_space<vmem>>
    %dma_wait3A_412 = tpu.memref_squeeze %dma_wait3A_411 : memref<1x64xi32, #tpu.memory_space<vmem>> -> memref<64xi32, #tpu.memory_space<vmem>>
    %dma_wait3A_413 = arith.constant 0 : i32
    %dma_wait3A_414 = arith.constant 0 : i32
    %dma_wait3A_415 = tpu.memref_slice %arg10[%dma_wait3A_413, %dma_wait3A_414] : memref<10240x128xf32, #tpu.memory_space<vmem_shared>> -> memref<10240x128xf32, #tpu.memory_space<vmem_shared>>
    %dma_wait3A_416 = tpu.memref_slice %arg12[%dma_wait3A_405] : memref<4x!tpu.dma_semaphore, #tpu.memory_space<semaphore_mem>> -> memref<1x!tpu.dma_semaphore, #tpu.memory_space<semaphore_mem>>
    %dma_wait3A_417 = tpu.memref_squeeze %dma_wait3A_416 : memref<1x!tpu.dma_semaphore, #tpu.memory_space<semaphore_mem>> -> memref<!tpu.dma_semaphore, #tpu.memory_space<semaphore_mem>>
    tpu.wait_indirect_dma semaphore(%dma_wait3A_417 : memref<!tpu.dma_semaphore, #tpu.memory_space<semaphore_mem>>) src(%dma_wait3A_409 : memref<64x128xf32, #tpu.memory_space<vmem>>) dst(%dma_wait3A_415 : memref<10240x128xf32, #tpu.memory_space<vmem_shared>>)
    %dma_wait3A_418 = arith.constant 2 : i32
    %dma_wait3A_419 = arith.constant 0 : i32
    %dma_wait3A_420 = arith.constant 2 : i32
    %dma_wait3A_421 = arith.constant 0 : i32
    %dma_wait3A_422 = arith.constant 0 : i32
    %dma_wait3A_423 = tpu.memref_slice %arg9[%dma_wait3A_418, %dma_wait3A_421, %dma_wait3A_422] : memref<4x64x128xf32, #tpu.memory_space<vmem>> -> memref<1x64x128xf32, #tpu.memory_space<vmem>>
    %dma_wait3A_424 = tpu.memref_squeeze %dma_wait3A_423 : memref<1x64x128xf32, #tpu.memory_space<vmem>> -> memref<64x128xf32, #tpu.memory_space<vmem>>
    %dma_wait3A_425 = arith.constant 0 : i32
    %dma_wait3A_426 = tpu.memref_slice %arg8[%dma_wait3A_419, %dma_wait3A_425] : memref<40x64xi32, #tpu.memory_space<vmem>> -> memref<1x64xi32, #tpu.memory_space<vmem>>
    %dma_wait3A_427 = tpu.memref_squeeze %dma_wait3A_426 : memref<1x64xi32, #tpu.memory_space<vmem>> -> memref<64xi32, #tpu.memory_space<vmem>>
    %dma_wait3A_428 = arith.constant 0 : i32
    %dma_wait3A_429 = arith.constant 0 : i32
    %dma_wait3A_430 = tpu.memref_slice %arg10[%dma_wait3A_428, %dma_wait3A_429] : memref<10240x128xf32, #tpu.memory_space<vmem_shared>> -> memref<10240x128xf32, #tpu.memory_space<vmem_shared>>
    %dma_wait3A_431 = tpu.memref_slice %arg12[%dma_wait3A_420] : memref<4x!tpu.dma_semaphore, #tpu.memory_space<semaphore_mem>> -> memref<1x!tpu.dma_semaphore, #tpu.memory_space<semaphore_mem>>
    %dma_wait3A_432 = tpu.memref_squeeze %dma_wait3A_431 : memref<1x!tpu.dma_semaphore, #tpu.memory_space<semaphore_mem>> -> memref<!tpu.dma_semaphore, #tpu.memory_space<semaphore_mem>>
    tpu.wait_indirect_dma semaphore(%dma_wait3A_432 : memref<!tpu.dma_semaphore, #tpu.memory_space<semaphore_mem>>) src(%dma_wait3A_424 : memref<64x128xf32, #tpu.memory_space<vmem>>) dst(%dma_wait3A_430 : memref<10240x128xf32, #tpu.memory_space<vmem_shared>>)
    %dma_wait3A_433 = arith.constant 3 : i32
    %dma_wait3A_434 = arith.constant 0 : i32
    %dma_wait3A_435 = arith.constant 3 : i32
    %dma_wait3A_436 = arith.constant 0 : i32
    %dma_wait3A_437 = arith.constant 0 : i32
    %dma_wait3A_438 = tpu.memref_slice %arg9[%dma_wait3A_433, %dma_wait3A_436, %dma_wait3A_437] : memref<4x64x128xf32, #tpu.memory_space<vmem>> -> memref<1x64x128xf32, #tpu.memory_space<vmem>>
    %dma_wait3A_439 = tpu.memref_squeeze %dma_wait3A_438 : memref<1x64x128xf32, #tpu.memory_space<vmem>> -> memref<64x128xf32, #tpu.memory_space<vmem>>
    %dma_wait3A_440 = arith.constant 0 : i32
    %dma_wait3A_441 = tpu.memref_slice %arg8[%dma_wait3A_434, %dma_wait3A_440] : memref<40x64xi32, #tpu.memory_space<vmem>> -> memref<1x64xi32, #tpu.memory_space<vmem>>
    %dma_wait3A_442 = tpu.memref_squeeze %dma_wait3A_441 : memref<1x64xi32, #tpu.memory_space<vmem>> -> memref<64xi32, #tpu.memory_space<vmem>>
    %dma_wait3A_443 = arith.constant 0 : i32
    %dma_wait3A_444 = arith.constant 0 : i32
    %dma_wait3A_445 = tpu.memref_slice %arg10[%dma_wait3A_443, %dma_wait3A_444] : memref<10240x128xf32, #tpu.memory_space<vmem_shared>> -> memref<10240x128xf32, #tpu.memory_space<vmem_shared>>
    %dma_wait3A_446 = tpu.memref_slice %arg12[%dma_wait3A_435] : memref<4x!tpu.dma_semaphore, #tpu.memory_space<semaphore_mem>> -> memref<1x!tpu.dma_semaphore, #tpu.memory_space<semaphore_mem>>
    %dma_wait3A_447 = tpu.memref_squeeze %dma_wait3A_446 : memref<1x!tpu.dma_semaphore, #tpu.memory_space<semaphore_mem>> -> memref<!tpu.dma_semaphore, #tpu.memory_space<semaphore_mem>>
    tpu.wait_indirect_dma semaphore(%dma_wait3A_447 : memref<!tpu.dma_semaphore, #tpu.memory_space<semaphore_mem>>) src(%dma_wait3A_439 : memref<64x128xf32, #tpu.memory_space<vmem>>) dst(%dma_wait3A_445 : memref<10240x128xf32, #tpu.memory_space<vmem_shared>>)
    %barrier3A_448 = arith.constant 0 : index
    tpu.barrier barrier_id(%barrier3A_448)
    %mul3A_449 = arith.constant 640 : i32
    %mul3A_450 = arith.muli %arg1, %mul3A_449 : i32
    %mul3A_451 = arith.constant 640 : i32
    %mul3A_452 = arith.muli %arg1, %mul3A_451 : i32
    "tpu.region"() ({
      %run_scoped3A = tpu.sem_alloc : memref<!tpu.dma_semaphore, #tpu.memory_space<semaphore_mem>>
      %dma_start3A_453 = arith.constant 0 : i32
      %dma_start3A_454 = tpu.memref_slice %arg6[%arg0, %mul3A_452, %dma_start3A_453] : memref<2x10240x128xf32, #tpu.memory_space<hbm>> -> memref<1x640x128xf32, #tpu.memory_space<hbm>>
      %dma_start3A_455 = tpu.memref_squeeze %dma_start3A_454 : memref<1x640x128xf32, #tpu.memory_space<hbm>> -> memref<640x128xf32, #tpu.memory_space<hbm>>
      %dma_start3A_456 = arith.constant 0 : i32
      %dma_start3A_457 = tpu.memref_slice %arg10[%mul3A_450, %dma_start3A_456] : memref<10240x128xf32, #tpu.memory_space<vmem_shared>> -> memref<640x128xf32, #tpu.memory_space<vmem_shared>>
      tpu.enqueue_dma source(%dma_start3A_457 : memref<640x128xf32, #tpu.memory_space<vmem_shared>>) target(%dma_start3A_455 : memref<640x128xf32, #tpu.memory_space<hbm>>) target_semaphore(%run_scoped3A : memref<!tpu.dma_semaphore, #tpu.memory_space<semaphore_mem>>)
      %dma_wait3A_458 = arith.constant 0 : i32
      %dma_wait3A_459 = tpu.memref_slice %arg6[%arg0, %mul3A_452, %dma_wait3A_458] : memref<2x10240x128xf32, #tpu.memory_space<hbm>> -> memref<1x640x128xf32, #tpu.memory_space<hbm>>
      %dma_wait3A_460 = tpu.memref_squeeze %dma_wait3A_459 : memref<1x640x128xf32, #tpu.memory_space<hbm>> -> memref<640x128xf32, #tpu.memory_space<hbm>>
      %dma_wait3A_461 = arith.constant 0 : i32
      %dma_wait3A_462 = tpu.memref_slice %arg10[%mul3A_450, %dma_wait3A_461] : memref<10240x128xf32, #tpu.memory_space<vmem_shared>> -> memref<640x128xf32, #tpu.memory_space<vmem_shared>>
      tpu.wait_dma2 semaphore(%run_scoped3A : memref<!tpu.dma_semaphore, #tpu.memory_space<semaphore_mem>>) src(%dma_wait3A_462 : memref<640x128xf32, #tpu.memory_space<vmem_shared>>) dst(%dma_wait3A_460 : memref<640x128xf32, #tpu.memory_space<hbm>>)
      tpu.yield
    }) : () -> ()
    return
  }
}

#map = affine_map<(d0, d1) -> (0, 0)>
#map1 = affine_map<(d0, d1) -> (0, 0, 0)>
module attributes {stable_mosaic.version = 14 : i64} {
  func.func @_agg_body(%arg0: i32, %arg1: i32, %arg2: memref<10000x128xf32, #tpu.memory_space<hbm>>, %arg3: memref<32x160x64xi32, #tpu.memory_space<hbm>>, %arg4: memref<32x160x64xi32, #tpu.memory_space<hbm>>, %arg5: memref<640x128xf32, #tpu.memory_space<hbm>>, %arg6: memref<2x10240x128xf32, #tpu.memory_space<hbm>>, %arg7: memref<40x64xi32, #tpu.memory_space<vmem>>, %arg8: memref<40x64xi32, #tpu.memory_space<vmem>>, %arg9: memref<4x64x128xf32, #tpu.memory_space<vmem>>, %arg10: memref<10240x128xf32, #tpu.memory_space<vmem_shared>>, %arg11: memref<4x!tpu.dma_semaphore, #tpu.memory_space<semaphore_mem>>, %arg12: memref<4x!tpu.dma_semaphore, #tpu.memory_space<semaphore_mem>>) attributes {dimension_semantics = [#tpu.dimension_semantics<core_parallel>, #tpu.dimension_semantics<subcore_parallel>], iteration_bounds = array<i64: 2, 16>, scalar_prefetch = 0 : i64, scratch_operands = 6 : i64, tpu.core_type = #tpu.core_type<sc_vector_subcore>, window_params = [{transform_indices = #map}, {transform_indices = #map1}, {transform_indices = #map1}, {transform_indices = #map}, {transform_indices = #map1}]} {
    %mul3A = arith.constant 2 : i32
    %mul3A_0 = arith.muli %arg1, %mul3A : i32
    %add3A = arith.addi %mul3A_0, %arg0 : i32
    %mul3A_1 = arith.constant 640 : i32
    %mul3A_2 = arith.muli %arg1, %mul3A_1 : i32
    "tpu.region"() ({
      %run_scoped3A = tpu.sem_alloc : memref<!tpu.dma_semaphore, #tpu.memory_space<semaphore_mem>>
      %dma_start3A_453 = arith.constant 0 : i32
      %dma_start3A_454 = tpu.memref_slice %arg10[%mul3A_2, %dma_start3A_453] : memref<10240x128xf32, #tpu.memory_space<vmem_shared>> -> memref<640x128xf32, #tpu.memory_space<vmem_shared>>
      tpu.enqueue_dma source(%arg5 : memref<640x128xf32, #tpu.memory_space<hbm>>) target(%dma_start3A_454 : memref<640x128xf32, #tpu.memory_space<vmem_shared>>) target_semaphore(%run_scoped3A : memref<!tpu.dma_semaphore, #tpu.memory_space<semaphore_mem>>)
      %dma_wait3A_455 = arith.constant 0 : i32
      %dma_wait3A_456 = tpu.memref_slice %arg10[%mul3A_2, %dma_wait3A_455] : memref<10240x128xf32, #tpu.memory_space<vmem_shared>> -> memref<640x128xf32, #tpu.memory_space<vmem_shared>>
      tpu.wait_dma2 semaphore(%run_scoped3A : memref<!tpu.dma_semaphore, #tpu.memory_space<semaphore_mem>>) src(%arg5 : memref<640x128xf32, #tpu.memory_space<hbm>>) dst(%dma_wait3A_456 : memref<640x128xf32, #tpu.memory_space<vmem_shared>>)
      tpu.yield
    }) : () -> ()
    "tpu.region"() ({
      %run_scoped3A = tpu.sem_alloc : memref<!tpu.dma_semaphore, #tpu.memory_space<semaphore_mem>>
      %dma_start3A_453 = arith.constant 0 : i32
      %dma_start3A_454 = arith.constant 0 : i32
      %dma_start3A_455 = tpu.memref_slice %arg3[%add3A, %dma_start3A_453, %dma_start3A_454] : memref<32x160x64xi32, #tpu.memory_space<hbm>> -> memref<1x40x64xi32, #tpu.memory_space<hbm>>
      %dma_start3A_456 = tpu.memref_squeeze %dma_start3A_455 : memref<1x40x64xi32, #tpu.memory_space<hbm>> -> memref<40x64xi32, #tpu.memory_space<hbm>>
      %dma_start3A_457 = arith.constant 0 : i32
      %dma_start3A_458 = arith.constant 0 : i32
      %dma_start3A_459 = tpu.memref_slice %arg3[%add3A, %dma_start3A_457, %dma_start3A_458] : memref<32x160x64xi32, #tpu.memory_space<hbm>> -> memref<1x40x64xi32, #tpu.memory_space<hbm>>
      %dma_start3A_460 = tpu.memref_squeeze %dma_start3A_459 : memref<1x40x64xi32, #tpu.memory_space<hbm>> -> memref<40x64xi32, #tpu.memory_space<hbm>>
      tpu.enqueue_dma source(%dma_start3A_460 : memref<40x64xi32, #tpu.memory_space<hbm>>) target(%arg7 : memref<40x64xi32, #tpu.memory_space<vmem>>) target_semaphore(%run_scoped3A : memref<!tpu.dma_semaphore, #tpu.memory_space<semaphore_mem>>)
      %dma_wait3A_461 = arith.constant 0 : i32
      %dma_wait3A_462 = arith.constant 0 : i32
      %dma_wait3A_463 = tpu.memref_slice %arg3[%add3A, %dma_wait3A_461, %dma_wait3A_462] : memref<32x160x64xi32, #tpu.memory_space<hbm>> -> memref<1x40x64xi32, #tpu.memory_space<hbm>>
      %dma_wait3A_464 = tpu.memref_squeeze %dma_wait3A_463 : memref<1x40x64xi32, #tpu.memory_space<hbm>> -> memref<40x64xi32, #tpu.memory_space<hbm>>
      %dma_wait3A_465 = arith.constant 0 : i32
      %dma_wait3A_466 = arith.constant 0 : i32
      %dma_wait3A_467 = tpu.memref_slice %arg3[%add3A, %dma_wait3A_465, %dma_wait3A_466] : memref<32x160x64xi32, #tpu.memory_space<hbm>> -> memref<1x40x64xi32, #tpu.memory_space<hbm>>
      %dma_wait3A_468 = tpu.memref_squeeze %dma_wait3A_467 : memref<1x40x64xi32, #tpu.memory_space<hbm>> -> memref<40x64xi32, #tpu.memory_space<hbm>>
      tpu.wait_dma2 semaphore(%run_scoped3A : memref<!tpu.dma_semaphore, #tpu.memory_space<semaphore_mem>>) src(%dma_wait3A_468 : memref<40x64xi32, #tpu.memory_space<hbm>>) dst(%arg7 : memref<40x64xi32, #tpu.memory_space<vmem>>)
      tpu.yield
    }) : () -> ()
    "tpu.region"() ({
      %run_scoped3A = tpu.sem_alloc : memref<!tpu.dma_semaphore, #tpu.memory_space<semaphore_mem>>
      %dma_start3A_453 = arith.constant 0 : i32
      %dma_start3A_454 = arith.constant 0 : i32
      %dma_start3A_455 = tpu.memref_slice %arg4[%add3A, %dma_start3A_453, %dma_start3A_454] : memref<32x160x64xi32, #tpu.memory_space<hbm>> -> memref<1x40x64xi32, #tpu.memory_space<hbm>>
      %dma_start3A_456 = tpu.memref_squeeze %dma_start3A_455 : memref<1x40x64xi32, #tpu.memory_space<hbm>> -> memref<40x64xi32, #tpu.memory_space<hbm>>
      %dma_start3A_457 = arith.constant 0 : i32
      %dma_start3A_458 = arith.constant 0 : i32
      %dma_start3A_459 = tpu.memref_slice %arg4[%add3A, %dma_start3A_457, %dma_start3A_458] : memref<32x160x64xi32, #tpu.memory_space<hbm>> -> memref<1x40x64xi32, #tpu.memory_space<hbm>>
      %dma_start3A_460 = tpu.memref_squeeze %dma_start3A_459 : memref<1x40x64xi32, #tpu.memory_space<hbm>> -> memref<40x64xi32, #tpu.memory_space<hbm>>
      tpu.enqueue_dma source(%dma_start3A_460 : memref<40x64xi32, #tpu.memory_space<hbm>>) target(%arg8 : memref<40x64xi32, #tpu.memory_space<vmem>>) target_semaphore(%run_scoped3A : memref<!tpu.dma_semaphore, #tpu.memory_space<semaphore_mem>>)
      %dma_wait3A_461 = arith.constant 0 : i32
      %dma_wait3A_462 = arith.constant 0 : i32
      %dma_wait3A_463 = tpu.memref_slice %arg4[%add3A, %dma_wait3A_461, %dma_wait3A_462] : memref<32x160x64xi32, #tpu.memory_space<hbm>> -> memref<1x40x64xi32, #tpu.memory_space<hbm>>
      %dma_wait3A_464 = tpu.memref_squeeze %dma_wait3A_463 : memref<1x40x64xi32, #tpu.memory_space<hbm>> -> memref<40x64xi32, #tpu.memory_space<hbm>>
      %dma_wait3A_465 = arith.constant 0 : i32
      %dma_wait3A_466 = arith.constant 0 : i32
      %dma_wait3A_467 = tpu.memref_slice %arg4[%add3A, %dma_wait3A_465, %dma_wait3A_466] : memref<32x160x64xi32, #tpu.memory_space<hbm>> -> memref<1x40x64xi32, #tpu.memory_space<hbm>>
      %dma_wait3A_468 = tpu.memref_squeeze %dma_wait3A_467 : memref<1x40x64xi32, #tpu.memory_space<hbm>> -> memref<40x64xi32, #tpu.memory_space<hbm>>
      tpu.wait_dma2 semaphore(%run_scoped3A : memref<!tpu.dma_semaphore, #tpu.memory_space<semaphore_mem>>) src(%dma_wait3A_468 : memref<40x64xi32, #tpu.memory_space<hbm>>) dst(%arg8 : memref<40x64xi32, #tpu.memory_space<vmem>>)
      tpu.yield
    }) : () -> ()
    %barrier3A = arith.constant 0 : index
    tpu.barrier barrier_id(%barrier3A)
    %dma_start3A = arith.constant 0 : i32
    %dma_start3A_3 = arith.constant 0 : i32
    %dma_start3A_4 = arith.constant 0 : i32
    %dma_start3A_5 = arith.constant 0 : i32
    %dma_start3A_6 = arith.constant 0 : i32
    %dma_start3A_7 = tpu.memref_slice %arg9[%dma_start3A_3, %dma_start3A_5, %dma_start3A_6] : memref<4x64x128xf32, #tpu.memory_space<vmem>> -> memref<1x64x128xf32, #tpu.memory_space<vmem>>
    %dma_start3A_8 = tpu.memref_squeeze %dma_start3A_7 : memref<1x64x128xf32, #tpu.memory_space<vmem>> -> memref<64x128xf32, #tpu.memory_space<vmem>>
    %dma_start3A_9 = arith.constant 0 : i32
    %dma_start3A_10 = tpu.memref_slice %arg7[%dma_start3A, %dma_start3A_9] : memref<40x64xi32, #tpu.memory_space<vmem>> -> memref<1x64xi32, #tpu.memory_space<vmem>>
    %dma_start3A_11 = tpu.memref_squeeze %dma_start3A_10 : memref<1x64xi32, #tpu.memory_space<vmem>> -> memref<64xi32, #tpu.memory_space<vmem>>
    %dma_start3A_12 = arith.constant 0 : i32
    %dma_start3A_13 = arith.constant 0 : i32
    %dma_start3A_14 = tpu.memref_slice %arg2[%dma_start3A_12, %dma_start3A_13] : memref<10000x128xf32, #tpu.memory_space<hbm>> -> memref<10000x128xf32, #tpu.memory_space<hbm>>
    %dma_start3A_15 = tpu.memref_slice %arg11[%dma_start3A_4] : memref<4x!tpu.dma_semaphore, #tpu.memory_space<semaphore_mem>> -> memref<1x!tpu.dma_semaphore, #tpu.memory_space<semaphore_mem>>
    %dma_start3A_16 = tpu.memref_squeeze %dma_start3A_15 : memref<1x!tpu.dma_semaphore, #tpu.memory_space<semaphore_mem>> -> memref<!tpu.dma_semaphore, #tpu.memory_space<semaphore_mem>>
    tpu.enqueue_indirect_dma source(%dma_start3A_14 : memref<10000x128xf32, #tpu.memory_space<hbm>>) target(%dma_start3A_8 : memref<64x128xf32, #tpu.memory_space<vmem>>) offsets(%dma_start3A_11 : memref<64xi32, #tpu.memory_space<vmem>>) semaphore(%dma_start3A_16 : memref<!tpu.dma_semaphore, #tpu.memory_space<semaphore_mem>>)
    %dma_start3A_17 = arith.constant 1 : i32
    %dma_start3A_18 = arith.constant 1 : i32
    %dma_start3A_19 = arith.constant 1 : i32
    %dma_start3A_20 = arith.constant 0 : i32
    %dma_start3A_21 = arith.constant 0 : i32
    %dma_start3A_22 = tpu.memref_slice %arg9[%dma_start3A_18, %dma_start3A_20, %dma_start3A_21] : memref<4x64x128xf32, #tpu.memory_space<vmem>> -> memref<1x64x128xf32, #tpu.memory_space<vmem>>
    %dma_start3A_23 = tpu.memref_squeeze %dma_start3A_22 : memref<1x64x128xf32, #tpu.memory_space<vmem>> -> memref<64x128xf32, #tpu.memory_space<vmem>>
    %dma_start3A_24 = arith.constant 0 : i32
    %dma_start3A_25 = tpu.memref_slice %arg7[%dma_start3A_17, %dma_start3A_24] : memref<40x64xi32, #tpu.memory_space<vmem>> -> memref<1x64xi32, #tpu.memory_space<vmem>>
    %dma_start3A_26 = tpu.memref_squeeze %dma_start3A_25 : memref<1x64xi32, #tpu.memory_space<vmem>> -> memref<64xi32, #tpu.memory_space<vmem>>
    %dma_start3A_27 = arith.constant 0 : i32
    %dma_start3A_28 = arith.constant 0 : i32
    %dma_start3A_29 = tpu.memref_slice %arg2[%dma_start3A_27, %dma_start3A_28] : memref<10000x128xf32, #tpu.memory_space<hbm>> -> memref<10000x128xf32, #tpu.memory_space<hbm>>
    %dma_start3A_30 = tpu.memref_slice %arg11[%dma_start3A_19] : memref<4x!tpu.dma_semaphore, #tpu.memory_space<semaphore_mem>> -> memref<1x!tpu.dma_semaphore, #tpu.memory_space<semaphore_mem>>
    %dma_start3A_31 = tpu.memref_squeeze %dma_start3A_30 : memref<1x!tpu.dma_semaphore, #tpu.memory_space<semaphore_mem>> -> memref<!tpu.dma_semaphore, #tpu.memory_space<semaphore_mem>>
    tpu.enqueue_indirect_dma source(%dma_start3A_29 : memref<10000x128xf32, #tpu.memory_space<hbm>>) target(%dma_start3A_23 : memref<64x128xf32, #tpu.memory_space<vmem>>) offsets(%dma_start3A_26 : memref<64xi32, #tpu.memory_space<vmem>>) semaphore(%dma_start3A_31 : memref<!tpu.dma_semaphore, #tpu.memory_space<semaphore_mem>>)
    %dma_start3A_32 = arith.constant 2 : i32
    %dma_start3A_33 = arith.constant 2 : i32
    %dma_start3A_34 = arith.constant 2 : i32
    %dma_start3A_35 = arith.constant 0 : i32
    %dma_start3A_36 = arith.constant 0 : i32
    %dma_start3A_37 = tpu.memref_slice %arg9[%dma_start3A_33, %dma_start3A_35, %dma_start3A_36] : memref<4x64x128xf32, #tpu.memory_space<vmem>> -> memref<1x64x128xf32, #tpu.memory_space<vmem>>
    %dma_start3A_38 = tpu.memref_squeeze %dma_start3A_37 : memref<1x64x128xf32, #tpu.memory_space<vmem>> -> memref<64x128xf32, #tpu.memory_space<vmem>>
    %dma_start3A_39 = arith.constant 0 : i32
    %dma_start3A_40 = tpu.memref_slice %arg7[%dma_start3A_32, %dma_start3A_39] : memref<40x64xi32, #tpu.memory_space<vmem>> -> memref<1x64xi32, #tpu.memory_space<vmem>>
    %dma_start3A_41 = tpu.memref_squeeze %dma_start3A_40 : memref<1x64xi32, #tpu.memory_space<vmem>> -> memref<64xi32, #tpu.memory_space<vmem>>
    %dma_start3A_42 = arith.constant 0 : i32
    %dma_start3A_43 = arith.constant 0 : i32
    %dma_start3A_44 = tpu.memref_slice %arg2[%dma_start3A_42, %dma_start3A_43] : memref<10000x128xf32, #tpu.memory_space<hbm>> -> memref<10000x128xf32, #tpu.memory_space<hbm>>
    %dma_start3A_45 = tpu.memref_slice %arg11[%dma_start3A_34] : memref<4x!tpu.dma_semaphore, #tpu.memory_space<semaphore_mem>> -> memref<1x!tpu.dma_semaphore, #tpu.memory_space<semaphore_mem>>
    %dma_start3A_46 = tpu.memref_squeeze %dma_start3A_45 : memref<1x!tpu.dma_semaphore, #tpu.memory_space<semaphore_mem>> -> memref<!tpu.dma_semaphore, #tpu.memory_space<semaphore_mem>>
    tpu.enqueue_indirect_dma source(%dma_start3A_44 : memref<10000x128xf32, #tpu.memory_space<hbm>>) target(%dma_start3A_38 : memref<64x128xf32, #tpu.memory_space<vmem>>) offsets(%dma_start3A_41 : memref<64xi32, #tpu.memory_space<vmem>>) semaphore(%dma_start3A_46 : memref<!tpu.dma_semaphore, #tpu.memory_space<semaphore_mem>>)
    %scan3A = arith.constant 0 : i32
    %scan3A_47 = arith.constant 0 : i32
    %scan3A_48 = arith.constant 40 : i32
    %scan3A_49 = arith.addi %scan3A_47, %scan3A_48 : i32
    %scan3A_50 = arith.constant 1 : i32
    %scan3A_51 = scf.for %scan3A_453 = %scan3A_47 to %scan3A_49 step %scan3A_50 iter_args(%scan3A_454 = %scan3A) -> (i32)  : i32 {
      %rem3A = arith.constant 4 : i32
      %rem3A_455 = arith.remsi %scan3A_453, %rem3A : i32
      %dma_wait3A_456 = arith.constant 0 : i32
      %dma_wait3A_457 = arith.constant 0 : i32
      %dma_wait3A_458 = tpu.memref_slice %arg9[%rem3A_455, %dma_wait3A_456, %dma_wait3A_457] : memref<4x64x128xf32, #tpu.memory_space<vmem>> -> memref<1x64x128xf32, #tpu.memory_space<vmem>>
      %dma_wait3A_459 = tpu.memref_squeeze %dma_wait3A_458 : memref<1x64x128xf32, #tpu.memory_space<vmem>> -> memref<64x128xf32, #tpu.memory_space<vmem>>
      %dma_wait3A_460 = arith.constant 0 : i32
      %dma_wait3A_461 = tpu.memref_slice %arg7[%scan3A_453, %dma_wait3A_460] : memref<40x64xi32, #tpu.memory_space<vmem>> -> memref<1x64xi32, #tpu.memory_space<vmem>>
      %dma_wait3A_462 = tpu.memref_squeeze %dma_wait3A_461 : memref<1x64xi32, #tpu.memory_space<vmem>> -> memref<64xi32, #tpu.memory_space<vmem>>
      %dma_wait3A_463 = arith.constant 0 : i32
      %dma_wait3A_464 = arith.constant 0 : i32
      %dma_wait3A_465 = tpu.memref_slice %arg2[%dma_wait3A_463, %dma_wait3A_464] : memref<10000x128xf32, #tpu.memory_space<hbm>> -> memref<10000x128xf32, #tpu.memory_space<hbm>>
      %dma_wait3A_466 = tpu.memref_slice %arg11[%rem3A_455] : memref<4x!tpu.dma_semaphore, #tpu.memory_space<semaphore_mem>> -> memref<1x!tpu.dma_semaphore, #tpu.memory_space<semaphore_mem>>
      %dma_wait3A_467 = tpu.memref_squeeze %dma_wait3A_466 : memref<1x!tpu.dma_semaphore, #tpu.memory_space<semaphore_mem>> -> memref<!tpu.dma_semaphore, #tpu.memory_space<semaphore_mem>>
      tpu.wait_indirect_dma semaphore(%dma_wait3A_467 : memref<!tpu.dma_semaphore, #tpu.memory_space<semaphore_mem>>) src(%dma_wait3A_465 : memref<10000x128xf32, #tpu.memory_space<hbm>>) dst(%dma_wait3A_459 : memref<64x128xf32, #tpu.memory_space<vmem>>)
      %dma_start3A_468 = arith.constant 0 : i32
      %dma_start3A_469 = arith.constant 0 : i32
      %dma_start3A_470 = tpu.memref_slice %arg9[%rem3A_455, %dma_start3A_468, %dma_start3A_469] : memref<4x64x128xf32, #tpu.memory_space<vmem>> -> memref<1x64x128xf32, #tpu.memory_space<vmem>>
      %dma_start3A_471 = tpu.memref_squeeze %dma_start3A_470 : memref<1x64x128xf32, #tpu.memory_space<vmem>> -> memref<64x128xf32, #tpu.memory_space<vmem>>
      %dma_start3A_472 = arith.constant 0 : i32
      %dma_start3A_473 = tpu.memref_slice %arg8[%scan3A_453, %dma_start3A_472] : memref<40x64xi32, #tpu.memory_space<vmem>> -> memref<1x64xi32, #tpu.memory_space<vmem>>
      %dma_start3A_474 = tpu.memref_squeeze %dma_start3A_473 : memref<1x64xi32, #tpu.memory_space<vmem>> -> memref<64xi32, #tpu.memory_space<vmem>>
      %dma_start3A_475 = arith.constant 0 : i32
      %dma_start3A_476 = arith.constant 0 : i32
      %dma_start3A_477 = tpu.memref_slice %arg10[%dma_start3A_475, %dma_start3A_476] : memref<10240x128xf32, #tpu.memory_space<vmem_shared>> -> memref<10240x128xf32, #tpu.memory_space<vmem_shared>>
      %dma_start3A_478 = tpu.memref_slice %arg12[%rem3A_455] : memref<4x!tpu.dma_semaphore, #tpu.memory_space<semaphore_mem>> -> memref<1x!tpu.dma_semaphore, #tpu.memory_space<semaphore_mem>>
      %dma_start3A_479 = tpu.memref_squeeze %dma_start3A_478 : memref<1x!tpu.dma_semaphore, #tpu.memory_space<semaphore_mem>> -> memref<!tpu.dma_semaphore, #tpu.memory_space<semaphore_mem>>
      tpu.enqueue_indirect_dma source(%dma_start3A_471 : memref<64x128xf32, #tpu.memory_space<vmem>>) target(%dma_start3A_477 : memref<10240x128xf32, #tpu.memory_space<vmem_shared>>) offsets(%dma_start3A_474 : memref<64xi32, #tpu.memory_space<vmem>>) semaphore(%dma_start3A_479 : memref<!tpu.dma_semaphore, #tpu.memory_space<semaphore_mem>>) {add = true}
      %add3A_480 = arith.constant 4 : i32
      %add3A_481 = arith.addi %scan3A_453, %add3A_480 : i32
      %sub3A = arith.constant 1 : i32
      %sub3A_482 = arith.subi %add3A_481, %sub3A : i32
      %lt3A = arith.constant 40 : i32
      %lt3A_483 = arith.cmpi slt, %sub3A_482, %lt3A : i32
      %convert_element_type3A = arith.extui %lt3A_483 : i1 to i32
      %cond3A = arith.constant 0 : i32
      %cond3A_484 = arith.cmpi ne, %convert_element_type3A, %cond3A : i32
      scf.if %cond3A_484 {
        %add3A_486 = arith.constant 4 : i32
        %add3A_487 = arith.addi %scan3A_453, %add3A_486 : i32
        %sub3A_488 = arith.constant 1 : i32
        %sub3A_489 = arith.subi %add3A_487, %sub3A_488 : i32
        %rem3A_490 = arith.constant 4 : i32
        %rem3A_491 = arith.remsi %sub3A_489, %rem3A_490 : i32
        %ge3A = arith.constant 1 : i32
        %ge3A_492 = arith.cmpi sge, %scan3A_453, %ge3A : i32
        %convert_element_type3A_493 = arith.extui %ge3A_492 : i1 to i32
        %cond3A_494 = arith.constant 0 : i32
        %cond3A_495 = arith.cmpi ne, %convert_element_type3A_493, %cond3A_494 : i32
        scf.if %cond3A_495 {
          %sub3A_512 = arith.constant 1 : i32
          %sub3A_513 = arith.subi %scan3A_453, %sub3A_512 : i32
          %dma_wait3A_514 = arith.constant 0 : i32
          %dma_wait3A_515 = arith.constant 0 : i32
          %dma_wait3A_516 = tpu.memref_slice %arg9[%rem3A_491, %dma_wait3A_514, %dma_wait3A_515] : memref<4x64x128xf32, #tpu.memory_space<vmem>> -> memref<1x64x128xf32, #tpu.memory_space<vmem>>
          %dma_wait3A_517 = tpu.memref_squeeze %dma_wait3A_516 : memref<1x64x128xf32, #tpu.memory_space<vmem>> -> memref<64x128xf32, #tpu.memory_space<vmem>>
          %dma_wait3A_518 = arith.constant 0 : i32
          %dma_wait3A_519 = tpu.memref_slice %arg8[%sub3A_513, %dma_wait3A_518] : memref<40x64xi32, #tpu.memory_space<vmem>> -> memref<1x64xi32, #tpu.memory_space<vmem>>
          %dma_wait3A_520 = tpu.memref_squeeze %dma_wait3A_519 : memref<1x64xi32, #tpu.memory_space<vmem>> -> memref<64xi32, #tpu.memory_space<vmem>>
          %dma_wait3A_521 = arith.constant 0 : i32
          %dma_wait3A_522 = arith.constant 0 : i32
          %dma_wait3A_523 = tpu.memref_slice %arg10[%dma_wait3A_521, %dma_wait3A_522] : memref<10240x128xf32, #tpu.memory_space<vmem_shared>> -> memref<10240x128xf32, #tpu.memory_space<vmem_shared>>
          %dma_wait3A_524 = tpu.memref_slice %arg12[%rem3A_491] : memref<4x!tpu.dma_semaphore, #tpu.memory_space<semaphore_mem>> -> memref<1x!tpu.dma_semaphore, #tpu.memory_space<semaphore_mem>>
          %dma_wait3A_525 = tpu.memref_squeeze %dma_wait3A_524 : memref<1x!tpu.dma_semaphore, #tpu.memory_space<semaphore_mem>> -> memref<!tpu.dma_semaphore, #tpu.memory_space<semaphore_mem>>
          tpu.wait_indirect_dma semaphore(%dma_wait3A_525 : memref<!tpu.dma_semaphore, #tpu.memory_space<semaphore_mem>>) src(%dma_wait3A_517 : memref<64x128xf32, #tpu.memory_space<vmem>>) dst(%dma_wait3A_523 : memref<10240x128xf32, #tpu.memory_space<vmem_shared>>)
        } else {
        }
        %add3A_496 = arith.constant 4 : i32
        %add3A_497 = arith.addi %scan3A_453, %add3A_496 : i32
        %sub3A_498 = arith.constant 1 : i32
        %sub3A_499 = arith.subi %add3A_497, %sub3A_498 : i32
        %dma_start3A_500 = arith.constant 0 : i32
        %dma_start3A_501 = arith.constant 0 : i32
        %dma_start3A_502 = tpu.memref_slice %arg9[%rem3A_491, %dma_start3A_500, %dma_start3A_501] : memref<4x64x128xf32, #tpu.memory_space<vmem>> -> memref<1x64x128xf32, #tpu.memory_space<vmem>>
        %dma_start3A_503 = tpu.memref_squeeze %dma_start3A_502 : memref<1x64x128xf32, #tpu.memory_space<vmem>> -> memref<64x128xf32, #tpu.memory_space<vmem>>
        %dma_start3A_504 = arith.constant 0 : i32
        %dma_start3A_505 = tpu.memref_slice %arg7[%sub3A_499, %dma_start3A_504] : memref<40x64xi32, #tpu.memory_space<vmem>> -> memref<1x64xi32, #tpu.memory_space<vmem>>
        %dma_start3A_506 = tpu.memref_squeeze %dma_start3A_505 : memref<1x64xi32, #tpu.memory_space<vmem>> -> memref<64xi32, #tpu.memory_space<vmem>>
        %dma_start3A_507 = arith.constant 0 : i32
        %dma_start3A_508 = arith.constant 0 : i32
        %dma_start3A_509 = tpu.memref_slice %arg2[%dma_start3A_507, %dma_start3A_508] : memref<10000x128xf32, #tpu.memory_space<hbm>> -> memref<10000x128xf32, #tpu.memory_space<hbm>>
        %dma_start3A_510 = tpu.memref_slice %arg11[%rem3A_491] : memref<4x!tpu.dma_semaphore, #tpu.memory_space<semaphore_mem>> -> memref<1x!tpu.dma_semaphore, #tpu.memory_space<semaphore_mem>>
        %dma_start3A_511 = tpu.memref_squeeze %dma_start3A_510 : memref<1x!tpu.dma_semaphore, #tpu.memory_space<semaphore_mem>> -> memref<!tpu.dma_semaphore, #tpu.memory_space<semaphore_mem>>
        tpu.enqueue_indirect_dma source(%dma_start3A_509 : memref<10000x128xf32, #tpu.memory_space<hbm>>) target(%dma_start3A_503 : memref<64x128xf32, #tpu.memory_space<vmem>>) offsets(%dma_start3A_506 : memref<64xi32, #tpu.memory_space<vmem>>) semaphore(%dma_start3A_511 : memref<!tpu.dma_semaphore, #tpu.memory_space<semaphore_mem>>)
      } else {
      }
      %scan3A_485 = arith.constant 0 : i32
      scf.yield %scan3A_485 : i32
    }
    %scan3A_52 = arith.constant 40 : i32
    %dma_wait3A = arith.constant 0 : i32
    %dma_wait3A_53 = arith.constant 0 : i32
    %dma_wait3A_54 = arith.constant 0 : i32
    %dma_wait3A_55 = arith.constant 0 : i32
    %dma_wait3A_56 = arith.constant 0 : i32
    %dma_wait3A_57 = tpu.memref_slice %arg9[%dma_wait3A, %dma_wait3A_55, %dma_wait3A_56] : memref<4x64x128xf32, #tpu.memory_space<vmem>> -> memref<1x64x128xf32, #tpu.memory_space<vmem>>
    %dma_wait3A_58 = tpu.memref_squeeze %dma_wait3A_57 : memref<1x64x128xf32, #tpu.memory_space<vmem>> -> memref<64x128xf32, #tpu.memory_space<vmem>>
    %dma_wait3A_59 = arith.constant 0 : i32
    %dma_wait3A_60 = tpu.memref_slice %arg8[%dma_wait3A_53, %dma_wait3A_59] : memref<40x64xi32, #tpu.memory_space<vmem>> -> memref<1x64xi32, #tpu.memory_space<vmem>>
    %dma_wait3A_61 = tpu.memref_squeeze %dma_wait3A_60 : memref<1x64xi32, #tpu.memory_space<vmem>> -> memref<64xi32, #tpu.memory_space<vmem>>
    %dma_wait3A_62 = arith.constant 0 : i32
    %dma_wait3A_63 = arith.constant 0 : i32
    %dma_wait3A_64 = tpu.memref_slice %arg10[%dma_wait3A_62, %dma_wait3A_63] : memref<10240x128xf32, #tpu.memory_space<vmem_shared>> -> memref<10240x128xf32, #tpu.memory_space<vmem_shared>>
    %dma_wait3A_65 = tpu.memref_slice %arg12[%dma_wait3A_54] : memref<4x!tpu.dma_semaphore, #tpu.memory_space<semaphore_mem>> -> memref<1x!tpu.dma_semaphore, #tpu.memory_space<semaphore_mem>>
    %dma_wait3A_66 = tpu.memref_squeeze %dma_wait3A_65 : memref<1x!tpu.dma_semaphore, #tpu.memory_space<semaphore_mem>> -> memref<!tpu.dma_semaphore, #tpu.memory_space<semaphore_mem>>
    tpu.wait_indirect_dma semaphore(%dma_wait3A_66 : memref<!tpu.dma_semaphore, #tpu.memory_space<semaphore_mem>>) src(%dma_wait3A_58 : memref<64x128xf32, #tpu.memory_space<vmem>>) dst(%dma_wait3A_64 : memref<10240x128xf32, #tpu.memory_space<vmem_shared>>)
    %dma_wait3A_67 = arith.constant 1 : i32
    %dma_wait3A_68 = arith.constant 0 : i32
    %dma_wait3A_69 = arith.constant 1 : i32
    %dma_wait3A_70 = arith.constant 0 : i32
    %dma_wait3A_71 = arith.constant 0 : i32
    %dma_wait3A_72 = tpu.memref_slice %arg9[%dma_wait3A_67, %dma_wait3A_70, %dma_wait3A_71] : memref<4x64x128xf32, #tpu.memory_space<vmem>> -> memref<1x64x128xf32, #tpu.memory_space<vmem>>
    %dma_wait3A_73 = tpu.memref_squeeze %dma_wait3A_72 : memref<1x64x128xf32, #tpu.memory_space<vmem>> -> memref<64x128xf32, #tpu.memory_space<vmem>>
    %dma_wait3A_74 = arith.constant 0 : i32
    %dma_wait3A_75 = tpu.memref_slice %arg8[%dma_wait3A_68, %dma_wait3A_74] : memref<40x64xi32, #tpu.memory_space<vmem>> -> memref<1x64xi32, #tpu.memory_space<vmem>>
    %dma_wait3A_76 = tpu.memref_squeeze %dma_wait3A_75 : memref<1x64xi32, #tpu.memory_space<vmem>> -> memref<64xi32, #tpu.memory_space<vmem>>
    %dma_wait3A_77 = arith.constant 0 : i32
    %dma_wait3A_78 = arith.constant 0 : i32
    %dma_wait3A_79 = tpu.memref_slice %arg10[%dma_wait3A_77, %dma_wait3A_78] : memref<10240x128xf32, #tpu.memory_space<vmem_shared>> -> memref<10240x128xf32, #tpu.memory_space<vmem_shared>>
    %dma_wait3A_80 = tpu.memref_slice %arg12[%dma_wait3A_69] : memref<4x!tpu.dma_semaphore, #tpu.memory_space<semaphore_mem>> -> memref<1x!tpu.dma_semaphore, #tpu.memory_space<semaphore_mem>>
    %dma_wait3A_81 = tpu.memref_squeeze %dma_wait3A_80 : memref<1x!tpu.dma_semaphore, #tpu.memory_space<semaphore_mem>> -> memref<!tpu.dma_semaphore, #tpu.memory_space<semaphore_mem>>
    tpu.wait_indirect_dma semaphore(%dma_wait3A_81 : memref<!tpu.dma_semaphore, #tpu.memory_space<semaphore_mem>>) src(%dma_wait3A_73 : memref<64x128xf32, #tpu.memory_space<vmem>>) dst(%dma_wait3A_79 : memref<10240x128xf32, #tpu.memory_space<vmem_shared>>)
    %dma_wait3A_82 = arith.constant 2 : i32
    %dma_wait3A_83 = arith.constant 0 : i32
    %dma_wait3A_84 = arith.constant 2 : i32
    %dma_wait3A_85 = arith.constant 0 : i32
    %dma_wait3A_86 = arith.constant 0 : i32
    %dma_wait3A_87 = tpu.memref_slice %arg9[%dma_wait3A_82, %dma_wait3A_85, %dma_wait3A_86] : memref<4x64x128xf32, #tpu.memory_space<vmem>> -> memref<1x64x128xf32, #tpu.memory_space<vmem>>
    %dma_wait3A_88 = tpu.memref_squeeze %dma_wait3A_87 : memref<1x64x128xf32, #tpu.memory_space<vmem>> -> memref<64x128xf32, #tpu.memory_space<vmem>>
    %dma_wait3A_89 = arith.constant 0 : i32
    %dma_wait3A_90 = tpu.memref_slice %arg8[%dma_wait3A_83, %dma_wait3A_89] : memref<40x64xi32, #tpu.memory_space<vmem>> -> memref<1x64xi32, #tpu.memory_space<vmem>>
    %dma_wait3A_91 = tpu.memref_squeeze %dma_wait3A_90 : memref<1x64xi32, #tpu.memory_space<vmem>> -> memref<64xi32, #tpu.memory_space<vmem>>
    %dma_wait3A_92 = arith.constant 0 : i32
    %dma_wait3A_93 = arith.constant 0 : i32
    %dma_wait3A_94 = tpu.memref_slice %arg10[%dma_wait3A_92, %dma_wait3A_93] : memref<10240x128xf32, #tpu.memory_space<vmem_shared>> -> memref<10240x128xf32, #tpu.memory_space<vmem_shared>>
    %dma_wait3A_95 = tpu.memref_slice %arg12[%dma_wait3A_84] : memref<4x!tpu.dma_semaphore, #tpu.memory_space<semaphore_mem>> -> memref<1x!tpu.dma_semaphore, #tpu.memory_space<semaphore_mem>>
    %dma_wait3A_96 = tpu.memref_squeeze %dma_wait3A_95 : memref<1x!tpu.dma_semaphore, #tpu.memory_space<semaphore_mem>> -> memref<!tpu.dma_semaphore, #tpu.memory_space<semaphore_mem>>
    tpu.wait_indirect_dma semaphore(%dma_wait3A_96 : memref<!tpu.dma_semaphore, #tpu.memory_space<semaphore_mem>>) src(%dma_wait3A_88 : memref<64x128xf32, #tpu.memory_space<vmem>>) dst(%dma_wait3A_94 : memref<10240x128xf32, #tpu.memory_space<vmem_shared>>)
    %dma_wait3A_97 = arith.constant 3 : i32
    %dma_wait3A_98 = arith.constant 0 : i32
    %dma_wait3A_99 = arith.constant 3 : i32
    %dma_wait3A_100 = arith.constant 0 : i32
    %dma_wait3A_101 = arith.constant 0 : i32
    %dma_wait3A_102 = tpu.memref_slice %arg9[%dma_wait3A_97, %dma_wait3A_100, %dma_wait3A_101] : memref<4x64x128xf32, #tpu.memory_space<vmem>> -> memref<1x64x128xf32, #tpu.memory_space<vmem>>
    %dma_wait3A_103 = tpu.memref_squeeze %dma_wait3A_102 : memref<1x64x128xf32, #tpu.memory_space<vmem>> -> memref<64x128xf32, #tpu.memory_space<vmem>>
    %dma_wait3A_104 = arith.constant 0 : i32
    %dma_wait3A_105 = tpu.memref_slice %arg8[%dma_wait3A_98, %dma_wait3A_104] : memref<40x64xi32, #tpu.memory_space<vmem>> -> memref<1x64xi32, #tpu.memory_space<vmem>>
    %dma_wait3A_106 = tpu.memref_squeeze %dma_wait3A_105 : memref<1x64xi32, #tpu.memory_space<vmem>> -> memref<64xi32, #tpu.memory_space<vmem>>
    %dma_wait3A_107 = arith.constant 0 : i32
    %dma_wait3A_108 = arith.constant 0 : i32
    %dma_wait3A_109 = tpu.memref_slice %arg10[%dma_wait3A_107, %dma_wait3A_108] : memref<10240x128xf32, #tpu.memory_space<vmem_shared>> -> memref<10240x128xf32, #tpu.memory_space<vmem_shared>>
    %dma_wait3A_110 = tpu.memref_slice %arg12[%dma_wait3A_99] : memref<4x!tpu.dma_semaphore, #tpu.memory_space<semaphore_mem>> -> memref<1x!tpu.dma_semaphore, #tpu.memory_space<semaphore_mem>>
    %dma_wait3A_111 = tpu.memref_squeeze %dma_wait3A_110 : memref<1x!tpu.dma_semaphore, #tpu.memory_space<semaphore_mem>> -> memref<!tpu.dma_semaphore, #tpu.memory_space<semaphore_mem>>
    tpu.wait_indirect_dma semaphore(%dma_wait3A_111 : memref<!tpu.dma_semaphore, #tpu.memory_space<semaphore_mem>>) src(%dma_wait3A_103 : memref<64x128xf32, #tpu.memory_space<vmem>>) dst(%dma_wait3A_109 : memref<10240x128xf32, #tpu.memory_space<vmem_shared>>)
    "tpu.region"() ({
      %run_scoped3A = tpu.sem_alloc : memref<!tpu.dma_semaphore, #tpu.memory_space<semaphore_mem>>
      %dma_start3A_453 = arith.constant 40 : i32
      %dma_start3A_454 = arith.constant 0 : i32
      %dma_start3A_455 = tpu.memref_slice %arg3[%add3A, %dma_start3A_453, %dma_start3A_454] : memref<32x160x64xi32, #tpu.memory_space<hbm>> -> memref<1x40x64xi32, #tpu.memory_space<hbm>>
      %dma_start3A_456 = tpu.memref_squeeze %dma_start3A_455 : memref<1x40x64xi32, #tpu.memory_space<hbm>> -> memref<40x64xi32, #tpu.memory_space<hbm>>
      %dma_start3A_457 = arith.constant 40 : i32
      %dma_start3A_458 = arith.constant 0 : i32
      %dma_start3A_459 = tpu.memref_slice %arg3[%add3A, %dma_start3A_457, %dma_start3A_458] : memref<32x160x64xi32, #tpu.memory_space<hbm>> -> memref<1x40x64xi32, #tpu.memory_space<hbm>>
      %dma_start3A_460 = tpu.memref_squeeze %dma_start3A_459 : memref<1x40x64xi32, #tpu.memory_space<hbm>> -> memref<40x64xi32, #tpu.memory_space<hbm>>
      tpu.enqueue_dma source(%dma_start3A_460 : memref<40x64xi32, #tpu.memory_space<hbm>>) target(%arg7 : memref<40x64xi32, #tpu.memory_space<vmem>>) target_semaphore(%run_scoped3A : memref<!tpu.dma_semaphore, #tpu.memory_space<semaphore_mem>>)
      %dma_wait3A_461 = arith.constant 40 : i32
      %dma_wait3A_462 = arith.constant 0 : i32
      %dma_wait3A_463 = tpu.memref_slice %arg3[%add3A, %dma_wait3A_461, %dma_wait3A_462] : memref<32x160x64xi32, #tpu.memory_space<hbm>> -> memref<1x40x64xi32, #tpu.memory_space<hbm>>
      %dma_wait3A_464 = tpu.memref_squeeze %dma_wait3A_463 : memref<1x40x64xi32, #tpu.memory_space<hbm>> -> memref<40x64xi32, #tpu.memory_space<hbm>>
      %dma_wait3A_465 = arith.constant 40 : i32
      %dma_wait3A_466 = arith.constant 0 : i32
      %dma_wait3A_467 = tpu.memref_slice %arg3[%add3A, %dma_wait3A_465, %dma_wait3A_466] : memref<32x160x64xi32, #tpu.memory_space<hbm>> -> memref<1x40x64xi32, #tpu.memory_space<hbm>>
      %dma_wait3A_468 = tpu.memref_squeeze %dma_wait3A_467 : memref<1x40x64xi32, #tpu.memory_space<hbm>> -> memref<40x64xi32, #tpu.memory_space<hbm>>
      tpu.wait_dma2 semaphore(%run_scoped3A : memref<!tpu.dma_semaphore, #tpu.memory_space<semaphore_mem>>) src(%dma_wait3A_468 : memref<40x64xi32, #tpu.memory_space<hbm>>) dst(%arg7 : memref<40x64xi32, #tpu.memory_space<vmem>>)
      tpu.yield
    }) : () -> ()
    "tpu.region"() ({
      %run_scoped3A = tpu.sem_alloc : memref<!tpu.dma_semaphore, #tpu.memory_space<semaphore_mem>>
      %dma_start3A_453 = arith.constant 40 : i32
      %dma_start3A_454 = arith.constant 0 : i32
      %dma_start3A_455 = tpu.memref_slice %arg4[%add3A, %dma_start3A_453, %dma_start3A_454] : memref<32x160x64xi32, #tpu.memory_space<hbm>> -> memref<1x40x64xi32, #tpu.memory_space<hbm>>
      %dma_start3A_456 = tpu.memref_squeeze %dma_start3A_455 : memref<1x40x64xi32, #tpu.memory_space<hbm>> -> memref<40x64xi32, #tpu.memory_space<hbm>>
      %dma_start3A_457 = arith.constant 40 : i32
      %dma_start3A_458 = arith.constant 0 : i32
      %dma_start3A_459 = tpu.memref_slice %arg4[%add3A, %dma_start3A_457, %dma_start3A_458] : memref<32x160x64xi32, #tpu.memory_space<hbm>> -> memref<1x40x64xi32, #tpu.memory_space<hbm>>
      %dma_start3A_460 = tpu.memref_squeeze %dma_start3A_459 : memref<1x40x64xi32, #tpu.memory_space<hbm>> -> memref<40x64xi32, #tpu.memory_space<hbm>>
      tpu.enqueue_dma source(%dma_start3A_460 : memref<40x64xi32, #tpu.memory_space<hbm>>) target(%arg8 : memref<40x64xi32, #tpu.memory_space<vmem>>) target_semaphore(%run_scoped3A : memref<!tpu.dma_semaphore, #tpu.memory_space<semaphore_mem>>)
      %dma_wait3A_461 = arith.constant 40 : i32
      %dma_wait3A_462 = arith.constant 0 : i32
      %dma_wait3A_463 = tpu.memref_slice %arg4[%add3A, %dma_wait3A_461, %dma_wait3A_462] : memref<32x160x64xi32, #tpu.memory_space<hbm>> -> memref<1x40x64xi32, #tpu.memory_space<hbm>>
      %dma_wait3A_464 = tpu.memref_squeeze %dma_wait3A_463 : memref<1x40x64xi32, #tpu.memory_space<hbm>> -> memref<40x64xi32, #tpu.memory_space<hbm>>
      %dma_wait3A_465 = arith.constant 40 : i32
      %dma_wait3A_466 = arith.constant 0 : i32
      %dma_wait3A_467 = tpu.memref_slice %arg4[%add3A, %dma_wait3A_465, %dma_wait3A_466] : memref<32x160x64xi32, #tpu.memory_space<hbm>> -> memref<1x40x64xi32, #tpu.memory_space<hbm>>
      %dma_wait3A_468 = tpu.memref_squeeze %dma_wait3A_467 : memref<1x40x64xi32, #tpu.memory_space<hbm>> -> memref<40x64xi32, #tpu.memory_space<hbm>>
      tpu.wait_dma2 semaphore(%run_scoped3A : memref<!tpu.dma_semaphore, #tpu.memory_space<semaphore_mem>>) src(%dma_wait3A_468 : memref<40x64xi32, #tpu.memory_space<hbm>>) dst(%arg8 : memref<40x64xi32, #tpu.memory_space<vmem>>)
      tpu.yield
    }) : () -> ()
    %dma_start3A_112 = arith.constant 0 : i32
    %dma_start3A_113 = arith.constant 0 : i32
    %dma_start3A_114 = arith.constant 0 : i32
    %dma_start3A_115 = arith.constant 0 : i32
    %dma_start3A_116 = arith.constant 0 : i32
    %dma_start3A_117 = tpu.memref_slice %arg9[%dma_start3A_113, %dma_start3A_115, %dma_start3A_116] : memref<4x64x128xf32, #tpu.memory_space<vmem>> -> memref<1x64x128xf32, #tpu.memory_space<vmem>>
    %dma_start3A_118 = tpu.memref_squeeze %dma_start3A_117 : memref<1x64x128xf32, #tpu.memory_space<vmem>> -> memref<64x128xf32, #tpu.memory_space<vmem>>
    %dma_start3A_119 = arith.constant 0 : i32
    %dma_start3A_120 = tpu.memref_slice %arg7[%dma_start3A_112, %dma_start3A_119] : memref<40x64xi32, #tpu.memory_space<vmem>> -> memref<1x64xi32, #tpu.memory_space<vmem>>
    %dma_start3A_121 = tpu.memref_squeeze %dma_start3A_120 : memref<1x64xi32, #tpu.memory_space<vmem>> -> memref<64xi32, #tpu.memory_space<vmem>>
    %dma_start3A_122 = arith.constant 0 : i32
    %dma_start3A_123 = arith.constant 0 : i32
    %dma_start3A_124 = tpu.memref_slice %arg2[%dma_start3A_122, %dma_start3A_123] : memref<10000x128xf32, #tpu.memory_space<hbm>> -> memref<10000x128xf32, #tpu.memory_space<hbm>>
    %dma_start3A_125 = tpu.memref_slice %arg11[%dma_start3A_114] : memref<4x!tpu.dma_semaphore, #tpu.memory_space<semaphore_mem>> -> memref<1x!tpu.dma_semaphore, #tpu.memory_space<semaphore_mem>>
    %dma_start3A_126 = tpu.memref_squeeze %dma_start3A_125 : memref<1x!tpu.dma_semaphore, #tpu.memory_space<semaphore_mem>> -> memref<!tpu.dma_semaphore, #tpu.memory_space<semaphore_mem>>
    tpu.enqueue_indirect_dma source(%dma_start3A_124 : memref<10000x128xf32, #tpu.memory_space<hbm>>) target(%dma_start3A_118 : memref<64x128xf32, #tpu.memory_space<vmem>>) offsets(%dma_start3A_121 : memref<64xi32, #tpu.memory_space<vmem>>) semaphore(%dma_start3A_126 : memref<!tpu.dma_semaphore, #tpu.memory_space<semaphore_mem>>)
    %dma_start3A_127 = arith.constant 1 : i32
    %dma_start3A_128 = arith.constant 1 : i32
    %dma_start3A_129 = arith.constant 1 : i32
    %dma_start3A_130 = arith.constant 0 : i32
    %dma_start3A_131 = arith.constant 0 : i32
    %dma_start3A_132 = tpu.memref_slice %arg9[%dma_start3A_128, %dma_start3A_130, %dma_start3A_131] : memref<4x64x128xf32, #tpu.memory_space<vmem>> -> memref<1x64x128xf32, #tpu.memory_space<vmem>>
    %dma_start3A_133 = tpu.memref_squeeze %dma_start3A_132 : memref<1x64x128xf32, #tpu.memory_space<vmem>> -> memref<64x128xf32, #tpu.memory_space<vmem>>
    %dma_start3A_134 = arith.constant 0 : i32
    %dma_start3A_135 = tpu.memref_slice %arg7[%dma_start3A_127, %dma_start3A_134] : memref<40x64xi32, #tpu.memory_space<vmem>> -> memref<1x64xi32, #tpu.memory_space<vmem>>
    %dma_start3A_136 = tpu.memref_squeeze %dma_start3A_135 : memref<1x64xi32, #tpu.memory_space<vmem>> -> memref<64xi32, #tpu.memory_space<vmem>>
    %dma_start3A_137 = arith.constant 0 : i32
    %dma_start3A_138 = arith.constant 0 : i32
    %dma_start3A_139 = tpu.memref_slice %arg2[%dma_start3A_137, %dma_start3A_138] : memref<10000x128xf32, #tpu.memory_space<hbm>> -> memref<10000x128xf32, #tpu.memory_space<hbm>>
    %dma_start3A_140 = tpu.memref_slice %arg11[%dma_start3A_129] : memref<4x!tpu.dma_semaphore, #tpu.memory_space<semaphore_mem>> -> memref<1x!tpu.dma_semaphore, #tpu.memory_space<semaphore_mem>>
    %dma_start3A_141 = tpu.memref_squeeze %dma_start3A_140 : memref<1x!tpu.dma_semaphore, #tpu.memory_space<semaphore_mem>> -> memref<!tpu.dma_semaphore, #tpu.memory_space<semaphore_mem>>
    tpu.enqueue_indirect_dma source(%dma_start3A_139 : memref<10000x128xf32, #tpu.memory_space<hbm>>) target(%dma_start3A_133 : memref<64x128xf32, #tpu.memory_space<vmem>>) offsets(%dma_start3A_136 : memref<64xi32, #tpu.memory_space<vmem>>) semaphore(%dma_start3A_141 : memref<!tpu.dma_semaphore, #tpu.memory_space<semaphore_mem>>)
    %dma_start3A_142 = arith.constant 2 : i32
    %dma_start3A_143 = arith.constant 2 : i32
    %dma_start3A_144 = arith.constant 2 : i32
    %dma_start3A_145 = arith.constant 0 : i32
    %dma_start3A_146 = arith.constant 0 : i32
    %dma_start3A_147 = tpu.memref_slice %arg9[%dma_start3A_143, %dma_start3A_145, %dma_start3A_146] : memref<4x64x128xf32, #tpu.memory_space<vmem>> -> memref<1x64x128xf32, #tpu.memory_space<vmem>>
    %dma_start3A_148 = tpu.memref_squeeze %dma_start3A_147 : memref<1x64x128xf32, #tpu.memory_space<vmem>> -> memref<64x128xf32, #tpu.memory_space<vmem>>
    %dma_start3A_149 = arith.constant 0 : i32
    %dma_start3A_150 = tpu.memref_slice %arg7[%dma_start3A_142, %dma_start3A_149] : memref<40x64xi32, #tpu.memory_space<vmem>> -> memref<1x64xi32, #tpu.memory_space<vmem>>
    %dma_start3A_151 = tpu.memref_squeeze %dma_start3A_150 : memref<1x64xi32, #tpu.memory_space<vmem>> -> memref<64xi32, #tpu.memory_space<vmem>>
    %dma_start3A_152 = arith.constant 0 : i32
    %dma_start3A_153 = arith.constant 0 : i32
    %dma_start3A_154 = tpu.memref_slice %arg2[%dma_start3A_152, %dma_start3A_153] : memref<10000x128xf32, #tpu.memory_space<hbm>> -> memref<10000x128xf32, #tpu.memory_space<hbm>>
    %dma_start3A_155 = tpu.memref_slice %arg11[%dma_start3A_144] : memref<4x!tpu.dma_semaphore, #tpu.memory_space<semaphore_mem>> -> memref<1x!tpu.dma_semaphore, #tpu.memory_space<semaphore_mem>>
    %dma_start3A_156 = tpu.memref_squeeze %dma_start3A_155 : memref<1x!tpu.dma_semaphore, #tpu.memory_space<semaphore_mem>> -> memref<!tpu.dma_semaphore, #tpu.memory_space<semaphore_mem>>
    tpu.enqueue_indirect_dma source(%dma_start3A_154 : memref<10000x128xf32, #tpu.memory_space<hbm>>) target(%dma_start3A_148 : memref<64x128xf32, #tpu.memory_space<vmem>>) offsets(%dma_start3A_151 : memref<64xi32, #tpu.memory_space<vmem>>) semaphore(%dma_start3A_156 : memref<!tpu.dma_semaphore, #tpu.memory_space<semaphore_mem>>)
    %scan3A_157 = arith.constant 0 : i32
    %scan3A_158 = arith.constant 0 : i32
    %scan3A_159 = arith.constant 40 : i32
    %scan3A_160 = arith.addi %scan3A_158, %scan3A_159 : i32
    %scan3A_161 = arith.constant 1 : i32
    %scan3A_162 = scf.for %scan3A_453 = %scan3A_158 to %scan3A_160 step %scan3A_161 iter_args(%scan3A_454 = %scan3A_157) -> (i32)  : i32 {
      %rem3A = arith.constant 4 : i32
      %rem3A_455 = arith.remsi %scan3A_453, %rem3A : i32
      %dma_wait3A_456 = arith.constant 0 : i32
      %dma_wait3A_457 = arith.constant 0 : i32
      %dma_wait3A_458 = tpu.memref_slice %arg9[%rem3A_455, %dma_wait3A_456, %dma_wait3A_457] : memref<4x64x128xf32, #tpu.memory_space<vmem>> -> memref<1x64x128xf32, #tpu.memory_space<vmem>>
      %dma_wait3A_459 = tpu.memref_squeeze %dma_wait3A_458 : memref<1x64x128xf32, #tpu.memory_space<vmem>> -> memref<64x128xf32, #tpu.memory_space<vmem>>
      %dma_wait3A_460 = arith.constant 0 : i32
      %dma_wait3A_461 = tpu.memref_slice %arg7[%scan3A_453, %dma_wait3A_460] : memref<40x64xi32, #tpu.memory_space<vmem>> -> memref<1x64xi32, #tpu.memory_space<vmem>>
      %dma_wait3A_462 = tpu.memref_squeeze %dma_wait3A_461 : memref<1x64xi32, #tpu.memory_space<vmem>> -> memref<64xi32, #tpu.memory_space<vmem>>
      %dma_wait3A_463 = arith.constant 0 : i32
      %dma_wait3A_464 = arith.constant 0 : i32
      %dma_wait3A_465 = tpu.memref_slice %arg2[%dma_wait3A_463, %dma_wait3A_464] : memref<10000x128xf32, #tpu.memory_space<hbm>> -> memref<10000x128xf32, #tpu.memory_space<hbm>>
      %dma_wait3A_466 = tpu.memref_slice %arg11[%rem3A_455] : memref<4x!tpu.dma_semaphore, #tpu.memory_space<semaphore_mem>> -> memref<1x!tpu.dma_semaphore, #tpu.memory_space<semaphore_mem>>
      %dma_wait3A_467 = tpu.memref_squeeze %dma_wait3A_466 : memref<1x!tpu.dma_semaphore, #tpu.memory_space<semaphore_mem>> -> memref<!tpu.dma_semaphore, #tpu.memory_space<semaphore_mem>>
      tpu.wait_indirect_dma semaphore(%dma_wait3A_467 : memref<!tpu.dma_semaphore, #tpu.memory_space<semaphore_mem>>) src(%dma_wait3A_465 : memref<10000x128xf32, #tpu.memory_space<hbm>>) dst(%dma_wait3A_459 : memref<64x128xf32, #tpu.memory_space<vmem>>)
      %dma_start3A_468 = arith.constant 0 : i32
      %dma_start3A_469 = arith.constant 0 : i32
      %dma_start3A_470 = tpu.memref_slice %arg9[%rem3A_455, %dma_start3A_468, %dma_start3A_469] : memref<4x64x128xf32, #tpu.memory_space<vmem>> -> memref<1x64x128xf32, #tpu.memory_space<vmem>>
      %dma_start3A_471 = tpu.memref_squeeze %dma_start3A_470 : memref<1x64x128xf32, #tpu.memory_space<vmem>> -> memref<64x128xf32, #tpu.memory_space<vmem>>
      %dma_start3A_472 = arith.constant 0 : i32
      %dma_start3A_473 = tpu.memref_slice %arg8[%scan3A_453, %dma_start3A_472] : memref<40x64xi32, #tpu.memory_space<vmem>> -> memref<1x64xi32, #tpu.memory_space<vmem>>
      %dma_start3A_474 = tpu.memref_squeeze %dma_start3A_473 : memref<1x64xi32, #tpu.memory_space<vmem>> -> memref<64xi32, #tpu.memory_space<vmem>>
      %dma_start3A_475 = arith.constant 0 : i32
      %dma_start3A_476 = arith.constant 0 : i32
      %dma_start3A_477 = tpu.memref_slice %arg10[%dma_start3A_475, %dma_start3A_476] : memref<10240x128xf32, #tpu.memory_space<vmem_shared>> -> memref<10240x128xf32, #tpu.memory_space<vmem_shared>>
      %dma_start3A_478 = tpu.memref_slice %arg12[%rem3A_455] : memref<4x!tpu.dma_semaphore, #tpu.memory_space<semaphore_mem>> -> memref<1x!tpu.dma_semaphore, #tpu.memory_space<semaphore_mem>>
      %dma_start3A_479 = tpu.memref_squeeze %dma_start3A_478 : memref<1x!tpu.dma_semaphore, #tpu.memory_space<semaphore_mem>> -> memref<!tpu.dma_semaphore, #tpu.memory_space<semaphore_mem>>
      tpu.enqueue_indirect_dma source(%dma_start3A_471 : memref<64x128xf32, #tpu.memory_space<vmem>>) target(%dma_start3A_477 : memref<10240x128xf32, #tpu.memory_space<vmem_shared>>) offsets(%dma_start3A_474 : memref<64xi32, #tpu.memory_space<vmem>>) semaphore(%dma_start3A_479 : memref<!tpu.dma_semaphore, #tpu.memory_space<semaphore_mem>>) {add = true}
      %add3A_480 = arith.constant 4 : i32
      %add3A_481 = arith.addi %scan3A_453, %add3A_480 : i32
      %sub3A = arith.constant 1 : i32
      %sub3A_482 = arith.subi %add3A_481, %sub3A : i32
      %lt3A = arith.constant 40 : i32
      %lt3A_483 = arith.cmpi slt, %sub3A_482, %lt3A : i32
      %convert_element_type3A = arith.extui %lt3A_483 : i1 to i32
      %cond3A = arith.constant 0 : i32
      %cond3A_484 = arith.cmpi ne, %convert_element_type3A, %cond3A : i32
      scf.if %cond3A_484 {
        %add3A_486 = arith.constant 4 : i32
        %add3A_487 = arith.addi %scan3A_453, %add3A_486 : i32
        %sub3A_488 = arith.constant 1 : i32
        %sub3A_489 = arith.subi %add3A_487, %sub3A_488 : i32
        %rem3A_490 = arith.constant 4 : i32
        %rem3A_491 = arith.remsi %sub3A_489, %rem3A_490 : i32
        %ge3A = arith.constant 1 : i32
        %ge3A_492 = arith.cmpi sge, %scan3A_453, %ge3A : i32
        %convert_element_type3A_493 = arith.extui %ge3A_492 : i1 to i32
        %cond3A_494 = arith.constant 0 : i32
        %cond3A_495 = arith.cmpi ne, %convert_element_type3A_493, %cond3A_494 : i32
        scf.if %cond3A_495 {
          %sub3A_512 = arith.constant 1 : i32
          %sub3A_513 = arith.subi %scan3A_453, %sub3A_512 : i32
          %dma_wait3A_514 = arith.constant 0 : i32
          %dma_wait3A_515 = arith.constant 0 : i32
          %dma_wait3A_516 = tpu.memref_slice %arg9[%rem3A_491, %dma_wait3A_514, %dma_wait3A_515] : memref<4x64x128xf32, #tpu.memory_space<vmem>> -> memref<1x64x128xf32, #tpu.memory_space<vmem>>
          %dma_wait3A_517 = tpu.memref_squeeze %dma_wait3A_516 : memref<1x64x128xf32, #tpu.memory_space<vmem>> -> memref<64x128xf32, #tpu.memory_space<vmem>>
          %dma_wait3A_518 = arith.constant 0 : i32
          %dma_wait3A_519 = tpu.memref_slice %arg8[%sub3A_513, %dma_wait3A_518] : memref<40x64xi32, #tpu.memory_space<vmem>> -> memref<1x64xi32, #tpu.memory_space<vmem>>
          %dma_wait3A_520 = tpu.memref_squeeze %dma_wait3A_519 : memref<1x64xi32, #tpu.memory_space<vmem>> -> memref<64xi32, #tpu.memory_space<vmem>>
          %dma_wait3A_521 = arith.constant 0 : i32
          %dma_wait3A_522 = arith.constant 0 : i32
          %dma_wait3A_523 = tpu.memref_slice %arg10[%dma_wait3A_521, %dma_wait3A_522] : memref<10240x128xf32, #tpu.memory_space<vmem_shared>> -> memref<10240x128xf32, #tpu.memory_space<vmem_shared>>
          %dma_wait3A_524 = tpu.memref_slice %arg12[%rem3A_491] : memref<4x!tpu.dma_semaphore, #tpu.memory_space<semaphore_mem>> -> memref<1x!tpu.dma_semaphore, #tpu.memory_space<semaphore_mem>>
          %dma_wait3A_525 = tpu.memref_squeeze %dma_wait3A_524 : memref<1x!tpu.dma_semaphore, #tpu.memory_space<semaphore_mem>> -> memref<!tpu.dma_semaphore, #tpu.memory_space<semaphore_mem>>
          tpu.wait_indirect_dma semaphore(%dma_wait3A_525 : memref<!tpu.dma_semaphore, #tpu.memory_space<semaphore_mem>>) src(%dma_wait3A_517 : memref<64x128xf32, #tpu.memory_space<vmem>>) dst(%dma_wait3A_523 : memref<10240x128xf32, #tpu.memory_space<vmem_shared>>)
        } else {
        }
        %add3A_496 = arith.constant 4 : i32
        %add3A_497 = arith.addi %scan3A_453, %add3A_496 : i32
        %sub3A_498 = arith.constant 1 : i32
        %sub3A_499 = arith.subi %add3A_497, %sub3A_498 : i32
        %dma_start3A_500 = arith.constant 0 : i32
        %dma_start3A_501 = arith.constant 0 : i32
        %dma_start3A_502 = tpu.memref_slice %arg9[%rem3A_491, %dma_start3A_500, %dma_start3A_501] : memref<4x64x128xf32, #tpu.memory_space<vmem>> -> memref<1x64x128xf32, #tpu.memory_space<vmem>>
        %dma_start3A_503 = tpu.memref_squeeze %dma_start3A_502 : memref<1x64x128xf32, #tpu.memory_space<vmem>> -> memref<64x128xf32, #tpu.memory_space<vmem>>
        %dma_start3A_504 = arith.constant 0 : i32
        %dma_start3A_505 = tpu.memref_slice %arg7[%sub3A_499, %dma_start3A_504] : memref<40x64xi32, #tpu.memory_space<vmem>> -> memref<1x64xi32, #tpu.memory_space<vmem>>
        %dma_start3A_506 = tpu.memref_squeeze %dma_start3A_505 : memref<1x64xi32, #tpu.memory_space<vmem>> -> memref<64xi32, #tpu.memory_space<vmem>>
        %dma_start3A_507 = arith.constant 0 : i32
        %dma_start3A_508 = arith.constant 0 : i32
        %dma_start3A_509 = tpu.memref_slice %arg2[%dma_start3A_507, %dma_start3A_508] : memref<10000x128xf32, #tpu.memory_space<hbm>> -> memref<10000x128xf32, #tpu.memory_space<hbm>>
        %dma_start3A_510 = tpu.memref_slice %arg11[%rem3A_491] : memref<4x!tpu.dma_semaphore, #tpu.memory_space<semaphore_mem>> -> memref<1x!tpu.dma_semaphore, #tpu.memory_space<semaphore_mem>>
        %dma_start3A_511 = tpu.memref_squeeze %dma_start3A_510 : memref<1x!tpu.dma_semaphore, #tpu.memory_space<semaphore_mem>> -> memref<!tpu.dma_semaphore, #tpu.memory_space<semaphore_mem>>
        tpu.enqueue_indirect_dma source(%dma_start3A_509 : memref<10000x128xf32, #tpu.memory_space<hbm>>) target(%dma_start3A_503 : memref<64x128xf32, #tpu.memory_space<vmem>>) offsets(%dma_start3A_506 : memref<64xi32, #tpu.memory_space<vmem>>) semaphore(%dma_start3A_511 : memref<!tpu.dma_semaphore, #tpu.memory_space<semaphore_mem>>)
      } else {
      }
      %scan3A_485 = arith.constant 0 : i32
      scf.yield %scan3A_485 : i32
    }
    %scan3A_163 = arith.constant 40 : i32
    %dma_wait3A_164 = arith.constant 0 : i32
    %dma_wait3A_165 = arith.constant 0 : i32
    %dma_wait3A_166 = arith.constant 0 : i32
    %dma_wait3A_167 = arith.constant 0 : i32
    %dma_wait3A_168 = arith.constant 0 : i32
    %dma_wait3A_169 = tpu.memref_slice %arg9[%dma_wait3A_164, %dma_wait3A_167, %dma_wait3A_168] : memref<4x64x128xf32, #tpu.memory_space<vmem>> -> memref<1x64x128xf32, #tpu.memory_space<vmem>>
    %dma_wait3A_170 = tpu.memref_squeeze %dma_wait3A_169 : memref<1x64x128xf32, #tpu.memory_space<vmem>> -> memref<64x128xf32, #tpu.memory_space<vmem>>
    %dma_wait3A_171 = arith.constant 0 : i32
    %dma_wait3A_172 = tpu.memref_slice %arg8[%dma_wait3A_165, %dma_wait3A_171] : memref<40x64xi32, #tpu.memory_space<vmem>> -> memref<1x64xi32, #tpu.memory_space<vmem>>
    %dma_wait3A_173 = tpu.memref_squeeze %dma_wait3A_172 : memref<1x64xi32, #tpu.memory_space<vmem>> -> memref<64xi32, #tpu.memory_space<vmem>>
    %dma_wait3A_174 = arith.constant 0 : i32
    %dma_wait3A_175 = arith.constant 0 : i32
    %dma_wait3A_176 = tpu.memref_slice %arg10[%dma_wait3A_174, %dma_wait3A_175] : memref<10240x128xf32, #tpu.memory_space<vmem_shared>> -> memref<10240x128xf32, #tpu.memory_space<vmem_shared>>
    %dma_wait3A_177 = tpu.memref_slice %arg12[%dma_wait3A_166] : memref<4x!tpu.dma_semaphore, #tpu.memory_space<semaphore_mem>> -> memref<1x!tpu.dma_semaphore, #tpu.memory_space<semaphore_mem>>
    %dma_wait3A_178 = tpu.memref_squeeze %dma_wait3A_177 : memref<1x!tpu.dma_semaphore, #tpu.memory_space<semaphore_mem>> -> memref<!tpu.dma_semaphore, #tpu.memory_space<semaphore_mem>>
    tpu.wait_indirect_dma semaphore(%dma_wait3A_178 : memref<!tpu.dma_semaphore, #tpu.memory_space<semaphore_mem>>) src(%dma_wait3A_170 : memref<64x128xf32, #tpu.memory_space<vmem>>) dst(%dma_wait3A_176 : memref<10240x128xf32, #tpu.memory_space<vmem_shared>>)
    %dma_wait3A_179 = arith.constant 1 : i32
    %dma_wait3A_180 = arith.constant 0 : i32
    %dma_wait3A_181 = arith.constant 1 : i32
    %dma_wait3A_182 = arith.constant 0 : i32
    %dma_wait3A_183 = arith.constant 0 : i32
    %dma_wait3A_184 = tpu.memref_slice %arg9[%dma_wait3A_179, %dma_wait3A_182, %dma_wait3A_183] : memref<4x64x128xf32, #tpu.memory_space<vmem>> -> memref<1x64x128xf32, #tpu.memory_space<vmem>>
    %dma_wait3A_185 = tpu.memref_squeeze %dma_wait3A_184 : memref<1x64x128xf32, #tpu.memory_space<vmem>> -> memref<64x128xf32, #tpu.memory_space<vmem>>
    %dma_wait3A_186 = arith.constant 0 : i32
    %dma_wait3A_187 = tpu.memref_slice %arg8[%dma_wait3A_180, %dma_wait3A_186] : memref<40x64xi32, #tpu.memory_space<vmem>> -> memref<1x64xi32, #tpu.memory_space<vmem>>
    %dma_wait3A_188 = tpu.memref_squeeze %dma_wait3A_187 : memref<1x64xi32, #tpu.memory_space<vmem>> -> memref<64xi32, #tpu.memory_space<vmem>>
    %dma_wait3A_189 = arith.constant 0 : i32
    %dma_wait3A_190 = arith.constant 0 : i32
    %dma_wait3A_191 = tpu.memref_slice %arg10[%dma_wait3A_189, %dma_wait3A_190] : memref<10240x128xf32, #tpu.memory_space<vmem_shared>> -> memref<10240x128xf32, #tpu.memory_space<vmem_shared>>
    %dma_wait3A_192 = tpu.memref_slice %arg12[%dma_wait3A_181] : memref<4x!tpu.dma_semaphore, #tpu.memory_space<semaphore_mem>> -> memref<1x!tpu.dma_semaphore, #tpu.memory_space<semaphore_mem>>
    %dma_wait3A_193 = tpu.memref_squeeze %dma_wait3A_192 : memref<1x!tpu.dma_semaphore, #tpu.memory_space<semaphore_mem>> -> memref<!tpu.dma_semaphore, #tpu.memory_space<semaphore_mem>>
    tpu.wait_indirect_dma semaphore(%dma_wait3A_193 : memref<!tpu.dma_semaphore, #tpu.memory_space<semaphore_mem>>) src(%dma_wait3A_185 : memref<64x128xf32, #tpu.memory_space<vmem>>) dst(%dma_wait3A_191 : memref<10240x128xf32, #tpu.memory_space<vmem_shared>>)
    %dma_wait3A_194 = arith.constant 2 : i32
    %dma_wait3A_195 = arith.constant 0 : i32
    %dma_wait3A_196 = arith.constant 2 : i32
    %dma_wait3A_197 = arith.constant 0 : i32
    %dma_wait3A_198 = arith.constant 0 : i32
    %dma_wait3A_199 = tpu.memref_slice %arg9[%dma_wait3A_194, %dma_wait3A_197, %dma_wait3A_198] : memref<4x64x128xf32, #tpu.memory_space<vmem>> -> memref<1x64x128xf32, #tpu.memory_space<vmem>>
    %dma_wait3A_200 = tpu.memref_squeeze %dma_wait3A_199 : memref<1x64x128xf32, #tpu.memory_space<vmem>> -> memref<64x128xf32, #tpu.memory_space<vmem>>
    %dma_wait3A_201 = arith.constant 0 : i32
    %dma_wait3A_202 = tpu.memref_slice %arg8[%dma_wait3A_195, %dma_wait3A_201] : memref<40x64xi32, #tpu.memory_space<vmem>> -> memref<1x64xi32, #tpu.memory_space<vmem>>
    %dma_wait3A_203 = tpu.memref_squeeze %dma_wait3A_202 : memref<1x64xi32, #tpu.memory_space<vmem>> -> memref<64xi32, #tpu.memory_space<vmem>>
    %dma_wait3A_204 = arith.constant 0 : i32
    %dma_wait3A_205 = arith.constant 0 : i32
    %dma_wait3A_206 = tpu.memref_slice %arg10[%dma_wait3A_204, %dma_wait3A_205] : memref<10240x128xf32, #tpu.memory_space<vmem_shared>> -> memref<10240x128xf32, #tpu.memory_space<vmem_shared>>
    %dma_wait3A_207 = tpu.memref_slice %arg12[%dma_wait3A_196] : memref<4x!tpu.dma_semaphore, #tpu.memory_space<semaphore_mem>> -> memref<1x!tpu.dma_semaphore, #tpu.memory_space<semaphore_mem>>
    %dma_wait3A_208 = tpu.memref_squeeze %dma_wait3A_207 : memref<1x!tpu.dma_semaphore, #tpu.memory_space<semaphore_mem>> -> memref<!tpu.dma_semaphore, #tpu.memory_space<semaphore_mem>>
    tpu.wait_indirect_dma semaphore(%dma_wait3A_208 : memref<!tpu.dma_semaphore, #tpu.memory_space<semaphore_mem>>) src(%dma_wait3A_200 : memref<64x128xf32, #tpu.memory_space<vmem>>) dst(%dma_wait3A_206 : memref<10240x128xf32, #tpu.memory_space<vmem_shared>>)
    %dma_wait3A_209 = arith.constant 3 : i32
    %dma_wait3A_210 = arith.constant 0 : i32
    %dma_wait3A_211 = arith.constant 3 : i32
    %dma_wait3A_212 = arith.constant 0 : i32
    %dma_wait3A_213 = arith.constant 0 : i32
    %dma_wait3A_214 = tpu.memref_slice %arg9[%dma_wait3A_209, %dma_wait3A_212, %dma_wait3A_213] : memref<4x64x128xf32, #tpu.memory_space<vmem>> -> memref<1x64x128xf32, #tpu.memory_space<vmem>>
    %dma_wait3A_215 = tpu.memref_squeeze %dma_wait3A_214 : memref<1x64x128xf32, #tpu.memory_space<vmem>> -> memref<64x128xf32, #tpu.memory_space<vmem>>
    %dma_wait3A_216 = arith.constant 0 : i32
    %dma_wait3A_217 = tpu.memref_slice %arg8[%dma_wait3A_210, %dma_wait3A_216] : memref<40x64xi32, #tpu.memory_space<vmem>> -> memref<1x64xi32, #tpu.memory_space<vmem>>
    %dma_wait3A_218 = tpu.memref_squeeze %dma_wait3A_217 : memref<1x64xi32, #tpu.memory_space<vmem>> -> memref<64xi32, #tpu.memory_space<vmem>>
    %dma_wait3A_219 = arith.constant 0 : i32
    %dma_wait3A_220 = arith.constant 0 : i32
    %dma_wait3A_221 = tpu.memref_slice %arg10[%dma_wait3A_219, %dma_wait3A_220] : memref<10240x128xf32, #tpu.memory_space<vmem_shared>> -> memref<10240x128xf32, #tpu.memory_space<vmem_shared>>
    %dma_wait3A_222 = tpu.memref_slice %arg12[%dma_wait3A_211] : memref<4x!tpu.dma_semaphore, #tpu.memory_space<semaphore_mem>> -> memref<1x!tpu.dma_semaphore, #tpu.memory_space<semaphore_mem>>
    %dma_wait3A_223 = tpu.memref_squeeze %dma_wait3A_222 : memref<1x!tpu.dma_semaphore, #tpu.memory_space<semaphore_mem>> -> memref<!tpu.dma_semaphore, #tpu.memory_space<semaphore_mem>>
    tpu.wait_indirect_dma semaphore(%dma_wait3A_223 : memref<!tpu.dma_semaphore, #tpu.memory_space<semaphore_mem>>) src(%dma_wait3A_215 : memref<64x128xf32, #tpu.memory_space<vmem>>) dst(%dma_wait3A_221 : memref<10240x128xf32, #tpu.memory_space<vmem_shared>>)
    "tpu.region"() ({
      %run_scoped3A = tpu.sem_alloc : memref<!tpu.dma_semaphore, #tpu.memory_space<semaphore_mem>>
      %dma_start3A_453 = arith.constant 80 : i32
      %dma_start3A_454 = arith.constant 0 : i32
      %dma_start3A_455 = tpu.memref_slice %arg3[%add3A, %dma_start3A_453, %dma_start3A_454] : memref<32x160x64xi32, #tpu.memory_space<hbm>> -> memref<1x40x64xi32, #tpu.memory_space<hbm>>
      %dma_start3A_456 = tpu.memref_squeeze %dma_start3A_455 : memref<1x40x64xi32, #tpu.memory_space<hbm>> -> memref<40x64xi32, #tpu.memory_space<hbm>>
      %dma_start3A_457 = arith.constant 80 : i32
      %dma_start3A_458 = arith.constant 0 : i32
      %dma_start3A_459 = tpu.memref_slice %arg3[%add3A, %dma_start3A_457, %dma_start3A_458] : memref<32x160x64xi32, #tpu.memory_space<hbm>> -> memref<1x40x64xi32, #tpu.memory_space<hbm>>
      %dma_start3A_460 = tpu.memref_squeeze %dma_start3A_459 : memref<1x40x64xi32, #tpu.memory_space<hbm>> -> memref<40x64xi32, #tpu.memory_space<hbm>>
      tpu.enqueue_dma source(%dma_start3A_460 : memref<40x64xi32, #tpu.memory_space<hbm>>) target(%arg7 : memref<40x64xi32, #tpu.memory_space<vmem>>) target_semaphore(%run_scoped3A : memref<!tpu.dma_semaphore, #tpu.memory_space<semaphore_mem>>)
      %dma_wait3A_461 = arith.constant 80 : i32
      %dma_wait3A_462 = arith.constant 0 : i32
      %dma_wait3A_463 = tpu.memref_slice %arg3[%add3A, %dma_wait3A_461, %dma_wait3A_462] : memref<32x160x64xi32, #tpu.memory_space<hbm>> -> memref<1x40x64xi32, #tpu.memory_space<hbm>>
      %dma_wait3A_464 = tpu.memref_squeeze %dma_wait3A_463 : memref<1x40x64xi32, #tpu.memory_space<hbm>> -> memref<40x64xi32, #tpu.memory_space<hbm>>
      %dma_wait3A_465 = arith.constant 80 : i32
      %dma_wait3A_466 = arith.constant 0 : i32
      %dma_wait3A_467 = tpu.memref_slice %arg3[%add3A, %dma_wait3A_465, %dma_wait3A_466] : memref<32x160x64xi32, #tpu.memory_space<hbm>> -> memref<1x40x64xi32, #tpu.memory_space<hbm>>
      %dma_wait3A_468 = tpu.memref_squeeze %dma_wait3A_467 : memref<1x40x64xi32, #tpu.memory_space<hbm>> -> memref<40x64xi32, #tpu.memory_space<hbm>>
      tpu.wait_dma2 semaphore(%run_scoped3A : memref<!tpu.dma_semaphore, #tpu.memory_space<semaphore_mem>>) src(%dma_wait3A_468 : memref<40x64xi32, #tpu.memory_space<hbm>>) dst(%arg7 : memref<40x64xi32, #tpu.memory_space<vmem>>)
      tpu.yield
    }) : () -> ()
    "tpu.region"() ({
      %run_scoped3A = tpu.sem_alloc : memref<!tpu.dma_semaphore, #tpu.memory_space<semaphore_mem>>
      %dma_start3A_453 = arith.constant 80 : i32
      %dma_start3A_454 = arith.constant 0 : i32
      %dma_start3A_455 = tpu.memref_slice %arg4[%add3A, %dma_start3A_453, %dma_start3A_454] : memref<32x160x64xi32, #tpu.memory_space<hbm>> -> memref<1x40x64xi32, #tpu.memory_space<hbm>>
      %dma_start3A_456 = tpu.memref_squeeze %dma_start3A_455 : memref<1x40x64xi32, #tpu.memory_space<hbm>> -> memref<40x64xi32, #tpu.memory_space<hbm>>
      %dma_start3A_457 = arith.constant 80 : i32
      %dma_start3A_458 = arith.constant 0 : i32
      %dma_start3A_459 = tpu.memref_slice %arg4[%add3A, %dma_start3A_457, %dma_start3A_458] : memref<32x160x64xi32, #tpu.memory_space<hbm>> -> memref<1x40x64xi32, #tpu.memory_space<hbm>>
      %dma_start3A_460 = tpu.memref_squeeze %dma_start3A_459 : memref<1x40x64xi32, #tpu.memory_space<hbm>> -> memref<40x64xi32, #tpu.memory_space<hbm>>
      tpu.enqueue_dma source(%dma_start3A_460 : memref<40x64xi32, #tpu.memory_space<hbm>>) target(%arg8 : memref<40x64xi32, #tpu.memory_space<vmem>>) target_semaphore(%run_scoped3A : memref<!tpu.dma_semaphore, #tpu.memory_space<semaphore_mem>>)
      %dma_wait3A_461 = arith.constant 80 : i32
      %dma_wait3A_462 = arith.constant 0 : i32
      %dma_wait3A_463 = tpu.memref_slice %arg4[%add3A, %dma_wait3A_461, %dma_wait3A_462] : memref<32x160x64xi32, #tpu.memory_space<hbm>> -> memref<1x40x64xi32, #tpu.memory_space<hbm>>
      %dma_wait3A_464 = tpu.memref_squeeze %dma_wait3A_463 : memref<1x40x64xi32, #tpu.memory_space<hbm>> -> memref<40x64xi32, #tpu.memory_space<hbm>>
      %dma_wait3A_465 = arith.constant 80 : i32
      %dma_wait3A_466 = arith.constant 0 : i32
      %dma_wait3A_467 = tpu.memref_slice %arg4[%add3A, %dma_wait3A_465, %dma_wait3A_466] : memref<32x160x64xi32, #tpu.memory_space<hbm>> -> memref<1x40x64xi32, #tpu.memory_space<hbm>>
      %dma_wait3A_468 = tpu.memref_squeeze %dma_wait3A_467 : memref<1x40x64xi32, #tpu.memory_space<hbm>> -> memref<40x64xi32, #tpu.memory_space<hbm>>
      tpu.wait_dma2 semaphore(%run_scoped3A : memref<!tpu.dma_semaphore, #tpu.memory_space<semaphore_mem>>) src(%dma_wait3A_468 : memref<40x64xi32, #tpu.memory_space<hbm>>) dst(%arg8 : memref<40x64xi32, #tpu.memory_space<vmem>>)
      tpu.yield
    }) : () -> ()
    %dma_start3A_224 = arith.constant 0 : i32
    %dma_start3A_225 = arith.constant 0 : i32
    %dma_start3A_226 = arith.constant 0 : i32
    %dma_start3A_227 = arith.constant 0 : i32
    %dma_start3A_228 = arith.constant 0 : i32
    %dma_start3A_229 = tpu.memref_slice %arg9[%dma_start3A_225, %dma_start3A_227, %dma_start3A_228] : memref<4x64x128xf32, #tpu.memory_space<vmem>> -> memref<1x64x128xf32, #tpu.memory_space<vmem>>
    %dma_start3A_230 = tpu.memref_squeeze %dma_start3A_229 : memref<1x64x128xf32, #tpu.memory_space<vmem>> -> memref<64x128xf32, #tpu.memory_space<vmem>>
    %dma_start3A_231 = arith.constant 0 : i32
    %dma_start3A_232 = tpu.memref_slice %arg7[%dma_start3A_224, %dma_start3A_231] : memref<40x64xi32, #tpu.memory_space<vmem>> -> memref<1x64xi32, #tpu.memory_space<vmem>>
    %dma_start3A_233 = tpu.memref_squeeze %dma_start3A_232 : memref<1x64xi32, #tpu.memory_space<vmem>> -> memref<64xi32, #tpu.memory_space<vmem>>
    %dma_start3A_234 = arith.constant 0 : i32
    %dma_start3A_235 = arith.constant 0 : i32
    %dma_start3A_236 = tpu.memref_slice %arg2[%dma_start3A_234, %dma_start3A_235] : memref<10000x128xf32, #tpu.memory_space<hbm>> -> memref<10000x128xf32, #tpu.memory_space<hbm>>
    %dma_start3A_237 = tpu.memref_slice %arg11[%dma_start3A_226] : memref<4x!tpu.dma_semaphore, #tpu.memory_space<semaphore_mem>> -> memref<1x!tpu.dma_semaphore, #tpu.memory_space<semaphore_mem>>
    %dma_start3A_238 = tpu.memref_squeeze %dma_start3A_237 : memref<1x!tpu.dma_semaphore, #tpu.memory_space<semaphore_mem>> -> memref<!tpu.dma_semaphore, #tpu.memory_space<semaphore_mem>>
    tpu.enqueue_indirect_dma source(%dma_start3A_236 : memref<10000x128xf32, #tpu.memory_space<hbm>>) target(%dma_start3A_230 : memref<64x128xf32, #tpu.memory_space<vmem>>) offsets(%dma_start3A_233 : memref<64xi32, #tpu.memory_space<vmem>>) semaphore(%dma_start3A_238 : memref<!tpu.dma_semaphore, #tpu.memory_space<semaphore_mem>>)
    %dma_start3A_239 = arith.constant 1 : i32
    %dma_start3A_240 = arith.constant 1 : i32
    %dma_start3A_241 = arith.constant 1 : i32
    %dma_start3A_242 = arith.constant 0 : i32
    %dma_start3A_243 = arith.constant 0 : i32
    %dma_start3A_244 = tpu.memref_slice %arg9[%dma_start3A_240, %dma_start3A_242, %dma_start3A_243] : memref<4x64x128xf32, #tpu.memory_space<vmem>> -> memref<1x64x128xf32, #tpu.memory_space<vmem>>
    %dma_start3A_245 = tpu.memref_squeeze %dma_start3A_244 : memref<1x64x128xf32, #tpu.memory_space<vmem>> -> memref<64x128xf32, #tpu.memory_space<vmem>>
    %dma_start3A_246 = arith.constant 0 : i32
    %dma_start3A_247 = tpu.memref_slice %arg7[%dma_start3A_239, %dma_start3A_246] : memref<40x64xi32, #tpu.memory_space<vmem>> -> memref<1x64xi32, #tpu.memory_space<vmem>>
    %dma_start3A_248 = tpu.memref_squeeze %dma_start3A_247 : memref<1x64xi32, #tpu.memory_space<vmem>> -> memref<64xi32, #tpu.memory_space<vmem>>
    %dma_start3A_249 = arith.constant 0 : i32
    %dma_start3A_250 = arith.constant 0 : i32
    %dma_start3A_251 = tpu.memref_slice %arg2[%dma_start3A_249, %dma_start3A_250] : memref<10000x128xf32, #tpu.memory_space<hbm>> -> memref<10000x128xf32, #tpu.memory_space<hbm>>
    %dma_start3A_252 = tpu.memref_slice %arg11[%dma_start3A_241] : memref<4x!tpu.dma_semaphore, #tpu.memory_space<semaphore_mem>> -> memref<1x!tpu.dma_semaphore, #tpu.memory_space<semaphore_mem>>
    %dma_start3A_253 = tpu.memref_squeeze %dma_start3A_252 : memref<1x!tpu.dma_semaphore, #tpu.memory_space<semaphore_mem>> -> memref<!tpu.dma_semaphore, #tpu.memory_space<semaphore_mem>>
    tpu.enqueue_indirect_dma source(%dma_start3A_251 : memref<10000x128xf32, #tpu.memory_space<hbm>>) target(%dma_start3A_245 : memref<64x128xf32, #tpu.memory_space<vmem>>) offsets(%dma_start3A_248 : memref<64xi32, #tpu.memory_space<vmem>>) semaphore(%dma_start3A_253 : memref<!tpu.dma_semaphore, #tpu.memory_space<semaphore_mem>>)
    %dma_start3A_254 = arith.constant 2 : i32
    %dma_start3A_255 = arith.constant 2 : i32
    %dma_start3A_256 = arith.constant 2 : i32
    %dma_start3A_257 = arith.constant 0 : i32
    %dma_start3A_258 = arith.constant 0 : i32
    %dma_start3A_259 = tpu.memref_slice %arg9[%dma_start3A_255, %dma_start3A_257, %dma_start3A_258] : memref<4x64x128xf32, #tpu.memory_space<vmem>> -> memref<1x64x128xf32, #tpu.memory_space<vmem>>
    %dma_start3A_260 = tpu.memref_squeeze %dma_start3A_259 : memref<1x64x128xf32, #tpu.memory_space<vmem>> -> memref<64x128xf32, #tpu.memory_space<vmem>>
    %dma_start3A_261 = arith.constant 0 : i32
    %dma_start3A_262 = tpu.memref_slice %arg7[%dma_start3A_254, %dma_start3A_261] : memref<40x64xi32, #tpu.memory_space<vmem>> -> memref<1x64xi32, #tpu.memory_space<vmem>>
    %dma_start3A_263 = tpu.memref_squeeze %dma_start3A_262 : memref<1x64xi32, #tpu.memory_space<vmem>> -> memref<64xi32, #tpu.memory_space<vmem>>
    %dma_start3A_264 = arith.constant 0 : i32
    %dma_start3A_265 = arith.constant 0 : i32
    %dma_start3A_266 = tpu.memref_slice %arg2[%dma_start3A_264, %dma_start3A_265] : memref<10000x128xf32, #tpu.memory_space<hbm>> -> memref<10000x128xf32, #tpu.memory_space<hbm>>
    %dma_start3A_267 = tpu.memref_slice %arg11[%dma_start3A_256] : memref<4x!tpu.dma_semaphore, #tpu.memory_space<semaphore_mem>> -> memref<1x!tpu.dma_semaphore, #tpu.memory_space<semaphore_mem>>
    %dma_start3A_268 = tpu.memref_squeeze %dma_start3A_267 : memref<1x!tpu.dma_semaphore, #tpu.memory_space<semaphore_mem>> -> memref<!tpu.dma_semaphore, #tpu.memory_space<semaphore_mem>>
    tpu.enqueue_indirect_dma source(%dma_start3A_266 : memref<10000x128xf32, #tpu.memory_space<hbm>>) target(%dma_start3A_260 : memref<64x128xf32, #tpu.memory_space<vmem>>) offsets(%dma_start3A_263 : memref<64xi32, #tpu.memory_space<vmem>>) semaphore(%dma_start3A_268 : memref<!tpu.dma_semaphore, #tpu.memory_space<semaphore_mem>>)
    %scan3A_269 = arith.constant 0 : i32
    %scan3A_270 = arith.constant 0 : i32
    %scan3A_271 = arith.constant 40 : i32
    %scan3A_272 = arith.addi %scan3A_270, %scan3A_271 : i32
    %scan3A_273 = arith.constant 1 : i32
    %scan3A_274 = scf.for %scan3A_453 = %scan3A_270 to %scan3A_272 step %scan3A_273 iter_args(%scan3A_454 = %scan3A_269) -> (i32)  : i32 {
      %rem3A = arith.constant 4 : i32
      %rem3A_455 = arith.remsi %scan3A_453, %rem3A : i32
      %dma_wait3A_456 = arith.constant 0 : i32
      %dma_wait3A_457 = arith.constant 0 : i32
      %dma_wait3A_458 = tpu.memref_slice %arg9[%rem3A_455, %dma_wait3A_456, %dma_wait3A_457] : memref<4x64x128xf32, #tpu.memory_space<vmem>> -> memref<1x64x128xf32, #tpu.memory_space<vmem>>
      %dma_wait3A_459 = tpu.memref_squeeze %dma_wait3A_458 : memref<1x64x128xf32, #tpu.memory_space<vmem>> -> memref<64x128xf32, #tpu.memory_space<vmem>>
      %dma_wait3A_460 = arith.constant 0 : i32
      %dma_wait3A_461 = tpu.memref_slice %arg7[%scan3A_453, %dma_wait3A_460] : memref<40x64xi32, #tpu.memory_space<vmem>> -> memref<1x64xi32, #tpu.memory_space<vmem>>
      %dma_wait3A_462 = tpu.memref_squeeze %dma_wait3A_461 : memref<1x64xi32, #tpu.memory_space<vmem>> -> memref<64xi32, #tpu.memory_space<vmem>>
      %dma_wait3A_463 = arith.constant 0 : i32
      %dma_wait3A_464 = arith.constant 0 : i32
      %dma_wait3A_465 = tpu.memref_slice %arg2[%dma_wait3A_463, %dma_wait3A_464] : memref<10000x128xf32, #tpu.memory_space<hbm>> -> memref<10000x128xf32, #tpu.memory_space<hbm>>
      %dma_wait3A_466 = tpu.memref_slice %arg11[%rem3A_455] : memref<4x!tpu.dma_semaphore, #tpu.memory_space<semaphore_mem>> -> memref<1x!tpu.dma_semaphore, #tpu.memory_space<semaphore_mem>>
      %dma_wait3A_467 = tpu.memref_squeeze %dma_wait3A_466 : memref<1x!tpu.dma_semaphore, #tpu.memory_space<semaphore_mem>> -> memref<!tpu.dma_semaphore, #tpu.memory_space<semaphore_mem>>
      tpu.wait_indirect_dma semaphore(%dma_wait3A_467 : memref<!tpu.dma_semaphore, #tpu.memory_space<semaphore_mem>>) src(%dma_wait3A_465 : memref<10000x128xf32, #tpu.memory_space<hbm>>) dst(%dma_wait3A_459 : memref<64x128xf32, #tpu.memory_space<vmem>>)
      %dma_start3A_468 = arith.constant 0 : i32
      %dma_start3A_469 = arith.constant 0 : i32
      %dma_start3A_470 = tpu.memref_slice %arg9[%rem3A_455, %dma_start3A_468, %dma_start3A_469] : memref<4x64x128xf32, #tpu.memory_space<vmem>> -> memref<1x64x128xf32, #tpu.memory_space<vmem>>
      %dma_start3A_471 = tpu.memref_squeeze %dma_start3A_470 : memref<1x64x128xf32, #tpu.memory_space<vmem>> -> memref<64x128xf32, #tpu.memory_space<vmem>>
      %dma_start3A_472 = arith.constant 0 : i32
      %dma_start3A_473 = tpu.memref_slice %arg8[%scan3A_453, %dma_start3A_472] : memref<40x64xi32, #tpu.memory_space<vmem>> -> memref<1x64xi32, #tpu.memory_space<vmem>>
      %dma_start3A_474 = tpu.memref_squeeze %dma_start3A_473 : memref<1x64xi32, #tpu.memory_space<vmem>> -> memref<64xi32, #tpu.memory_space<vmem>>
      %dma_start3A_475 = arith.constant 0 : i32
      %dma_start3A_476 = arith.constant 0 : i32
      %dma_start3A_477 = tpu.memref_slice %arg10[%dma_start3A_475, %dma_start3A_476] : memref<10240x128xf32, #tpu.memory_space<vmem_shared>> -> memref<10240x128xf32, #tpu.memory_space<vmem_shared>>
      %dma_start3A_478 = tpu.memref_slice %arg12[%rem3A_455] : memref<4x!tpu.dma_semaphore, #tpu.memory_space<semaphore_mem>> -> memref<1x!tpu.dma_semaphore, #tpu.memory_space<semaphore_mem>>
      %dma_start3A_479 = tpu.memref_squeeze %dma_start3A_478 : memref<1x!tpu.dma_semaphore, #tpu.memory_space<semaphore_mem>> -> memref<!tpu.dma_semaphore, #tpu.memory_space<semaphore_mem>>
      tpu.enqueue_indirect_dma source(%dma_start3A_471 : memref<64x128xf32, #tpu.memory_space<vmem>>) target(%dma_start3A_477 : memref<10240x128xf32, #tpu.memory_space<vmem_shared>>) offsets(%dma_start3A_474 : memref<64xi32, #tpu.memory_space<vmem>>) semaphore(%dma_start3A_479 : memref<!tpu.dma_semaphore, #tpu.memory_space<semaphore_mem>>) {add = true}
      %add3A_480 = arith.constant 4 : i32
      %add3A_481 = arith.addi %scan3A_453, %add3A_480 : i32
      %sub3A = arith.constant 1 : i32
      %sub3A_482 = arith.subi %add3A_481, %sub3A : i32
      %lt3A = arith.constant 40 : i32
      %lt3A_483 = arith.cmpi slt, %sub3A_482, %lt3A : i32
      %convert_element_type3A = arith.extui %lt3A_483 : i1 to i32
      %cond3A = arith.constant 0 : i32
      %cond3A_484 = arith.cmpi ne, %convert_element_type3A, %cond3A : i32
      scf.if %cond3A_484 {
        %add3A_486 = arith.constant 4 : i32
        %add3A_487 = arith.addi %scan3A_453, %add3A_486 : i32
        %sub3A_488 = arith.constant 1 : i32
        %sub3A_489 = arith.subi %add3A_487, %sub3A_488 : i32
        %rem3A_490 = arith.constant 4 : i32
        %rem3A_491 = arith.remsi %sub3A_489, %rem3A_490 : i32
        %ge3A = arith.constant 1 : i32
        %ge3A_492 = arith.cmpi sge, %scan3A_453, %ge3A : i32
        %convert_element_type3A_493 = arith.extui %ge3A_492 : i1 to i32
        %cond3A_494 = arith.constant 0 : i32
        %cond3A_495 = arith.cmpi ne, %convert_element_type3A_493, %cond3A_494 : i32
        scf.if %cond3A_495 {
          %sub3A_512 = arith.constant 1 : i32
          %sub3A_513 = arith.subi %scan3A_453, %sub3A_512 : i32
          %dma_wait3A_514 = arith.constant 0 : i32
          %dma_wait3A_515 = arith.constant 0 : i32
          %dma_wait3A_516 = tpu.memref_slice %arg9[%rem3A_491, %dma_wait3A_514, %dma_wait3A_515] : memref<4x64x128xf32, #tpu.memory_space<vmem>> -> memref<1x64x128xf32, #tpu.memory_space<vmem>>
          %dma_wait3A_517 = tpu.memref_squeeze %dma_wait3A_516 : memref<1x64x128xf32, #tpu.memory_space<vmem>> -> memref<64x128xf32, #tpu.memory_space<vmem>>
          %dma_wait3A_518 = arith.constant 0 : i32
          %dma_wait3A_519 = tpu.memref_slice %arg8[%sub3A_513, %dma_wait3A_518] : memref<40x64xi32, #tpu.memory_space<vmem>> -> memref<1x64xi32, #tpu.memory_space<vmem>>
          %dma_wait3A_520 = tpu.memref_squeeze %dma_wait3A_519 : memref<1x64xi32, #tpu.memory_space<vmem>> -> memref<64xi32, #tpu.memory_space<vmem>>
          %dma_wait3A_521 = arith.constant 0 : i32
          %dma_wait3A_522 = arith.constant 0 : i32
          %dma_wait3A_523 = tpu.memref_slice %arg10[%dma_wait3A_521, %dma_wait3A_522] : memref<10240x128xf32, #tpu.memory_space<vmem_shared>> -> memref<10240x128xf32, #tpu.memory_space<vmem_shared>>
          %dma_wait3A_524 = tpu.memref_slice %arg12[%rem3A_491] : memref<4x!tpu.dma_semaphore, #tpu.memory_space<semaphore_mem>> -> memref<1x!tpu.dma_semaphore, #tpu.memory_space<semaphore_mem>>
          %dma_wait3A_525 = tpu.memref_squeeze %dma_wait3A_524 : memref<1x!tpu.dma_semaphore, #tpu.memory_space<semaphore_mem>> -> memref<!tpu.dma_semaphore, #tpu.memory_space<semaphore_mem>>
          tpu.wait_indirect_dma semaphore(%dma_wait3A_525 : memref<!tpu.dma_semaphore, #tpu.memory_space<semaphore_mem>>) src(%dma_wait3A_517 : memref<64x128xf32, #tpu.memory_space<vmem>>) dst(%dma_wait3A_523 : memref<10240x128xf32, #tpu.memory_space<vmem_shared>>)
        } else {
        }
        %add3A_496 = arith.constant 4 : i32
        %add3A_497 = arith.addi %scan3A_453, %add3A_496 : i32
        %sub3A_498 = arith.constant 1 : i32
        %sub3A_499 = arith.subi %add3A_497, %sub3A_498 : i32
        %dma_start3A_500 = arith.constant 0 : i32
        %dma_start3A_501 = arith.constant 0 : i32
        %dma_start3A_502 = tpu.memref_slice %arg9[%rem3A_491, %dma_start3A_500, %dma_start3A_501] : memref<4x64x128xf32, #tpu.memory_space<vmem>> -> memref<1x64x128xf32, #tpu.memory_space<vmem>>
        %dma_start3A_503 = tpu.memref_squeeze %dma_start3A_502 : memref<1x64x128xf32, #tpu.memory_space<vmem>> -> memref<64x128xf32, #tpu.memory_space<vmem>>
        %dma_start3A_504 = arith.constant 0 : i32
        %dma_start3A_505 = tpu.memref_slice %arg7[%sub3A_499, %dma_start3A_504] : memref<40x64xi32, #tpu.memory_space<vmem>> -> memref<1x64xi32, #tpu.memory_space<vmem>>
        %dma_start3A_506 = tpu.memref_squeeze %dma_start3A_505 : memref<1x64xi32, #tpu.memory_space<vmem>> -> memref<64xi32, #tpu.memory_space<vmem>>
        %dma_start3A_507 = arith.constant 0 : i32
        %dma_start3A_508 = arith.constant 0 : i32
        %dma_start3A_509 = tpu.memref_slice %arg2[%dma_start3A_507, %dma_start3A_508] : memref<10000x128xf32, #tpu.memory_space<hbm>> -> memref<10000x128xf32, #tpu.memory_space<hbm>>
        %dma_start3A_510 = tpu.memref_slice %arg11[%rem3A_491] : memref<4x!tpu.dma_semaphore, #tpu.memory_space<semaphore_mem>> -> memref<1x!tpu.dma_semaphore, #tpu.memory_space<semaphore_mem>>
        %dma_start3A_511 = tpu.memref_squeeze %dma_start3A_510 : memref<1x!tpu.dma_semaphore, #tpu.memory_space<semaphore_mem>> -> memref<!tpu.dma_semaphore, #tpu.memory_space<semaphore_mem>>
        tpu.enqueue_indirect_dma source(%dma_start3A_509 : memref<10000x128xf32, #tpu.memory_space<hbm>>) target(%dma_start3A_503 : memref<64x128xf32, #tpu.memory_space<vmem>>) offsets(%dma_start3A_506 : memref<64xi32, #tpu.memory_space<vmem>>) semaphore(%dma_start3A_511 : memref<!tpu.dma_semaphore, #tpu.memory_space<semaphore_mem>>)
      } else {
      }
      %scan3A_485 = arith.constant 0 : i32
      scf.yield %scan3A_485 : i32
    }
    %scan3A_275 = arith.constant 40 : i32
    %dma_wait3A_276 = arith.constant 0 : i32
    %dma_wait3A_277 = arith.constant 0 : i32
    %dma_wait3A_278 = arith.constant 0 : i32
    %dma_wait3A_279 = arith.constant 0 : i32
    %dma_wait3A_280 = arith.constant 0 : i32
    %dma_wait3A_281 = tpu.memref_slice %arg9[%dma_wait3A_276, %dma_wait3A_279, %dma_wait3A_280] : memref<4x64x128xf32, #tpu.memory_space<vmem>> -> memref<1x64x128xf32, #tpu.memory_space<vmem>>
    %dma_wait3A_282 = tpu.memref_squeeze %dma_wait3A_281 : memref<1x64x128xf32, #tpu.memory_space<vmem>> -> memref<64x128xf32, #tpu.memory_space<vmem>>
    %dma_wait3A_283 = arith.constant 0 : i32
    %dma_wait3A_284 = tpu.memref_slice %arg8[%dma_wait3A_277, %dma_wait3A_283] : memref<40x64xi32, #tpu.memory_space<vmem>> -> memref<1x64xi32, #tpu.memory_space<vmem>>
    %dma_wait3A_285 = tpu.memref_squeeze %dma_wait3A_284 : memref<1x64xi32, #tpu.memory_space<vmem>> -> memref<64xi32, #tpu.memory_space<vmem>>
    %dma_wait3A_286 = arith.constant 0 : i32
    %dma_wait3A_287 = arith.constant 0 : i32
    %dma_wait3A_288 = tpu.memref_slice %arg10[%dma_wait3A_286, %dma_wait3A_287] : memref<10240x128xf32, #tpu.memory_space<vmem_shared>> -> memref<10240x128xf32, #tpu.memory_space<vmem_shared>>
    %dma_wait3A_289 = tpu.memref_slice %arg12[%dma_wait3A_278] : memref<4x!tpu.dma_semaphore, #tpu.memory_space<semaphore_mem>> -> memref<1x!tpu.dma_semaphore, #tpu.memory_space<semaphore_mem>>
    %dma_wait3A_290 = tpu.memref_squeeze %dma_wait3A_289 : memref<1x!tpu.dma_semaphore, #tpu.memory_space<semaphore_mem>> -> memref<!tpu.dma_semaphore, #tpu.memory_space<semaphore_mem>>
    tpu.wait_indirect_dma semaphore(%dma_wait3A_290 : memref<!tpu.dma_semaphore, #tpu.memory_space<semaphore_mem>>) src(%dma_wait3A_282 : memref<64x128xf32, #tpu.memory_space<vmem>>) dst(%dma_wait3A_288 : memref<10240x128xf32, #tpu.memory_space<vmem_shared>>)
    %dma_wait3A_291 = arith.constant 1 : i32
    %dma_wait3A_292 = arith.constant 0 : i32
    %dma_wait3A_293 = arith.constant 1 : i32
    %dma_wait3A_294 = arith.constant 0 : i32
    %dma_wait3A_295 = arith.constant 0 : i32
    %dma_wait3A_296 = tpu.memref_slice %arg9[%dma_wait3A_291, %dma_wait3A_294, %dma_wait3A_295] : memref<4x64x128xf32, #tpu.memory_space<vmem>> -> memref<1x64x128xf32, #tpu.memory_space<vmem>>
    %dma_wait3A_297 = tpu.memref_squeeze %dma_wait3A_296 : memref<1x64x128xf32, #tpu.memory_space<vmem>> -> memref<64x128xf32, #tpu.memory_space<vmem>>
    %dma_wait3A_298 = arith.constant 0 : i32
    %dma_wait3A_299 = tpu.memref_slice %arg8[%dma_wait3A_292, %dma_wait3A_298] : memref<40x64xi32, #tpu.memory_space<vmem>> -> memref<1x64xi32, #tpu.memory_space<vmem>>
    %dma_wait3A_300 = tpu.memref_squeeze %dma_wait3A_299 : memref<1x64xi32, #tpu.memory_space<vmem>> -> memref<64xi32, #tpu.memory_space<vmem>>
    %dma_wait3A_301 = arith.constant 0 : i32
    %dma_wait3A_302 = arith.constant 0 : i32
    %dma_wait3A_303 = tpu.memref_slice %arg10[%dma_wait3A_301, %dma_wait3A_302] : memref<10240x128xf32, #tpu.memory_space<vmem_shared>> -> memref<10240x128xf32, #tpu.memory_space<vmem_shared>>
    %dma_wait3A_304 = tpu.memref_slice %arg12[%dma_wait3A_293] : memref<4x!tpu.dma_semaphore, #tpu.memory_space<semaphore_mem>> -> memref<1x!tpu.dma_semaphore, #tpu.memory_space<semaphore_mem>>
    %dma_wait3A_305 = tpu.memref_squeeze %dma_wait3A_304 : memref<1x!tpu.dma_semaphore, #tpu.memory_space<semaphore_mem>> -> memref<!tpu.dma_semaphore, #tpu.memory_space<semaphore_mem>>
    tpu.wait_indirect_dma semaphore(%dma_wait3A_305 : memref<!tpu.dma_semaphore, #tpu.memory_space<semaphore_mem>>) src(%dma_wait3A_297 : memref<64x128xf32, #tpu.memory_space<vmem>>) dst(%dma_wait3A_303 : memref<10240x128xf32, #tpu.memory_space<vmem_shared>>)
    %dma_wait3A_306 = arith.constant 2 : i32
    %dma_wait3A_307 = arith.constant 0 : i32
    %dma_wait3A_308 = arith.constant 2 : i32
    %dma_wait3A_309 = arith.constant 0 : i32
    %dma_wait3A_310 = arith.constant 0 : i32
    %dma_wait3A_311 = tpu.memref_slice %arg9[%dma_wait3A_306, %dma_wait3A_309, %dma_wait3A_310] : memref<4x64x128xf32, #tpu.memory_space<vmem>> -> memref<1x64x128xf32, #tpu.memory_space<vmem>>
    %dma_wait3A_312 = tpu.memref_squeeze %dma_wait3A_311 : memref<1x64x128xf32, #tpu.memory_space<vmem>> -> memref<64x128xf32, #tpu.memory_space<vmem>>
    %dma_wait3A_313 = arith.constant 0 : i32
    %dma_wait3A_314 = tpu.memref_slice %arg8[%dma_wait3A_307, %dma_wait3A_313] : memref<40x64xi32, #tpu.memory_space<vmem>> -> memref<1x64xi32, #tpu.memory_space<vmem>>
    %dma_wait3A_315 = tpu.memref_squeeze %dma_wait3A_314 : memref<1x64xi32, #tpu.memory_space<vmem>> -> memref<64xi32, #tpu.memory_space<vmem>>
    %dma_wait3A_316 = arith.constant 0 : i32
    %dma_wait3A_317 = arith.constant 0 : i32
    %dma_wait3A_318 = tpu.memref_slice %arg10[%dma_wait3A_316, %dma_wait3A_317] : memref<10240x128xf32, #tpu.memory_space<vmem_shared>> -> memref<10240x128xf32, #tpu.memory_space<vmem_shared>>
    %dma_wait3A_319 = tpu.memref_slice %arg12[%dma_wait3A_308] : memref<4x!tpu.dma_semaphore, #tpu.memory_space<semaphore_mem>> -> memref<1x!tpu.dma_semaphore, #tpu.memory_space<semaphore_mem>>
    %dma_wait3A_320 = tpu.memref_squeeze %dma_wait3A_319 : memref<1x!tpu.dma_semaphore, #tpu.memory_space<semaphore_mem>> -> memref<!tpu.dma_semaphore, #tpu.memory_space<semaphore_mem>>
    tpu.wait_indirect_dma semaphore(%dma_wait3A_320 : memref<!tpu.dma_semaphore, #tpu.memory_space<semaphore_mem>>) src(%dma_wait3A_312 : memref<64x128xf32, #tpu.memory_space<vmem>>) dst(%dma_wait3A_318 : memref<10240x128xf32, #tpu.memory_space<vmem_shared>>)
    %dma_wait3A_321 = arith.constant 3 : i32
    %dma_wait3A_322 = arith.constant 0 : i32
    %dma_wait3A_323 = arith.constant 3 : i32
    %dma_wait3A_324 = arith.constant 0 : i32
    %dma_wait3A_325 = arith.constant 0 : i32
    %dma_wait3A_326 = tpu.memref_slice %arg9[%dma_wait3A_321, %dma_wait3A_324, %dma_wait3A_325] : memref<4x64x128xf32, #tpu.memory_space<vmem>> -> memref<1x64x128xf32, #tpu.memory_space<vmem>>
    %dma_wait3A_327 = tpu.memref_squeeze %dma_wait3A_326 : memref<1x64x128xf32, #tpu.memory_space<vmem>> -> memref<64x128xf32, #tpu.memory_space<vmem>>
    %dma_wait3A_328 = arith.constant 0 : i32
    %dma_wait3A_329 = tpu.memref_slice %arg8[%dma_wait3A_322, %dma_wait3A_328] : memref<40x64xi32, #tpu.memory_space<vmem>> -> memref<1x64xi32, #tpu.memory_space<vmem>>
    %dma_wait3A_330 = tpu.memref_squeeze %dma_wait3A_329 : memref<1x64xi32, #tpu.memory_space<vmem>> -> memref<64xi32, #tpu.memory_space<vmem>>
    %dma_wait3A_331 = arith.constant 0 : i32
    %dma_wait3A_332 = arith.constant 0 : i32
    %dma_wait3A_333 = tpu.memref_slice %arg10[%dma_wait3A_331, %dma_wait3A_332] : memref<10240x128xf32, #tpu.memory_space<vmem_shared>> -> memref<10240x128xf32, #tpu.memory_space<vmem_shared>>
    %dma_wait3A_334 = tpu.memref_slice %arg12[%dma_wait3A_323] : memref<4x!tpu.dma_semaphore, #tpu.memory_space<semaphore_mem>> -> memref<1x!tpu.dma_semaphore, #tpu.memory_space<semaphore_mem>>
    %dma_wait3A_335 = tpu.memref_squeeze %dma_wait3A_334 : memref<1x!tpu.dma_semaphore, #tpu.memory_space<semaphore_mem>> -> memref<!tpu.dma_semaphore, #tpu.memory_space<semaphore_mem>>
    tpu.wait_indirect_dma semaphore(%dma_wait3A_335 : memref<!tpu.dma_semaphore, #tpu.memory_space<semaphore_mem>>) src(%dma_wait3A_327 : memref<64x128xf32, #tpu.memory_space<vmem>>) dst(%dma_wait3A_333 : memref<10240x128xf32, #tpu.memory_space<vmem_shared>>)
    "tpu.region"() ({
      %run_scoped3A = tpu.sem_alloc : memref<!tpu.dma_semaphore, #tpu.memory_space<semaphore_mem>>
      %dma_start3A_453 = arith.constant 120 : i32
      %dma_start3A_454 = arith.constant 0 : i32
      %dma_start3A_455 = tpu.memref_slice %arg3[%add3A, %dma_start3A_453, %dma_start3A_454] : memref<32x160x64xi32, #tpu.memory_space<hbm>> -> memref<1x40x64xi32, #tpu.memory_space<hbm>>
      %dma_start3A_456 = tpu.memref_squeeze %dma_start3A_455 : memref<1x40x64xi32, #tpu.memory_space<hbm>> -> memref<40x64xi32, #tpu.memory_space<hbm>>
      %dma_start3A_457 = arith.constant 120 : i32
      %dma_start3A_458 = arith.constant 0 : i32
      %dma_start3A_459 = tpu.memref_slice %arg3[%add3A, %dma_start3A_457, %dma_start3A_458] : memref<32x160x64xi32, #tpu.memory_space<hbm>> -> memref<1x40x64xi32, #tpu.memory_space<hbm>>
      %dma_start3A_460 = tpu.memref_squeeze %dma_start3A_459 : memref<1x40x64xi32, #tpu.memory_space<hbm>> -> memref<40x64xi32, #tpu.memory_space<hbm>>
      tpu.enqueue_dma source(%dma_start3A_460 : memref<40x64xi32, #tpu.memory_space<hbm>>) target(%arg7 : memref<40x64xi32, #tpu.memory_space<vmem>>) target_semaphore(%run_scoped3A : memref<!tpu.dma_semaphore, #tpu.memory_space<semaphore_mem>>)
      %dma_wait3A_461 = arith.constant 120 : i32
      %dma_wait3A_462 = arith.constant 0 : i32
      %dma_wait3A_463 = tpu.memref_slice %arg3[%add3A, %dma_wait3A_461, %dma_wait3A_462] : memref<32x160x64xi32, #tpu.memory_space<hbm>> -> memref<1x40x64xi32, #tpu.memory_space<hbm>>
      %dma_wait3A_464 = tpu.memref_squeeze %dma_wait3A_463 : memref<1x40x64xi32, #tpu.memory_space<hbm>> -> memref<40x64xi32, #tpu.memory_space<hbm>>
      %dma_wait3A_465 = arith.constant 120 : i32
      %dma_wait3A_466 = arith.constant 0 : i32
      %dma_wait3A_467 = tpu.memref_slice %arg3[%add3A, %dma_wait3A_465, %dma_wait3A_466] : memref<32x160x64xi32, #tpu.memory_space<hbm>> -> memref<1x40x64xi32, #tpu.memory_space<hbm>>
      %dma_wait3A_468 = tpu.memref_squeeze %dma_wait3A_467 : memref<1x40x64xi32, #tpu.memory_space<hbm>> -> memref<40x64xi32, #tpu.memory_space<hbm>>
      tpu.wait_dma2 semaphore(%run_scoped3A : memref<!tpu.dma_semaphore, #tpu.memory_space<semaphore_mem>>) src(%dma_wait3A_468 : memref<40x64xi32, #tpu.memory_space<hbm>>) dst(%arg7 : memref<40x64xi32, #tpu.memory_space<vmem>>)
      tpu.yield
    }) : () -> ()
    "tpu.region"() ({
      %run_scoped3A = tpu.sem_alloc : memref<!tpu.dma_semaphore, #tpu.memory_space<semaphore_mem>>
      %dma_start3A_453 = arith.constant 120 : i32
      %dma_start3A_454 = arith.constant 0 : i32
      %dma_start3A_455 = tpu.memref_slice %arg4[%add3A, %dma_start3A_453, %dma_start3A_454] : memref<32x160x64xi32, #tpu.memory_space<hbm>> -> memref<1x40x64xi32, #tpu.memory_space<hbm>>
      %dma_start3A_456 = tpu.memref_squeeze %dma_start3A_455 : memref<1x40x64xi32, #tpu.memory_space<hbm>> -> memref<40x64xi32, #tpu.memory_space<hbm>>
      %dma_start3A_457 = arith.constant 120 : i32
      %dma_start3A_458 = arith.constant 0 : i32
      %dma_start3A_459 = tpu.memref_slice %arg4[%add3A, %dma_start3A_457, %dma_start3A_458] : memref<32x160x64xi32, #tpu.memory_space<hbm>> -> memref<1x40x64xi32, #tpu.memory_space<hbm>>
      %dma_start3A_460 = tpu.memref_squeeze %dma_start3A_459 : memref<1x40x64xi32, #tpu.memory_space<hbm>> -> memref<40x64xi32, #tpu.memory_space<hbm>>
      tpu.enqueue_dma source(%dma_start3A_460 : memref<40x64xi32, #tpu.memory_space<hbm>>) target(%arg8 : memref<40x64xi32, #tpu.memory_space<vmem>>) target_semaphore(%run_scoped3A : memref<!tpu.dma_semaphore, #tpu.memory_space<semaphore_mem>>)
      %dma_wait3A_461 = arith.constant 120 : i32
      %dma_wait3A_462 = arith.constant 0 : i32
      %dma_wait3A_463 = tpu.memref_slice %arg4[%add3A, %dma_wait3A_461, %dma_wait3A_462] : memref<32x160x64xi32, #tpu.memory_space<hbm>> -> memref<1x40x64xi32, #tpu.memory_space<hbm>>
      %dma_wait3A_464 = tpu.memref_squeeze %dma_wait3A_463 : memref<1x40x64xi32, #tpu.memory_space<hbm>> -> memref<40x64xi32, #tpu.memory_space<hbm>>
      %dma_wait3A_465 = arith.constant 120 : i32
      %dma_wait3A_466 = arith.constant 0 : i32
      %dma_wait3A_467 = tpu.memref_slice %arg4[%add3A, %dma_wait3A_465, %dma_wait3A_466] : memref<32x160x64xi32, #tpu.memory_space<hbm>> -> memref<1x40x64xi32, #tpu.memory_space<hbm>>
      %dma_wait3A_468 = tpu.memref_squeeze %dma_wait3A_467 : memref<1x40x64xi32, #tpu.memory_space<hbm>> -> memref<40x64xi32, #tpu.memory_space<hbm>>
      tpu.wait_dma2 semaphore(%run_scoped3A : memref<!tpu.dma_semaphore, #tpu.memory_space<semaphore_mem>>) src(%dma_wait3A_468 : memref<40x64xi32, #tpu.memory_space<hbm>>) dst(%arg8 : memref<40x64xi32, #tpu.memory_space<vmem>>)
      tpu.yield
    }) : () -> ()
    %dma_start3A_336 = arith.constant 0 : i32
    %dma_start3A_337 = arith.constant 0 : i32
    %dma_start3A_338 = arith.constant 0 : i32
    %dma_start3A_339 = arith.constant 0 : i32
    %dma_start3A_340 = arith.constant 0 : i32
    %dma_start3A_341 = tpu.memref_slice %arg9[%dma_start3A_337, %dma_start3A_339, %dma_start3A_340] : memref<4x64x128xf32, #tpu.memory_space<vmem>> -> memref<1x64x128xf32, #tpu.memory_space<vmem>>
    %dma_start3A_342 = tpu.memref_squeeze %dma_start3A_341 : memref<1x64x128xf32, #tpu.memory_space<vmem>> -> memref<64x128xf32, #tpu.memory_space<vmem>>
    %dma_start3A_343 = arith.constant 0 : i32
    %dma_start3A_344 = tpu.memref_slice %arg7[%dma_start3A_336, %dma_start3A_343] : memref<40x64xi32, #tpu.memory_space<vmem>> -> memref<1x64xi32, #tpu.memory_space<vmem>>
    %dma_start3A_345 = tpu.memref_squeeze %dma_start3A_344 : memref<1x64xi32, #tpu.memory_space<vmem>> -> memref<64xi32, #tpu.memory_space<vmem>>
    %dma_start3A_346 = arith.constant 0 : i32
    %dma_start3A_347 = arith.constant 0 : i32
    %dma_start3A_348 = tpu.memref_slice %arg2[%dma_start3A_346, %dma_start3A_347] : memref<10000x128xf32, #tpu.memory_space<hbm>> -> memref<10000x128xf32, #tpu.memory_space<hbm>>
    %dma_start3A_349 = tpu.memref_slice %arg11[%dma_start3A_338] : memref<4x!tpu.dma_semaphore, #tpu.memory_space<semaphore_mem>> -> memref<1x!tpu.dma_semaphore, #tpu.memory_space<semaphore_mem>>
    %dma_start3A_350 = tpu.memref_squeeze %dma_start3A_349 : memref<1x!tpu.dma_semaphore, #tpu.memory_space<semaphore_mem>> -> memref<!tpu.dma_semaphore, #tpu.memory_space<semaphore_mem>>
    tpu.enqueue_indirect_dma source(%dma_start3A_348 : memref<10000x128xf32, #tpu.memory_space<hbm>>) target(%dma_start3A_342 : memref<64x128xf32, #tpu.memory_space<vmem>>) offsets(%dma_start3A_345 : memref<64xi32, #tpu.memory_space<vmem>>) semaphore(%dma_start3A_350 : memref<!tpu.dma_semaphore, #tpu.memory_space<semaphore_mem>>)
    %dma_start3A_351 = arith.constant 1 : i32
    %dma_start3A_352 = arith.constant 1 : i32
    %dma_start3A_353 = arith.constant 1 : i32
    %dma_start3A_354 = arith.constant 0 : i32
    %dma_start3A_355 = arith.constant 0 : i32
    %dma_start3A_356 = tpu.memref_slice %arg9[%dma_start3A_352, %dma_start3A_354, %dma_start3A_355] : memref<4x64x128xf32, #tpu.memory_space<vmem>> -> memref<1x64x128xf32, #tpu.memory_space<vmem>>
    %dma_start3A_357 = tpu.memref_squeeze %dma_start3A_356 : memref<1x64x128xf32, #tpu.memory_space<vmem>> -> memref<64x128xf32, #tpu.memory_space<vmem>>
    %dma_start3A_358 = arith.constant 0 : i32
    %dma_start3A_359 = tpu.memref_slice %arg7[%dma_start3A_351, %dma_start3A_358] : memref<40x64xi32, #tpu.memory_space<vmem>> -> memref<1x64xi32, #tpu.memory_space<vmem>>
    %dma_start3A_360 = tpu.memref_squeeze %dma_start3A_359 : memref<1x64xi32, #tpu.memory_space<vmem>> -> memref<64xi32, #tpu.memory_space<vmem>>
    %dma_start3A_361 = arith.constant 0 : i32
    %dma_start3A_362 = arith.constant 0 : i32
    %dma_start3A_363 = tpu.memref_slice %arg2[%dma_start3A_361, %dma_start3A_362] : memref<10000x128xf32, #tpu.memory_space<hbm>> -> memref<10000x128xf32, #tpu.memory_space<hbm>>
    %dma_start3A_364 = tpu.memref_slice %arg11[%dma_start3A_353] : memref<4x!tpu.dma_semaphore, #tpu.memory_space<semaphore_mem>> -> memref<1x!tpu.dma_semaphore, #tpu.memory_space<semaphore_mem>>
    %dma_start3A_365 = tpu.memref_squeeze %dma_start3A_364 : memref<1x!tpu.dma_semaphore, #tpu.memory_space<semaphore_mem>> -> memref<!tpu.dma_semaphore, #tpu.memory_space<semaphore_mem>>
    tpu.enqueue_indirect_dma source(%dma_start3A_363 : memref<10000x128xf32, #tpu.memory_space<hbm>>) target(%dma_start3A_357 : memref<64x128xf32, #tpu.memory_space<vmem>>) offsets(%dma_start3A_360 : memref<64xi32, #tpu.memory_space<vmem>>) semaphore(%dma_start3A_365 : memref<!tpu.dma_semaphore, #tpu.memory_space<semaphore_mem>>)
    %dma_start3A_366 = arith.constant 2 : i32
    %dma_start3A_367 = arith.constant 2 : i32
    %dma_start3A_368 = arith.constant 2 : i32
    %dma_start3A_369 = arith.constant 0 : i32
    %dma_start3A_370 = arith.constant 0 : i32
    %dma_start3A_371 = tpu.memref_slice %arg9[%dma_start3A_367, %dma_start3A_369, %dma_start3A_370] : memref<4x64x128xf32, #tpu.memory_space<vmem>> -> memref<1x64x128xf32, #tpu.memory_space<vmem>>
    %dma_start3A_372 = tpu.memref_squeeze %dma_start3A_371 : memref<1x64x128xf32, #tpu.memory_space<vmem>> -> memref<64x128xf32, #tpu.memory_space<vmem>>
    %dma_start3A_373 = arith.constant 0 : i32
    %dma_start3A_374 = tpu.memref_slice %arg7[%dma_start3A_366, %dma_start3A_373] : memref<40x64xi32, #tpu.memory_space<vmem>> -> memref<1x64xi32, #tpu.memory_space<vmem>>
    %dma_start3A_375 = tpu.memref_squeeze %dma_start3A_374 : memref<1x64xi32, #tpu.memory_space<vmem>> -> memref<64xi32, #tpu.memory_space<vmem>>
    %dma_start3A_376 = arith.constant 0 : i32
    %dma_start3A_377 = arith.constant 0 : i32
    %dma_start3A_378 = tpu.memref_slice %arg2[%dma_start3A_376, %dma_start3A_377] : memref<10000x128xf32, #tpu.memory_space<hbm>> -> memref<10000x128xf32, #tpu.memory_space<hbm>>
    %dma_start3A_379 = tpu.memref_slice %arg11[%dma_start3A_368] : memref<4x!tpu.dma_semaphore, #tpu.memory_space<semaphore_mem>> -> memref<1x!tpu.dma_semaphore, #tpu.memory_space<semaphore_mem>>
    %dma_start3A_380 = tpu.memref_squeeze %dma_start3A_379 : memref<1x!tpu.dma_semaphore, #tpu.memory_space<semaphore_mem>> -> memref<!tpu.dma_semaphore, #tpu.memory_space<semaphore_mem>>
    tpu.enqueue_indirect_dma source(%dma_start3A_378 : memref<10000x128xf32, #tpu.memory_space<hbm>>) target(%dma_start3A_372 : memref<64x128xf32, #tpu.memory_space<vmem>>) offsets(%dma_start3A_375 : memref<64xi32, #tpu.memory_space<vmem>>) semaphore(%dma_start3A_380 : memref<!tpu.dma_semaphore, #tpu.memory_space<semaphore_mem>>)
    %scan3A_381 = arith.constant 0 : i32
    %scan3A_382 = arith.constant 0 : i32
    %scan3A_383 = arith.constant 40 : i32
    %scan3A_384 = arith.addi %scan3A_382, %scan3A_383 : i32
    %scan3A_385 = arith.constant 1 : i32
    %scan3A_386 = scf.for %scan3A_453 = %scan3A_382 to %scan3A_384 step %scan3A_385 iter_args(%scan3A_454 = %scan3A_381) -> (i32)  : i32 {
      %rem3A = arith.constant 4 : i32
      %rem3A_455 = arith.remsi %scan3A_453, %rem3A : i32
      %dma_wait3A_456 = arith.constant 0 : i32
      %dma_wait3A_457 = arith.constant 0 : i32
      %dma_wait3A_458 = tpu.memref_slice %arg9[%rem3A_455, %dma_wait3A_456, %dma_wait3A_457] : memref<4x64x128xf32, #tpu.memory_space<vmem>> -> memref<1x64x128xf32, #tpu.memory_space<vmem>>
      %dma_wait3A_459 = tpu.memref_squeeze %dma_wait3A_458 : memref<1x64x128xf32, #tpu.memory_space<vmem>> -> memref<64x128xf32, #tpu.memory_space<vmem>>
      %dma_wait3A_460 = arith.constant 0 : i32
      %dma_wait3A_461 = tpu.memref_slice %arg7[%scan3A_453, %dma_wait3A_460] : memref<40x64xi32, #tpu.memory_space<vmem>> -> memref<1x64xi32, #tpu.memory_space<vmem>>
      %dma_wait3A_462 = tpu.memref_squeeze %dma_wait3A_461 : memref<1x64xi32, #tpu.memory_space<vmem>> -> memref<64xi32, #tpu.memory_space<vmem>>
      %dma_wait3A_463 = arith.constant 0 : i32
      %dma_wait3A_464 = arith.constant 0 : i32
      %dma_wait3A_465 = tpu.memref_slice %arg2[%dma_wait3A_463, %dma_wait3A_464] : memref<10000x128xf32, #tpu.memory_space<hbm>> -> memref<10000x128xf32, #tpu.memory_space<hbm>>
      %dma_wait3A_466 = tpu.memref_slice %arg11[%rem3A_455] : memref<4x!tpu.dma_semaphore, #tpu.memory_space<semaphore_mem>> -> memref<1x!tpu.dma_semaphore, #tpu.memory_space<semaphore_mem>>
      %dma_wait3A_467 = tpu.memref_squeeze %dma_wait3A_466 : memref<1x!tpu.dma_semaphore, #tpu.memory_space<semaphore_mem>> -> memref<!tpu.dma_semaphore, #tpu.memory_space<semaphore_mem>>
      tpu.wait_indirect_dma semaphore(%dma_wait3A_467 : memref<!tpu.dma_semaphore, #tpu.memory_space<semaphore_mem>>) src(%dma_wait3A_465 : memref<10000x128xf32, #tpu.memory_space<hbm>>) dst(%dma_wait3A_459 : memref<64x128xf32, #tpu.memory_space<vmem>>)
      %dma_start3A_468 = arith.constant 0 : i32
      %dma_start3A_469 = arith.constant 0 : i32
      %dma_start3A_470 = tpu.memref_slice %arg9[%rem3A_455, %dma_start3A_468, %dma_start3A_469] : memref<4x64x128xf32, #tpu.memory_space<vmem>> -> memref<1x64x128xf32, #tpu.memory_space<vmem>>
      %dma_start3A_471 = tpu.memref_squeeze %dma_start3A_470 : memref<1x64x128xf32, #tpu.memory_space<vmem>> -> memref<64x128xf32, #tpu.memory_space<vmem>>
      %dma_start3A_472 = arith.constant 0 : i32
      %dma_start3A_473 = tpu.memref_slice %arg8[%scan3A_453, %dma_start3A_472] : memref<40x64xi32, #tpu.memory_space<vmem>> -> memref<1x64xi32, #tpu.memory_space<vmem>>
      %dma_start3A_474 = tpu.memref_squeeze %dma_start3A_473 : memref<1x64xi32, #tpu.memory_space<vmem>> -> memref<64xi32, #tpu.memory_space<vmem>>
      %dma_start3A_475 = arith.constant 0 : i32
      %dma_start3A_476 = arith.constant 0 : i32
      %dma_start3A_477 = tpu.memref_slice %arg10[%dma_start3A_475, %dma_start3A_476] : memref<10240x128xf32, #tpu.memory_space<vmem_shared>> -> memref<10240x128xf32, #tpu.memory_space<vmem_shared>>
      %dma_start3A_478 = tpu.memref_slice %arg12[%rem3A_455] : memref<4x!tpu.dma_semaphore, #tpu.memory_space<semaphore_mem>> -> memref<1x!tpu.dma_semaphore, #tpu.memory_space<semaphore_mem>>
      %dma_start3A_479 = tpu.memref_squeeze %dma_start3A_478 : memref<1x!tpu.dma_semaphore, #tpu.memory_space<semaphore_mem>> -> memref<!tpu.dma_semaphore, #tpu.memory_space<semaphore_mem>>
      tpu.enqueue_indirect_dma source(%dma_start3A_471 : memref<64x128xf32, #tpu.memory_space<vmem>>) target(%dma_start3A_477 : memref<10240x128xf32, #tpu.memory_space<vmem_shared>>) offsets(%dma_start3A_474 : memref<64xi32, #tpu.memory_space<vmem>>) semaphore(%dma_start3A_479 : memref<!tpu.dma_semaphore, #tpu.memory_space<semaphore_mem>>) {add = true}
      %add3A_480 = arith.constant 4 : i32
      %add3A_481 = arith.addi %scan3A_453, %add3A_480 : i32
      %sub3A = arith.constant 1 : i32
      %sub3A_482 = arith.subi %add3A_481, %sub3A : i32
      %lt3A = arith.constant 40 : i32
      %lt3A_483 = arith.cmpi slt, %sub3A_482, %lt3A : i32
      %convert_element_type3A = arith.extui %lt3A_483 : i1 to i32
      %cond3A = arith.constant 0 : i32
      %cond3A_484 = arith.cmpi ne, %convert_element_type3A, %cond3A : i32
      scf.if %cond3A_484 {
        %add3A_486 = arith.constant 4 : i32
        %add3A_487 = arith.addi %scan3A_453, %add3A_486 : i32
        %sub3A_488 = arith.constant 1 : i32
        %sub3A_489 = arith.subi %add3A_487, %sub3A_488 : i32
        %rem3A_490 = arith.constant 4 : i32
        %rem3A_491 = arith.remsi %sub3A_489, %rem3A_490 : i32
        %ge3A = arith.constant 1 : i32
        %ge3A_492 = arith.cmpi sge, %scan3A_453, %ge3A : i32
        %convert_element_type3A_493 = arith.extui %ge3A_492 : i1 to i32
        %cond3A_494 = arith.constant 0 : i32
        %cond3A_495 = arith.cmpi ne, %convert_element_type3A_493, %cond3A_494 : i32
        scf.if %cond3A_495 {
          %sub3A_512 = arith.constant 1 : i32
          %sub3A_513 = arith.subi %scan3A_453, %sub3A_512 : i32
          %dma_wait3A_514 = arith.constant 0 : i32
          %dma_wait3A_515 = arith.constant 0 : i32
          %dma_wait3A_516 = tpu.memref_slice %arg9[%rem3A_491, %dma_wait3A_514, %dma_wait3A_515] : memref<4x64x128xf32, #tpu.memory_space<vmem>> -> memref<1x64x128xf32, #tpu.memory_space<vmem>>
          %dma_wait3A_517 = tpu.memref_squeeze %dma_wait3A_516 : memref<1x64x128xf32, #tpu.memory_space<vmem>> -> memref<64x128xf32, #tpu.memory_space<vmem>>
          %dma_wait3A_518 = arith.constant 0 : i32
          %dma_wait3A_519 = tpu.memref_slice %arg8[%sub3A_513, %dma_wait3A_518] : memref<40x64xi32, #tpu.memory_space<vmem>> -> memref<1x64xi32, #tpu.memory_space<vmem>>
          %dma_wait3A_520 = tpu.memref_squeeze %dma_wait3A_519 : memref<1x64xi32, #tpu.memory_space<vmem>> -> memref<64xi32, #tpu.memory_space<vmem>>
          %dma_wait3A_521 = arith.constant 0 : i32
          %dma_wait3A_522 = arith.constant 0 : i32
          %dma_wait3A_523 = tpu.memref_slice %arg10[%dma_wait3A_521, %dma_wait3A_522] : memref<10240x128xf32, #tpu.memory_space<vmem_shared>> -> memref<10240x128xf32, #tpu.memory_space<vmem_shared>>
          %dma_wait3A_524 = tpu.memref_slice %arg12[%rem3A_491] : memref<4x!tpu.dma_semaphore, #tpu.memory_space<semaphore_mem>> -> memref<1x!tpu.dma_semaphore, #tpu.memory_space<semaphore_mem>>
          %dma_wait3A_525 = tpu.memref_squeeze %dma_wait3A_524 : memref<1x!tpu.dma_semaphore, #tpu.memory_space<semaphore_mem>> -> memref<!tpu.dma_semaphore, #tpu.memory_space<semaphore_mem>>
          tpu.wait_indirect_dma semaphore(%dma_wait3A_525 : memref<!tpu.dma_semaphore, #tpu.memory_space<semaphore_mem>>) src(%dma_wait3A_517 : memref<64x128xf32, #tpu.memory_space<vmem>>) dst(%dma_wait3A_523 : memref<10240x128xf32, #tpu.memory_space<vmem_shared>>)
        } else {
        }
        %add3A_496 = arith.constant 4 : i32
        %add3A_497 = arith.addi %scan3A_453, %add3A_496 : i32
        %sub3A_498 = arith.constant 1 : i32
        %sub3A_499 = arith.subi %add3A_497, %sub3A_498 : i32
        %dma_start3A_500 = arith.constant 0 : i32
        %dma_start3A_501 = arith.constant 0 : i32
        %dma_start3A_502 = tpu.memref_slice %arg9[%rem3A_491, %dma_start3A_500, %dma_start3A_501] : memref<4x64x128xf32, #tpu.memory_space<vmem>> -> memref<1x64x128xf32, #tpu.memory_space<vmem>>
        %dma_start3A_503 = tpu.memref_squeeze %dma_start3A_502 : memref<1x64x128xf32, #tpu.memory_space<vmem>> -> memref<64x128xf32, #tpu.memory_space<vmem>>
        %dma_start3A_504 = arith.constant 0 : i32
        %dma_start3A_505 = tpu.memref_slice %arg7[%sub3A_499, %dma_start3A_504] : memref<40x64xi32, #tpu.memory_space<vmem>> -> memref<1x64xi32, #tpu.memory_space<vmem>>
        %dma_start3A_506 = tpu.memref_squeeze %dma_start3A_505 : memref<1x64xi32, #tpu.memory_space<vmem>> -> memref<64xi32, #tpu.memory_space<vmem>>
        %dma_start3A_507 = arith.constant 0 : i32
        %dma_start3A_508 = arith.constant 0 : i32
        %dma_start3A_509 = tpu.memref_slice %arg2[%dma_start3A_507, %dma_start3A_508] : memref<10000x128xf32, #tpu.memory_space<hbm>> -> memref<10000x128xf32, #tpu.memory_space<hbm>>
        %dma_start3A_510 = tpu.memref_slice %arg11[%rem3A_491] : memref<4x!tpu.dma_semaphore, #tpu.memory_space<semaphore_mem>> -> memref<1x!tpu.dma_semaphore, #tpu.memory_space<semaphore_mem>>
        %dma_start3A_511 = tpu.memref_squeeze %dma_start3A_510 : memref<1x!tpu.dma_semaphore, #tpu.memory_space<semaphore_mem>> -> memref<!tpu.dma_semaphore, #tpu.memory_space<semaphore_mem>>
        tpu.enqueue_indirect_dma source(%dma_start3A_509 : memref<10000x128xf32, #tpu.memory_space<hbm>>) target(%dma_start3A_503 : memref<64x128xf32, #tpu.memory_space<vmem>>) offsets(%dma_start3A_506 : memref<64xi32, #tpu.memory_space<vmem>>) semaphore(%dma_start3A_511 : memref<!tpu.dma_semaphore, #tpu.memory_space<semaphore_mem>>)
      } else {
      }
      %scan3A_485 = arith.constant 0 : i32
      scf.yield %scan3A_485 : i32
    }
    %scan3A_387 = arith.constant 40 : i32
    %dma_wait3A_388 = arith.constant 0 : i32
    %dma_wait3A_389 = arith.constant 0 : i32
    %dma_wait3A_390 = arith.constant 0 : i32
    %dma_wait3A_391 = arith.constant 0 : i32
    %dma_wait3A_392 = arith.constant 0 : i32
    %dma_wait3A_393 = tpu.memref_slice %arg9[%dma_wait3A_388, %dma_wait3A_391, %dma_wait3A_392] : memref<4x64x128xf32, #tpu.memory_space<vmem>> -> memref<1x64x128xf32, #tpu.memory_space<vmem>>
    %dma_wait3A_394 = tpu.memref_squeeze %dma_wait3A_393 : memref<1x64x128xf32, #tpu.memory_space<vmem>> -> memref<64x128xf32, #tpu.memory_space<vmem>>
    %dma_wait3A_395 = arith.constant 0 : i32
    %dma_wait3A_396 = tpu.memref_slice %arg8[%dma_wait3A_389, %dma_wait3A_395] : memref<40x64xi32, #tpu.memory_space<vmem>> -> memref<1x64xi32, #tpu.memory_space<vmem>>
    %dma_wait3A_397 = tpu.memref_squeeze %dma_wait3A_396 : memref<1x64xi32, #tpu.memory_space<vmem>> -> memref<64xi32, #tpu.memory_space<vmem>>
    %dma_wait3A_398 = arith.constant 0 : i32
    %dma_wait3A_399 = arith.constant 0 : i32
    %dma_wait3A_400 = tpu.memref_slice %arg10[%dma_wait3A_398, %dma_wait3A_399] : memref<10240x128xf32, #tpu.memory_space<vmem_shared>> -> memref<10240x128xf32, #tpu.memory_space<vmem_shared>>
    %dma_wait3A_401 = tpu.memref_slice %arg12[%dma_wait3A_390] : memref<4x!tpu.dma_semaphore, #tpu.memory_space<semaphore_mem>> -> memref<1x!tpu.dma_semaphore, #tpu.memory_space<semaphore_mem>>
    %dma_wait3A_402 = tpu.memref_squeeze %dma_wait3A_401 : memref<1x!tpu.dma_semaphore, #tpu.memory_space<semaphore_mem>> -> memref<!tpu.dma_semaphore, #tpu.memory_space<semaphore_mem>>
    tpu.wait_indirect_dma semaphore(%dma_wait3A_402 : memref<!tpu.dma_semaphore, #tpu.memory_space<semaphore_mem>>) src(%dma_wait3A_394 : memref<64x128xf32, #tpu.memory_space<vmem>>) dst(%dma_wait3A_400 : memref<10240x128xf32, #tpu.memory_space<vmem_shared>>)
    %dma_wait3A_403 = arith.constant 1 : i32
    %dma_wait3A_404 = arith.constant 0 : i32
    %dma_wait3A_405 = arith.constant 1 : i32
    %dma_wait3A_406 = arith.constant 0 : i32
    %dma_wait3A_407 = arith.constant 0 : i32
    %dma_wait3A_408 = tpu.memref_slice %arg9[%dma_wait3A_403, %dma_wait3A_406, %dma_wait3A_407] : memref<4x64x128xf32, #tpu.memory_space<vmem>> -> memref<1x64x128xf32, #tpu.memory_space<vmem>>
    %dma_wait3A_409 = tpu.memref_squeeze %dma_wait3A_408 : memref<1x64x128xf32, #tpu.memory_space<vmem>> -> memref<64x128xf32, #tpu.memory_space<vmem>>
    %dma_wait3A_410 = arith.constant 0 : i32
    %dma_wait3A_411 = tpu.memref_slice %arg8[%dma_wait3A_404, %dma_wait3A_410] : memref<40x64xi32, #tpu.memory_space<vmem>> -> memref<1x64xi32, #tpu.memory_space<vmem>>
    %dma_wait3A_412 = tpu.memref_squeeze %dma_wait3A_411 : memref<1x64xi32, #tpu.memory_space<vmem>> -> memref<64xi32, #tpu.memory_space<vmem>>
    %dma_wait3A_413 = arith.constant 0 : i32
    %dma_wait3A_414 = arith.constant 0 : i32
    %dma_wait3A_415 = tpu.memref_slice %arg10[%dma_wait3A_413, %dma_wait3A_414] : memref<10240x128xf32, #tpu.memory_space<vmem_shared>> -> memref<10240x128xf32, #tpu.memory_space<vmem_shared>>
    %dma_wait3A_416 = tpu.memref_slice %arg12[%dma_wait3A_405] : memref<4x!tpu.dma_semaphore, #tpu.memory_space<semaphore_mem>> -> memref<1x!tpu.dma_semaphore, #tpu.memory_space<semaphore_mem>>
    %dma_wait3A_417 = tpu.memref_squeeze %dma_wait3A_416 : memref<1x!tpu.dma_semaphore, #tpu.memory_space<semaphore_mem>> -> memref<!tpu.dma_semaphore, #tpu.memory_space<semaphore_mem>>
    tpu.wait_indirect_dma semaphore(%dma_wait3A_417 : memref<!tpu.dma_semaphore, #tpu.memory_space<semaphore_mem>>) src(%dma_wait3A_409 : memref<64x128xf32, #tpu.memory_space<vmem>>) dst(%dma_wait3A_415 : memref<10240x128xf32, #tpu.memory_space<vmem_shared>>)
    %dma_wait3A_418 = arith.constant 2 : i32
    %dma_wait3A_419 = arith.constant 0 : i32
    %dma_wait3A_420 = arith.constant 2 : i32
    %dma_wait3A_421 = arith.constant 0 : i32
    %dma_wait3A_422 = arith.constant 0 : i32
    %dma_wait3A_423 = tpu.memref_slice %arg9[%dma_wait3A_418, %dma_wait3A_421, %dma_wait3A_422] : memref<4x64x128xf32, #tpu.memory_space<vmem>> -> memref<1x64x128xf32, #tpu.memory_space<vmem>>
    %dma_wait3A_424 = tpu.memref_squeeze %dma_wait3A_423 : memref<1x64x128xf32, #tpu.memory_space<vmem>> -> memref<64x128xf32, #tpu.memory_space<vmem>>
    %dma_wait3A_425 = arith.constant 0 : i32
    %dma_wait3A_426 = tpu.memref_slice %arg8[%dma_wait3A_419, %dma_wait3A_425] : memref<40x64xi32, #tpu.memory_space<vmem>> -> memref<1x64xi32, #tpu.memory_space<vmem>>
    %dma_wait3A_427 = tpu.memref_squeeze %dma_wait3A_426 : memref<1x64xi32, #tpu.memory_space<vmem>> -> memref<64xi32, #tpu.memory_space<vmem>>
    %dma_wait3A_428 = arith.constant 0 : i32
    %dma_wait3A_429 = arith.constant 0 : i32
    %dma_wait3A_430 = tpu.memref_slice %arg10[%dma_wait3A_428, %dma_wait3A_429] : memref<10240x128xf32, #tpu.memory_space<vmem_shared>> -> memref<10240x128xf32, #tpu.memory_space<vmem_shared>>
    %dma_wait3A_431 = tpu.memref_slice %arg12[%dma_wait3A_420] : memref<4x!tpu.dma_semaphore, #tpu.memory_space<semaphore_mem>> -> memref<1x!tpu.dma_semaphore, #tpu.memory_space<semaphore_mem>>
    %dma_wait3A_432 = tpu.memref_squeeze %dma_wait3A_431 : memref<1x!tpu.dma_semaphore, #tpu.memory_space<semaphore_mem>> -> memref<!tpu.dma_semaphore, #tpu.memory_space<semaphore_mem>>
    tpu.wait_indirect_dma semaphore(%dma_wait3A_432 : memref<!tpu.dma_semaphore, #tpu.memory_space<semaphore_mem>>) src(%dma_wait3A_424 : memref<64x128xf32, #tpu.memory_space<vmem>>) dst(%dma_wait3A_430 : memref<10240x128xf32, #tpu.memory_space<vmem_shared>>)
    %dma_wait3A_433 = arith.constant 3 : i32
    %dma_wait3A_434 = arith.constant 0 : i32
    %dma_wait3A_435 = arith.constant 3 : i32
    %dma_wait3A_436 = arith.constant 0 : i32
    %dma_wait3A_437 = arith.constant 0 : i32
    %dma_wait3A_438 = tpu.memref_slice %arg9[%dma_wait3A_433, %dma_wait3A_436, %dma_wait3A_437] : memref<4x64x128xf32, #tpu.memory_space<vmem>> -> memref<1x64x128xf32, #tpu.memory_space<vmem>>
    %dma_wait3A_439 = tpu.memref_squeeze %dma_wait3A_438 : memref<1x64x128xf32, #tpu.memory_space<vmem>> -> memref<64x128xf32, #tpu.memory_space<vmem>>
    %dma_wait3A_440 = arith.constant 0 : i32
    %dma_wait3A_441 = tpu.memref_slice %arg8[%dma_wait3A_434, %dma_wait3A_440] : memref<40x64xi32, #tpu.memory_space<vmem>> -> memref<1x64xi32, #tpu.memory_space<vmem>>
    %dma_wait3A_442 = tpu.memref_squeeze %dma_wait3A_441 : memref<1x64xi32, #tpu.memory_space<vmem>> -> memref<64xi32, #tpu.memory_space<vmem>>
    %dma_wait3A_443 = arith.constant 0 : i32
    %dma_wait3A_444 = arith.constant 0 : i32
    %dma_wait3A_445 = tpu.memref_slice %arg10[%dma_wait3A_443, %dma_wait3A_444] : memref<10240x128xf32, #tpu.memory_space<vmem_shared>> -> memref<10240x128xf32, #tpu.memory_space<vmem_shared>>
    %dma_wait3A_446 = tpu.memref_slice %arg12[%dma_wait3A_435] : memref<4x!tpu.dma_semaphore, #tpu.memory_space<semaphore_mem>> -> memref<1x!tpu.dma_semaphore, #tpu.memory_space<semaphore_mem>>
    %dma_wait3A_447 = tpu.memref_squeeze %dma_wait3A_446 : memref<1x!tpu.dma_semaphore, #tpu.memory_space<semaphore_mem>> -> memref<!tpu.dma_semaphore, #tpu.memory_space<semaphore_mem>>
    tpu.wait_indirect_dma semaphore(%dma_wait3A_447 : memref<!tpu.dma_semaphore, #tpu.memory_space<semaphore_mem>>) src(%dma_wait3A_439 : memref<64x128xf32, #tpu.memory_space<vmem>>) dst(%dma_wait3A_445 : memref<10240x128xf32, #tpu.memory_space<vmem_shared>>)
    %barrier3A_448 = arith.constant 0 : index
    tpu.barrier barrier_id(%barrier3A_448)
    %mul3A_449 = arith.constant 640 : i32
    %mul3A_450 = arith.muli %arg1, %mul3A_449 : i32
    %mul3A_451 = arith.constant 640 : i32
    %mul3A_452 = arith.muli %arg1, %mul3A_451 : i32
    "tpu.region"() ({
      %run_scoped3A = tpu.sem_alloc : memref<!tpu.dma_semaphore, #tpu.memory_space<semaphore_mem>>
      %dma_start3A_453 = arith.constant 0 : i32
      %dma_start3A_454 = tpu.memref_slice %arg6[%arg0, %mul3A_452, %dma_start3A_453] : memref<2x10240x128xf32, #tpu.memory_space<hbm>> -> memref<1x640x128xf32, #tpu.memory_space<hbm>>
      %dma_start3A_455 = tpu.memref_squeeze %dma_start3A_454 : memref<1x640x128xf32, #tpu.memory_space<hbm>> -> memref<640x128xf32, #tpu.memory_space<hbm>>
      %dma_start3A_456 = arith.constant 0 : i32
      %dma_start3A_457 = tpu.memref_slice %arg10[%mul3A_450, %dma_start3A_456] : memref<10240x128xf32, #tpu.memory_space<vmem_shared>> -> memref<640x128xf32, #tpu.memory_space<vmem_shared>>
      tpu.enqueue_dma source(%dma_start3A_457 : memref<640x128xf32, #tpu.memory_space<vmem_shared>>) target(%dma_start3A_455 : memref<640x128xf32, #tpu.memory_space<hbm>>) target_semaphore(%run_scoped3A : memref<!tpu.dma_semaphore, #tpu.memory_space<semaphore_mem>>)
      %dma_wait3A_458 = arith.constant 0 : i32
      %dma_wait3A_459 = tpu.memref_slice %arg6[%arg0, %mul3A_452, %dma_wait3A_458] : memref<2x10240x128xf32, #tpu.memory_space<hbm>> -> memref<1x640x128xf32, #tpu.memory_space<hbm>>
      %dma_wait3A_460 = tpu.memref_squeeze %dma_wait3A_459 : memref<1x640x128xf32, #tpu.memory_space<hbm>> -> memref<640x128xf32, #tpu.memory_space<hbm>>
      %dma_wait3A_461 = arith.constant 0 : i32
      %dma_wait3A_462 = tpu.memref_slice %arg10[%mul3A_450, %dma_wait3A_461] : memref<10240x128xf32, #tpu.memory_space<vmem_shared>> -> memref<640x128xf32, #tpu.memory_space<vmem_shared>>
      tpu.wait_dma2 semaphore(%run_scoped3A : memref<!tpu.dma_semaphore, #tpu.memory_space<semaphore_mem>>) src(%dma_wait3A_462 : memref<640x128xf32, #tpu.memory_space<vmem_shared>>) dst(%dma_wait3A_460 : memref<640x128xf32, #tpu.memory_space<hbm>>)
      tpu.yield
    }) : () -> ()
    return
  }
}

module attributes {stable_mosaic.version = 14 : i64} {
  func.func @_mlp1_body(%arg0: i32, %arg1: memref<400x128xf32, #tpu.memory_space<vmem>>, %arg2: memref<1x400x128xf32, #tpu.memory_space<vmem>>, %arg3: memref<1x400x128xf32, #tpu.memory_space<vmem>>, %arg4: memref<128x128xf32, #tpu.memory_space<vmem>>, %arg5: memref<1x128xf32, #tpu.memory_space<vmem>>, %arg6: memref<128x128xf32, #tpu.memory_space<vmem>>, %arg7: memref<1x128xf32, #tpu.memory_space<vmem>>, %arg8: memref<128x128xf32, #tpu.memory_space<vmem>>, %arg9: memref<128x128xf32, #tpu.memory_space<vmem>>, %arg10: memref<1x128xf32, #tpu.memory_space<vmem>>, %arg11: memref<400x128xf32, #tpu.memory_space<vmem>>, %arg12: memref<400x128xf32, #tpu.memory_space<vmem>>) attributes {dimension_semantics = [#tpu.dimension_semantics<arbitrary>], iteration_bounds = array<i64: 25>, scalar_prefetch = 0 : i64, scratch_operands = 0 : i64, tpu.core_type = #tpu.core_type<tc>, window_params = [{transform_indices = @transform_0, window_bounds = array<i64: 400, 128>}, {transform_indices = @transform_1, window_bounds = array<i64: 1, 400, 128>}, {transform_indices = @transform_2, window_bounds = array<i64: 1, 400, 128>}, {pipeline_mode = #tpu.pipeline_mode<synchronous>, transform_indices = @transform_3, window_bounds = array<i64: 128, 128>}, {pipeline_mode = #tpu.pipeline_mode<synchronous>, transform_indices = @transform_4, window_bounds = array<i64: 1, 128>}, {pipeline_mode = #tpu.pipeline_mode<synchronous>, transform_indices = @transform_5, window_bounds = array<i64: 128, 128>}, {pipeline_mode = #tpu.pipeline_mode<synchronous>, transform_indices = @transform_6, window_bounds = array<i64: 1, 128>}, {pipeline_mode = #tpu.pipeline_mode<synchronous>, transform_indices = @transform_7, window_bounds = array<i64: 128, 128>}, {pipeline_mode = #tpu.pipeline_mode<synchronous>, transform_indices = @transform_8, window_bounds = array<i64: 128, 128>}, {pipeline_mode = #tpu.pipeline_mode<synchronous>, transform_indices = @transform_9, window_bounds = array<i64: 1, 128>}, {transform_indices = @transform_10, window_bounds = array<i64: 400, 128>}, {transform_indices = @transform_11, window_bounds = array<i64: 400, 128>}]} {
    %get3A = arith.constant 0 : index
    %get3A_0 = arith.constant 0 : index
    %get3A_1 = vector.load %arg1[%get3A, %get3A_0] : memref<400x128xf32, #tpu.memory_space<vmem>>, vector<400x128xf32>
    %get3A_2 = arith.constant 0 : index
    %get3A_3 = arith.constant 0 : index
    %get3A_4 = arith.constant 0 : index
    %get3A_5 = vector.load %arg2[%get3A_2, %get3A_3, %get3A_4] : memref<1x400x128xf32, #tpu.memory_space<vmem>>, vector<1x400x128xf32>
    %get3A_6 = vector.shape_cast %get3A_5 : vector<1x400x128xf32> to vector<400x128xf32>
    %add3A = arith.addf %get3A_1, %get3A_6 : vector<400x128xf32>
    %get3A_7 = arith.constant 0 : index
    %get3A_8 = arith.constant 0 : index
    %get3A_9 = arith.constant 0 : index
    %get3A_10 = vector.load %arg3[%get3A_7, %get3A_8, %get3A_9] : memref<1x400x128xf32, #tpu.memory_space<vmem>>, vector<1x400x128xf32>
    %get3A_11 = vector.shape_cast %get3A_10 : vector<1x400x128xf32> to vector<400x128xf32>
    %add3A_12 = arith.addf %add3A, %get3A_11 : vector<400x128xf32>
    %get3A_13 = arith.constant 0 : index
    %get3A_14 = arith.constant 0 : index
    %get3A_15 = vector.load %arg4[%get3A_13, %get3A_14] : memref<128x128xf32, #tpu.memory_space<vmem>>, vector<128x128xf32>
    %dot_general3A = arith.constant dense<0.000000e+00> : vector<400x128xf32>
    %dot_general3A_16 = tpu.matmul %add3A_12, %get3A_15, %dot_general3A {dimension_numbers = #tpu.dot_dimension_numbers<[1], [0], [0], [1], [0, 0, 1, 1], [], []>, transpose_lhs_hint = false} : vector<400x128xf32>, vector<128x128xf32>, vector<400x128xf32> -> vector<400x128xf32>
    %get3A_17 = arith.constant 0 : index
    %get3A_18 = arith.constant 0 : index
    %get3A_19 = vector.load %arg5[%get3A_17, %get3A_18] : memref<1x128xf32, #tpu.memory_space<vmem>>, vector<1x128xf32>
    %add3A_20 = vector.broadcast %get3A_19 : vector<1x128xf32> to vector<400x128xf32>
    %add3A_21 = arith.addf %dot_general3A_16, %add3A_20 : vector<400x128xf32>
    %max3A = arith.constant 0.000000e+00 : f32
    %max3A_22 = vector.broadcast %max3A : f32 to vector<400x128xf32>
    %max3A_23 = arith.maximumf %add3A_21, %max3A_22 : vector<400x128xf32>
    %get3A_24 = arith.constant 0 : index
    %get3A_25 = arith.constant 0 : index
    %get3A_26 = vector.load %arg6[%get3A_24, %get3A_25] : memref<128x128xf32, #tpu.memory_space<vmem>>, vector<128x128xf32>
    %dot_general3A_27 = arith.constant dense<0.000000e+00> : vector<400x128xf32>
    %dot_general3A_28 = tpu.matmul %max3A_23, %get3A_26, %dot_general3A_27 {dimension_numbers = #tpu.dot_dimension_numbers<[1], [0], [0], [1], [0, 0, 1, 1], [], []>, transpose_lhs_hint = false} : vector<400x128xf32>, vector<128x128xf32>, vector<400x128xf32> -> vector<400x128xf32>
    %get3A_29 = arith.constant 0 : index
    %get3A_30 = arith.constant 0 : index
    %get3A_31 = vector.load %arg7[%get3A_29, %get3A_30] : memref<1x128xf32, #tpu.memory_space<vmem>>, vector<1x128xf32>
    %add3A_32 = vector.broadcast %get3A_31 : vector<1x128xf32> to vector<400x128xf32>
    %add3A_33 = arith.addf %dot_general3A_28, %add3A_32 : vector<400x128xf32>
    %max3A_34 = arith.constant 0.000000e+00 : f32
    %max3A_35 = vector.broadcast %max3A_34 : f32 to vector<400x128xf32>
    %max3A_36 = arith.maximumf %add3A_33, %max3A_35 : vector<400x128xf32>
    %swap3A = arith.constant 0 : index
    %swap3A_37 = arith.constant 0 : index
    %swap3A_38 = vector.load %arg11[%swap3A, %swap3A_37] : memref<400x128xf32, #tpu.memory_space<vmem>>, vector<400x128xf32>
    tpu.vector_store %arg11[%swap3A, %swap3A_37], %max3A_36 {strides = array<i32>} : memref<400x128xf32, #tpu.memory_space<vmem>>, vector<400x128xf32>,
    %get3A_39 = arith.constant 0 : index
    %get3A_40 = arith.constant 0 : index
    %get3A_41 = vector.load %arg1[%get3A_39, %get3A_40] : memref<400x128xf32, #tpu.memory_space<vmem>>, vector<400x128xf32>
    %get3A_42 = arith.constant 0 : index
    %get3A_43 = arith.constant 0 : index
    %get3A_44 = vector.load %arg8[%get3A_42, %get3A_43] : memref<128x128xf32, #tpu.memory_space<vmem>>, vector<128x128xf32>
    %dot_general3A_45 = arith.constant dense<0.000000e+00> : vector<400x128xf32>
    %dot_general3A_46 = tpu.matmul %get3A_41, %get3A_44, %dot_general3A_45 {dimension_numbers = #tpu.dot_dimension_numbers<[1], [0], [0], [1], [0, 0, 1, 1], [], []>, transpose_lhs_hint = false} : vector<400x128xf32>, vector<128x128xf32>, vector<400x128xf32> -> vector<400x128xf32>
    %get3A_47 = arith.constant 0 : index
    %get3A_48 = arith.constant 0 : index
    %get3A_49 = vector.load %arg10[%get3A_47, %get3A_48] : memref<1x128xf32, #tpu.memory_space<vmem>>, vector<1x128xf32>
    %add3A_50 = vector.broadcast %get3A_49 : vector<1x128xf32> to vector<400x128xf32>
    %add3A_51 = arith.addf %dot_general3A_46, %add3A_50 : vector<400x128xf32>
    %get3A_52 = arith.constant 0 : index
    %get3A_53 = arith.constant 0 : index
    %get3A_54 = vector.load %arg9[%get3A_52, %get3A_53] : memref<128x128xf32, #tpu.memory_space<vmem>>, vector<128x128xf32>
    %dot_general3A_55 = arith.constant dense<0.000000e+00> : vector<400x128xf32>
    %dot_general3A_56 = tpu.matmul %max3A_36, %get3A_54, %dot_general3A_55 {dimension_numbers = #tpu.dot_dimension_numbers<[1], [0], [0], [1], [0, 0, 1, 1], [], []>, transpose_lhs_hint = false} : vector<400x128xf32>, vector<128x128xf32>, vector<400x128xf32> -> vector<400x128xf32>
    %add3A_57 = arith.addf %add3A_51, %dot_general3A_56 : vector<400x128xf32>
    %swap3A_58 = arith.constant 0 : index
    %swap3A_59 = arith.constant 0 : index
    %swap3A_60 = vector.load %arg12[%swap3A_58, %swap3A_59] : memref<400x128xf32, #tpu.memory_space<vmem>>, vector<400x128xf32>
    tpu.vector_store %arg12[%swap3A_58, %swap3A_59], %add3A_57 {strides = array<i32>} : memref<400x128xf32, #tpu.memory_space<vmem>>, vector<400x128xf32>,
    return
  }
  func.func @transform_0(%arg0: i32) -> (i32, i32) {
    %c0_i32 = arith.constant 0 : i32
    %c0_i32_0 = arith.constant 0 : i32
    return %arg0, %c0_i32 : i32, i32
  }
  func.func @transform_1(%arg0: i32) -> (i32, i32, i32) {
    %c0_i32 = arith.constant 0 : i32
    %c0_i32_0 = arith.constant 0 : i32
    %c0_i32_1 = arith.constant 0 : i32
    return %c0_i32, %arg0, %c0_i32_0 : i32, i32, i32
  }
  func.func @transform_2(%arg0: i32) -> (i32, i32, i32) {
    %c1_i32 = arith.constant 1 : i32
    %c0_i32 = arith.constant 0 : i32
    %c0_i32_0 = arith.constant 0 : i32
    return %c1_i32, %arg0, %c0_i32 : i32, i32, i32
  }
  func.func @transform_3(%arg0: i32) -> (i32, i32) {
    %c0_i32 = arith.constant 0 : i32
    %c0_i32_0 = arith.constant 0 : i32
    %c0_i32_1 = arith.constant 0 : i32
    return %c0_i32, %c0_i32_0 : i32, i32
  }
  func.func @transform_4(%arg0: i32) -> (i32, i32) {
    %c0_i32 = arith.constant 0 : i32
    %c0_i32_0 = arith.constant 0 : i32
    %c0_i32_1 = arith.constant 0 : i32
    return %c0_i32, %c0_i32_0 : i32, i32
  }
  func.func @transform_5(%arg0: i32) -> (i32, i32) {
    %c0_i32 = arith.constant 0 : i32
    %c0_i32_0 = arith.constant 0 : i32
    %c0_i32_1 = arith.constant 0 : i32
    return %c0_i32, %c0_i32_0 : i32, i32
  }
  func.func @transform_6(%arg0: i32) -> (i32, i32) {
    %c0_i32 = arith.constant 0 : i32
    %c0_i32_0 = arith.constant 0 : i32
    %c0_i32_1 = arith.constant 0 : i32
    return %c0_i32, %c0_i32_0 : i32, i32
  }
  func.func @transform_7(%arg0: i32) -> (i32, i32) {
    %c0_i32 = arith.constant 0 : i32
    %c0_i32_0 = arith.constant 0 : i32
    %c0_i32_1 = arith.constant 0 : i32
    return %c0_i32, %c0_i32_0 : i32, i32
  }
  func.func @transform_8(%arg0: i32) -> (i32, i32) {
    %c0_i32 = arith.constant 0 : i32
    %c0_i32_0 = arith.constant 0 : i32
    %c0_i32_1 = arith.constant 0 : i32
    return %c0_i32, %c0_i32_0 : i32, i32
  }
  func.func @transform_9(%arg0: i32) -> (i32, i32) {
    %c0_i32 = arith.constant 0 : i32
    %c0_i32_0 = arith.constant 0 : i32
    %c0_i32_1 = arith.constant 0 : i32
    return %c0_i32, %c0_i32_0 : i32, i32
  }
  func.func @transform_10(%arg0: i32) -> (i32, i32) {
    %c0_i32 = arith.constant 0 : i32
    %c0_i32_0 = arith.constant 0 : i32
    return %arg0, %c0_i32 : i32, i32
  }
  func.func @transform_11(%arg0: i32) -> (i32, i32) {
    %c0_i32 = arith.constant 0 : i32
    %c0_i32_0 = arith.constant 0 : i32
    return %arg0, %c0_i32 : i32, i32
  }
}

module attributes {stable_mosaic.version = 14 : i64} {
  func.func @_mlp_body(%arg0: i32, %arg1: memref<400x128xf32, #tpu.memory_space<vmem>>, %arg2: memref<1x400x128xf32, #tpu.memory_space<vmem>>, %arg3: memref<1x400x128xf32, #tpu.memory_space<vmem>>, %arg4: memref<128x128xf32, #tpu.memory_space<vmem>>, %arg5: memref<1x128xf32, #tpu.memory_space<vmem>>, %arg6: memref<128x128xf32, #tpu.memory_space<vmem>>, %arg7: memref<1x128xf32, #tpu.memory_space<vmem>>, %arg8: memref<128x128xf32, #tpu.memory_space<vmem>>, %arg9: memref<400x128xf32, #tpu.memory_space<vmem>>, %arg10: memref<400x128xf32, #tpu.memory_space<vmem>>, %arg11: memref<400x128xf32, #tpu.memory_space<vmem>>) attributes {dimension_semantics = [#tpu.dimension_semantics<arbitrary>], iteration_bounds = array<i64: 25>, scalar_prefetch = 0 : i64, scratch_operands = 0 : i64, tpu.core_type = #tpu.core_type<tc>, window_params = [{transform_indices = @transform_0, window_bounds = array<i64: 400, 128>}, {transform_indices = @transform_1, window_bounds = array<i64: 1, 400, 128>}, {transform_indices = @transform_2, window_bounds = array<i64: 1, 400, 128>}, {pipeline_mode = #tpu.pipeline_mode<synchronous>, transform_indices = @transform_3, window_bounds = array<i64: 128, 128>}, {pipeline_mode = #tpu.pipeline_mode<synchronous>, transform_indices = @transform_4, window_bounds = array<i64: 1, 128>}, {pipeline_mode = #tpu.pipeline_mode<synchronous>, transform_indices = @transform_5, window_bounds = array<i64: 128, 128>}, {pipeline_mode = #tpu.pipeline_mode<synchronous>, transform_indices = @transform_6, window_bounds = array<i64: 1, 128>}, {pipeline_mode = #tpu.pipeline_mode<synchronous>, transform_indices = @transform_7, window_bounds = array<i64: 128, 128>}, {transform_indices = @transform_8, window_bounds = array<i64: 400, 128>}, {transform_indices = @transform_9, window_bounds = array<i64: 400, 128>}, {transform_indices = @transform_10, window_bounds = array<i64: 400, 128>}]} {
    %get3A = arith.constant 0 : index
    %get3A_0 = arith.constant 0 : index
    %get3A_1 = vector.load %arg1[%get3A, %get3A_0] : memref<400x128xf32, #tpu.memory_space<vmem>>, vector<400x128xf32>
    %get3A_2 = arith.constant 0 : index
    %get3A_3 = arith.constant 0 : index
    %get3A_4 = arith.constant 0 : index
    %get3A_5 = vector.load %arg2[%get3A_2, %get3A_3, %get3A_4] : memref<1x400x128xf32, #tpu.memory_space<vmem>>, vector<1x400x128xf32>
    %get3A_6 = vector.shape_cast %get3A_5 : vector<1x400x128xf32> to vector<400x128xf32>
    %add3A = arith.addf %get3A_1, %get3A_6 : vector<400x128xf32>
    %get3A_7 = arith.constant 0 : index
    %get3A_8 = arith.constant 0 : index
    %get3A_9 = arith.constant 0 : index
    %get3A_10 = vector.load %arg3[%get3A_7, %get3A_8, %get3A_9] : memref<1x400x128xf32, #tpu.memory_space<vmem>>, vector<1x400x128xf32>
    %get3A_11 = vector.shape_cast %get3A_10 : vector<1x400x128xf32> to vector<400x128xf32>
    %add3A_12 = arith.addf %add3A, %get3A_11 : vector<400x128xf32>
    %get3A_13 = arith.constant 0 : index
    %get3A_14 = arith.constant 0 : index
    %get3A_15 = vector.load %arg4[%get3A_13, %get3A_14] : memref<128x128xf32, #tpu.memory_space<vmem>>, vector<128x128xf32>
    %dot_general3A = arith.constant dense<0.000000e+00> : vector<400x128xf32>
    %dot_general3A_16 = tpu.matmul %add3A_12, %get3A_15, %dot_general3A {dimension_numbers = #tpu.dot_dimension_numbers<[1], [0], [0], [1], [0, 0, 1, 1], [], []>, transpose_lhs_hint = false} : vector<400x128xf32>, vector<128x128xf32>, vector<400x128xf32> -> vector<400x128xf32>
    %get3A_17 = arith.constant 0 : index
    %get3A_18 = arith.constant 0 : index
    %get3A_19 = vector.load %arg5[%get3A_17, %get3A_18] : memref<1x128xf32, #tpu.memory_space<vmem>>, vector<1x128xf32>
    %add3A_20 = vector.broadcast %get3A_19 : vector<1x128xf32> to vector<400x128xf32>
    %add3A_21 = arith.addf %dot_general3A_16, %add3A_20 : vector<400x128xf32>
    %max3A = arith.constant 0.000000e+00 : f32
    %max3A_22 = vector.broadcast %max3A : f32 to vector<400x128xf32>
    %max3A_23 = arith.maximumf %add3A_21, %max3A_22 : vector<400x128xf32>
    %get3A_24 = arith.constant 0 : index
    %get3A_25 = arith.constant 0 : index
    %get3A_26 = vector.load %arg6[%get3A_24, %get3A_25] : memref<128x128xf32, #tpu.memory_space<vmem>>, vector<128x128xf32>
    %dot_general3A_27 = arith.constant dense<0.000000e+00> : vector<400x128xf32>
    %dot_general3A_28 = tpu.matmul %max3A_23, %get3A_26, %dot_general3A_27 {dimension_numbers = #tpu.dot_dimension_numbers<[1], [0], [0], [1], [0, 0, 1, 1], [], []>, transpose_lhs_hint = false} : vector<400x128xf32>, vector<128x128xf32>, vector<400x128xf32> -> vector<400x128xf32>
    %get3A_29 = arith.constant 0 : index
    %get3A_30 = arith.constant 0 : index
    %get3A_31 = vector.load %arg7[%get3A_29, %get3A_30] : memref<1x128xf32, #tpu.memory_space<vmem>>, vector<1x128xf32>
    %add3A_32 = vector.broadcast %get3A_31 : vector<1x128xf32> to vector<400x128xf32>
    %add3A_33 = arith.addf %dot_general3A_28, %add3A_32 : vector<400x128xf32>
    %max3A_34 = arith.constant 0.000000e+00 : f32
    %max3A_35 = vector.broadcast %max3A_34 : f32 to vector<400x128xf32>
    %max3A_36 = arith.maximumf %add3A_33, %max3A_35 : vector<400x128xf32>
    %swap3A = arith.constant 0 : index
    %swap3A_37 = arith.constant 0 : index
    %swap3A_38 = vector.load %arg10[%swap3A, %swap3A_37] : memref<400x128xf32, #tpu.memory_space<vmem>>, vector<400x128xf32>
    tpu.vector_store %arg10[%swap3A, %swap3A_37], %max3A_36 {strides = array<i32>} : memref<400x128xf32, #tpu.memory_space<vmem>>, vector<400x128xf32>,
    %get3A_39 = arith.constant 0 : index
    %get3A_40 = arith.constant 0 : index
    %get3A_41 = vector.load %arg9[%get3A_39, %get3A_40] : memref<400x128xf32, #tpu.memory_space<vmem>>, vector<400x128xf32>
    %get3A_42 = arith.constant 0 : index
    %get3A_43 = arith.constant 0 : index
    %get3A_44 = vector.load %arg8[%get3A_42, %get3A_43] : memref<128x128xf32, #tpu.memory_space<vmem>>, vector<128x128xf32>
    %dot_general3A_45 = arith.constant dense<0.000000e+00> : vector<400x128xf32>
    %dot_general3A_46 = tpu.matmul %max3A_36, %get3A_44, %dot_general3A_45 {dimension_numbers = #tpu.dot_dimension_numbers<[1], [0], [0], [1], [0, 0, 1, 1], [], []>, transpose_lhs_hint = false} : vector<400x128xf32>, vector<128x128xf32>, vector<400x128xf32> -> vector<400x128xf32>
    %add3A_47 = arith.addf %get3A_41, %dot_general3A_46 : vector<400x128xf32>
    %swap3A_48 = arith.constant 0 : index
    %swap3A_49 = arith.constant 0 : index
    %swap3A_50 = vector.load %arg11[%swap3A_48, %swap3A_49] : memref<400x128xf32, #tpu.memory_space<vmem>>, vector<400x128xf32>
    tpu.vector_store %arg11[%swap3A_48, %swap3A_49], %add3A_47 {strides = array<i32>} : memref<400x128xf32, #tpu.memory_space<vmem>>, vector<400x128xf32>,
    return
  }
  func.func @transform_0(%arg0: i32) -> (i32, i32) {
    %c0_i32 = arith.constant 0 : i32
    %c0_i32_0 = arith.constant 0 : i32
    return %arg0, %c0_i32 : i32, i32
  }
  func.func @transform_1(%arg0: i32) -> (i32, i32, i32) {
    %c0_i32 = arith.constant 0 : i32
    %c0_i32_0 = arith.constant 0 : i32
    %c0_i32_1 = arith.constant 0 : i32
    return %c0_i32, %arg0, %c0_i32_0 : i32, i32, i32
  }
  func.func @transform_2(%arg0: i32) -> (i32, i32, i32) {
    %c1_i32 = arith.constant 1 : i32
    %c0_i32 = arith.constant 0 : i32
    %c0_i32_0 = arith.constant 0 : i32
    return %c1_i32, %arg0, %c0_i32 : i32, i32, i32
  }
  func.func @transform_3(%arg0: i32) -> (i32, i32) {
    %c0_i32 = arith.constant 0 : i32
    %c0_i32_0 = arith.constant 0 : i32
    %c0_i32_1 = arith.constant 0 : i32
    return %c0_i32, %c0_i32_0 : i32, i32
  }
  func.func @transform_4(%arg0: i32) -> (i32, i32) {
    %c0_i32 = arith.constant 0 : i32
    %c0_i32_0 = arith.constant 0 : i32
    %c0_i32_1 = arith.constant 0 : i32
    return %c0_i32, %c0_i32_0 : i32, i32
  }
  func.func @transform_5(%arg0: i32) -> (i32, i32) {
    %c0_i32 = arith.constant 0 : i32
    %c0_i32_0 = arith.constant 0 : i32
    %c0_i32_1 = arith.constant 0 : i32
    return %c0_i32, %c0_i32_0 : i32, i32
  }
  func.func @transform_6(%arg0: i32) -> (i32, i32) {
    %c0_i32 = arith.constant 0 : i32
    %c0_i32_0 = arith.constant 0 : i32
    %c0_i32_1 = arith.constant 0 : i32
    return %c0_i32, %c0_i32_0 : i32, i32
  }
  func.func @transform_7(%arg0: i32) -> (i32, i32) {
    %c0_i32 = arith.constant 0 : i32
    %c0_i32_0 = arith.constant 0 : i32
    %c0_i32_1 = arith.constant 0 : i32
    return %c0_i32, %c0_i32_0 : i32, i32
  }
  func.func @transform_8(%arg0: i32) -> (i32, i32) {
    %c0_i32 = arith.constant 0 : i32
    %c0_i32_0 = arith.constant 0 : i32
    return %arg0, %c0_i32 : i32, i32
  }
  func.func @transform_9(%arg0: i32) -> (i32, i32) {
    %c0_i32 = arith.constant 0 : i32
    %c0_i32_0 = arith.constant 0 : i32
    return %arg0, %c0_i32 : i32, i32
  }
  func.func @transform_10(%arg0: i32) -> (i32, i32) {
    %c0_i32 = arith.constant 0 : i32
    %c0_i32_0 = arith.constant 0 : i32
    return %arg0, %c0_i32 : i32, i32
  }
}

module attributes {stable_mosaic.version = 14 : i64} {
  func.func @_mlp_body(%arg0: i32, %arg1: memref<400x128xf32, #tpu.memory_space<vmem>>, %arg2: memref<1x400x128xf32, #tpu.memory_space<vmem>>, %arg3: memref<1x400x128xf32, #tpu.memory_space<vmem>>, %arg4: memref<128x128xf32, #tpu.memory_space<vmem>>, %arg5: memref<1x128xf32, #tpu.memory_space<vmem>>, %arg6: memref<128x128xf32, #tpu.memory_space<vmem>>, %arg7: memref<1x128xf32, #tpu.memory_space<vmem>>, %arg8: memref<128x128xf32, #tpu.memory_space<vmem>>, %arg9: memref<400x128xf32, #tpu.memory_space<vmem>>, %arg10: memref<400x128xf32, #tpu.memory_space<vmem>>, %arg11: memref<400x128xf32, #tpu.memory_space<vmem>>) attributes {dimension_semantics = [#tpu.dimension_semantics<arbitrary>], iteration_bounds = array<i64: 25>, scalar_prefetch = 0 : i64, scratch_operands = 0 : i64, tpu.core_type = #tpu.core_type<tc>, window_params = [{transform_indices = @transform_0, window_bounds = array<i64: 400, 128>}, {transform_indices = @transform_1, window_bounds = array<i64: 1, 400, 128>}, {transform_indices = @transform_2, window_bounds = array<i64: 1, 400, 128>}, {pipeline_mode = #tpu.pipeline_mode<synchronous>, transform_indices = @transform_3, window_bounds = array<i64: 128, 128>}, {pipeline_mode = #tpu.pipeline_mode<synchronous>, transform_indices = @transform_4, window_bounds = array<i64: 1, 128>}, {pipeline_mode = #tpu.pipeline_mode<synchronous>, transform_indices = @transform_5, window_bounds = array<i64: 128, 128>}, {pipeline_mode = #tpu.pipeline_mode<synchronous>, transform_indices = @transform_6, window_bounds = array<i64: 1, 128>}, {pipeline_mode = #tpu.pipeline_mode<synchronous>, transform_indices = @transform_7, window_bounds = array<i64: 128, 128>}, {transform_indices = @transform_8, window_bounds = array<i64: 400, 128>}, {transform_indices = @transform_9, window_bounds = array<i64: 400, 128>}, {transform_indices = @transform_10, window_bounds = array<i64: 400, 128>}]} {
    %get3A = arith.constant 0 : index
    %get3A_0 = arith.constant 0 : index
    %get3A_1 = vector.load %arg1[%get3A, %get3A_0] : memref<400x128xf32, #tpu.memory_space<vmem>>, vector<400x128xf32>
    %get3A_2 = arith.constant 0 : index
    %get3A_3 = arith.constant 0 : index
    %get3A_4 = arith.constant 0 : index
    %get3A_5 = vector.load %arg2[%get3A_2, %get3A_3, %get3A_4] : memref<1x400x128xf32, #tpu.memory_space<vmem>>, vector<1x400x128xf32>
    %get3A_6 = vector.shape_cast %get3A_5 : vector<1x400x128xf32> to vector<400x128xf32>
    %add3A = arith.addf %get3A_1, %get3A_6 : vector<400x128xf32>
    %get3A_7 = arith.constant 0 : index
    %get3A_8 = arith.constant 0 : index
    %get3A_9 = arith.constant 0 : index
    %get3A_10 = vector.load %arg3[%get3A_7, %get3A_8, %get3A_9] : memref<1x400x128xf32, #tpu.memory_space<vmem>>, vector<1x400x128xf32>
    %get3A_11 = vector.shape_cast %get3A_10 : vector<1x400x128xf32> to vector<400x128xf32>
    %add3A_12 = arith.addf %add3A, %get3A_11 : vector<400x128xf32>
    %get3A_13 = arith.constant 0 : index
    %get3A_14 = arith.constant 0 : index
    %get3A_15 = vector.load %arg4[%get3A_13, %get3A_14] : memref<128x128xf32, #tpu.memory_space<vmem>>, vector<128x128xf32>
    %dot_general3A = arith.constant dense<0.000000e+00> : vector<400x128xf32>
    %dot_general3A_16 = tpu.matmul %add3A_12, %get3A_15, %dot_general3A {dimension_numbers = #tpu.dot_dimension_numbers<[1], [0], [0], [1], [0, 0, 1, 1], [], []>, transpose_lhs_hint = false} : vector<400x128xf32>, vector<128x128xf32>, vector<400x128xf32> -> vector<400x128xf32>
    %get3A_17 = arith.constant 0 : index
    %get3A_18 = arith.constant 0 : index
    %get3A_19 = vector.load %arg5[%get3A_17, %get3A_18] : memref<1x128xf32, #tpu.memory_space<vmem>>, vector<1x128xf32>
    %add3A_20 = vector.broadcast %get3A_19 : vector<1x128xf32> to vector<400x128xf32>
    %add3A_21 = arith.addf %dot_general3A_16, %add3A_20 : vector<400x128xf32>
    %max3A = arith.constant 0.000000e+00 : f32
    %max3A_22 = vector.broadcast %max3A : f32 to vector<400x128xf32>
    %max3A_23 = arith.maximumf %add3A_21, %max3A_22 : vector<400x128xf32>
    %get3A_24 = arith.constant 0 : index
    %get3A_25 = arith.constant 0 : index
    %get3A_26 = vector.load %arg6[%get3A_24, %get3A_25] : memref<128x128xf32, #tpu.memory_space<vmem>>, vector<128x128xf32>
    %dot_general3A_27 = arith.constant dense<0.000000e+00> : vector<400x128xf32>
    %dot_general3A_28 = tpu.matmul %max3A_23, %get3A_26, %dot_general3A_27 {dimension_numbers = #tpu.dot_dimension_numbers<[1], [0], [0], [1], [0, 0, 1, 1], [], []>, transpose_lhs_hint = false} : vector<400x128xf32>, vector<128x128xf32>, vector<400x128xf32> -> vector<400x128xf32>
    %get3A_29 = arith.constant 0 : index
    %get3A_30 = arith.constant 0 : index
    %get3A_31 = vector.load %arg7[%get3A_29, %get3A_30] : memref<1x128xf32, #tpu.memory_space<vmem>>, vector<1x128xf32>
    %add3A_32 = vector.broadcast %get3A_31 : vector<1x128xf32> to vector<400x128xf32>
    %add3A_33 = arith.addf %dot_general3A_28, %add3A_32 : vector<400x128xf32>
    %max3A_34 = arith.constant 0.000000e+00 : f32
    %max3A_35 = vector.broadcast %max3A_34 : f32 to vector<400x128xf32>
    %max3A_36 = arith.maximumf %add3A_33, %max3A_35 : vector<400x128xf32>
    %swap3A = arith.constant 0 : index
    %swap3A_37 = arith.constant 0 : index
    %swap3A_38 = vector.load %arg10[%swap3A, %swap3A_37] : memref<400x128xf32, #tpu.memory_space<vmem>>, vector<400x128xf32>
    tpu.vector_store %arg10[%swap3A, %swap3A_37], %max3A_36 {strides = array<i32>} : memref<400x128xf32, #tpu.memory_space<vmem>>, vector<400x128xf32>,
    %get3A_39 = arith.constant 0 : index
    %get3A_40 = arith.constant 0 : index
    %get3A_41 = vector.load %arg9[%get3A_39, %get3A_40] : memref<400x128xf32, #tpu.memory_space<vmem>>, vector<400x128xf32>
    %get3A_42 = arith.constant 0 : index
    %get3A_43 = arith.constant 0 : index
    %get3A_44 = vector.load %arg8[%get3A_42, %get3A_43] : memref<128x128xf32, #tpu.memory_space<vmem>>, vector<128x128xf32>
    %dot_general3A_45 = arith.constant dense<0.000000e+00> : vector<400x128xf32>
    %dot_general3A_46 = tpu.matmul %max3A_36, %get3A_44, %dot_general3A_45 {dimension_numbers = #tpu.dot_dimension_numbers<[1], [0], [0], [1], [0, 0, 1, 1], [], []>, transpose_lhs_hint = false} : vector<400x128xf32>, vector<128x128xf32>, vector<400x128xf32> -> vector<400x128xf32>
    %add3A_47 = arith.addf %get3A_41, %dot_general3A_46 : vector<400x128xf32>
    %swap3A_48 = arith.constant 0 : index
    %swap3A_49 = arith.constant 0 : index
    %swap3A_50 = vector.load %arg11[%swap3A_48, %swap3A_49] : memref<400x128xf32, #tpu.memory_space<vmem>>, vector<400x128xf32>
    tpu.vector_store %arg11[%swap3A_48, %swap3A_49], %add3A_47 {strides = array<i32>} : memref<400x128xf32, #tpu.memory_space<vmem>>, vector<400x128xf32>,
    return
  }
  func.func @transform_0(%arg0: i32) -> (i32, i32) {
    %c0_i32 = arith.constant 0 : i32
    %c0_i32_0 = arith.constant 0 : i32
    return %arg0, %c0_i32 : i32, i32
  }
  func.func @transform_1(%arg0: i32) -> (i32, i32, i32) {
    %c0_i32 = arith.constant 0 : i32
    %c0_i32_0 = arith.constant 0 : i32
    %c0_i32_1 = arith.constant 0 : i32
    return %c0_i32, %arg0, %c0_i32_0 : i32, i32, i32
  }
  func.func @transform_2(%arg0: i32) -> (i32, i32, i32) {
    %c1_i32 = arith.constant 1 : i32
    %c0_i32 = arith.constant 0 : i32
    %c0_i32_0 = arith.constant 0 : i32
    return %c1_i32, %arg0, %c0_i32 : i32, i32, i32
  }
  func.func @transform_3(%arg0: i32) -> (i32, i32) {
    %c0_i32 = arith.constant 0 : i32
    %c0_i32_0 = arith.constant 0 : i32
    %c0_i32_1 = arith.constant 0 : i32
    return %c0_i32, %c0_i32_0 : i32, i32
  }
  func.func @transform_4(%arg0: i32) -> (i32, i32) {
    %c0_i32 = arith.constant 0 : i32
    %c0_i32_0 = arith.constant 0 : i32
    %c0_i32_1 = arith.constant 0 : i32
    return %c0_i32, %c0_i32_0 : i32, i32
  }
  func.func @transform_5(%arg0: i32) -> (i32, i32) {
    %c0_i32 = arith.constant 0 : i32
    %c0_i32_0 = arith.constant 0 : i32
    %c0_i32_1 = arith.constant 0 : i32
    return %c0_i32, %c0_i32_0 : i32, i32
  }
  func.func @transform_6(%arg0: i32) -> (i32, i32) {
    %c0_i32 = arith.constant 0 : i32
    %c0_i32_0 = arith.constant 0 : i32
    %c0_i32_1 = arith.constant 0 : i32
    return %c0_i32, %c0_i32_0 : i32, i32
  }
  func.func @transform_7(%arg0: i32) -> (i32, i32) {
    %c0_i32 = arith.constant 0 : i32
    %c0_i32_0 = arith.constant 0 : i32
    %c0_i32_1 = arith.constant 0 : i32
    return %c0_i32, %c0_i32_0 : i32, i32
  }
  func.func @transform_8(%arg0: i32) -> (i32, i32) {
    %c0_i32 = arith.constant 0 : i32
    %c0_i32_0 = arith.constant 0 : i32
    return %arg0, %c0_i32 : i32, i32
  }
  func.func @transform_9(%arg0: i32) -> (i32, i32) {
    %c0_i32 = arith.constant 0 : i32
    %c0_i32_0 = arith.constant 0 : i32
    return %arg0, %c0_i32 : i32, i32
  }
  func.func @transform_10(%arg0: i32) -> (i32, i32) {
    %c0_i32 = arith.constant 0 : i32
    %c0_i32_0 = arith.constant 0 : i32
    return %arg0, %c0_i32 : i32, i32
  }
}

</mosaic_0001>

<sc_bundles>
// kernel: kernel.11.cloned.1.call-start
scs
__scs_entry_jumppad:
0x0: {  	(pc) =	sbr.rel $0x88, $3  }
0x1: {  	(tag) =	ssettag $0x0;
	lr =	simm.s32 $0x1  }
0x2: {  	[smem:$0x3F99] =	sst lr;
	_ =	strace $0xD0000000  }
0x3: {  	_ = 	snop  }
0x4: {  	_ = 	snop  }
0x5: {  	_ = 	snop  }
0x6: {  	_ = 	snop  }
0x7: {  	_ = 	snop  }
__scs_overlays_trampoline_lowered:
0x8: {  	[smem:$0x3FA8] =	sst s0  }
0x9: {  	[smem:$0x3FA9] =	sst s1  }
0xa: {  	[smem:$0x3FAA] =	sst s2  }
0xb: {  	[smem:$0x3FAB] =	sst s3  }
0xc: {  	[smem:$0x3FAC] =	sst s4  }
0xd: {  	[smem:$0x3FAD] =	sst s5  }
0xe: {  	[smem:$0x3FAE] =	sst s6  }
0xf: {  	[smem:$0x3FAF] =	sst s7  }
0x10: {  	[smem:$0x3FB0] =	sst s8  }
0x11: {  	[smem:$0x3FB1] =	sst s9;
	s0 =	simm.s32 @!p0 $0x0  }
0x12: {  	s1 =	sld [smem:$0x3F97];
	s0 =	simm.s32 @p0 $0x1  }
0x13: {  	[smem:$0x3FB2] =	sst s0;
	s0 =	simm.s32 @!p1 $0x0  }
0x14: {  	s2 =	sld [smem:$0x3F96];
	s0 =	simm.s32 @p1 $0x1  }
0x15: {  	[smem:$0x3FB3] =	sst s0;
	s0 =	simm.s32 @!p2 $0x0  }
0x16: {  	s3 =	sld [smem:$0x3FDB];
	s0 =	simm.s32 @p2 $0x1  }
0x17: {  	s4 =	simm.s32 $0x1BF5;
	[smem:$0x3FB5] =	sst s0  }
0x18: {  	s0 =	sld [smem:$0x3F98];
	_ =	swait.ge [sflag:s4], $0x0  }
0x19: {  	s7 =	sld [smem:$0x3F99]  }
0x1a: {  	s8 =	sadd.s32 $0xFFFFE003, lr  }
0x1b: {  	s9 =	sadd.s32 $0xFFFFFEF7, lr;
	s5 =	simm.s32 $0xFFFFFFFF;
	p2 =	slt.u32 s8, $0xFFFFF086  }
0x1c: {  	p1 =	slt.u32 s9, $0xF7A;
	s5 =	simm.s32 @!p2 $0x0  }
0x1d: {  	s5 =	simm.s32 @p1 $0x1;
	p0 =	seq.s32 s7, s2  }
0x1e: {  	s7 =	smul.u32 @!p0 $0xF7A, s2;
	p2 =	seq.s32 @!p0 s5, $0x0  }
0x1f: {  	s9 =	smul.u32 $0xF7A, s1;
	s8 =	simm.s32 @!p0 $0x1BF5;
	p2 =	por !p2, p0  }
0x20: {  	[sflag:s8] =	ssyncset.s32 @!p0 $0xFFFFF086;
	s6 =	sadd.s32 @!p0 s3, s7;
	s7 =	simm.s32 @!p0 $0x108  }
0x21: {  	s3 =	sadd.s32 s3, s9;
	s6 =	sadd.s32 @!p0 $0x88, s6;
	s7 =	simm.s32 @p2 $0x1082  }
0x22: {  	[simem:s7], [sflag:s8] =	dma.local @!p0 [hbm:s6], $0xF7A  }
0x23: {  	s9 =	sor.u32 $0xD0000000, s2;
	s6 =	simm.s32 $0x108;
	_ =	swait.ge @!p0 [sflag:s8], $0x0  }
0x24: {  	s3 =	sadd.s32 $0x88, s3;
	s6 =	simm.s32 @!p1 $0x1082;
	[sflag:s4] =	ssyncset.s32 $0xFFFFF086  }
0x25: {  	[simem:s6], [sflag:s4] =	dma.local [hbm:s3], $0xF7A  }
0x26: {  	[smem:$0x3F99] =	sst s1;
	(tag) =	ssettag s2;
	_ =	strace s9  }
0x27: {  	s1 =	sld [smem:$0x3FA9]  }
0x28: {  	s2 =	sld [smem:$0x3FAA]  }
0x29: {  	s4 =	sld [smem:$0x3FAC]  }
0x2a: {  	p0 =	seq.s32 s5, $0x0;
	s5 =	sld [smem:$0x3FAD]  }
0x2b: {  	s6 =	sld [smem:$0x3FAE]  }
0x2c: {  	s7 =	sld [smem:$0x3FAF]  }
0x2d: {  	s3 =	simm.s32 $0x108;
	s8 =	sld [smem:$0x3FB0]  }
0x2e: {  	s3 =	simm.s32 @!p0 $0x1082;
	s9 =	sld [smem:$0x3FB1]  }
0x2f: {  	lr =	sadd.s32 s0, s3;
	s0 =	sld [smem:$0x3FA8]  }
0x30: {  	s3 =	sld [smem:$0x3FAB]  }
0x31: {  	[smem:$0x3FB4] =	sst s10  }
0x32: {  	s10 =	sld [smem:$0x3FB2];
	_ =	sdelay $0x3  }
0x33: {  	p0 =	seq.s32 s10, $0x1;
	s10 =	sld [smem:$0x3FB4];
	_ =	sdelay $0x3  }
0x34: {  	[smem:$0x3FB4] =	sst s10  }
0x35: {  	s10 =	sld [smem:$0x3FB3];
	_ =	sdelay $0x3  }
0x36: {  	p1 =	seq.s32 s10, $0x1;
	s10 =	sld [smem:$0x3FB4];
	_ =	sdelay $0x3  }
0x37: {  	[smem:$0x3FB4] =	sst s10  }
0x38: {  	s10 =	sld [smem:$0x3FB5]  }
0x39: {  	_ = 	snop;
	(pc) =	sbr.ind lr, $3  }
0x3a: {  	_ = 	snop  }
0x3b: {  	_ = 	snop  }
0x3c: {  	p2 =	seq.s32 s10, $0x1;
	s10 =	sld [smem:$0x3FB4]  }
0x3d: {  	_ =	shalt  }
0x3e: {  	_ =	shalt  }
0x3f: {  	_ =	shalt  }
0x40: {  	_ =	shalt  }
0x41: {  	_ =	shalt  }
0x42: {  	_ =	shalt  }
0x43: {  	_ =	shalt  }
0x44: {  	_ =	shalt  }
0x45: {  	_ =	shalt  }
0x46: {  	_ =	shalt  }
0x47: {  	_ =	shalt  }
0x48: {  	_ =	shalt  }
0x49: {  	_ =	shalt  }
0x4a: {  	_ =	shalt  }
0x4b: {  	_ =	shalt  }
0x4c: {  	_ =	shalt  }
0x4d: {  	_ =	shalt  }
0x4e: {  	_ =	shalt  }
0x4f: {  	_ =	shalt  }
0x50: {  	_ =	shalt  }
0x51: {  	_ =	shalt  }
0x52: {  	_ =	shalt  }
0x53: {  	_ =	shalt  }
0x54: {  	_ =	shalt  }
0x55: {  	_ =	shalt  }
0x56: {  	_ =	shalt  }
0x57: {  	_ =	shalt  }
0x58: {  	_ =	shalt  }
0x59: {  	_ =	shalt  }
0x5a: {  	_ =	shalt  }
0x5b: {  	_ =	shalt  }
0x5c: {  	_ =	shalt  }
0x5d: {  	_ =	shalt  }
0x5e: {  	_ =	shalt  }
0x5f: {  	_ =	shalt  }
0x60: {  	_ =	shalt  }
0x61: {  	_ =	shalt  }
0x62: {  	_ =	shalt  }
0x63: {  	_ =	shalt  }
0x64: {  	_ =	shalt  }
0x65: {  	_ =	shalt  }
0x66: {  	_ =	shalt  }
0x67: {  	_ =	shalt  }
0x68: {  	_ =	shalt  }
0x69: {  	_ =	shalt  }
0x6a: {  	_ =	shalt  }
0x6b: {  	_ =	shalt  }
0x6c: {  	_ =	shalt  }
0x6d: {  	_ =	shalt  }
0x6e: {  	_ =	shalt  }
0x6f: {  	_ =	shalt  }
0x70: {  	_ =	shalt  }
0x71: {  	_ =	shalt  }
0x72: {  	_ =	shalt  }
0x73: {  	_ =	shalt  }
0x74: {  	_ =	shalt  }
0x75: {  	_ =	shalt  }
0x76: {  	_ =	shalt  }
0x77: {  	_ =	shalt  }
0x78: {  	_ =	shalt  }
0x79: {  	_ =	shalt  }
0x7a: {  	_ =	shalt  }
0x7b: {  	_ =	shalt  }
0x7c: {  	_ =	shalt  }
0x7d: {  	_ =	shalt  }
0x7e: {  	_ =	shalt  }
0x7f: {  	_ =	shalt  }
0x80: {  	_ =	shalt  }
0x81: {  	_ =	shalt  }
0x82: {  	_ =	shalt  }
0x83: {  	_ =	shalt  }
0x84: {  	_ =	shalt  }
0x85: {  	_ =	shalt  }
0x86: {  	_ =	shalt  }
0x87: {  	_ =	shalt  }
.Lfunc_end0:
.L_simem_size_0:
called_computation.1_lowered:
.L_overlay_start_0:
0x88: {  	s2 =	sld [smem:$0x3FD9]  }
0x89: {  	s3 =	sld [smem:$0x3FFE];
	_ =	sdelay $0x1  }
0x8a: {  	s1 =	srdreg.scid  }
0x8b: {  	s0 =	sand.u32 $0x1, s1  }
0x8c: {  	s17 =	sshll.u32 s0, $0xA;
	s2 =	sadd.s32 s3, s2  }
0x8d: {  	s2 =	sadd.s32 s2, s17  }
0x8e: {  	[smem:$0x3FC0] =	sst s2  }
0x8f: {  	_ = 	snop  }
0x90: {  	s2 =	sld [smem:$0x3FD0];
	(tm) =	ssettm $0x1  }
0x91: {  	s18 =	sld [smem:$0x3FFB];
	_ =	sdelay $0x3  }
0x92: {  	_ =	strace s18  }
0x93: {  	s3 =	sld [smem:$0x3FFC];
	_ =	sdelay $0x3  }
0x94: {  	_ =	strace s3  }
0x95: {  	s3 =	sld [smem:$0x3FFD];
	_ =	sdelay $0x3  }
0x96: {  	_ =	strace s3  }
0x97: {  	_ =	strace $0x8FFFFFFF  }
0x98: {  	s19 =	sld [smem:$0x3FDB];
	_ =	sdelay $0x1  }
0x99: {  	s4 =	simm.s32 $_scs_section_size  }
0x9a: {  	s5 =	simm.s32 $_size__tile_overlayer_lowered;
	s6 =	simm.s32 $_tile_overlayer_lowered  }
0x9b: {  	s22 =	simm.s32 $0x1BFF;
	s21 =	sshll.u32 s6, $0x1;
	s3 =	sadd.s32 s4, s19  }
0x9c: {  	s7 =	simm.s32 $0x0;
	s20 =	sshll.u32 s5, $0x1;
	s5 =	sadd.s32 s21, s3  }
0x9d: {  	[timem:s7], [sflag:s22] =	dma.local [hbm:s5], s20  }
0x9e: {  	_ =	swait.ge [sflag:s22], s20  }
0x9f: {  	s4 =	ssub.s32 $0x0, s20;
	[sflag:s22] =	ssyncset.done $0x0  }
0xa0: {  	[sflag:s22] =	ssyncadd.s32 s4;
	_ =	sdelay $0x1  }
0xa1: {  	s23 =	simm.s32 $0x1B8B  }
0xa2: {  	_ =	swait.ge [sflag:s23], $0x1  }
0xa3: {  	[sflag:s23] =	ssyncset.done $0x0  }
0xa4: {  	s25 =	simm.s32 $0x1B8E;
	s24 =	sld [smem:$0x3FFE];
	[sflag:s23] =	ssyncadd.s32 $0xFFFFFFFF  }
0xa5: {  	s26 =	simm.s32 $execute0_lowered;
	[smem:$0x3FD2] =	sst s25  }
0xa6: {  	s5 =	sshll.u32 s26, $0x1;
	_ =	strace $0x80000049;
	[dreg:$0x1] =	wrdreg $0xFFFFFFFF  }
0xa7: {  	s28 =	simm.s32 $_size_execute0_lowered;
	s3 =	sadd.s32 s3, s5;
	[dreg:$0x0] =	wrdreg $0x0  }
0xa8: {  	s5 =	sshll.u32 s28, $0x1;
	[dreg:$0x2] =	wrdreg s3  }
0xa9: {  	[dreg:$0x3] =	wrdreg s5  }
0xaa: {  	[dreg:$0x4] =	wrdreg $0xC0  }
0xab: {  	_ =	task [dreg:s7], $0x5FFFF  }
0xac: {  	[dreg:$0x1] =	wrdreg $0xFFFFFFFF  }
0xad: {  	[dreg:$0x0] =	wrdreg $0x60  }
0xae: {  	[dreg:$0x2] =	wrdreg s2  }
0xaf: {  	[dreg:$0x3] =	wrdreg s24  }
0xb0: {  	[dreg:$0x4] =	wrdreg $0xA8000  }
0xb1: {  	[dreg:$0x5] =	wrdreg $0x9  }
0xb2: {  	_ =	task.clear_ibuf [dreg:s7], $0x6FFFF;
	_ =	strace $0x90000049  }
0xb3: {  	s29 =	simm.s32 $0x9;
	_ =	strace $0x8000004B  }
0xb4: {  	_ =	swait.ge [sflag:s29], $0x1  }
0xb5: {  	[sflag:s29] =	ssyncadd.s32 $0xFFFFFFFF  }
0xb6: {  	_ =	strace $0x9000004B  }
0xb7: {  	_ =	sfence  }
0xb8: {  	s30 =	sld [smem:$0x0];
	_ =	sdelay $0x2  }
0xb9: {  	s31 =	sshll.u32 s1, $0xD;
	s1 =	sshrl.u32 s1, $0x2  }
0xba: {  	s3 =	sand.u32 $0x4000, s31;
	s1 =	sadd.s32 s1, s30  }
0xbb: {  	s0 =	sor.u32 s3, s0;
	s1 =	sshll.u32 s1, $0x11  }
0xbc: {  	s0 =	sor.u32 s1, s0  }
0xbd: {  	s0 =	sadd.s32 $0x8F2B, s0  }
0xbe: {  	[sflag:s0] =	ssyncadd.remote.s32 $0x1  }
0xbf: {  	_ =	sfence.sel $0xFFFF  }
0xc0: {  	[dreg:$0x0] =	wrdreg $0xFFFFFFFF;
	(pc) =	sbr.abs _section_cstart, $3  }
0xc1: {  	[dreg:$0x1] =	wrdreg $0xFFFFFFFF  }
0xc2: {  	_ =	task.clear_ibuf [dreg:s7], $0x2FFFF;
	_ =	strace $0x9FFFFFFF  }
0xc3: {  	(tm) =	ssettm $0x7FFFFFFF  }
tec
execute0_lowered:
.L_overlay_start_1:
0x0: {  	(tag) =	ssettag $0x1  }
0x1: {  	s1 =	rddreg [dreg:$0x0]  }
0x2: {  	s0 =	rddreg [dreg:$0x1]  }
0x3: {  	s2 =	rddreg [dreg:$0x2]  }
0x4: {  	s3 =	srdreg.scid;
	s4 =	simm.s32 $0x0;
	s10 =	stileid.u32  }
0x5: {  	s28 =	simm.s32 $0x180;
	s29 =	simm.s32 $0x8800;
	s30 =	simm.s32 $0x5  }
0x6: {  	s31 =	simm.s32 $0x6;
	s3 =	sand.u32 $0x1, s3;
	[smem:$0x7FF] =	sst s4  }
0x7: {  	s6 =	smul.u32 $0x14000, s10;
	s7 =	sadd.s32 $0x3A00, s0;
	s8 =	sadd.s32 $0x17A00, s0  }
0x8: {  	s16 =	sadd.s32 $0x2BA00, s0;
	s17 =	sshll.u32 s10, $0x1;
	s18 =	smul.u32 $0x50000, s10  }
0x9: {  	s20 =	sshll.u32 s10, $0x6;
	s5 =	smul.u32 $0x140000, s3;
	_ =	strace $0x8000004A  }
0xa: {  	[dreg:$0x4] =	wrdreg s16;
	s9 =	ssub.s32 $0x2, s3;
	s3 =	sor.u32 s3, s17  }
0xb: {  	s19 =	sshrl.u32 s9, $0x1;
	s3 =	smul.u32 $0x5000, s3;
	s5 =	sadd.s32 s6, s5  }
0xc: {  	s6 =	sshrl.u32 s18, $0x2;
	s18 =	simm.s32 $0x9;
	s5 =	sshrl.u32 s5, $0x3  }
0xd: {  	s21 =	sadd.s32 s6, s2;
	s6 =	sor.u32 $0x1C09, s20;
	s3 =	sshrl.u32 s3, $0x3  }
0xe: {  	s20 =	simm.s32 $0x40;
	s0 =	sadd.s32 s5, s0;
	s5 =	ssub.s32 s9, s19  }
0xf: {  	s22 =	sadd.s32 s7, s3;
	s23 =	sadd.s32 s8, s3;
	s24 =	sadd.s32 $0x280, s3  }
0x10: {  	s25 =	sadd.s32 $0x500, s3;
	s3 =	sadd.s32 $0x780, s3;
	s17 =	sshrl.u32 s21, $0x3  }
0x11: {  	s19 =	simm.s32 $0x1400;
	s21 =	simm.s32 $0x2800;
	[dreg:$0x5] =	wrdreg s22  }
0x12: {  	[dreg:$0x6] =	wrdreg s23;
	s11 =	sadd.s32 s7, s24;
	s9 =	sadd.s32 s8, s24  }
0x13: {  	s26 =	sadd.s32 s7, s25;
	s7 =	sadd.s32 s7, s3;
	[dreg:$0x7] =	wrdreg s11  }
0x14: {  	s3 =	sadd.s32 s8, s3;
	s0 =	sadd.s32 $0x2E200, s0;
	[dreg:$0x8] =	wrdreg s9  }
0x15: {  	s16 =	smax.u32 s5, $0x1;
	s22 =	simm.s32 $0x80;
	[dreg:$0x9] =	wrdreg s26  }
0x16: {  	s23 =	simm.s32 $0x4800;
	s24 =	simm.s32 $0x100;
	[dreg:$0xb] =	wrdreg s7  }
0x17: {  	s5 =	simm.s32 $0x0;
	s9 =	sadd.s32 s8, s25;
	[dreg:$0xc] =	wrdreg s3  }
0x18: {  	[dreg:$0xd] =	wrdreg s0;
	s25 =	simm.s32 $0x6800;
	s26 =	simm.s32 $0x1  }
0x19: {  	s0 =	simm.s32 $0x7;
	s3 =	simm.s32 $0x8;
	[dreg:$0xa] =	wrdreg s9  }
.LBB2_1:
0x1a: {  	s7 =	rddreg [dreg:$0x4]  }
0x1b: {  	[spmem:s17], [sflag:s6] =	dma.local [hbm:s7], $0x2800  }
0x1c: {  	_ =	swait.ge [sflag:s18], $0x2800  }
0x1d: {  	[sflag:s18] =	ssyncset.done $0x0  }
0x1e: {  	s13 =	rddreg [dreg:$0x5];
	[sflag:s18] =	ssyncadd.s32 $0xFFFFD800  }
0x1f: {  	[tilespmem:s4], [sflag:$0x9] =	stream.linear.gather [hbm4b:s13+s4], $0x1400, $0x38;
	[tilespmem:$0x1E800] =	vst v63  }
0x20: {  	_ =	swait.ge [sflag:s18], $0x1400  }
0x21: {  	[sflag:s18] =	ssyncset.done $0x0  }
0x22: {  	s14 =	rddreg [dreg:$0x6];
	[sflag:s18] =	ssyncadd.s32 $0xFFFFEC00  }
0x23: {  	[tilespmem:s19], [sflag:$0x9] =	stream.linear.gather [hbm4b:s14+s4], $0x1400, $0x38;
	[tilespmem:$0x1E800] =	vst v63  }
0x24: {  	_ =	swait.ge [sflag:s18], $0x1400  }
0x25: {  	[sflag:s18] =	ssyncset.done $0x0  }
0x26: {  	[sflag:s18] =	ssyncadd.s32 $0xFFFFEC00  }
0x27: {  	[bflag:$0x0] =	sbarrier.arrive $0xFFFF  }
0x28: {  	[tilespmem:s21], [sflag:$0x1] =	stream.indirect.gather [hbm4b:s1+s20], $0x80, s4, s20, $0xb8;
	[tilespmem:$0x1E800] =	vst v63  }
0x29: {  	_ = 	snop  }
0x2a: {  	[tilespmem:s23], [sflag:$0x2] =	stream.indirect.gather [hbm4b:s1+s20], $0x80, s22, s20, $0xb8;
	[tilespmem:$0x1E800] =	vst v63  }
0x2b: {  	_ = 	snop  }
0x2c: {  	[tilespmem:s25], [sflag:$0x3] =	stream.indirect.gather [hbm4b:s1+s20], $0x80, s24, s20, $0xb8;
	[tilespmem:$0x1E800] =	vst v63  }
0x2d: {  	_ =	swait.ge [sflag:s26], $0x2000  }
0x2e: {  	s15 =	simm.s32 $0x1;
	[sflag:s26] =	ssyncset.done $0x0  }
0x2f: {  	s9 =	simm.s32 $0x4;
	s10 =	sand.u32 $0x3, s15;
	[sflag:s26] =	ssyncadd.s32 $0xFFFFE000  }
0x30: {  	[spmem:s2] =	stream.indirect.scatter.add.f32 [tilespmem:s21], [sflag:$0x5], $0x80, s19, s20, $0xb8;
	[tilespmem:$0x1E800] =	vst v63  }
0x31: {  	s11 =	simm.s32 $0x1480;
	s8 =	simm.s32 $0x5;
	s12 =	sadd.s32 $0x1, s10  }
0x32: {  	[tilespmem:s29], [sflag:$0x4] =	stream.indirect.gather [hbm4b:s1+s20], $0x80, s28, s20, $0xb8;
	[tilespmem:$0x1E800] =	vst v63  }
0x33: {  	p0 =	por $0x0, $0x0;
	s7 =	simm.s32 $0x200;
	_ =	swait.ge [sflag:s12], $0x2000  }
0x34: {  	s9 =	sand.u32 @!p0 $0x3, s9;
	s13 =	sshll.u32 s10, $0xD;
	[sflag:s12] =	ssyncset.done $0x0  }
0x35: {  	s10 =	sadd.s32 $0x5, s10;
	s13 =	sadd.s32 $0x2800, s13;
	[sflag:s12] =	ssyncadd.s32 $0xFFFFE000  }
0x36: {  	[spmem:s2] =	stream.indirect.scatter.add.f32 [tilespmem:s13], [sflag:s10], $0x80, s11, s20, $0xb8;
	[tilespmem:$0x1E800] =	vst v63  }
0x37: {  	s14 =	simm.s32 @!p0 $0x40;
	s12 =	sadd.s32 @!p0 $0x5, s9;
	s10 =	sshll.u32 @!p0 s9, $0xD  }
0x38: {  	s11 =	sadd.s32 @!p0 $0x1, s9;
	s9 =	simm.s32 $0x1500;
	_ =	swait.ge @!p0 [sflag:s12], $0x2000  }
0x39: {  	s13 =	sadd.s32 @!p0 $0x2800, s10;
	s10 =	simm.s32 $0x280;
	[sflag:s12] =	ssyncset.done @!p0 $0x0  }
.LBB2_2:
0x3a: {  	s15 =	sadd.s32 $0xFFFFFFFD, s8  }
0x3b: {  	[sflag:s12] =	ssyncadd.s32 @!p0 $0xFFFFE000;
	s12 =	smov.u32 s8;
	s8 =	sadd.s32 $0x1, s8  }
0x3c: {  	[tilespmem:s13], [sflag:s11] =	stream.indirect.gather @!p0 [hbm4b:s1+s14], $0x80, s7, s14, $0xb8;
	[tilespmem:$0x1E800] =	vst v63  }
0x3d: {  	s11 =	sand.u32 $0x3, s15;
	p1 =	sne.s32 s8, $0x2B;
	s7 =	smov.u32 s10  }
0x3e: {  	s13 =	sshll.u32 s11, $0xD;
	s14 =	sadd.s32 $0x1, s11  }
0x3f: {  	p0 =	sgt.u32 s15, $0x24;
	_ =	swait.ge [sflag:s14], $0x2000  }
0x40: {  	s11 =	sadd.s32 $0x5, s11;
	s13 =	sadd.s32 $0x2800, s13;
	[sflag:s14] =	ssyncset.done $0x0  }
.Ltmp0:
0x41: {  	[sflag:s14] =	ssyncadd.s32 $0xFFFFE000;
	s14 =	sand.u32 @!p0 $0x3, s12;
	(pc) =	sbr.rel @p1 .LBB2_2-.Ltmp0, $4  }
0x42: {  	[spmem:s2] =	stream.indirect.scatter.add.f32 [tilespmem:s13], [sflag:s11], $0x80, s9, s20, $0xb8;
	[tilespmem:$0x1E800] =	vst v63  }
0x43: {  	s12 =	sadd.s32 @!p0 $0x5, s14;
	s13 =	sshll.u32 @!p0 s14, $0xD;
	s11 =	sadd.s32 @!p0 $0x1, s14  }
0x44: {  	s9 =	sadd.s32 $0x80, s9;
	s13 =	sadd.s32 @!p0 $0x2800, s13;
	_ =	swait.ge @!p0 [sflag:s12], $0x2000  }
0x45: {  	s10 =	sadd.s32 $0x80, s10;
	s14 =	simm.s32 @!p0 $0x40;
	[sflag:s12] =	ssyncset.done @!p0 $0x0  }
0x46: {  	[sflag:s12] =	ssyncadd.s32 @!p0 $0xFFFFE000  }
0x47: {  	[tilespmem:s13], [sflag:s11] =	stream.indirect.gather @!p0 [hbm4b:s1+s14], $0x80, s7, s14, $0xb8;
	[tilespmem:$0x1E800] =	vst v63  }
0x48: {  	_ =	swait.ge [sflag:s30], $0x2000  }
0x49: {  	[sflag:s30] =	ssyncset.done $0x0  }
0x4a: {  	[sflag:s30] =	ssyncadd.s32 $0xFFFFE000  }
0x4b: {  	_ =	swait.ge [sflag:s31], $0x2000  }
0x4c: {  	[sflag:s31] =	ssyncset.done $0x0  }
0x4d: {  	[sflag:s31] =	ssyncadd.s32 $0xFFFFE000  }
0x4e: {  	_ =	swait.ge [sflag:s0], $0x2000  }
0x4f: {  	[sflag:s0] =	ssyncset.done $0x0  }
0x50: {  	[sflag:s0] =	ssyncadd.s32 $0xFFFFE000  }
0x51: {  	_ =	swait.ge [sflag:s3], $0x2000  }
0x52: {  	[sflag:s3] =	ssyncset.done $0x0  }
0x53: {  	s11 =	rddreg [dreg:$0x7];
	[sflag:s3] =	ssyncadd.s32 $0xFFFFE000  }
0x54: {  	[tilespmem:s4], [sflag:$0x9] =	stream.linear.gather [hbm4b:s11+s4], $0x1400, $0x38;
	[tilespmem:$0x1E800] =	vst v63  }
0x55: {  	_ =	swait.ge [sflag:s18], $0x1400  }
0x56: {  	[sflag:s18] =	ssyncset.done $0x0  }
0x57: {  	s12 =	rddreg [dreg:$0x8];
	[sflag:s18] =	ssyncadd.s32 $0xFFFFEC00  }
0x58: {  	[tilespmem:s19], [sflag:$0x9] =	stream.linear.gather [hbm4b:s12+s4], $0x1400, $0x38;
	[tilespmem:$0x1E800] =	vst v63  }
0x59: {  	_ =	swait.ge [sflag:s18], $0x1400  }
0x5a: {  	[sflag:s18] =	ssyncset.done $0x0  }
0x5b: {  	[sflag:s18] =	ssyncadd.s32 $0xFFFFEC00  }
0x5c: {  	[tilespmem:s21], [sflag:$0x1] =	stream.indirect.gather [hbm4b:s1+s20], $0x80, s4, s20, $0xb8;
	[tilespmem:$0x1E800] =	vst v63  }
0x5d: {  	_ = 	snop  }
0x5e: {  	[tilespmem:s23], [sflag:$0x2] =	stream.indirect.gather [hbm4b:s1+s20], $0x80, s22, s20, $0xb8;
	[tilespmem:$0x1E800] =	vst v63  }
0x5f: {  	_ = 	snop  }
0x60: {  	[tilespmem:s25], [sflag:$0x3] =	stream.indirect.gather [hbm4b:s1+s20], $0x80, s24, s20, $0xb8;
	[tilespmem:$0x1E800] =	vst v63  }
0x61: {  	_ =	swait.ge [sflag:s26], $0x2000  }
0x62: {  	s13 =	simm.s32 $0x1;
	[sflag:s26] =	ssyncset.done $0x0  }
0x63: {  	s9 =	simm.s32 $0x4;
	s10 =	sand.u32 $0x3, s13;
	[sflag:s26] =	ssyncadd.s32 $0xFFFFE000  }
0x64: {  	[spmem:s2] =	stream.indirect.scatter.add.f32 [tilespmem:s21], [sflag:$0x5], $0x80, s19, s20, $0xb8;
	[tilespmem:$0x1E800] =	vst v63  }
0x65: {  	s8 =	simm.s32 $0x5;
	p0 =	por $0x0, $0x0;
	s14 =	sadd.s32 $0x1, s10  }
0x66: {  	[tilespmem:s29], [sflag:$0x4] =	stream.indirect.gather [hbm4b:s1+s20], $0x80, s28, s20, $0xb8;
	[tilespmem:$0x1E800] =	vst v63  }
0x67: {  	s7 =	simm.s32 $0x200;
	s9 =	sand.u32 @!p0 $0x3, s9;
	_ =	swait.ge [sflag:s14], $0x2000  }
0x68: {  	s15 =	sshll.u32 s10, $0xD;
	s10 =	sadd.s32 $0x5, s10;
	[sflag:s14] =	ssyncset.done $0x0  }
0x69: {  	s13 =	sadd.s32 $0x2800, s15;
	s11 =	simm.s32 $0x1480;
	[sflag:s14] =	ssyncadd.s32 $0xFFFFE000  }
0x6a: {  	[spmem:s2] =	stream.indirect.scatter.add.f32 [tilespmem:s13], [sflag:s10], $0x80, s11, s20, $0xb8;
	[tilespmem:$0x1E800] =	vst v63  }
0x6b: {  	s12 =	sadd.s32 @!p0 $0x5, s9;
	s14 =	simm.s32 @!p0 $0x40;
	s10 =	sshll.u32 @!p0 s9, $0xD  }
0x6c: {  	s11 =	sadd.s32 @!p0 $0x1, s9;
	s9 =	simm.s32 $0x1500;
	_ =	swait.ge @!p0 [sflag:s12], $0x2000  }
0x6d: {  	s13 =	sadd.s32 @!p0 $0x2800, s10;
	s10 =	simm.s32 $0x280;
	[sflag:s12] =	ssyncset.done @!p0 $0x0  }
.LBB2_4:
0x6e: {  	s15 =	sadd.s32 $0xFFFFFFFD, s8  }
0x6f: {  	[sflag:s12] =	ssyncadd.s32 @!p0 $0xFFFFE000;
	s12 =	smov.u32 s8;
	s8 =	sadd.s32 $0x1, s8  }
0x70: {  	[tilespmem:s13], [sflag:s11] =	stream.indirect.gather @!p0 [hbm4b:s1+s14], $0x80, s7, s14, $0xb8;
	[tilespmem:$0x1E800] =	vst v63  }
0x71: {  	s11 =	sand.u32 $0x3, s15;
	p1 =	sne.s32 s8, $0x2B;
	s7 =	smov.u32 s10  }
0x72: {  	s13 =	sshll.u32 s11, $0xD;
	s14 =	sadd.s32 $0x1, s11  }
0x73: {  	p0 =	sgt.u32 s15, $0x24;
	_ =	swait.ge [sflag:s14], $0x2000  }
0x74: {  	s11 =	sadd.s32 $0x5, s11;
	s13 =	sadd.s32 $0x2800, s13;
	[sflag:s14] =	ssyncset.done $0x0  }
.Ltmp1:
0x75: {  	[sflag:s14] =	ssyncadd.s32 $0xFFFFE000;
	s14 =	sand.u32 @!p0 $0x3, s12;
	(pc) =	sbr.rel @p1 .LBB2_4-.Ltmp1, $4  }
0x76: {  	[spmem:s2] =	stream.indirect.scatter.add.f32 [tilespmem:s13], [sflag:s11], $0x80, s9, s20, $0xb8;
	[tilespmem:$0x1E800] =	vst v63  }
0x77: {  	s12 =	sadd.s32 @!p0 $0x5, s14;
	s13 =	sshll.u32 @!p0 s14, $0xD;
	s11 =	sadd.s32 @!p0 $0x1, s14  }
0x78: {  	s9 =	sadd.s32 $0x80, s9;
	s13 =	sadd.s32 @!p0 $0x2800, s13;
	_ =	swait.ge @!p0 [sflag:s12], $0x2000  }
0x79: {  	s10 =	sadd.s32 $0x80, s10;
	s14 =	simm.s32 @!p0 $0x40;
	[sflag:s12] =	ssyncset.done @!p0 $0x0  }
0x7a: {  	[sflag:s12] =	ssyncadd.s32 @!p0 $0xFFFFE000  }
0x7b: {  	[tilespmem:s13], [sflag:s11] =	stream.indirect.gather @!p0 [hbm4b:s1+s14], $0x80, s7, s14, $0xb8;
	[tilespmem:$0x1E800] =	vst v63  }
0x7c: {  	_ =	swait.ge [sflag:s30], $0x2000  }
0x7d: {  	[sflag:s30] =	ssyncset.done $0x0  }
0x7e: {  	[sflag:s30] =	ssyncadd.s32 $0xFFFFE000  }
0x7f: {  	_ =	swait.ge [sflag:s31], $0x2000  }
0x80: {  	[sflag:s31] =	ssyncset.done $0x0  }
0x81: {  	[sflag:s31] =	ssyncadd.s32 $0xFFFFE000  }
0x82: {  	_ =	swait.ge [sflag:s0], $0x2000  }
0x83: {  	[sflag:s0] =	ssyncset.done $0x0  }
0x84: {  	[sflag:s0] =	ssyncadd.s32 $0xFFFFE000  }
0x85: {  	_ =	swait.ge [sflag:s3], $0x2000  }
0x86: {  	[sflag:s3] =	ssyncset.done $0x0  }
0x87: {  	s11 =	rddreg [dreg:$0x9];
	[sflag:s3] =	ssyncadd.s32 $0xFFFFE000  }
0x88: {  	[tilespmem:s4], [sflag:$0x9] =	stream.linear.gather [hbm4b:s11+s4], $0x1400, $0x38;
	[tilespmem:$0x1E800] =	vst v63  }
0x89: {  	_ =	swait.ge [sflag:s18], $0x1400  }
0x8a: {  	[sflag:s18] =	ssyncset.done $0x0  }
0x8b: {  	s12 =	rddreg [dreg:$0xa];
	[sflag:s18] =	ssyncadd.s32 $0xFFFFEC00  }
0x8c: {  	[tilespmem:s19], [sflag:$0x9] =	stream.linear.gather [hbm4b:s12+s4], $0x1400, $0x38;
	[tilespmem:$0x1E800] =	vst v63  }
0x8d: {  	_ =	swait.ge [sflag:s18], $0x1400  }
0x8e: {  	[sflag:s18] =	ssyncset.done $0x0  }
0x8f: {  	[sflag:s18] =	ssyncadd.s32 $0xFFFFEC00  }
0x90: {  	[tilespmem:s21], [sflag:$0x1] =	stream.indirect.gather [hbm4b:s1+s20], $0x80, s4, s20, $0xb8;
	[tilespmem:$0x1E800] =	vst v63  }
0x91: {  	_ = 	snop  }
0x92: {  	[tilespmem:s23], [sflag:$0x2] =	stream.indirect.gather [hbm4b:s1+s20], $0x80, s22, s20, $0xb8;
	[tilespmem:$0x1E800] =	vst v63  }
0x93: {  	_ = 	snop  }
0x94: {  	[tilespmem:s25], [sflag:$0x3] =	stream.indirect.gather [hbm4b:s1+s20], $0x80, s24, s20, $0xb8;
	[tilespmem:$0x1E800] =	vst v63  }
0x95: {  	_ =	swait.ge [sflag:s26], $0x2000  }
0x96: {  	s13 =	simm.s32 $0x1;
	[sflag:s26] =	ssyncset.done $0x0  }
0x97: {  	s9 =	simm.s32 $0x4;
	s10 =	sand.u32 $0x3, s13;
	[sflag:s26] =	ssyncadd.s32 $0xFFFFE000  }
0x98: {  	[spmem:s2] =	stream.indirect.scatter.add.f32 [tilespmem:s21], [sflag:$0x5], $0x80, s19, s20, $0xb8;
	[tilespmem:$0x1E800] =	vst v63  }
0x99: {  	s8 =	simm.s32 $0x5;
	p0 =	por $0x0, $0x0;
	s14 =	sadd.s32 $0x1, s10  }
0x9a: {  	[tilespmem:s29], [sflag:$0x4] =	stream.indirect.gather [hbm4b:s1+s20], $0x80, s28, s20, $0xb8;
	[tilespmem:$0x1E800] =	vst v63  }
0x9b: {  	s7 =	simm.s32 $0x200;
	s9 =	sand.u32 @!p0 $0x3, s9;
	_ =	swait.ge [sflag:s14], $0x2000  }
0x9c: {  	s15 =	sshll.u32 s10, $0xD;
	s10 =	sadd.s32 $0x5, s10;
	[sflag:s14] =	ssyncset.done $0x0  }
0x9d: {  	s13 =	sadd.s32 $0x2800, s15;
	s11 =	simm.s32 $0x1480;
	[sflag:s14] =	ssyncadd.s32 $0xFFFFE000  }
0x9e: {  	[spmem:s2] =	stream.indirect.scatter.add.f32 [tilespmem:s13], [sflag:s10], $0x80, s11, s20, $0xb8;
	[tilespmem:$0x1E800] =	vst v63  }
0x9f: {  	s12 =	sadd.s32 @!p0 $0x5, s9;
	s14 =	simm.s32 @!p0 $0x40;
	s10 =	sshll.u32 @!p0 s9, $0xD  }
0xa0: {  	s11 =	sadd.s32 @!p0 $0x1, s9;
	s9 =	simm.s32 $0x1500;
	_ =	swait.ge @!p0 [sflag:s12], $0x2000  }
0xa1: {  	s13 =	sadd.s32 @!p0 $0x2800, s10;
	s10 =	simm.s32 $0x280;
	[sflag:s12] =	ssyncset.done @!p0 $0x0  }
.LBB2_6:
0xa2: {  	s15 =	sadd.s32 $0xFFFFFFFD, s8  }
0xa3: {  	[sflag:s12] =	ssyncadd.s32 @!p0 $0xFFFFE000;
	s12 =	smov.u32 s8;
	s8 =	sadd.s32 $0x1, s8  }
0xa4: {  	[tilespmem:s13], [sflag:s11] =	stream.indirect.gather @!p0 [hbm4b:s1+s14], $0x80, s7, s14, $0xb8;
	[tilespmem:$0x1E800] =	vst v63  }
0xa5: {  	s11 =	sand.u32 $0x3, s15;
	p1 =	sne.s32 s8, $0x2B;
	s7 =	smov.u32 s10  }
0xa6: {  	s13 =	sshll.u32 s11, $0xD;
	s14 =	sadd.s32 $0x1, s11  }
0xa7: {  	p0 =	sgt.u32 s15, $0x24;
	_ =	swait.ge [sflag:s14], $0x2000  }
0xa8: {  	s11 =	sadd.s32 $0x5, s11;
	s13 =	sadd.s32 $0x2800, s13;
	[sflag:s14] =	ssyncset.done $0x0  }
.Ltmp2:
0xa9: {  	[sflag:s14] =	ssyncadd.s32 $0xFFFFE000;
	s14 =	sand.u32 @!p0 $0x3, s12;
	(pc) =	sbr.rel @p1 .LBB2_6-.Ltmp2, $4  }
0xaa: {  	[spmem:s2] =	stream.indirect.scatter.add.f32 [tilespmem:s13], [sflag:s11], $0x80, s9, s20, $0xb8;
	[tilespmem:$0x1E800] =	vst v63  }
0xab: {  	s12 =	sadd.s32 @!p0 $0x5, s14;
	s13 =	sshll.u32 @!p0 s14, $0xD;
	s11 =	sadd.s32 @!p0 $0x1, s14  }
0xac: {  	s9 =	sadd.s32 $0x80, s9;
	s13 =	sadd.s32 @!p0 $0x2800, s13;
	_ =	swait.ge @!p0 [sflag:s12], $0x2000  }
0xad: {  	s10 =	sadd.s32 $0x80, s10;
	s14 =	simm.s32 @!p0 $0x40;
	[sflag:s12] =	ssyncset.done @!p0 $0x0  }
0xae: {  	[sflag:s12] =	ssyncadd.s32 @!p0 $0xFFFFE000  }
0xaf: {  	[tilespmem:s13], [sflag:s11] =	stream.indirect.gather @!p0 [hbm4b:s1+s14], $0x80, s7, s14, $0xb8;
	[tilespmem:$0x1E800] =	vst v63  }
0xb0: {  	_ =	swait.ge [sflag:s30], $0x2000  }
0xb1: {  	[sflag:s30] =	ssyncset.done $0x0  }
0xb2: {  	[sflag:s30] =	ssyncadd.s32 $0xFFFFE000  }
0xb3: {  	_ =	swait.ge [sflag:s31], $0x2000  }
0xb4: {  	[sflag:s31] =	ssyncset.done $0x0  }
0xb5: {  	[sflag:s31] =	ssyncadd.s32 $0xFFFFE000  }
0xb6: {  	_ =	swait.ge [sflag:s0], $0x2000  }
0xb7: {  	[sflag:s0] =	ssyncset.done $0x0  }
0xb8: {  	[sflag:s0] =	ssyncadd.s32 $0xFFFFE000  }
0xb9: {  	_ =	swait.ge [sflag:s3], $0x2000  }
0xba: {  	[sflag:s3] =	ssyncset.done $0x0  }
0xbb: {  	s11 =	rddreg [dreg:$0xb];
	[sflag:s3] =	ssyncadd.s32 $0xFFFFE000  }
0xbc: {  	[tilespmem:s4], [sflag:$0x9] =	stream.linear.gather [hbm4b:s11+s4], $0x1400, $0x38;
	[tilespmem:$0x1E800] =	vst v63  }
0xbd: {  	_ =	swait.ge [sflag:s18], $0x1400  }
0xbe: {  	[sflag:s18] =	ssyncset.done $0x0  }
0xbf: {  	s12 =	rddreg [dreg:$0xc];
	[sflag:s18] =	ssyncadd.s32 $0xFFFFEC00  }
0xc0: {  	[tilespmem:s19], [sflag:$0x9] =	stream.linear.gather [hbm4b:s12+s4], $0x1400, $0x38;
	[tilespmem:$0x1E800] =	vst v63  }
0xc1: {  	_ =	swait.ge [sflag:s18], $0x1400  }
0xc2: {  	[sflag:s18] =	ssyncset.done $0x0  }
0xc3: {  	[sflag:s18] =	ssyncadd.s32 $0xFFFFEC00  }
0xc4: {  	[tilespmem:s21], [sflag:$0x1] =	stream.indirect.gather [hbm4b:s1+s20], $0x80, s4, s20, $0xb8;
	[tilespmem:$0x1E800] =	vst v63  }
0xc5: {  	_ = 	snop  }
0xc6: {  	[tilespmem:s23], [sflag:$0x2] =	stream.indirect.gather [hbm4b:s1+s20], $0x80, s22, s20, $0xb8;
	[tilespmem:$0x1E800] =	vst v63  }
0xc7: {  	_ = 	snop  }
0xc8: {  	[tilespmem:s25], [sflag:$0x3] =	stream.indirect.gather [hbm4b:s1+s20], $0x80, s24, s20, $0xb8;
	[tilespmem:$0x1E800] =	vst v63  }
0xc9: {  	_ =	swait.ge [sflag:s26], $0x2000  }
0xca: {  	s13 =	simm.s32 $0x1;
	[sflag:s26] =	ssyncset.done $0x0  }
0xcb: {  	s9 =	simm.s32 $0x4;
	s10 =	sand.u32 $0x3, s13;
	[sflag:s26] =	ssyncadd.s32 $0xFFFFE000  }
0xcc: {  	[spmem:s2] =	stream.indirect.scatter.add.f32 [tilespmem:s21], [sflag:$0x5], $0x80, s19, s20, $0xb8;
	[tilespmem:$0x1E800] =	vst v63  }
0xcd: {  	s8 =	simm.s32 $0x5;
	p0 =	por $0x0, $0x0;
	s14 =	sadd.s32 $0x1, s10  }
0xce: {  	[tilespmem:s29], [sflag:$0x4] =	stream.indirect.gather [hbm4b:s1+s20], $0x80, s28, s20, $0xb8;
	[tilespmem:$0x1E800] =	vst v63  }
0xcf: {  	s7 =	simm.s32 $0x200;
	s9 =	sand.u32 @!p0 $0x3, s9;
	_ =	swait.ge [sflag:s14], $0x2000  }
0xd0: {  	s15 =	sshll.u32 s10, $0xD;
	s10 =	sadd.s32 $0x5, s10;
	[sflag:s14] =	ssyncset.done $0x0  }
0xd1: {  	s13 =	sadd.s32 $0x2800, s15;
	s11 =	simm.s32 $0x1480;
	[sflag:s14] =	ssyncadd.s32 $0xFFFFE000  }
0xd2: {  	[spmem:s2] =	stream.indirect.scatter.add.f32 [tilespmem:s13], [sflag:s10], $0x80, s11, s20, $0xb8;
	[tilespmem:$0x1E800] =	vst v63  }
0xd3: {  	s12 =	sadd.s32 @!p0 $0x5, s9;
	s14 =	simm.s32 @!p0 $0x40;
	s10 =	sshll.u32 @!p0 s9, $0xD  }
0xd4: {  	s11 =	sadd.s32 @!p0 $0x1, s9;
	s9 =	simm.s32 $0x1500;
	_ =	swait.ge @!p0 [sflag:s12], $0x2000  }
0xd5: {  	s13 =	sadd.s32 @!p0 $0x2800, s10;
	s10 =	simm.s32 $0x280;
	[sflag:s12] =	ssyncset.done @!p0 $0x0  }
.LBB2_8:
0xd6: {  	s15 =	sadd.s32 $0xFFFFFFFD, s8  }
0xd7: {  	[sflag:s12] =	ssyncadd.s32 @!p0 $0xFFFFE000;
	s12 =	smov.u32 s8;
	s8 =	sadd.s32 $0x1, s8  }
0xd8: {  	[tilespmem:s13], [sflag:s11] =	stream.indirect.gather @!p0 [hbm4b:s1+s14], $0x80, s7, s14, $0xb8;
	[tilespmem:$0x1E800] =	vst v63  }
0xd9: {  	s11 =	sand.u32 $0x3, s15;
	p1 =	sne.s32 s8, $0x2B;
	s7 =	smov.u32 s10  }
0xda: {  	s13 =	sshll.u32 s11, $0xD;
	s14 =	sadd.s32 $0x1, s11  }
0xdb: {  	p0 =	sgt.u32 s15, $0x24;
	_ =	swait.ge [sflag:s14], $0x2000  }
0xdc: {  	s11 =	sadd.s32 $0x5, s11;
	s13 =	sadd.s32 $0x2800, s13;
	[sflag:s14] =	ssyncset.done $0x0  }
.Ltmp3:
0xdd: {  	[sflag:s14] =	ssyncadd.s32 $0xFFFFE000;
	s14 =	sand.u32 @!p0 $0x3, s12;
	(pc) =	sbr.rel @p1 .LBB2_8-.Ltmp3, $4  }
0xde: {  	[spmem:s2] =	stream.indirect.scatter.add.f32 [tilespmem:s13], [sflag:s11], $0x80, s9, s20, $0xb8;
	[tilespmem:$0x1E800] =	vst v63  }
0xdf: {  	s12 =	sadd.s32 @!p0 $0x5, s14;
	s13 =	sshll.u32 @!p0 s14, $0xD;
	s11 =	sadd.s32 @!p0 $0x1, s14  }
0xe0: {  	s9 =	sadd.s32 $0x80, s9;
	s13 =	sadd.s32 @!p0 $0x2800, s13;
	_ =	swait.ge @!p0 [sflag:s12], $0x2000  }
0xe1: {  	s10 =	sadd.s32 $0x80, s10;
	s14 =	simm.s32 @!p0 $0x40;
	[sflag:s12] =	ssyncset.done @!p0 $0x0  }
0xe2: {  	[sflag:s12] =	ssyncadd.s32 @!p0 $0xFFFFE000  }
0xe3: {  	[tilespmem:s13], [sflag:s11] =	stream.indirect.gather @!p0 [hbm4b:s1+s14], $0x80, s7, s14, $0xb8;
	[tilespmem:$0x1E800] =	vst v63  }
0xe4: {  	_ =	swait.ge [sflag:s30], $0x2000  }
0xe5: {  	[sflag:s30] =	ssyncset.done $0x0  }
0xe6: {  	[sflag:s30] =	ssyncadd.s32 $0xFFFFE000  }
0xe7: {  	_ =	swait.ge [sflag:s31], $0x2000  }
0xe8: {  	[sflag:s31] =	ssyncset.done $0x0  }
0xe9: {  	[sflag:s31] =	ssyncadd.s32 $0xFFFFE000  }
0xea: {  	_ =	swait.ge [sflag:s0], $0x2000  }
0xeb: {  	[sflag:s0] =	ssyncset.done $0x0  }
0xec: {  	[sflag:s0] =	ssyncadd.s32 $0xFFFFE000  }
0xed: {  	_ =	swait.ge [sflag:s3], $0x2000  }
0xee: {  	[sflag:s3] =	ssyncset.done $0x0  }
0xef: {  	s5 =	sadd.s32 $0x1, s5;
	[sflag:s3] =	ssyncadd.s32 $0xFFFFE000  }
0xf0: {  	p0 =	sne.s32 s5, s16;
	[bflag:$0x0] =	sbarrier.arrive $0xFFFF  }
.Ltmp4:
0xf1: {  	s15 =	rddreg [dreg:$0xd];
	(pc) =	sbr.rel @p0 .LBB2_1-.Ltmp4, $4  }
0xf2: {  	[hbm:s15], [sflag:s6] =	dma.local [spmem:s17], $0x2800  }
0xf3: {  	_ =	swait.ge [sflag:s18], $0x2800  }
0xf4: {  	[sflag:s18] =	ssyncset.done $0x0  }
0xf5: {  	[sflag:s18] =	ssyncadd.s32 $0xFFFFD800  }
0xf6: {  	_ =	sfence.sel $0x180000  }
0xf7: {  	[bflag:$0x0] =	sbarrier.arrive $0xFFFF  }
0xf8: {  	_ =	strace $0x9000004A  }
0xf9: {  	s0 =	stileid.u32;
	[bflag:$0x2] =	sbarrier.arrive $0xFFFF  }
0xfa: {  	p0 =	sne.s32 s0, $0x0;
	s0 =	rddreg [dreg:$0x3]  }
0xfb: {  	s0 =	sadd.s32 @!p0 $0x100000, s0  }
0xfc: {  	[sflag:s0] =	ssyncadd.tile.s32 @!p0 $0x1;
	_ =	shalt  }
.Lfunc_end2:
_tile_overlayer_lowered:
.L_overlay_start_2:
0xfd: {  	(tag) =	ssettag $0x2  }
0xfe: {  	s0 =	rddreg [dreg:$0x0];
	s2 =	stileid.u32  }
0xff: {  	s1 =	rddreg [dreg:$0x1];
	p0 =	sne.s32 s2, $0x0  }
0x100: {  	s3 =	rddreg [dreg:$0x2];
	[bflag:$0x3] =	sbarrier.arrive $0xFFFF;
	s2 =	simm.s32 @!p0 $0x1C09  }
0x101: {  	[timem:s3], [sflag:s2] =	dma.local @!p0 [hbm:s0], s1  }
0x102: {  	s0 =	simm.s32 @!p0 $0x9  }
0x103: {  	_ =	swait.ge @!p0 [sflag:s0], s1  }
0x104: {  	s1 =	ssub.s32 @!p0 $0x0, s1;
	[sflag:s0] =	ssyncset.done @!p0 $0x0  }
0x105: {  	[sflag:s0] =	ssyncadd.s32 @!p0 s1  }
0x106: {  	[bflag:$0x3] =	sbarrier.arrive $0xFFFF  }
0x107: {  	_ =	shalt  }

// kernel: kernel.14.cloned.1.call-start
scs
__scs_entry_jumppad:
0x0: {  	(pc) =	sbr.rel $0x88, $3  }
0x1: {  	(tag) =	ssettag $0x0;
	lr =	simm.s32 $0x1  }
0x2: {  	[smem:$0x3F99] =	sst lr;
	_ =	strace $0xD0000000  }
0x3: {  	_ = 	snop  }
0x4: {  	_ = 	snop  }
0x5: {  	_ = 	snop  }
0x6: {  	_ = 	snop  }
0x7: {  	_ = 	snop  }
__scs_overlays_trampoline_lowered:
0x8: {  	[smem:$0x3FA8] =	sst s0  }
0x9: {  	[smem:$0x3FA9] =	sst s1  }
0xa: {  	[smem:$0x3FAA] =	sst s2  }
0xb: {  	[smem:$0x3FAB] =	sst s3  }
0xc: {  	[smem:$0x3FAC] =	sst s4  }
0xd: {  	[smem:$0x3FAD] =	sst s5  }
0xe: {  	[smem:$0x3FAE] =	sst s6  }
0xf: {  	[smem:$0x3FAF] =	sst s7  }
0x10: {  	[smem:$0x3FB0] =	sst s8  }
0x11: {  	[smem:$0x3FB1] =	sst s9;
	s0 =	simm.s32 @!p0 $0x0  }
0x12: {  	s1 =	sld [smem:$0x3F97];
	s0 =	simm.s32 @p0 $0x1  }
0x13: {  	[smem:$0x3FB2] =	sst s0;
	s0 =	simm.s32 @!p1 $0x0  }
0x14: {  	s2 =	sld [smem:$0x3F96];
	s0 =	simm.s32 @p1 $0x1  }
0x15: {  	[smem:$0x3FB3] =	sst s0;
	s0 =	simm.s32 @!p2 $0x0  }
0x16: {  	s3 =	sld [smem:$0x3FDB];
	s0 =	simm.s32 @p2 $0x1  }
0x17: {  	s4 =	simm.s32 $0x1BF5;
	[smem:$0x3FB5] =	sst s0  }
0x18: {  	s0 =	sld [smem:$0x3F98];
	_ =	swait.ge [sflag:s4], $0x0  }
0x19: {  	s7 =	sld [smem:$0x3F99]  }
0x1a: {  	s8 =	sadd.s32 $0xFFFFE003, lr  }
0x1b: {  	s9 =	sadd.s32 $0xFFFFFEF7, lr;
	s5 =	simm.s32 $0xFFFFFFFF;
	p2 =	slt.u32 s8, $0xFFFFF086  }
0x1c: {  	p1 =	slt.u32 s9, $0xF7A;
	s5 =	simm.s32 @!p2 $0x0  }
0x1d: {  	s5 =	simm.s32 @p1 $0x1;
	p0 =	seq.s32 s7, s2  }
0x1e: {  	s7 =	smul.u32 @!p0 $0xF7A, s2;
	p2 =	seq.s32 @!p0 s5, $0x0  }
0x1f: {  	s9 =	smul.u32 $0xF7A, s1;
	s8 =	simm.s32 @!p0 $0x1BF5;
	p2 =	por !p2, p0  }
0x20: {  	[sflag:s8] =	ssyncset.s32 @!p0 $0xFFFFF086;
	s6 =	sadd.s32 @!p0 s3, s7;
	s7 =	simm.s32 @!p0 $0x108  }
0x21: {  	s3 =	sadd.s32 s3, s9;
	s6 =	sadd.s32 @!p0 $0x88, s6;
	s7 =	simm.s32 @p2 $0x1082  }
0x22: {  	[simem:s7], [sflag:s8] =	dma.local @!p0 [hbm:s6], $0xF7A  }
0x23: {  	s9 =	sor.u32 $0xD0000000, s2;
	s6 =	simm.s32 $0x108;
	_ =	swait.ge @!p0 [sflag:s8], $0x0  }
0x24: {  	s3 =	sadd.s32 $0x88, s3;
	s6 =	simm.s32 @!p1 $0x1082;
	[sflag:s4] =	ssyncset.s32 $0xFFFFF086  }
0x25: {  	[simem:s6], [sflag:s4] =	dma.local [hbm:s3], $0xF7A  }
0x26: {  	[smem:$0x3F99] =	sst s1;
	(tag) =	ssettag s2;
	_ =	strace s9  }
0x27: {  	s1 =	sld [smem:$0x3FA9]  }
0x28: {  	s2 =	sld [smem:$0x3FAA]  }
0x29: {  	s4 =	sld [smem:$0x3FAC]  }
0x2a: {  	p0 =	seq.s32 s5, $0x0;
	s5 =	sld [smem:$0x3FAD]  }
0x2b: {  	s6 =	sld [smem:$0x3FAE]  }
0x2c: {  	s7 =	sld [smem:$0x3FAF]  }
0x2d: {  	s3 =	simm.s32 $0x108;
	s8 =	sld [smem:$0x3FB0]  }
0x2e: {  	s3 =	simm.s32 @!p0 $0x1082;
	s9 =	sld [smem:$0x3FB1]  }
0x2f: {  	lr =	sadd.s32 s0, s3;
	s0 =	sld [smem:$0x3FA8]  }
0x30: {  	s3 =	sld [smem:$0x3FAB]  }
0x31: {  	[smem:$0x3FB4] =	sst s10  }
0x32: {  	s10 =	sld [smem:$0x3FB2];
	_ =	sdelay $0x3  }
0x33: {  	p0 =	seq.s32 s10, $0x1;
	s10 =	sld [smem:$0x3FB4];
	_ =	sdelay $0x3  }
0x34: {  	[smem:$0x3FB4] =	sst s10  }
0x35: {  	s10 =	sld [smem:$0x3FB3];
	_ =	sdelay $0x3  }
0x36: {  	p1 =	seq.s32 s10, $0x1;
	s10 =	sld [smem:$0x3FB4];
	_ =	sdelay $0x3  }
0x37: {  	[smem:$0x3FB4] =	sst s10  }
0x38: {  	s10 =	sld [smem:$0x3FB5]  }
0x39: {  	_ = 	snop;
	(pc) =	sbr.ind lr, $3  }
0x3a: {  	_ = 	snop  }
0x3b: {  	_ = 	snop  }
0x3c: {  	p2 =	seq.s32 s10, $0x1;
	s10 =	sld [smem:$0x3FB4]  }
0x3d: {  	_ =	shalt  }
0x3e: {  	_ =	shalt  }
0x3f: {  	_ =	shalt  }
0x40: {  	_ =	shalt  }
0x41: {  	_ =	shalt  }
0x42: {  	_ =	shalt  }
0x43: {  	_ =	shalt  }
0x44: {  	_ =	shalt  }
0x45: {  	_ =	shalt  }
0x46: {  	_ =	shalt  }
0x47: {  	_ =	shalt  }
0x48: {  	_ =	shalt  }
0x49: {  	_ =	shalt  }
0x4a: {  	_ =	shalt  }
0x4b: {  	_ =	shalt  }
0x4c: {  	_ =	shalt  }
0x4d: {  	_ =	shalt  }
0x4e: {  	_ =	shalt  }
0x4f: {  	_ =	shalt  }
0x50: {  	_ =	shalt  }
0x51: {  	_ =	shalt  }
0x52: {  	_ =	shalt  }
0x53: {  	_ =	shalt  }
0x54: {  	_ =	shalt  }
0x55: {  	_ =	shalt  }
0x56: {  	_ =	shalt  }
0x57: {  	_ =	shalt  }
0x58: {  	_ =	shalt  }
0x59: {  	_ =	shalt  }
0x5a: {  	_ =	shalt  }
0x5b: {  	_ =	shalt  }
0x5c: {  	_ =	shalt  }
0x5d: {  	_ =	shalt  }
0x5e: {  	_ =	shalt  }
0x5f: {  	_ =	shalt  }
0x60: {  	_ =	shalt  }
0x61: {  	_ =	shalt  }
0x62: {  	_ =	shalt  }
0x63: {  	_ =	shalt  }
0x64: {  	_ =	shalt  }
0x65: {  	_ =	shalt  }
0x66: {  	_ =	shalt  }
0x67: {  	_ =	shalt  }
0x68: {  	_ =	shalt  }
0x69: {  	_ =	shalt  }
0x6a: {  	_ =	shalt  }
0x6b: {  	_ =	shalt  }
0x6c: {  	_ =	shalt  }
0x6d: {  	_ =	shalt  }
0x6e: {  	_ =	shalt  }
0x6f: {  	_ =	shalt  }
0x70: {  	_ =	shalt  }
0x71: {  	_ =	shalt  }
0x72: {  	_ =	shalt  }
0x73: {  	_ =	shalt  }
0x74: {  	_ =	shalt  }
0x75: {  	_ =	shalt  }
0x76: {  	_ =	shalt  }
0x77: {  	_ =	shalt  }
0x78: {  	_ =	shalt  }
0x79: {  	_ =	shalt  }
0x7a: {  	_ =	shalt  }
0x7b: {  	_ =	shalt  }
0x7c: {  	_ =	shalt  }
0x7d: {  	_ =	shalt  }
0x7e: {  	_ =	shalt  }
0x7f: {  	_ =	shalt  }
0x80: {  	_ =	shalt  }
0x81: {  	_ =	shalt  }
0x82: {  	_ =	shalt  }
0x83: {  	_ =	shalt  }
0x84: {  	_ =	shalt  }
0x85: {  	_ =	shalt  }
0x86: {  	_ =	shalt  }
0x87: {  	_ =	shalt  }
.Lfunc_end0:
.L_simem_size_0:
called_computation.2_lowered:
.L_overlay_start_0:
0x88: {  	s2 =	sld [smem:$0x3FD9]  }
0x89: {  	s3 =	sld [smem:$0x3FFE];
	_ =	sdelay $0x1  }
0x8a: {  	s1 =	srdreg.scid  }
0x8b: {  	s0 =	sand.u32 $0x1, s1  }
0x8c: {  	s17 =	sshll.u32 s0, $0xA;
	s2 =	sadd.s32 s3, s2  }
0x8d: {  	s2 =	sadd.s32 s2, s17  }
0x8e: {  	[smem:$0x3FC0] =	sst s2  }
0x8f: {  	_ = 	snop  }
0x90: {  	s2 =	sld [smem:$0x3FD0];
	(tm) =	ssettm $0x1  }
0x91: {  	s18 =	sld [smem:$0x3FFB];
	_ =	sdelay $0x3  }
0x92: {  	_ =	strace s18  }
0x93: {  	s3 =	sld [smem:$0x3FFC];
	_ =	sdelay $0x3  }
0x94: {  	_ =	strace s3  }
0x95: {  	s3 =	sld [smem:$0x3FFD];
	_ =	sdelay $0x3  }
0x96: {  	_ =	strace s3  }
0x97: {  	_ =	strace $0x8FFFFFFF  }
0x98: {  	s19 =	sld [smem:$0x3FDB];
	_ =	sdelay $0x1  }
0x99: {  	s4 =	simm.s32 $_scs_section_size  }
0x9a: {  	s5 =	simm.s32 $_size__tile_overlayer_lowered;
	s6 =	simm.s32 $_tile_overlayer_lowered  }
0x9b: {  	s22 =	simm.s32 $0x1BFF;
	s21 =	sshll.u32 s6, $0x1;
	s3 =	sadd.s32 s4, s19  }
0x9c: {  	s7 =	simm.s32 $0x0;
	s20 =	sshll.u32 s5, $0x1;
	s5 =	sadd.s32 s21, s3  }
0x9d: {  	[timem:s7], [sflag:s22] =	dma.local [hbm:s5], s20  }
0x9e: {  	_ =	swait.ge [sflag:s22], s20  }
0x9f: {  	s4 =	ssub.s32 $0x0, s20;
	[sflag:s22] =	ssyncset.done $0x0  }
0xa0: {  	[sflag:s22] =	ssyncadd.s32 s4;
	_ =	sdelay $0x1  }
0xa1: {  	s23 =	simm.s32 $0x1B8B  }
0xa2: {  	_ =	swait.ge [sflag:s23], $0x1  }
0xa3: {  	[sflag:s23] =	ssyncset.done $0x0  }
0xa4: {  	s25 =	simm.s32 $0x1B8E;
	s24 =	sld [smem:$0x3FFE];
	[sflag:s23] =	ssyncadd.s32 $0xFFFFFFFF  }
0xa5: {  	s26 =	simm.s32 $execute0_lowered;
	[smem:$0x3FD2] =	sst s25  }
0xa6: {  	s5 =	sshll.u32 s26, $0x1;
	_ =	strace $0x8000004C;
	[dreg:$0x1] =	wrdreg $0xFFFFFFFF  }
0xa7: {  	s28 =	simm.s32 $_size_execute0_lowered;
	s3 =	sadd.s32 s3, s5;
	[dreg:$0x0] =	wrdreg $0x0  }
0xa8: {  	s5 =	sshll.u32 s28, $0x1;
	[dreg:$0x2] =	wrdreg s3  }
0xa9: {  	[dreg:$0x3] =	wrdreg s5  }
0xaa: {  	[dreg:$0x4] =	wrdreg $0xC0  }
0xab: {  	_ =	task [dreg:s7], $0x5FFFF  }
0xac: {  	[dreg:$0x1] =	wrdreg $0xFFFFFFFF  }
0xad: {  	[dreg:$0x0] =	wrdreg $0x60  }
0xae: {  	[dreg:$0x2] =	wrdreg s2  }
0xaf: {  	[dreg:$0x3] =	wrdreg s24  }
0xb0: {  	[dreg:$0x4] =	wrdreg $0xA8000  }
0xb1: {  	[dreg:$0x5] =	wrdreg $0x9  }
0xb2: {  	_ =	task.clear_ibuf [dreg:s7], $0x6FFFF;
	_ =	strace $0x9000004C  }
0xb3: {  	s29 =	simm.s32 $0x9;
	_ =	strace $0x8000004E  }
0xb4: {  	_ =	swait.ge [sflag:s29], $0x1  }
0xb5: {  	[sflag:s29] =	ssyncadd.s32 $0xFFFFFFFF  }
0xb6: {  	_ =	strace $0x9000004E  }
0xb7: {  	_ =	sfence  }
0xb8: {  	s30 =	sld [smem:$0x0];
	_ =	sdelay $0x2  }
0xb9: {  	s31 =	sshll.u32 s1, $0xD;
	s1 =	sshrl.u32 s1, $0x2  }
0xba: {  	s3 =	sand.u32 $0x4000, s31;
	s1 =	sadd.s32 s1, s30  }
0xbb: {  	s0 =	sor.u32 s3, s0;
	s1 =	sshll.u32 s1, $0x11  }
0xbc: {  	s0 =	sor.u32 s1, s0  }
0xbd: {  	s0 =	sadd.s32 $0x8F2B, s0  }
0xbe: {  	[sflag:s0] =	ssyncadd.remote.s32 $0x1  }
0xbf: {  	_ =	sfence.sel $0xFFFF  }
0xc0: {  	[dreg:$0x0] =	wrdreg $0xFFFFFFFF;
	(pc) =	sbr.abs _section_cstart, $3  }
0xc1: {  	[dreg:$0x1] =	wrdreg $0xFFFFFFFF  }
0xc2: {  	_ =	task.clear_ibuf [dreg:s7], $0x2FFFF;
	_ =	strace $0x9FFFFFFF  }
0xc3: {  	(tm) =	ssettm $0x7FFFFFFF  }
tec
execute0_lowered:
.L_overlay_start_1:
0x0: {  	(tag) =	ssettag $0x1  }
0x1: {  	s1 =	rddreg [dreg:$0x0]  }
0x2: {  	s0 =	rddreg [dreg:$0x1]  }
0x3: {  	s2 =	rddreg [dreg:$0x2]  }
0x4: {  	s3 =	srdreg.scid;
	s4 =	simm.s32 $0x0;
	s10 =	stileid.u32  }
0x5: {  	s28 =	simm.s32 $0x180;
	s29 =	simm.s32 $0x8800;
	s30 =	simm.s32 $0x5  }
0x6: {  	s31 =	simm.s32 $0x6;
	s3 =	sand.u32 $0x1, s3;
	[smem:$0x7FF] =	sst s4  }
0x7: {  	s6 =	smul.u32 $0x14000, s10;
	s7 =	sadd.s32 $0x3A00, s0;
	s8 =	sadd.s32 $0x17A00, s0  }
0x8: {  	s16 =	sadd.s32 $0x2BA00, s0;
	s17 =	sshll.u32 s10, $0x1;
	s18 =	smul.u32 $0x50000, s10  }
0x9: {  	s20 =	sshll.u32 s10, $0x6;
	s5 =	smul.u32 $0x140000, s3;
	_ =	strace $0x8000004D  }
0xa: {  	[dreg:$0x4] =	wrdreg s16;
	s9 =	ssub.s32 $0x2, s3;
	s3 =	sor.u32 s3, s17  }
0xb: {  	s19 =	sshrl.u32 s9, $0x1;
	s3 =	smul.u32 $0x5000, s3;
	s5 =	sadd.s32 s6, s5  }
0xc: {  	s6 =	sshrl.u32 s18, $0x2;
	s18 =	simm.s32 $0x9;
	s5 =	sshrl.u32 s5, $0x3  }
0xd: {  	s21 =	sadd.s32 s6, s2;
	s6 =	sor.u32 $0x1C09, s20;
	s3 =	sshrl.u32 s3, $0x3  }
0xe: {  	s20 =	simm.s32 $0x40;
	s0 =	sadd.s32 s5, s0;
	s5 =	ssub.s32 s9, s19  }
0xf: {  	s22 =	sadd.s32 s7, s3;
	s23 =	sadd.s32 s8, s3;
	s24 =	sadd.s32 $0x280, s3  }
0x10: {  	s25 =	sadd.s32 $0x500, s3;
	s3 =	sadd.s32 $0x780, s3;
	s17 =	sshrl.u32 s21, $0x3  }
0x11: {  	s19 =	simm.s32 $0x1400;
	s21 =	simm.s32 $0x2800;
	[dreg:$0x5] =	wrdreg s22  }
0x12: {  	[dreg:$0x6] =	wrdreg s23;
	s11 =	sadd.s32 s7, s24;
	s9 =	sadd.s32 s8, s24  }
0x13: {  	s26 =	sadd.s32 s7, s25;
	s7 =	sadd.s32 s7, s3;
	[dreg:$0x7] =	wrdreg s11  }
0x14: {  	s3 =	sadd.s32 s8, s3;
	s0 =	sadd.s32 $0x2E200, s0;
	[dreg:$0x8] =	wrdreg s9  }
0x15: {  	s16 =	smax.u32 s5, $0x1;
	s22 =	simm.s32 $0x80;
	[dreg:$0x9] =	wrdreg s26  }
0x16: {  	s23 =	simm.s32 $0x4800;
	s24 =	simm.s32 $0x100;
	[dreg:$0xb] =	wrdreg s7  }
0x17: {  	s5 =	simm.s32 $0x0;
	s9 =	sadd.s32 s8, s25;
	[dreg:$0xc] =	wrdreg s3  }
0x18: {  	[dreg:$0xd] =	wrdreg s0;
	s25 =	simm.s32 $0x6800;
	s26 =	simm.s32 $0x1  }
0x19: {  	s0 =	simm.s32 $0x7;
	s3 =	simm.s32 $0x8;
	[dreg:$0xa] =	wrdreg s9  }
.LBB2_1:
0x1a: {  	s7 =	rddreg [dreg:$0x4]  }
0x1b: {  	[spmem:s17], [sflag:s6] =	dma.local [hbm:s7], $0x2800  }
0x1c: {  	_ =	swait.ge [sflag:s18], $0x2800  }
0x1d: {  	[sflag:s18] =	ssyncset.done $0x0  }
0x1e: {  	s13 =	rddreg [dreg:$0x5];
	[sflag:s18] =	ssyncadd.s32 $0xFFFFD800  }
0x1f: {  	[tilespmem:s4], [sflag:$0x9] =	stream.linear.gather [hbm4b:s13+s4], $0x1400, $0x38;
	[tilespmem:$0x1E800] =	vst v63  }
0x20: {  	_ =	swait.ge [sflag:s18], $0x1400  }
0x21: {  	[sflag:s18] =	ssyncset.done $0x0  }
0x22: {  	s14 =	rddreg [dreg:$0x6];
	[sflag:s18] =	ssyncadd.s32 $0xFFFFEC00  }
0x23: {  	[tilespmem:s19], [sflag:$0x9] =	stream.linear.gather [hbm4b:s14+s4], $0x1400, $0x38;
	[tilespmem:$0x1E800] =	vst v63  }
0x24: {  	_ =	swait.ge [sflag:s18], $0x1400  }
0x25: {  	[sflag:s18] =	ssyncset.done $0x0  }
0x26: {  	[sflag:s18] =	ssyncadd.s32 $0xFFFFEC00  }
0x27: {  	[bflag:$0x0] =	sbarrier.arrive $0xFFFF  }
0x28: {  	[tilespmem:s21], [sflag:$0x1] =	stream.indirect.gather [hbm4b:s1+s20], $0x80, s4, s20, $0xb8;
	[tilespmem:$0x1E800] =	vst v63  }
0x29: {  	_ = 	snop  }
0x2a: {  	[tilespmem:s23], [sflag:$0x2] =	stream.indirect.gather [hbm4b:s1+s20], $0x80, s22, s20, $0xb8;
	[tilespmem:$0x1E800] =	vst v63  }
0x2b: {  	_ = 	snop  }
0x2c: {  	[tilespmem:s25], [sflag:$0x3] =	stream.indirect.gather [hbm4b:s1+s20], $0x80, s24, s20, $0xb8;
	[tilespmem:$0x1E800] =	vst v63  }
0x2d: {  	_ =	swait.ge [sflag:s26], $0x2000  }
0x2e: {  	s15 =	simm.s32 $0x1;
	[sflag:s26] =	ssyncset.done $0x0  }
0x2f: {  	s9 =	simm.s32 $0x4;
	s10 =	sand.u32 $0x3, s15;
	[sflag:s26] =	ssyncadd.s32 $0xFFFFE000  }
0x30: {  	[spmem:s2] =	stream.indirect.scatter.add.f32 [tilespmem:s21], [sflag:$0x5], $0x80, s19, s20, $0xb8;
	[tilespmem:$0x1E800] =	vst v63  }
0x31: {  	s11 =	simm.s32 $0x1480;
	s8 =	simm.s32 $0x5;
	s12 =	sadd.s32 $0x1, s10  }
0x32: {  	[tilespmem:s29], [sflag:$0x4] =	stream.indirect.gather [hbm4b:s1+s20], $0x80, s28, s20, $0xb8;
	[tilespmem:$0x1E800] =	vst v63  }
0x33: {  	p0 =	por $0x0, $0x0;
	s7 =	simm.s32 $0x200;
	_ =	swait.ge [sflag:s12], $0x2000  }
0x34: {  	s9 =	sand.u32 @!p0 $0x3, s9;
	s13 =	sshll.u32 s10, $0xD;
	[sflag:s12] =	ssyncset.done $0x0  }
0x35: {  	s10 =	sadd.s32 $0x5, s10;
	s13 =	sadd.s32 $0x2800, s13;
	[sflag:s12] =	ssyncadd.s32 $0xFFFFE000  }
0x36: {  	[spmem:s2] =	stream.indirect.scatter.add.f32 [tilespmem:s13], [sflag:s10], $0x80, s11, s20, $0xb8;
	[tilespmem:$0x1E800] =	vst v63  }
0x37: {  	s14 =	simm.s32 @!p0 $0x40;
	s12 =	sadd.s32 @!p0 $0x5, s9;
	s10 =	sshll.u32 @!p0 s9, $0xD  }
0x38: {  	s11 =	sadd.s32 @!p0 $0x1, s9;
	s9 =	simm.s32 $0x1500;
	_ =	swait.ge @!p0 [sflag:s12], $0x2000  }
0x39: {  	s13 =	sadd.s32 @!p0 $0x2800, s10;
	s10 =	simm.s32 $0x280;
	[sflag:s12] =	ssyncset.done @!p0 $0x0  }
.LBB2_2:
0x3a: {  	s15 =	sadd.s32 $0xFFFFFFFD, s8  }
0x3b: {  	[sflag:s12] =	ssyncadd.s32 @!p0 $0xFFFFE000;
	s12 =	smov.u32 s8;
	s8 =	sadd.s32 $0x1, s8  }
0x3c: {  	[tilespmem:s13], [sflag:s11] =	stream.indirect.gather @!p0 [hbm4b:s1+s14], $0x80, s7, s14, $0xb8;
	[tilespmem:$0x1E800] =	vst v63  }
0x3d: {  	s11 =	sand.u32 $0x3, s15;
	p1 =	sne.s32 s8, $0x2B;
	s7 =	smov.u32 s10  }
0x3e: {  	s13 =	sshll.u32 s11, $0xD;
	s14 =	sadd.s32 $0x1, s11  }
0x3f: {  	p0 =	sgt.u32 s15, $0x24;
	_ =	swait.ge [sflag:s14], $0x2000  }
0x40: {  	s11 =	sadd.s32 $0x5, s11;
	s13 =	sadd.s32 $0x2800, s13;
	[sflag:s14] =	ssyncset.done $0x0  }
.Ltmp0:
0x41: {  	[sflag:s14] =	ssyncadd.s32 $0xFFFFE000;
	s14 =	sand.u32 @!p0 $0x3, s12;
	(pc) =	sbr.rel @p1 .LBB2_2-.Ltmp0, $4  }
0x42: {  	[spmem:s2] =	stream.indirect.scatter.add.f32 [tilespmem:s13], [sflag:s11], $0x80, s9, s20, $0xb8;
	[tilespmem:$0x1E800] =	vst v63  }
0x43: {  	s12 =	sadd.s32 @!p0 $0x5, s14;
	s13 =	sshll.u32 @!p0 s14, $0xD;
	s11 =	sadd.s32 @!p0 $0x1, s14  }
0x44: {  	s9 =	sadd.s32 $0x80, s9;
	s13 =	sadd.s32 @!p0 $0x2800, s13;
	_ =	swait.ge @!p0 [sflag:s12], $0x2000  }
0x45: {  	s10 =	sadd.s32 $0x80, s10;
	s14 =	simm.s32 @!p0 $0x40;
	[sflag:s12] =	ssyncset.done @!p0 $0x0  }
0x46: {  	[sflag:s12] =	ssyncadd.s32 @!p0 $0xFFFFE000  }
0x47: {  	[tilespmem:s13], [sflag:s11] =	stream.indirect.gather @!p0 [hbm4b:s1+s14], $0x80, s7, s14, $0xb8;
	[tilespmem:$0x1E800] =	vst v63  }
0x48: {  	_ =	swait.ge [sflag:s30], $0x2000  }
0x49: {  	[sflag:s30] =	ssyncset.done $0x0  }
0x4a: {  	[sflag:s30] =	ssyncadd.s32 $0xFFFFE000  }
0x4b: {  	_ =	swait.ge [sflag:s31], $0x2000  }
0x4c: {  	[sflag:s31] =	ssyncset.done $0x0  }
0x4d: {  	[sflag:s31] =	ssyncadd.s32 $0xFFFFE000  }
0x4e: {  	_ =	swait.ge [sflag:s0], $0x2000  }
0x4f: {  	[sflag:s0] =	ssyncset.done $0x0  }
0x50: {  	[sflag:s0] =	ssyncadd.s32 $0xFFFFE000  }
0x51: {  	_ =	swait.ge [sflag:s3], $0x2000  }
0x52: {  	[sflag:s3] =	ssyncset.done $0x0  }
0x53: {  	s11 =	rddreg [dreg:$0x7];
	[sflag:s3] =	ssyncadd.s32 $0xFFFFE000  }
0x54: {  	[tilespmem:s4], [sflag:$0x9] =	stream.linear.gather [hbm4b:s11+s4], $0x1400, $0x38;
	[tilespmem:$0x1E800] =	vst v63  }
0x55: {  	_ =	swait.ge [sflag:s18], $0x1400  }
0x56: {  	[sflag:s18] =	ssyncset.done $0x0  }
0x57: {  	s12 =	rddreg [dreg:$0x8];
	[sflag:s18] =	ssyncadd.s32 $0xFFFFEC00  }
0x58: {  	[tilespmem:s19], [sflag:$0x9] =	stream.linear.gather [hbm4b:s12+s4], $0x1400, $0x38;
	[tilespmem:$0x1E800] =	vst v63  }
0x59: {  	_ =	swait.ge [sflag:s18], $0x1400  }
0x5a: {  	[sflag:s18] =	ssyncset.done $0x0  }
0x5b: {  	[sflag:s18] =	ssyncadd.s32 $0xFFFFEC00  }
0x5c: {  	[tilespmem:s21], [sflag:$0x1] =	stream.indirect.gather [hbm4b:s1+s20], $0x80, s4, s20, $0xb8;
	[tilespmem:$0x1E800] =	vst v63  }
0x5d: {  	_ = 	snop  }
0x5e: {  	[tilespmem:s23], [sflag:$0x2] =	stream.indirect.gather [hbm4b:s1+s20], $0x80, s22, s20, $0xb8;
	[tilespmem:$0x1E800] =	vst v63  }
0x5f: {  	_ = 	snop  }
0x60: {  	[tilespmem:s25], [sflag:$0x3] =	stream.indirect.gather [hbm4b:s1+s20], $0x80, s24, s20, $0xb8;
	[tilespmem:$0x1E800] =	vst v63  }
0x61: {  	_ =	swait.ge [sflag:s26], $0x2000  }
0x62: {  	s13 =	simm.s32 $0x1;
	[sflag:s26] =	ssyncset.done $0x0  }
0x63: {  	s9 =	simm.s32 $0x4;
	s10 =	sand.u32 $0x3, s13;
	[sflag:s26] =	ssyncadd.s32 $0xFFFFE000  }
0x64: {  	[spmem:s2] =	stream.indirect.scatter.add.f32 [tilespmem:s21], [sflag:$0x5], $0x80, s19, s20, $0xb8;
	[tilespmem:$0x1E800] =	vst v63  }
0x65: {  	s8 =	simm.s32 $0x5;
	p0 =	por $0x0, $0x0;
	s14 =	sadd.s32 $0x1, s10  }
0x66: {  	[tilespmem:s29], [sflag:$0x4] =	stream.indirect.gather [hbm4b:s1+s20], $0x80, s28, s20, $0xb8;
	[tilespmem:$0x1E800] =	vst v63  }
0x67: {  	s7 =	simm.s32 $0x200;
	s9 =	sand.u32 @!p0 $0x3, s9;
	_ =	swait.ge [sflag:s14], $0x2000  }
0x68: {  	s15 =	sshll.u32 s10, $0xD;
	s10 =	sadd.s32 $0x5, s10;
	[sflag:s14] =	ssyncset.done $0x0  }
0x69: {  	s13 =	sadd.s32 $0x2800, s15;
	s11 =	simm.s32 $0x1480;
	[sflag:s14] =	ssyncadd.s32 $0xFFFFE000  }
0x6a: {  	[spmem:s2] =	stream.indirect.scatter.add.f32 [tilespmem:s13], [sflag:s10], $0x80, s11, s20, $0xb8;
	[tilespmem:$0x1E800] =	vst v63  }
0x6b: {  	s12 =	sadd.s32 @!p0 $0x5, s9;
	s14 =	simm.s32 @!p0 $0x40;
	s10 =	sshll.u32 @!p0 s9, $0xD  }
0x6c: {  	s11 =	sadd.s32 @!p0 $0x1, s9;
	s9 =	simm.s32 $0x1500;
	_ =	swait.ge @!p0 [sflag:s12], $0x2000  }
0x6d: {  	s13 =	sadd.s32 @!p0 $0x2800, s10;
	s10 =	simm.s32 $0x280;
	[sflag:s12] =	ssyncset.done @!p0 $0x0  }
.LBB2_4:
0x6e: {  	s15 =	sadd.s32 $0xFFFFFFFD, s8  }
0x6f: {  	[sflag:s12] =	ssyncadd.s32 @!p0 $0xFFFFE000;
	s12 =	smov.u32 s8;
	s8 =	sadd.s32 $0x1, s8  }
0x70: {  	[tilespmem:s13], [sflag:s11] =	stream.indirect.gather @!p0 [hbm4b:s1+s14], $0x80, s7, s14, $0xb8;
	[tilespmem:$0x1E800] =	vst v63  }
0x71: {  	s11 =	sand.u32 $0x3, s15;
	p1 =	sne.s32 s8, $0x2B;
	s7 =	smov.u32 s10  }
0x72: {  	s13 =	sshll.u32 s11, $0xD;
	s14 =	sadd.s32 $0x1, s11  }
0x73: {  	p0 =	sgt.u32 s15, $0x24;
	_ =	swait.ge [sflag:s14], $0x2000  }
0x74: {  	s11 =	sadd.s32 $0x5, s11;
	s13 =	sadd.s32 $0x2800, s13;
	[sflag:s14] =	ssyncset.done $0x0  }
.Ltmp1:
0x75: {  	[sflag:s14] =	ssyncadd.s32 $0xFFFFE000;
	s14 =	sand.u32 @!p0 $0x3, s12;
	(pc) =	sbr.rel @p1 .LBB2_4-.Ltmp1, $4  }
0x76: {  	[spmem:s2] =	stream.indirect.scatter.add.f32 [tilespmem:s13], [sflag:s11], $0x80, s9, s20, $0xb8;
	[tilespmem:$0x1E800] =	vst v63  }
0x77: {  	s12 =	sadd.s32 @!p0 $0x5, s14;
	s13 =	sshll.u32 @!p0 s14, $0xD;
	s11 =	sadd.s32 @!p0 $0x1, s14  }
0x78: {  	s9 =	sadd.s32 $0x80, s9;
	s13 =	sadd.s32 @!p0 $0x2800, s13;
	_ =	swait.ge @!p0 [sflag:s12], $0x2000  }
0x79: {  	s10 =	sadd.s32 $0x80, s10;
	s14 =	simm.s32 @!p0 $0x40;
	[sflag:s12] =	ssyncset.done @!p0 $0x0  }
0x7a: {  	[sflag:s12] =	ssyncadd.s32 @!p0 $0xFFFFE000  }
0x7b: {  	[tilespmem:s13], [sflag:s11] =	stream.indirect.gather @!p0 [hbm4b:s1+s14], $0x80, s7, s14, $0xb8;
	[tilespmem:$0x1E800] =	vst v63  }
0x7c: {  	_ =	swait.ge [sflag:s30], $0x2000  }
0x7d: {  	[sflag:s30] =	ssyncset.done $0x0  }
0x7e: {  	[sflag:s30] =	ssyncadd.s32 $0xFFFFE000  }
0x7f: {  	_ =	swait.ge [sflag:s31], $0x2000  }
0x80: {  	[sflag:s31] =	ssyncset.done $0x0  }
0x81: {  	[sflag:s31] =	ssyncadd.s32 $0xFFFFE000  }
0x82: {  	_ =	swait.ge [sflag:s0], $0x2000  }
0x83: {  	[sflag:s0] =	ssyncset.done $0x0  }
0x84: {  	[sflag:s0] =	ssyncadd.s32 $0xFFFFE000  }
0x85: {  	_ =	swait.ge [sflag:s3], $0x2000  }
0x86: {  	[sflag:s3] =	ssyncset.done $0x0  }
0x87: {  	s11 =	rddreg [dreg:$0x9];
	[sflag:s3] =	ssyncadd.s32 $0xFFFFE000  }
0x88: {  	[tilespmem:s4], [sflag:$0x9] =	stream.linear.gather [hbm4b:s11+s4], $0x1400, $0x38;
	[tilespmem:$0x1E800] =	vst v63  }
0x89: {  	_ =	swait.ge [sflag:s18], $0x1400  }
0x8a: {  	[sflag:s18] =	ssyncset.done $0x0  }
0x8b: {  	s12 =	rddreg [dreg:$0xa];
	[sflag:s18] =	ssyncadd.s32 $0xFFFFEC00  }
0x8c: {  	[tilespmem:s19], [sflag:$0x9] =	stream.linear.gather [hbm4b:s12+s4], $0x1400, $0x38;
	[tilespmem:$0x1E800] =	vst v63  }
0x8d: {  	_ =	swait.ge [sflag:s18], $0x1400  }
0x8e: {  	[sflag:s18] =	ssyncset.done $0x0  }
0x8f: {  	[sflag:s18] =	ssyncadd.s32 $0xFFFFEC00  }
0x90: {  	[tilespmem:s21], [sflag:$0x1] =	stream.indirect.gather [hbm4b:s1+s20], $0x80, s4, s20, $0xb8;
	[tilespmem:$0x1E800] =	vst v63  }
0x91: {  	_ = 	snop  }
0x92: {  	[tilespmem:s23], [sflag:$0x2] =	stream.indirect.gather [hbm4b:s1+s20], $0x80, s22, s20, $0xb8;
	[tilespmem:$0x1E800] =	vst v63  }
0x93: {  	_ = 	snop  }
0x94: {  	[tilespmem:s25], [sflag:$0x3] =	stream.indirect.gather [hbm4b:s1+s20], $0x80, s24, s20, $0xb8;
	[tilespmem:$0x1E800] =	vst v63  }
0x95: {  	_ =	swait.ge [sflag:s26], $0x2000  }
0x96: {  	s13 =	simm.s32 $0x1;
	[sflag:s26] =	ssyncset.done $0x0  }
0x97: {  	s9 =	simm.s32 $0x4;
	s10 =	sand.u32 $0x3, s13;
	[sflag:s26] =	ssyncadd.s32 $0xFFFFE000  }
0x98: {  	[spmem:s2] =	stream.indirect.scatter.add.f32 [tilespmem:s21], [sflag:$0x5], $0x80, s19, s20, $0xb8;
	[tilespmem:$0x1E800] =	vst v63  }
0x99: {  	s8 =	simm.s32 $0x5;
	p0 =	por $0x0, $0x0;
	s14 =	sadd.s32 $0x1, s10  }
0x9a: {  	[tilespmem:s29], [sflag:$0x4] =	stream.indirect.gather [hbm4b:s1+s20], $0x80, s28, s20, $0xb8;
	[tilespmem:$0x1E800] =	vst v63  }
0x9b: {  	s7 =	simm.s32 $0x200;
	s9 =	sand.u32 @!p0 $0x3, s9;
	_ =	swait.ge [sflag:s14], $0x2000  }
0x9c: {  	s15 =	sshll.u32 s10, $0xD;
	s10 =	sadd.s32 $0x5, s10;
	[sflag:s14] =	ssyncset.done $0x0  }
0x9d: {  	s13 =	sadd.s32 $0x2800, s15;
	s11 =	simm.s32 $0x1480;
	[sflag:s14] =	ssyncadd.s32 $0xFFFFE000  }
0x9e: {  	[spmem:s2] =	stream.indirect.scatter.add.f32 [tilespmem:s13], [sflag:s10], $0x80, s11, s20, $0xb8;
	[tilespmem:$0x1E800] =	vst v63  }
0x9f: {  	s12 =	sadd.s32 @!p0 $0x5, s9;
	s14 =	simm.s32 @!p0 $0x40;
	s10 =	sshll.u32 @!p0 s9, $0xD  }
0xa0: {  	s11 =	sadd.s32 @!p0 $0x1, s9;
	s9 =	simm.s32 $0x1500;
	_ =	swait.ge @!p0 [sflag:s12], $0x2000  }
0xa1: {  	s13 =	sadd.s32 @!p0 $0x2800, s10;
	s10 =	simm.s32 $0x280;
	[sflag:s12] =	ssyncset.done @!p0 $0x0  }
.LBB2_6:
0xa2: {  	s15 =	sadd.s32 $0xFFFFFFFD, s8  }
0xa3: {  	[sflag:s12] =	ssyncadd.s32 @!p0 $0xFFFFE000;
	s12 =	smov.u32 s8;
	s8 =	sadd.s32 $0x1, s8  }
0xa4: {  	[tilespmem:s13], [sflag:s11] =	stream.indirect.gather @!p0 [hbm4b:s1+s14], $0x80, s7, s14, $0xb8;
	[tilespmem:$0x1E800] =	vst v63  }
0xa5: {  	s11 =	sand.u32 $0x3, s15;
	p1 =	sne.s32 s8, $0x2B;
	s7 =	smov.u32 s10  }
0xa6: {  	s13 =	sshll.u32 s11, $0xD;
	s14 =	sadd.s32 $0x1, s11  }
0xa7: {  	p0 =	sgt.u32 s15, $0x24;
	_ =	swait.ge [sflag:s14], $0x2000  }
0xa8: {  	s11 =	sadd.s32 $0x5, s11;
	s13 =	sadd.s32 $0x2800, s13;
	[sflag:s14] =	ssyncset.done $0x0  }
.Ltmp2:
0xa9: {  	[sflag:s14] =	ssyncadd.s32 $0xFFFFE000;
	s14 =	sand.u32 @!p0 $0x3, s12;
	(pc) =	sbr.rel @p1 .LBB2_6-.Ltmp2, $4  }
0xaa: {  	[spmem:s2] =	stream.indirect.scatter.add.f32 [tilespmem:s13], [sflag:s11], $0x80, s9, s20, $0xb8;
	[tilespmem:$0x1E800] =	vst v63  }
0xab: {  	s12 =	sadd.s32 @!p0 $0x5, s14;
	s13 =	sshll.u32 @!p0 s14, $0xD;
	s11 =	sadd.s32 @!p0 $0x1, s14  }
0xac: {  	s9 =	sadd.s32 $0x80, s9;
	s13 =	sadd.s32 @!p0 $0x2800, s13;
	_ =	swait.ge @!p0 [sflag:s12], $0x2000  }
0xad: {  	s10 =	sadd.s32 $0x80, s10;
	s14 =	simm.s32 @!p0 $0x40;
	[sflag:s12] =	ssyncset.done @!p0 $0x0  }
0xae: {  	[sflag:s12] =	ssyncadd.s32 @!p0 $0xFFFFE000  }
0xaf: {  	[tilespmem:s13], [sflag:s11] =	stream.indirect.gather @!p0 [hbm4b:s1+s14], $0x80, s7, s14, $0xb8;
	[tilespmem:$0x1E800] =	vst v63  }
0xb0: {  	_ =	swait.ge [sflag:s30], $0x2000  }
0xb1: {  	[sflag:s30] =	ssyncset.done $0x0  }
0xb2: {  	[sflag:s30] =	ssyncadd.s32 $0xFFFFE000  }
0xb3: {  	_ =	swait.ge [sflag:s31], $0x2000  }
0xb4: {  	[sflag:s31] =	ssyncset.done $0x0  }
0xb5: {  	[sflag:s31] =	ssyncadd.s32 $0xFFFFE000  }
0xb6: {  	_ =	swait.ge [sflag:s0], $0x2000  }
0xb7: {  	[sflag:s0] =	ssyncset.done $0x0  }
0xb8: {  	[sflag:s0] =	ssyncadd.s32 $0xFFFFE000  }
0xb9: {  	_ =	swait.ge [sflag:s3], $0x2000  }
0xba: {  	[sflag:s3] =	ssyncset.done $0x0  }
0xbb: {  	s11 =	rddreg [dreg:$0xb];
	[sflag:s3] =	ssyncadd.s32 $0xFFFFE000  }
0xbc: {  	[tilespmem:s4], [sflag:$0x9] =	stream.linear.gather [hbm4b:s11+s4], $0x1400, $0x38;
	[tilespmem:$0x1E800] =	vst v63  }
0xbd: {  	_ =	swait.ge [sflag:s18], $0x1400  }
0xbe: {  	[sflag:s18] =	ssyncset.done $0x0  }
0xbf: {  	s12 =	rddreg [dreg:$0xc];
	[sflag:s18] =	ssyncadd.s32 $0xFFFFEC00  }
0xc0: {  	[tilespmem:s19], [sflag:$0x9] =	stream.linear.gather [hbm4b:s12+s4], $0x1400, $0x38;
	[tilespmem:$0x1E800] =	vst v63  }
0xc1: {  	_ =	swait.ge [sflag:s18], $0x1400  }
0xc2: {  	[sflag:s18] =	ssyncset.done $0x0  }
0xc3: {  	[sflag:s18] =	ssyncadd.s32 $0xFFFFEC00  }
0xc4: {  	[tilespmem:s21], [sflag:$0x1] =	stream.indirect.gather [hbm4b:s1+s20], $0x80, s4, s20, $0xb8;
	[tilespmem:$0x1E800] =	vst v63  }
0xc5: {  	_ = 	snop  }
0xc6: {  	[tilespmem:s23], [sflag:$0x2] =	stream.indirect.gather [hbm4b:s1+s20], $0x80, s22, s20, $0xb8;
	[tilespmem:$0x1E800] =	vst v63  }
0xc7: {  	_ = 	snop  }
0xc8: {  	[tilespmem:s25], [sflag:$0x3] =	stream.indirect.gather [hbm4b:s1+s20], $0x80, s24, s20, $0xb8;
	[tilespmem:$0x1E800] =	vst v63  }
0xc9: {  	_ =	swait.ge [sflag:s26], $0x2000  }
0xca: {  	s13 =	simm.s32 $0x1;
	[sflag:s26] =	ssyncset.done $0x0  }
0xcb: {  	s9 =	simm.s32 $0x4;
	s10 =	sand.u32 $0x3, s13;
	[sflag:s26] =	ssyncadd.s32 $0xFFFFE000  }
0xcc: {  	[spmem:s2] =	stream.indirect.scatter.add.f32 [tilespmem:s21], [sflag:$0x5], $0x80, s19, s20, $0xb8;
	[tilespmem:$0x1E800] =	vst v63  }
0xcd: {  	s8 =	simm.s32 $0x5;
	p0 =	por $0x0, $0x0;
	s14 =	sadd.s32 $0x1, s10  }
0xce: {  	[tilespmem:s29], [sflag:$0x4] =	stream.indirect.gather [hbm4b:s1+s20], $0x80, s28, s20, $0xb8;
	[tilespmem:$0x1E800] =	vst v63  }
0xcf: {  	s7 =	simm.s32 $0x200;
	s9 =	sand.u32 @!p0 $0x3, s9;
	_ =	swait.ge [sflag:s14], $0x2000  }
0xd0: {  	s15 =	sshll.u32 s10, $0xD;
	s10 =	sadd.s32 $0x5, s10;
	[sflag:s14] =	ssyncset.done $0x0  }
0xd1: {  	s13 =	sadd.s32 $0x2800, s15;
	s11 =	simm.s32 $0x1480;
	[sflag:s14] =	ssyncadd.s32 $0xFFFFE000  }
0xd2: {  	[spmem:s2] =	stream.indirect.scatter.add.f32 [tilespmem:s13], [sflag:s10], $0x80, s11, s20, $0xb8;
	[tilespmem:$0x1E800] =	vst v63  }
0xd3: {  	s12 =	sadd.s32 @!p0 $0x5, s9;
	s14 =	simm.s32 @!p0 $0x40;
	s10 =	sshll.u32 @!p0 s9, $0xD  }
0xd4: {  	s11 =	sadd.s32 @!p0 $0x1, s9;
	s9 =	simm.s32 $0x1500;
	_ =	swait.ge @!p0 [sflag:s12], $0x2000  }
0xd5: {  	s13 =	sadd.s32 @!p0 $0x2800, s10;
	s10 =	simm.s32 $0x280;
	[sflag:s12] =	ssyncset.done @!p0 $0x0  }
.LBB2_8:
0xd6: {  	s15 =	sadd.s32 $0xFFFFFFFD, s8  }
0xd7: {  	[sflag:s12] =	ssyncadd.s32 @!p0 $0xFFFFE000;
	s12 =	smov.u32 s8;
	s8 =	sadd.s32 $0x1, s8  }
0xd8: {  	[tilespmem:s13], [sflag:s11] =	stream.indirect.gather @!p0 [hbm4b:s1+s14], $0x80, s7, s14, $0xb8;
	[tilespmem:$0x1E800] =	vst v63  }
0xd9: {  	s11 =	sand.u32 $0x3, s15;
	p1 =	sne.s32 s8, $0x2B;
	s7 =	smov.u32 s10  }
0xda: {  	s13 =	sshll.u32 s11, $0xD;
	s14 =	sadd.s32 $0x1, s11  }
0xdb: {  	p0 =	sgt.u32 s15, $0x24;
	_ =	swait.ge [sflag:s14], $0x2000  }
0xdc: {  	s11 =	sadd.s32 $0x5, s11;
	s13 =	sadd.s32 $0x2800, s13;
	[sflag:s14] =	ssyncset.done $0x0  }
.Ltmp3:
0xdd: {  	[sflag:s14] =	ssyncadd.s32 $0xFFFFE000;
	s14 =	sand.u32 @!p0 $0x3, s12;
	(pc) =	sbr.rel @p1 .LBB2_8-.Ltmp3, $4  }
0xde: {  	[spmem:s2] =	stream.indirect.scatter.add.f32 [tilespmem:s13], [sflag:s11], $0x80, s9, s20, $0xb8;
	[tilespmem:$0x1E800] =	vst v63  }
0xdf: {  	s12 =	sadd.s32 @!p0 $0x5, s14;
	s13 =	sshll.u32 @!p0 s14, $0xD;
	s11 =	sadd.s32 @!p0 $0x1, s14  }
0xe0: {  	s9 =	sadd.s32 $0x80, s9;
	s13 =	sadd.s32 @!p0 $0x2800, s13;
	_ =	swait.ge @!p0 [sflag:s12], $0x2000  }
0xe1: {  	s10 =	sadd.s32 $0x80, s10;
	s14 =	simm.s32 @!p0 $0x40;
	[sflag:s12] =	ssyncset.done @!p0 $0x0  }
0xe2: {  	[sflag:s12] =	ssyncadd.s32 @!p0 $0xFFFFE000  }
0xe3: {  	[tilespmem:s13], [sflag:s11] =	stream.indirect.gather @!p0 [hbm4b:s1+s14], $0x80, s7, s14, $0xb8;
	[tilespmem:$0x1E800] =	vst v63  }
0xe4: {  	_ =	swait.ge [sflag:s30], $0x2000  }
0xe5: {  	[sflag:s30] =	ssyncset.done $0x0  }
0xe6: {  	[sflag:s30] =	ssyncadd.s32 $0xFFFFE000  }
0xe7: {  	_ =	swait.ge [sflag:s31], $0x2000  }
0xe8: {  	[sflag:s31] =	ssyncset.done $0x0  }
0xe9: {  	[sflag:s31] =	ssyncadd.s32 $0xFFFFE000  }
0xea: {  	_ =	swait.ge [sflag:s0], $0x2000  }
0xeb: {  	[sflag:s0] =	ssyncset.done $0x0  }
0xec: {  	[sflag:s0] =	ssyncadd.s32 $0xFFFFE000  }
0xed: {  	_ =	swait.ge [sflag:s3], $0x2000  }
0xee: {  	[sflag:s3] =	ssyncset.done $0x0  }
0xef: {  	s5 =	sadd.s32 $0x1, s5;
	[sflag:s3] =	ssyncadd.s32 $0xFFFFE000  }
0xf0: {  	p0 =	sne.s32 s5, s16;
	[bflag:$0x0] =	sbarrier.arrive $0xFFFF  }
.Ltmp4:
0xf1: {  	s15 =	rddreg [dreg:$0xd];
	(pc) =	sbr.rel @p0 .LBB2_1-.Ltmp4, $4  }
0xf2: {  	[hbm:s15], [sflag:s6] =	dma.local [spmem:s17], $0x2800  }
0xf3: {  	_ =	swait.ge [sflag:s18], $0x2800  }
0xf4: {  	[sflag:s18] =	ssyncset.done $0x0  }
0xf5: {  	[sflag:s18] =	ssyncadd.s32 $0xFFFFD800  }
0xf6: {  	_ =	sfence.sel $0x180000  }
0xf7: {  	[bflag:$0x0] =	sbarrier.arrive $0xFFFF  }
0xf8: {  	_ =	strace $0x9000004D  }
0xf9: {  	s0 =	stileid.u32;
	[bflag:$0x2] =	sbarrier.arrive $0xFFFF  }
0xfa: {  	p0 =	sne.s32 s0, $0x0;
	s0 =	rddreg [dreg:$0x3]  }
0xfb: {  	s0 =	sadd.s32 @!p0 $0x100000, s0  }
0xfc: {  	[sflag:s0] =	ssyncadd.tile.s32 @!p0 $0x1;
	_ =	shalt  }
.Lfunc_end2:
_tile_overlayer_lowered:
.L_overlay_start_2:
0xfd: {  	(tag) =	ssettag $0x2  }
0xfe: {  	s0 =	rddreg [dreg:$0x0];
	s2 =	stileid.u32  }
0xff: {  	s1 =	rddreg [dreg:$0x1];
	p0 =	sne.s32 s2, $0x0  }
0x100: {  	s3 =	rddreg [dreg:$0x2];
	[bflag:$0x3] =	sbarrier.arrive $0xFFFF;
	s2 =	simm.s32 @!p0 $0x1C09  }
0x101: {  	[timem:s3], [sflag:s2] =	dma.local @!p0 [hbm:s0], s1  }
0x102: {  	s0 =	simm.s32 @!p0 $0x9  }
0x103: {  	_ =	swait.ge @!p0 [sflag:s0], s1  }
0x104: {  	s1 =	ssub.s32 @!p0 $0x0, s1;
	[sflag:s0] =	ssyncset.done @!p0 $0x0  }
0x105: {  	[sflag:s0] =	ssyncadd.s32 @!p0 s1  }
0x106: {  	[bflag:$0x3] =	sbarrier.arrive $0xFFFF  }
0x107: {  	_ =	shalt  }

// kernel: kernel.8.cloned.1.call-start
scs
__scs_entry_jumppad:
0x0: {  	(pc) =	sbr.rel $0x88, $3  }
0x1: {  	(tag) =	ssettag $0x0;
	lr =	simm.s32 $0x1  }
0x2: {  	[smem:$0x3F99] =	sst lr;
	_ =	strace $0xD0000000  }
0x3: {  	_ = 	snop  }
0x4: {  	_ = 	snop  }
0x5: {  	_ = 	snop  }
0x6: {  	_ = 	snop  }
0x7: {  	_ = 	snop  }
__scs_overlays_trampoline_lowered:
0x8: {  	[smem:$0x3FA8] =	sst s0  }
0x9: {  	[smem:$0x3FA9] =	sst s1  }
0xa: {  	[smem:$0x3FAA] =	sst s2  }
0xb: {  	[smem:$0x3FAB] =	sst s3  }
0xc: {  	[smem:$0x3FAC] =	sst s4  }
0xd: {  	[smem:$0x3FAD] =	sst s5  }
0xe: {  	[smem:$0x3FAE] =	sst s6  }
0xf: {  	[smem:$0x3FAF] =	sst s7  }
0x10: {  	[smem:$0x3FB0] =	sst s8  }
0x11: {  	[smem:$0x3FB1] =	sst s9;
	s0 =	simm.s32 @!p0 $0x0  }
0x12: {  	s1 =	sld [smem:$0x3F97];
	s0 =	simm.s32 @p0 $0x1  }
0x13: {  	[smem:$0x3FB2] =	sst s0;
	s0 =	simm.s32 @!p1 $0x0  }
0x14: {  	s2 =	sld [smem:$0x3F96];
	s0 =	simm.s32 @p1 $0x1  }
0x15: {  	[smem:$0x3FB3] =	sst s0;
	s0 =	simm.s32 @!p2 $0x0  }
0x16: {  	s3 =	sld [smem:$0x3FDB];
	s0 =	simm.s32 @p2 $0x1  }
0x17: {  	s4 =	simm.s32 $0x1BF5;
	[smem:$0x3FB5] =	sst s0  }
0x18: {  	s0 =	sld [smem:$0x3F98];
	_ =	swait.ge [sflag:s4], $0x0  }
0x19: {  	s7 =	sld [smem:$0x3F99]  }
0x1a: {  	s8 =	sadd.s32 $0xFFFFE003, lr  }
0x1b: {  	s9 =	sadd.s32 $0xFFFFFEF7, lr;
	s5 =	simm.s32 $0xFFFFFFFF;
	p2 =	slt.u32 s8, $0xFFFFF086  }
0x1c: {  	p1 =	slt.u32 s9, $0xF7A;
	s5 =	simm.s32 @!p2 $0x0  }
0x1d: {  	s5 =	simm.s32 @p1 $0x1;
	p0 =	seq.s32 s7, s2  }
0x1e: {  	s7 =	smul.u32 @!p0 $0xF7A, s2;
	p2 =	seq.s32 @!p0 s5, $0x0  }
0x1f: {  	s9 =	smul.u32 $0xF7A, s1;
	s8 =	simm.s32 @!p0 $0x1BF5;
	p2 =	por !p2, p0  }
0x20: {  	[sflag:s8] =	ssyncset.s32 @!p0 $0xFFFFF086;
	s6 =	sadd.s32 @!p0 s3, s7;
	s7 =	simm.s32 @!p0 $0x108  }
0x21: {  	s3 =	sadd.s32 s3, s9;
	s6 =	sadd.s32 @!p0 $0x88, s6;
	s7 =	simm.s32 @p2 $0x1082  }
0x22: {  	[simem:s7], [sflag:s8] =	dma.local @!p0 [hbm:s6], $0xF7A  }
0x23: {  	s9 =	sor.u32 $0xD0000000, s2;
	s6 =	simm.s32 $0x108;
	_ =	swait.ge @!p0 [sflag:s8], $0x0  }
0x24: {  	s3 =	sadd.s32 $0x88, s3;
	s6 =	simm.s32 @!p1 $0x1082;
	[sflag:s4] =	ssyncset.s32 $0xFFFFF086  }
0x25: {  	[simem:s6], [sflag:s4] =	dma.local [hbm:s3], $0xF7A  }
0x26: {  	[smem:$0x3F99] =	sst s1;
	(tag) =	ssettag s2;
	_ =	strace s9  }
0x27: {  	s1 =	sld [smem:$0x3FA9]  }
0x28: {  	s2 =	sld [smem:$0x3FAA]  }
0x29: {  	s4 =	sld [smem:$0x3FAC]  }
0x2a: {  	p0 =	seq.s32 s5, $0x0;
	s5 =	sld [smem:$0x3FAD]  }
0x2b: {  	s6 =	sld [smem:$0x3FAE]  }
0x2c: {  	s7 =	sld [smem:$0x3FAF]  }
0x2d: {  	s3 =	simm.s32 $0x108;
	s8 =	sld [smem:$0x3FB0]  }
0x2e: {  	s3 =	simm.s32 @!p0 $0x1082;
	s9 =	sld [smem:$0x3FB1]  }
0x2f: {  	lr =	sadd.s32 s0, s3;
	s0 =	sld [smem:$0x3FA8]  }
0x30: {  	s3 =	sld [smem:$0x3FAB]  }
0x31: {  	[smem:$0x3FB4] =	sst s10  }
0x32: {  	s10 =	sld [smem:$0x3FB2];
	_ =	sdelay $0x3  }
0x33: {  	p0 =	seq.s32 s10, $0x1;
	s10 =	sld [smem:$0x3FB4];
	_ =	sdelay $0x3  }
0x34: {  	[smem:$0x3FB4] =	sst s10  }
0x35: {  	s10 =	sld [smem:$0x3FB3];
	_ =	sdelay $0x3  }
0x36: {  	p1 =	seq.s32 s10, $0x1;
	s10 =	sld [smem:$0x3FB4];
	_ =	sdelay $0x3  }
0x37: {  	[smem:$0x3FB4] =	sst s10  }
0x38: {  	s10 =	sld [smem:$0x3FB5]  }
0x39: {  	_ = 	snop;
	(pc) =	sbr.ind lr, $3  }
0x3a: {  	_ = 	snop  }
0x3b: {  	_ = 	snop  }
0x3c: {  	p2 =	seq.s32 s10, $0x1;
	s10 =	sld [smem:$0x3FB4]  }
0x3d: {  	_ =	shalt  }
0x3e: {  	_ =	shalt  }
0x3f: {  	_ =	shalt  }
0x40: {  	_ =	shalt  }
0x41: {  	_ =	shalt  }
0x42: {  	_ =	shalt  }
0x43: {  	_ =	shalt  }
0x44: {  	_ =	shalt  }
0x45: {  	_ =	shalt  }
0x46: {  	_ =	shalt  }
0x47: {  	_ =	shalt  }
0x48: {  	_ =	shalt  }
0x49: {  	_ =	shalt  }
0x4a: {  	_ =	shalt  }
0x4b: {  	_ =	shalt  }
0x4c: {  	_ =	shalt  }
0x4d: {  	_ =	shalt  }
0x4e: {  	_ =	shalt  }
0x4f: {  	_ =	shalt  }
0x50: {  	_ =	shalt  }
0x51: {  	_ =	shalt  }
0x52: {  	_ =	shalt  }
0x53: {  	_ =	shalt  }
0x54: {  	_ =	shalt  }
0x55: {  	_ =	shalt  }
0x56: {  	_ =	shalt  }
0x57: {  	_ =	shalt  }
0x58: {  	_ =	shalt  }
0x59: {  	_ =	shalt  }
0x5a: {  	_ =	shalt  }
0x5b: {  	_ =	shalt  }
0x5c: {  	_ =	shalt  }
0x5d: {  	_ =	shalt  }
0x5e: {  	_ =	shalt  }
0x5f: {  	_ =	shalt  }
0x60: {  	_ =	shalt  }
0x61: {  	_ =	shalt  }
0x62: {  	_ =	shalt  }
0x63: {  	_ =	shalt  }
0x64: {  	_ =	shalt  }
0x65: {  	_ =	shalt  }
0x66: {  	_ =	shalt  }
0x67: {  	_ =	shalt  }
0x68: {  	_ =	shalt  }
0x69: {  	_ =	shalt  }
0x6a: {  	_ =	shalt  }
0x6b: {  	_ =	shalt  }
0x6c: {  	_ =	shalt  }
0x6d: {  	_ =	shalt  }
0x6e: {  	_ =	shalt  }
0x6f: {  	_ =	shalt  }
0x70: {  	_ =	shalt  }
0x71: {  	_ =	shalt  }
0x72: {  	_ =	shalt  }
0x73: {  	_ =	shalt  }
0x74: {  	_ =	shalt  }
0x75: {  	_ =	shalt  }
0x76: {  	_ =	shalt  }
0x77: {  	_ =	shalt  }
0x78: {  	_ =	shalt  }
0x79: {  	_ =	shalt  }
0x7a: {  	_ =	shalt  }
0x7b: {  	_ =	shalt  }
0x7c: {  	_ =	shalt  }
0x7d: {  	_ =	shalt  }
0x7e: {  	_ =	shalt  }
0x7f: {  	_ =	shalt  }
0x80: {  	_ =	shalt  }
0x81: {  	_ =	shalt  }
0x82: {  	_ =	shalt  }
0x83: {  	_ =	shalt  }
0x84: {  	_ =	shalt  }
0x85: {  	_ =	shalt  }
0x86: {  	_ =	shalt  }
0x87: {  	_ =	shalt  }
.Lfunc_end0:
.L_simem_size_0:
called_computation_lowered:
.L_overlay_start_0:
0x88: {  	s2 =	sld [smem:$0x3FD9]  }
0x89: {  	s3 =	sld [smem:$0x3FFE];
	_ =	sdelay $0x1  }
0x8a: {  	s1 =	srdreg.scid  }
0x8b: {  	s0 =	sand.u32 $0x1, s1  }
0x8c: {  	s17 =	sshll.u32 s0, $0xA;
	s2 =	sadd.s32 s3, s2  }
0x8d: {  	s2 =	sadd.s32 s2, s17  }
0x8e: {  	[smem:$0x3FC0] =	sst s2  }
0x8f: {  	_ = 	snop  }
0x90: {  	s2 =	sld [smem:$0x3FC9];
	(tm) =	ssettm $0x1  }
0x91: {  	s18 =	sld [smem:$0x3FFB];
	_ =	sdelay $0x3  }
0x92: {  	_ =	strace s18  }
0x93: {  	s3 =	sld [smem:$0x3FFC];
	_ =	sdelay $0x3  }
0x94: {  	_ =	strace s3  }
0x95: {  	s3 =	sld [smem:$0x3FFD];
	_ =	sdelay $0x3  }
0x96: {  	_ =	strace s3  }
0x97: {  	_ =	strace $0x8FFFFFFF  }
0x98: {  	s19 =	sld [smem:$0x3FDB];
	_ =	sdelay $0x1  }
0x99: {  	s4 =	simm.s32 $_scs_section_size  }
0x9a: {  	s5 =	simm.s32 $_size__tile_overlayer_lowered;
	s6 =	simm.s32 $_tile_overlayer_lowered  }
0x9b: {  	s22 =	simm.s32 $0x1BFF;
	s21 =	sshll.u32 s6, $0x1;
	s3 =	sadd.s32 s4, s19  }
0x9c: {  	s7 =	simm.s32 $0x0;
	s20 =	sshll.u32 s5, $0x1;
	s5 =	sadd.s32 s21, s3  }
0x9d: {  	[timem:s7], [sflag:s22] =	dma.local [hbm:s5], s20  }
0x9e: {  	_ =	swait.ge [sflag:s22], s20  }
0x9f: {  	s4 =	ssub.s32 $0x0, s20;
	[sflag:s22] =	ssyncset.done $0x0  }
0xa0: {  	[sflag:s22] =	ssyncadd.s32 s4;
	_ =	sdelay $0x1  }
0xa1: {  	s23 =	simm.s32 $0x1B8B  }
0xa2: {  	_ =	swait.ge [sflag:s23], $0x1  }
0xa3: {  	[sflag:s23] =	ssyncset.done $0x0  }
0xa4: {  	s25 =	simm.s32 $0x1B8E;
	s24 =	sld [smem:$0x3FFE];
	[sflag:s23] =	ssyncadd.s32 $0xFFFFFFFF  }
0xa5: {  	s26 =	simm.s32 $execute0_lowered;
	[smem:$0x3FD2] =	sst s25  }
0xa6: {  	s5 =	sshll.u32 s26, $0x1;
	_ =	strace $0x80000046;
	[dreg:$0x1] =	wrdreg $0xFFFFFFFF  }
0xa7: {  	s28 =	simm.s32 $_size_execute0_lowered;
	s3 =	sadd.s32 s3, s5;
	[dreg:$0x0] =	wrdreg $0x0  }
0xa8: {  	s5 =	sshll.u32 s28, $0x1;
	[dreg:$0x2] =	wrdreg s3  }
0xa9: {  	[dreg:$0x3] =	wrdreg s5  }
0xaa: {  	[dreg:$0x4] =	wrdreg $0xC0  }
0xab: {  	_ =	task [dreg:s7], $0x5FFFF  }
0xac: {  	[dreg:$0x1] =	wrdreg $0xFFFFFFFF  }
0xad: {  	[dreg:$0x0] =	wrdreg $0x60  }
0xae: {  	[dreg:$0x2] =	wrdreg s2  }
0xaf: {  	[dreg:$0x3] =	wrdreg s24  }
0xb0: {  	[dreg:$0x4] =	wrdreg $0xA8000  }
0xb1: {  	[dreg:$0x5] =	wrdreg $0x9  }
0xb2: {  	_ =	task.clear_ibuf [dreg:s7], $0x6FFFF;
	_ =	strace $0x90000046  }
0xb3: {  	s29 =	simm.s32 $0x9;
	_ =	strace $0x80000048  }
0xb4: {  	_ =	swait.ge [sflag:s29], $0x1  }
0xb5: {  	[sflag:s29] =	ssyncadd.s32 $0xFFFFFFFF  }
0xb6: {  	_ =	strace $0x90000048  }
0xb7: {  	_ =	sfence  }
0xb8: {  	s30 =	sld [smem:$0x0];
	_ =	sdelay $0x2  }
0xb9: {  	s31 =	sshll.u32 s1, $0xD;
	s1 =	sshrl.u32 s1, $0x2  }
0xba: {  	s3 =	sand.u32 $0x4000, s31;
	s1 =	sadd.s32 s1, s30  }
0xbb: {  	s0 =	sor.u32 s3, s0;
	s1 =	sshll.u32 s1, $0x11  }
0xbc: {  	s0 =	sor.u32 s1, s0  }
0xbd: {  	s0 =	sadd.s32 $0x8F2B, s0  }
0xbe: {  	[sflag:s0] =	ssyncadd.remote.s32 $0x1  }
0xbf: {  	_ =	sfence.sel $0xFFFF  }
0xc0: {  	[dreg:$0x0] =	wrdreg $0xFFFFFFFF;
	(pc) =	sbr.abs _section_cstart, $3  }
0xc1: {  	[dreg:$0x1] =	wrdreg $0xFFFFFFFF  }
0xc2: {  	_ =	task.clear_ibuf [dreg:s7], $0x2FFFF;
	_ =	strace $0x9FFFFFFF  }
0xc3: {  	(tm) =	ssettm $0x7FFFFFFF  }
tec
execute0_lowered:
.L_overlay_start_1:
0x0: {  	(tag) =	ssettag $0x1  }
0x1: {  	s1 =	rddreg [dreg:$0x0]  }
0x2: {  	s0 =	rddreg [dreg:$0x1]  }
0x3: {  	s2 =	rddreg [dreg:$0x2]  }
0x4: {  	s3 =	srdreg.scid;
	s4 =	simm.s32 $0x0;
	s10 =	stileid.u32  }
0x5: {  	s28 =	simm.s32 $0x180;
	s29 =	simm.s32 $0x8800;
	s30 =	simm.s32 $0x5  }
0x6: {  	s31 =	simm.s32 $0x6;
	s3 =	sand.u32 $0x1, s3;
	[smem:$0x7FF] =	sst s4  }
0x7: {  	s6 =	smul.u32 $0x14000, s10;
	s7 =	sadd.s32 $0x3A00, s0;
	s8 =	sadd.s32 $0x17A00, s0  }
0x8: {  	s16 =	sadd.s32 $0x2BA00, s0;
	s17 =	sshll.u32 s10, $0x1;
	s18 =	smul.u32 $0x50000, s10  }
0x9: {  	s20 =	sshll.u32 s10, $0x6;
	s5 =	smul.u32 $0x140000, s3;
	_ =	strace $0x80000047  }
0xa: {  	[dreg:$0x4] =	wrdreg s16;
	s9 =	ssub.s32 $0x2, s3;
	s3 =	sor.u32 s3, s17  }
0xb: {  	s19 =	sshrl.u32 s9, $0x1;
	s3 =	smul.u32 $0x5000, s3;
	s5 =	sadd.s32 s6, s5  }
0xc: {  	s6 =	sshrl.u32 s18, $0x2;
	s18 =	simm.s32 $0x9;
	s5 =	sshrl.u32 s5, $0x3  }
0xd: {  	s21 =	sadd.s32 s6, s2;
	s6 =	sor.u32 $0x1C09, s20;
	s3 =	sshrl.u32 s3, $0x3  }
0xe: {  	s20 =	simm.s32 $0x40;
	s0 =	sadd.s32 s5, s0;
	s5 =	ssub.s32 s9, s19  }
0xf: {  	s22 =	sadd.s32 s7, s3;
	s23 =	sadd.s32 s8, s3;
	s24 =	sadd.s32 $0x280, s3  }
0x10: {  	s25 =	sadd.s32 $0x500, s3;
	s3 =	sadd.s32 $0x780, s3;
	s17 =	sshrl.u32 s21, $0x3  }
0x11: {  	s19 =	simm.s32 $0x1400;
	s21 =	simm.s32 $0x2800;
	[dreg:$0x5] =	wrdreg s22  }
0x12: {  	[dreg:$0x6] =	wrdreg s23;
	s11 =	sadd.s32 s7, s24;
	s9 =	sadd.s32 s8, s24  }
0x13: {  	s26 =	sadd.s32 s7, s25;
	s7 =	sadd.s32 s7, s3;
	[dreg:$0x7] =	wrdreg s11  }
0x14: {  	s3 =	sadd.s32 s8, s3;
	s0 =	sadd.s32 $0x2E200, s0;
	[dreg:$0x8] =	wrdreg s9  }
0x15: {  	s16 =	smax.u32 s5, $0x1;
	s22 =	simm.s32 $0x80;
	[dreg:$0x9] =	wrdreg s26  }
0x16: {  	s23 =	simm.s32 $0x4800;
	s24 =	simm.s32 $0x100;
	[dreg:$0xb] =	wrdreg s7  }
0x17: {  	s5 =	simm.s32 $0x0;
	s9 =	sadd.s32 s8, s25;
	[dreg:$0xc] =	wrdreg s3  }
0x18: {  	[dreg:$0xd] =	wrdreg s0;
	s25 =	simm.s32 $0x6800;
	s26 =	simm.s32 $0x1  }
0x19: {  	s0 =	simm.s32 $0x7;
	s3 =	simm.s32 $0x8;
	[dreg:$0xa] =	wrdreg s9  }
.LBB2_1:
0x1a: {  	s7 =	rddreg [dreg:$0x4]  }
0x1b: {  	[spmem:s17], [sflag:s6] =	dma.local [hbm:s7], $0x2800  }
0x1c: {  	_ =	swait.ge [sflag:s18], $0x2800  }
0x1d: {  	[sflag:s18] =	ssyncset.done $0x0  }
0x1e: {  	s13 =	rddreg [dreg:$0x5];
	[sflag:s18] =	ssyncadd.s32 $0xFFFFD800  }
0x1f: {  	[tilespmem:s4], [sflag:$0x9] =	stream.linear.gather [hbm4b:s13+s4], $0x1400, $0x38;
	[tilespmem:$0x1E800] =	vst v63  }
0x20: {  	_ =	swait.ge [sflag:s18], $0x1400  }
0x21: {  	[sflag:s18] =	ssyncset.done $0x0  }
0x22: {  	s14 =	rddreg [dreg:$0x6];
	[sflag:s18] =	ssyncadd.s32 $0xFFFFEC00  }
0x23: {  	[tilespmem:s19], [sflag:$0x9] =	stream.linear.gather [hbm4b:s14+s4], $0x1400, $0x38;
	[tilespmem:$0x1E800] =	vst v63  }
0x24: {  	_ =	swait.ge [sflag:s18], $0x1400  }
0x25: {  	[sflag:s18] =	ssyncset.done $0x0  }
0x26: {  	[sflag:s18] =	ssyncadd.s32 $0xFFFFEC00  }
0x27: {  	[bflag:$0x0] =	sbarrier.arrive $0xFFFF  }
0x28: {  	[tilespmem:s21], [sflag:$0x1] =	stream.indirect.gather [hbm4b:s1+s20], $0x80, s4, s20, $0xb8;
	[tilespmem:$0x1E800] =	vst v63  }
0x29: {  	_ = 	snop  }
0x2a: {  	[tilespmem:s23], [sflag:$0x2] =	stream.indirect.gather [hbm4b:s1+s20], $0x80, s22, s20, $0xb8;
	[tilespmem:$0x1E800] =	vst v63  }
0x2b: {  	_ = 	snop  }
0x2c: {  	[tilespmem:s25], [sflag:$0x3] =	stream.indirect.gather [hbm4b:s1+s20], $0x80, s24, s20, $0xb8;
	[tilespmem:$0x1E800] =	vst v63  }
0x2d: {  	_ =	swait.ge [sflag:s26], $0x2000  }
0x2e: {  	s15 =	simm.s32 $0x1;
	[sflag:s26] =	ssyncset.done $0x0  }
0x2f: {  	s9 =	simm.s32 $0x4;
	s10 =	sand.u32 $0x3, s15;
	[sflag:s26] =	ssyncadd.s32 $0xFFFFE000  }
0x30: {  	[spmem:s2] =	stream.indirect.scatter.add.f32 [tilespmem:s21], [sflag:$0x5], $0x80, s19, s20, $0xb8;
	[tilespmem:$0x1E800] =	vst v63  }
0x31: {  	s11 =	simm.s32 $0x1480;
	s8 =	simm.s32 $0x5;
	s12 =	sadd.s32 $0x1, s10  }
0x32: {  	[tilespmem:s29], [sflag:$0x4] =	stream.indirect.gather [hbm4b:s1+s20], $0x80, s28, s20, $0xb8;
	[tilespmem:$0x1E800] =	vst v63  }
0x33: {  	p0 =	por $0x0, $0x0;
	s7 =	simm.s32 $0x200;
	_ =	swait.ge [sflag:s12], $0x2000  }
0x34: {  	s9 =	sand.u32 @!p0 $0x3, s9;
	s13 =	sshll.u32 s10, $0xD;
	[sflag:s12] =	ssyncset.done $0x0  }
0x35: {  	s10 =	sadd.s32 $0x5, s10;
	s13 =	sadd.s32 $0x2800, s13;
	[sflag:s12] =	ssyncadd.s32 $0xFFFFE000  }
0x36: {  	[spmem:s2] =	stream.indirect.scatter.add.f32 [tilespmem:s13], [sflag:s10], $0x80, s11, s20, $0xb8;
	[tilespmem:$0x1E800] =	vst v63  }
0x37: {  	s14 =	simm.s32 @!p0 $0x40;
	s12 =	sadd.s32 @!p0 $0x5, s9;
	s10 =	sshll.u32 @!p0 s9, $0xD  }
0x38: {  	s11 =	sadd.s32 @!p0 $0x1, s9;
	s9 =	simm.s32 $0x1500;
	_ =	swait.ge @!p0 [sflag:s12], $0x2000  }
0x39: {  	s13 =	sadd.s32 @!p0 $0x2800, s10;
	s10 =	simm.s32 $0x280;
	[sflag:s12] =	ssyncset.done @!p0 $0x0  }
.LBB2_2:
0x3a: {  	s15 =	sadd.s32 $0xFFFFFFFD, s8  }
0x3b: {  	[sflag:s12] =	ssyncadd.s32 @!p0 $0xFFFFE000;
	s12 =	smov.u32 s8;
	s8 =	sadd.s32 $0x1, s8  }
0x3c: {  	[tilespmem:s13], [sflag:s11] =	stream.indirect.gather @!p0 [hbm4b:s1+s14], $0x80, s7, s14, $0xb8;
	[tilespmem:$0x1E800] =	vst v63  }
0x3d: {  	s11 =	sand.u32 $0x3, s15;
	p1 =	sne.s32 s8, $0x2B;
	s7 =	smov.u32 s10  }
0x3e: {  	s13 =	sshll.u32 s11, $0xD;
	s14 =	sadd.s32 $0x1, s11  }
0x3f: {  	p0 =	sgt.u32 s15, $0x24;
	_ =	swait.ge [sflag:s14], $0x2000  }
0x40: {  	s11 =	sadd.s32 $0x5, s11;
	s13 =	sadd.s32 $0x2800, s13;
	[sflag:s14] =	ssyncset.done $0x0  }
.Ltmp0:
0x41: {  	[sflag:s14] =	ssyncadd.s32 $0xFFFFE000;
	s14 =	sand.u32 @!p0 $0x3, s12;
	(pc) =	sbr.rel @p1 .LBB2_2-.Ltmp0, $4  }
0x42: {  	[spmem:s2] =	stream.indirect.scatter.add.f32 [tilespmem:s13], [sflag:s11], $0x80, s9, s20, $0xb8;
	[tilespmem:$0x1E800] =	vst v63  }
0x43: {  	s12 =	sadd.s32 @!p0 $0x5, s14;
	s13 =	sshll.u32 @!p0 s14, $0xD;
	s11 =	sadd.s32 @!p0 $0x1, s14  }
0x44: {  	s9 =	sadd.s32 $0x80, s9;
	s13 =	sadd.s32 @!p0 $0x2800, s13;
	_ =	swait.ge @!p0 [sflag:s12], $0x2000  }
0x45: {  	s10 =	sadd.s32 $0x80, s10;
	s14 =	simm.s32 @!p0 $0x40;
	[sflag:s12] =	ssyncset.done @!p0 $0x0  }
0x46: {  	[sflag:s12] =	ssyncadd.s32 @!p0 $0xFFFFE000  }
0x47: {  	[tilespmem:s13], [sflag:s11] =	stream.indirect.gather @!p0 [hbm4b:s1+s14], $0x80, s7, s14, $0xb8;
	[tilespmem:$0x1E800] =	vst v63  }
0x48: {  	_ =	swait.ge [sflag:s30], $0x2000  }
0x49: {  	[sflag:s30] =	ssyncset.done $0x0  }
0x4a: {  	[sflag:s30] =	ssyncadd.s32 $0xFFFFE000  }
0x4b: {  	_ =	swait.ge [sflag:s31], $0x2000  }
0x4c: {  	[sflag:s31] =	ssyncset.done $0x0  }
0x4d: {  	[sflag:s31] =	ssyncadd.s32 $0xFFFFE000  }
0x4e: {  	_ =	swait.ge [sflag:s0], $0x2000  }
0x4f: {  	[sflag:s0] =	ssyncset.done $0x0  }
0x50: {  	[sflag:s0] =	ssyncadd.s32 $0xFFFFE000  }
0x51: {  	_ =	swait.ge [sflag:s3], $0x2000  }
0x52: {  	[sflag:s3] =	ssyncset.done $0x0  }
0x53: {  	s11 =	rddreg [dreg:$0x7];
	[sflag:s3] =	ssyncadd.s32 $0xFFFFE000  }
0x54: {  	[tilespmem:s4], [sflag:$0x9] =	stream.linear.gather [hbm4b:s11+s4], $0x1400, $0x38;
	[tilespmem:$0x1E800] =	vst v63  }
0x55: {  	_ =	swait.ge [sflag:s18], $0x1400  }
0x56: {  	[sflag:s18] =	ssyncset.done $0x0  }
0x57: {  	s12 =	rddreg [dreg:$0x8];
	[sflag:s18] =	ssyncadd.s32 $0xFFFFEC00  }
0x58: {  	[tilespmem:s19], [sflag:$0x9] =	stream.linear.gather [hbm4b:s12+s4], $0x1400, $0x38;
	[tilespmem:$0x1E800] =	vst v63  }
0x59: {  	_ =	swait.ge [sflag:s18], $0x1400  }
0x5a: {  	[sflag:s18] =	ssyncset.done $0x0  }
0x5b: {  	[sflag:s18] =	ssyncadd.s32 $0xFFFFEC00  }
0x5c: {  	[tilespmem:s21], [sflag:$0x1] =	stream.indirect.gather [hbm4b:s1+s20], $0x80, s4, s20, $0xb8;
	[tilespmem:$0x1E800] =	vst v63  }
0x5d: {  	_ = 	snop  }
0x5e: {  	[tilespmem:s23], [sflag:$0x2] =	stream.indirect.gather [hbm4b:s1+s20], $0x80, s22, s20, $0xb8;
	[tilespmem:$0x1E800] =	vst v63  }
0x5f: {  	_ = 	snop  }
0x60: {  	[tilespmem:s25], [sflag:$0x3] =	stream.indirect.gather [hbm4b:s1+s20], $0x80, s24, s20, $0xb8;
	[tilespmem:$0x1E800] =	vst v63  }
0x61: {  	_ =	swait.ge [sflag:s26], $0x2000  }
0x62: {  	s13 =	simm.s32 $0x1;
	[sflag:s26] =	ssyncset.done $0x0  }
0x63: {  	s9 =	simm.s32 $0x4;
	s10 =	sand.u32 $0x3, s13;
	[sflag:s26] =	ssyncadd.s32 $0xFFFFE000  }
0x64: {  	[spmem:s2] =	stream.indirect.scatter.add.f32 [tilespmem:s21], [sflag:$0x5], $0x80, s19, s20, $0xb8;
	[tilespmem:$0x1E800] =	vst v63  }
0x65: {  	s8 =	simm.s32 $0x5;
	p0 =	por $0x0, $0x0;
	s14 =	sadd.s32 $0x1, s10  }
0x66: {  	[tilespmem:s29], [sflag:$0x4] =	stream.indirect.gather [hbm4b:s1+s20], $0x80, s28, s20, $0xb8;
	[tilespmem:$0x1E800] =	vst v63  }
0x67: {  	s7 =	simm.s32 $0x200;
	s9 =	sand.u32 @!p0 $0x3, s9;
	_ =	swait.ge [sflag:s14], $0x2000  }
0x68: {  	s15 =	sshll.u32 s10, $0xD;
	s10 =	sadd.s32 $0x5, s10;
	[sflag:s14] =	ssyncset.done $0x0  }
0x69: {  	s13 =	sadd.s32 $0x2800, s15;
	s11 =	simm.s32 $0x1480;
	[sflag:s14] =	ssyncadd.s32 $0xFFFFE000  }
0x6a: {  	[spmem:s2] =	stream.indirect.scatter.add.f32 [tilespmem:s13], [sflag:s10], $0x80, s11, s20, $0xb8;
	[tilespmem:$0x1E800] =	vst v63  }
0x6b: {  	s12 =	sadd.s32 @!p0 $0x5, s9;
	s14 =	simm.s32 @!p0 $0x40;
	s10 =	sshll.u32 @!p0 s9, $0xD  }
0x6c: {  	s11 =	sadd.s32 @!p0 $0x1, s9;
	s9 =	simm.s32 $0x1500;
	_ =	swait.ge @!p0 [sflag:s12], $0x2000  }
0x6d: {  	s13 =	sadd.s32 @!p0 $0x2800, s10;
	s10 =	simm.s32 $0x280;
	[sflag:s12] =	ssyncset.done @!p0 $0x0  }
.LBB2_4:
0x6e: {  	s15 =	sadd.s32 $0xFFFFFFFD, s8  }
0x6f: {  	[sflag:s12] =	ssyncadd.s32 @!p0 $0xFFFFE000;
	s12 =	smov.u32 s8;
	s8 =	sadd.s32 $0x1, s8  }
0x70: {  	[tilespmem:s13], [sflag:s11] =	stream.indirect.gather @!p0 [hbm4b:s1+s14], $0x80, s7, s14, $0xb8;
	[tilespmem:$0x1E800] =	vst v63  }
0x71: {  	s11 =	sand.u32 $0x3, s15;
	p1 =	sne.s32 s8, $0x2B;
	s7 =	smov.u32 s10  }
0x72: {  	s13 =	sshll.u32 s11, $0xD;
	s14 =	sadd.s32 $0x1, s11  }
0x73: {  	p0 =	sgt.u32 s15, $0x24;
	_ =	swait.ge [sflag:s14], $0x2000  }
0x74: {  	s11 =	sadd.s32 $0x5, s11;
	s13 =	sadd.s32 $0x2800, s13;
	[sflag:s14] =	ssyncset.done $0x0  }
.Ltmp1:
0x75: {  	[sflag:s14] =	ssyncadd.s32 $0xFFFFE000;
	s14 =	sand.u32 @!p0 $0x3, s12;
	(pc) =	sbr.rel @p1 .LBB2_4-.Ltmp1, $4  }
0x76: {  	[spmem:s2] =	stream.indirect.scatter.add.f32 [tilespmem:s13], [sflag:s11], $0x80, s9, s20, $0xb8;
	[tilespmem:$0x1E800] =	vst v63  }
0x77: {  	s12 =	sadd.s32 @!p0 $0x5, s14;
	s13 =	sshll.u32 @!p0 s14, $0xD;
	s11 =	sadd.s32 @!p0 $0x1, s14  }
0x78: {  	s9 =	sadd.s32 $0x80, s9;
	s13 =	sadd.s32 @!p0 $0x2800, s13;
	_ =	swait.ge @!p0 [sflag:s12], $0x2000  }
0x79: {  	s10 =	sadd.s32 $0x80, s10;
	s14 =	simm.s32 @!p0 $0x40;
	[sflag:s12] =	ssyncset.done @!p0 $0x0  }
0x7a: {  	[sflag:s12] =	ssyncadd.s32 @!p0 $0xFFFFE000  }
0x7b: {  	[tilespmem:s13], [sflag:s11] =	stream.indirect.gather @!p0 [hbm4b:s1+s14], $0x80, s7, s14, $0xb8;
	[tilespmem:$0x1E800] =	vst v63  }
0x7c: {  	_ =	swait.ge [sflag:s30], $0x2000  }
0x7d: {  	[sflag:s30] =	ssyncset.done $0x0  }
0x7e: {  	[sflag:s30] =	ssyncadd.s32 $0xFFFFE000  }
0x7f: {  	_ =	swait.ge [sflag:s31], $0x2000  }
0x80: {  	[sflag:s31] =	ssyncset.done $0x0  }
0x81: {  	[sflag:s31] =	ssyncadd.s32 $0xFFFFE000  }
0x82: {  	_ =	swait.ge [sflag:s0], $0x2000  }
0x83: {  	[sflag:s0] =	ssyncset.done $0x0  }
0x84: {  	[sflag:s0] =	ssyncadd.s32 $0xFFFFE000  }
0x85: {  	_ =	swait.ge [sflag:s3], $0x2000  }
0x86: {  	[sflag:s3] =	ssyncset.done $0x0  }
0x87: {  	s11 =	rddreg [dreg:$0x9];
	[sflag:s3] =	ssyncadd.s32 $0xFFFFE000  }
0x88: {  	[tilespmem:s4], [sflag:$0x9] =	stream.linear.gather [hbm4b:s11+s4], $0x1400, $0x38;
	[tilespmem:$0x1E800] =	vst v63  }
0x89: {  	_ =	swait.ge [sflag:s18], $0x1400  }
0x8a: {  	[sflag:s18] =	ssyncset.done $0x0  }
0x8b: {  	s12 =	rddreg [dreg:$0xa];
	[sflag:s18] =	ssyncadd.s32 $0xFFFFEC00  }
0x8c: {  	[tilespmem:s19], [sflag:$0x9] =	stream.linear.gather [hbm4b:s12+s4], $0x1400, $0x38;
	[tilespmem:$0x1E800] =	vst v63  }
0x8d: {  	_ =	swait.ge [sflag:s18], $0x1400  }
0x8e: {  	[sflag:s18] =	ssyncset.done $0x0  }
0x8f: {  	[sflag:s18] =	ssyncadd.s32 $0xFFFFEC00  }
0x90: {  	[tilespmem:s21], [sflag:$0x1] =	stream.indirect.gather [hbm4b:s1+s20], $0x80, s4, s20, $0xb8;
	[tilespmem:$0x1E800] =	vst v63  }
0x91: {  	_ = 	snop  }
0x92: {  	[tilespmem:s23], [sflag:$0x2] =	stream.indirect.gather [hbm4b:s1+s20], $0x80, s22, s20, $0xb8;
	[tilespmem:$0x1E800] =	vst v63  }
0x93: {  	_ = 	snop  }
0x94: {  	[tilespmem:s25], [sflag:$0x3] =	stream.indirect.gather [hbm4b:s1+s20], $0x80, s24, s20, $0xb8;
	[tilespmem:$0x1E800] =	vst v63  }
0x95: {  	_ =	swait.ge [sflag:s26], $0x2000  }
0x96: {  	s13 =	simm.s32 $0x1;
	[sflag:s26] =	ssyncset.done $0x0  }
0x97: {  	s9 =	simm.s32 $0x4;
	s10 =	sand.u32 $0x3, s13;
	[sflag:s26] =	ssyncadd.s32 $0xFFFFE000  }
0x98: {  	[spmem:s2] =	stream.indirect.scatter.add.f32 [tilespmem:s21], [sflag:$0x5], $0x80, s19, s20, $0xb8;
	[tilespmem:$0x1E800] =	vst v63  }
0x99: {  	s8 =	simm.s32 $0x5;
	p0 =	por $0x0, $0x0;
	s14 =	sadd.s32 $0x1, s10  }
0x9a: {  	[tilespmem:s29], [sflag:$0x4] =	stream.indirect.gather [hbm4b:s1+s20], $0x80, s28, s20, $0xb8;
	[tilespmem:$0x1E800] =	vst v63  }
0x9b: {  	s7 =	simm.s32 $0x200;
	s9 =	sand.u32 @!p0 $0x3, s9;
	_ =	swait.ge [sflag:s14], $0x2000  }
0x9c: {  	s15 =	sshll.u32 s10, $0xD;
	s10 =	sadd.s32 $0x5, s10;
	[sflag:s14] =	ssyncset.done $0x0  }
0x9d: {  	s13 =	sadd.s32 $0x2800, s15;
	s11 =	simm.s32 $0x1480;
	[sflag:s14] =	ssyncadd.s32 $0xFFFFE000  }
0x9e: {  	[spmem:s2] =	stream.indirect.scatter.add.f32 [tilespmem:s13], [sflag:s10], $0x80, s11, s20, $0xb8;
	[tilespmem:$0x1E800] =	vst v63  }
0x9f: {  	s12 =	sadd.s32 @!p0 $0x5, s9;
	s14 =	simm.s32 @!p0 $0x40;
	s10 =	sshll.u32 @!p0 s9, $0xD  }
0xa0: {  	s11 =	sadd.s32 @!p0 $0x1, s9;
	s9 =	simm.s32 $0x1500;
	_ =	swait.ge @!p0 [sflag:s12], $0x2000  }
0xa1: {  	s13 =	sadd.s32 @!p0 $0x2800, s10;
	s10 =	simm.s32 $0x280;
	[sflag:s12] =	ssyncset.done @!p0 $0x0  }
.LBB2_6:
0xa2: {  	s15 =	sadd.s32 $0xFFFFFFFD, s8  }
0xa3: {  	[sflag:s12] =	ssyncadd.s32 @!p0 $0xFFFFE000;
	s12 =	smov.u32 s8;
	s8 =	sadd.s32 $0x1, s8  }
0xa4: {  	[tilespmem:s13], [sflag:s11] =	stream.indirect.gather @!p0 [hbm4b:s1+s14], $0x80, s7, s14, $0xb8;
	[tilespmem:$0x1E800] =	vst v63  }
0xa5: {  	s11 =	sand.u32 $0x3, s15;
	p1 =	sne.s32 s8, $0x2B;
	s7 =	smov.u32 s10  }
0xa6: {  	s13 =	sshll.u32 s11, $0xD;
	s14 =	sadd.s32 $0x1, s11  }
0xa7: {  	p0 =	sgt.u32 s15, $0x24;
	_ =	swait.ge [sflag:s14], $0x2000  }
0xa8: {  	s11 =	sadd.s32 $0x5, s11;
	s13 =	sadd.s32 $0x2800, s13;
	[sflag:s14] =	ssyncset.done $0x0  }
.Ltmp2:
0xa9: {  	[sflag:s14] =	ssyncadd.s32 $0xFFFFE000;
	s14 =	sand.u32 @!p0 $0x3, s12;
	(pc) =	sbr.rel @p1 .LBB2_6-.Ltmp2, $4  }
0xaa: {  	[spmem:s2] =	stream.indirect.scatter.add.f32 [tilespmem:s13], [sflag:s11], $0x80, s9, s20, $0xb8;
	[tilespmem:$0x1E800] =	vst v63  }
0xab: {  	s12 =	sadd.s32 @!p0 $0x5, s14;
	s13 =	sshll.u32 @!p0 s14, $0xD;
	s11 =	sadd.s32 @!p0 $0x1, s14  }
0xac: {  	s9 =	sadd.s32 $0x80, s9;
	s13 =	sadd.s32 @!p0 $0x2800, s13;
	_ =	swait.ge @!p0 [sflag:s12], $0x2000  }
0xad: {  	s10 =	sadd.s32 $0x80, s10;
	s14 =	simm.s32 @!p0 $0x40;
	[sflag:s12] =	ssyncset.done @!p0 $0x0  }
0xae: {  	[sflag:s12] =	ssyncadd.s32 @!p0 $0xFFFFE000  }
0xaf: {  	[tilespmem:s13], [sflag:s11] =	stream.indirect.gather @!p0 [hbm4b:s1+s14], $0x80, s7, s14, $0xb8;
	[tilespmem:$0x1E800] =	vst v63  }
0xb0: {  	_ =	swait.ge [sflag:s30], $0x2000  }
0xb1: {  	[sflag:s30] =	ssyncset.done $0x0  }
0xb2: {  	[sflag:s30] =	ssyncadd.s32 $0xFFFFE000  }
0xb3: {  	_ =	swait.ge [sflag:s31], $0x2000  }
0xb4: {  	[sflag:s31] =	ssyncset.done $0x0  }
0xb5: {  	[sflag:s31] =	ssyncadd.s32 $0xFFFFE000  }
0xb6: {  	_ =	swait.ge [sflag:s0], $0x2000  }
0xb7: {  	[sflag:s0] =	ssyncset.done $0x0  }
0xb8: {  	[sflag:s0] =	ssyncadd.s32 $0xFFFFE000  }
0xb9: {  	_ =	swait.ge [sflag:s3], $0x2000  }
0xba: {  	[sflag:s3] =	ssyncset.done $0x0  }
0xbb: {  	s11 =	rddreg [dreg:$0xb];
	[sflag:s3] =	ssyncadd.s32 $0xFFFFE000  }
0xbc: {  	[tilespmem:s4], [sflag:$0x9] =	stream.linear.gather [hbm4b:s11+s4], $0x1400, $0x38;
	[tilespmem:$0x1E800] =	vst v63  }
0xbd: {  	_ =	swait.ge [sflag:s18], $0x1400  }
0xbe: {  	[sflag:s18] =	ssyncset.done $0x0  }
0xbf: {  	s12 =	rddreg [dreg:$0xc];
	[sflag:s18] =	ssyncadd.s32 $0xFFFFEC00  }
0xc0: {  	[tilespmem:s19], [sflag:$0x9] =	stream.linear.gather [hbm4b:s12+s4], $0x1400, $0x38;
	[tilespmem:$0x1E800] =	vst v63  }
0xc1: {  	_ =	swait.ge [sflag:s18], $0x1400  }
0xc2: {  	[sflag:s18] =	ssyncset.done $0x0  }
0xc3: {  	[sflag:s18] =	ssyncadd.s32 $0xFFFFEC00  }
0xc4: {  	[tilespmem:s21], [sflag:$0x1] =	stream.indirect.gather [hbm4b:s1+s20], $0x80, s4, s20, $0xb8;
	[tilespmem:$0x1E800] =	vst v63  }
0xc5: {  	_ = 	snop  }
0xc6: {  	[tilespmem:s23], [sflag:$0x2] =	stream.indirect.gather [hbm4b:s1+s20], $0x80, s22, s20, $0xb8;
	[tilespmem:$0x1E800] =	vst v63  }
0xc7: {  	_ = 	snop  }
0xc8: {  	[tilespmem:s25], [sflag:$0x3] =	stream.indirect.gather [hbm4b:s1+s20], $0x80, s24, s20, $0xb8;
	[tilespmem:$0x1E800] =	vst v63  }
0xc9: {  	_ =	swait.ge [sflag:s26], $0x2000  }
0xca: {  	s13 =	simm.s32 $0x1;
	[sflag:s26] =	ssyncset.done $0x0  }
0xcb: {  	s9 =	simm.s32 $0x4;
	s10 =	sand.u32 $0x3, s13;
	[sflag:s26] =	ssyncadd.s32 $0xFFFFE000  }
0xcc: {  	[spmem:s2] =	stream.indirect.scatter.add.f32 [tilespmem:s21], [sflag:$0x5], $0x80, s19, s20, $0xb8;
	[tilespmem:$0x1E800] =	vst v63  }
0xcd: {  	s8 =	simm.s32 $0x5;
	p0 =	por $0x0, $0x0;
	s14 =	sadd.s32 $0x1, s10  }
0xce: {  	[tilespmem:s29], [sflag:$0x4] =	stream.indirect.gather [hbm4b:s1+s20], $0x80, s28, s20, $0xb8;
	[tilespmem:$0x1E800] =	vst v63  }
0xcf: {  	s7 =	simm.s32 $0x200;
	s9 =	sand.u32 @!p0 $0x3, s9;
	_ =	swait.ge [sflag:s14], $0x2000  }
0xd0: {  	s15 =	sshll.u32 s10, $0xD;
	s10 =	sadd.s32 $0x5, s10;
	[sflag:s14] =	ssyncset.done $0x0  }
0xd1: {  	s13 =	sadd.s32 $0x2800, s15;
	s11 =	simm.s32 $0x1480;
	[sflag:s14] =	ssyncadd.s32 $0xFFFFE000  }
0xd2: {  	[spmem:s2] =	stream.indirect.scatter.add.f32 [tilespmem:s13], [sflag:s10], $0x80, s11, s20, $0xb8;
	[tilespmem:$0x1E800] =	vst v63  }
0xd3: {  	s12 =	sadd.s32 @!p0 $0x5, s9;
	s14 =	simm.s32 @!p0 $0x40;
	s10 =	sshll.u32 @!p0 s9, $0xD  }
0xd4: {  	s11 =	sadd.s32 @!p0 $0x1, s9;
	s9 =	simm.s32 $0x1500;
	_ =	swait.ge @!p0 [sflag:s12], $0x2000  }
0xd5: {  	s13 =	sadd.s32 @!p0 $0x2800, s10;
	s10 =	simm.s32 $0x280;
	[sflag:s12] =	ssyncset.done @!p0 $0x0  }
.LBB2_8:
0xd6: {  	s15 =	sadd.s32 $0xFFFFFFFD, s8  }
0xd7: {  	[sflag:s12] =	ssyncadd.s32 @!p0 $0xFFFFE000;
	s12 =	smov.u32 s8;
	s8 =	sadd.s32 $0x1, s8  }
0xd8: {  	[tilespmem:s13], [sflag:s11] =	stream.indirect.gather @!p0 [hbm4b:s1+s14], $0x80, s7, s14, $0xb8;
	[tilespmem:$0x1E800] =	vst v63  }
0xd9: {  	s11 =	sand.u32 $0x3, s15;
	p1 =	sne.s32 s8, $0x2B;
	s7 =	smov.u32 s10  }
0xda: {  	s13 =	sshll.u32 s11, $0xD;
	s14 =	sadd.s32 $0x1, s11  }
0xdb: {  	p0 =	sgt.u32 s15, $0x24;
	_ =	swait.ge [sflag:s14], $0x2000  }
0xdc: {  	s11 =	sadd.s32 $0x5, s11;
	s13 =	sadd.s32 $0x2800, s13;
	[sflag:s14] =	ssyncset.done $0x0  }
.Ltmp3:
0xdd: {  	[sflag:s14] =	ssyncadd.s32 $0xFFFFE000;
	s14 =	sand.u32 @!p0 $0x3, s12;
	(pc) =	sbr.rel @p1 .LBB2_8-.Ltmp3, $4  }
0xde: {  	[spmem:s2] =	stream.indirect.scatter.add.f32 [tilespmem:s13], [sflag:s11], $0x80, s9, s20, $0xb8;
	[tilespmem:$0x1E800] =	vst v63  }
0xdf: {  	s12 =	sadd.s32 @!p0 $0x5, s14;
	s13 =	sshll.u32 @!p0 s14, $0xD;
	s11 =	sadd.s32 @!p0 $0x1, s14  }
0xe0: {  	s9 =	sadd.s32 $0x80, s9;
	s13 =	sadd.s32 @!p0 $0x2800, s13;
	_ =	swait.ge @!p0 [sflag:s12], $0x2000  }
0xe1: {  	s10 =	sadd.s32 $0x80, s10;
	s14 =	simm.s32 @!p0 $0x40;
	[sflag:s12] =	ssyncset.done @!p0 $0x0  }
0xe2: {  	[sflag:s12] =	ssyncadd.s32 @!p0 $0xFFFFE000  }
0xe3: {  	[tilespmem:s13], [sflag:s11] =	stream.indirect.gather @!p0 [hbm4b:s1+s14], $0x80, s7, s14, $0xb8;
	[tilespmem:$0x1E800] =	vst v63  }
0xe4: {  	_ =	swait.ge [sflag:s30], $0x2000  }
0xe5: {  	[sflag:s30] =	ssyncset.done $0x0  }
0xe6: {  	[sflag:s30] =	ssyncadd.s32 $0xFFFFE000  }
0xe7: {  	_ =	swait.ge [sflag:s31], $0x2000  }
0xe8: {  	[sflag:s31] =	ssyncset.done $0x0  }
0xe9: {  	[sflag:s31] =	ssyncadd.s32 $0xFFFFE000  }
0xea: {  	_ =	swait.ge [sflag:s0], $0x2000  }
0xeb: {  	[sflag:s0] =	ssyncset.done $0x0  }
0xec: {  	[sflag:s0] =	ssyncadd.s32 $0xFFFFE000  }
0xed: {  	_ =	swait.ge [sflag:s3], $0x2000  }
0xee: {  	[sflag:s3] =	ssyncset.done $0x0  }
0xef: {  	s5 =	sadd.s32 $0x1, s5;
	[sflag:s3] =	ssyncadd.s32 $0xFFFFE000  }
0xf0: {  	p0 =	sne.s32 s5, s16;
	[bflag:$0x0] =	sbarrier.arrive $0xFFFF  }
.Ltmp4:
0xf1: {  	s15 =	rddreg [dreg:$0xd];
	(pc) =	sbr.rel @p0 .LBB2_1-.Ltmp4, $4  }
0xf2: {  	[hbm:s15], [sflag:s6] =	dma.local [spmem:s17], $0x2800  }
0xf3: {  	_ =	swait.ge [sflag:s18], $0x2800  }
0xf4: {  	[sflag:s18] =	ssyncset.done $0x0  }
0xf5: {  	[sflag:s18] =	ssyncadd.s32 $0xFFFFD800  }
0xf6: {  	_ =	sfence.sel $0x180000  }
0xf7: {  	[bflag:$0x0] =	sbarrier.arrive $0xFFFF  }
0xf8: {  	_ =	strace $0x90000047  }
0xf9: {  	s0 =	stileid.u32;
	[bflag:$0x2] =	sbarrier.arrive $0xFFFF  }
0xfa: {  	p0 =	sne.s32 s0, $0x0;
	s0 =	rddreg [dreg:$0x3]  }
0xfb: {  	s0 =	sadd.s32 @!p0 $0x100000, s0  }
0xfc: {  	[sflag:s0] =	ssyncadd.tile.s32 @!p0 $0x1;
	_ =	shalt  }
.Lfunc_end2:
_tile_overlayer_lowered:
.L_overlay_start_2:
0xfd: {  	(tag) =	ssettag $0x2  }
0xfe: {  	s0 =	rddreg [dreg:$0x0];
	s2 =	stileid.u32  }
0xff: {  	s1 =	rddreg [dreg:$0x1];
	p0 =	sne.s32 s2, $0x0  }
0x100: {  	s3 =	rddreg [dreg:$0x2];
	[bflag:$0x3] =	sbarrier.arrive $0xFFFF;
	s2 =	simm.s32 @!p0 $0x1C09  }
0x101: {  	[timem:s3], [sflag:s2] =	dma.local @!p0 [hbm:s0], s1  }
0x102: {  	s0 =	simm.s32 @!p0 $0x9  }
0x103: {  	_ =	swait.ge @!p0 [sflag:s0], s1  }
0x104: {  	s1 =	ssub.s32 @!p0 $0x0, s1;
	[sflag:s0] =	ssyncset.done @!p0 $0x0  }
0x105: {  	[sflag:s0] =	ssyncadd.s32 @!p0 s1  }
0x106: {  	[bflag:$0x3] =	sbarrier.arrive $0xFFFF  }
0x107: {  	_ =	shalt  }

</sc_bundles>
